<compile_context>
chip_gen: v7x
topology: tpu7x:2x2x1
jax: 0.10.2.dev20260603
libtpu: 0.0.44.dev20260713+nightly
codegen_flags: <defaults>
</compile_context>

<pallas_src>
import functools

import jax
import jax.numpy as jnp
from jax import lax
from jax.experimental import pallas as pl
from jax.experimental.pallas import tpu as pltpu
from jax.experimental.pallas import tpu_sc as plsc

VOCAB = 1000000
EMB = 64
B = 4096
L = 200
NC = 2
NS = 16
PLANES_PER_SC = EMB // NC
H = B // 2
UNITS = L * 2 // NS
NB = 8
CHUNK = 62464
XTRA = 999936 - NS * CHUNK
TAILOFF = 999936
VPAD = TAILOFF + 128


def _plane_kernel():
    mesh = plsc.VectorSubcoreMesh(core_axis_name="c", subcore_axis_name="s")

    @functools.partial(
        pl.kernel,
        out_type=jax.ShapeDtypeStruct((L, EMB, B), jnp.float32),
        mesh=mesh,
        scratch_types=[
            [pltpu.VMEM_SHARED((VPAD,), jnp.float32) for _ in range(1)],
            [pltpu.VMEM((H,), jnp.int32) for _ in range(UNITS)],
            [pltpu.VMEM((H,), jnp.float32) for _ in range(NB)],
            [pltpu.SemaphoreType.DMA for _ in range(1)],
            [pltpu.SemaphoreType.DMA for _ in range(NB)],
            [pltpu.SemaphoreType.DMA for _ in range(NB)],
        ],
    )
    def k(idx_hbm, table_hbm, tail_hbm, out_hbm, planes, idx_refs, bufs,
          psems, gsems, ssems):
        c = lax.axis_index("c")
        s = lax.axis_index("s")

        def unit_lh(u):
            uid = s + NS * u
            return uid // 2, (uid % 2) * H

        for u in range(UNITS):
            l, h = unit_lh(u)
            pltpu.sync_copy(idx_hbm.at[l].at[pl.dslice(h, H)], idx_refs[u])

        def stage(f, pb):
            pltpu.async_copy(
                table_hbm.at[f].at[pl.dslice(s * CHUNK, CHUNK)],
                planes[pb].at[pl.dslice(s * CHUNK, CHUNK)],
                psems[pb],
            )

            @pl.when(s < 4)
            def _():
                pltpu.async_copy(
                    table_hbm.at[f].at[pl.dslice(NS * CHUNK + 128 * s, 128)],
                    planes[pb].at[pl.dslice(NS * CHUNK + 128 * s, 128)],
                    psems[pb],
                )

            @pl.when(s == 4)
            def _():
                pltpu.async_copy(
                    tail_hbm.at[f],
                    planes[pb].at[pl.dslice(TAILOFF, 128)],
                    psems[pb],
                )

        def wait_stage(pb):
            pltpu.make_async_copy(
                table_hbm.at[0].at[pl.dslice(0, CHUNK)],
                planes[pb].at[pl.dslice(0, CHUNK)],
                psems[pb],
            ).wait()

            @pl.when((s < 4) | (s == 4))
            def _():
                pltpu.make_async_copy(
                    tail_hbm.at[0],
                    planes[pb].at[pl.dslice(TAILOFF, 128)],
                    psems[pb],
                ).wait()

        def sweep_main(f, pb):
            def gather(u, gb):
                pltpu.async_copy(
                    planes[pb].at[idx_refs[u]], bufs[gb], gsems[gb])

            def wait_gather(u, gb):
                pltpu.make_async_copy(
                    planes[pb].at[idx_refs[u]], bufs[gb], gsems[gb]).wait()

            def wait_store(gb):
                pltpu.make_async_copy(
                    bufs[gb], out_hbm.at[0].at[0].at[pl.dslice(0, H)],
                    ssems[gb]).wait()

            for u in range(NB):
                gather(u, u)
            for u in range(UNITS):
                gb = u % NB
                l, h = unit_lh(u)
                wait_gather(u, gb)
                pltpu.async_copy(
                    bufs[gb], out_hbm.at[l].at[f].at[pl.dslice(h, H)], ssems[gb])
                if u + NB < UNITS:
                    wait_store(gb)
                    gather(u + NB, gb)
        def drain_stores():
            for u in range(UNITS - NB, UNITS):
                pltpu.make_async_copy(
                    bufs[u % NB], out_hbm.at[0].at[0].at[pl.dslice(0, H)],
                    ssems[u % NB]).wait()

        f0 = c * PLANES_PER_SC
        stage(f0, 0)
        wait_stage(0)
        plsc.subcore_barrier()

        def body(p, carry):
            sweep_main(f0 + p, 0)
            plsc.subcore_barrier()

            @pl.when(p < PLANES_PER_SC - 1)
            def _():
                stage(f0 + p + 1, 0)

            drain_stores()

            @pl.when(p < PLANES_PER_SC - 1)
            def _():
                wait_stage(0)

            plsc.subcore_barrier()
            return carry

        lax.fori_loop(0, PLANES_PER_SC, body, 0, unroll=False)

    return k


def kernel(inputs, table):
    table_t = jnp.swapaxes(table, 0, 1)
    idx_t = jnp.swapaxes(inputs, 0, 1).astype(jnp.int32)
    tail = jnp.pad(table_t[:, TAILOFF:], ((0, 0), (0, VPAD - VOCAB)))
    out = _plane_kernel()(idx_t, table_t, tail)
    return jnp.transpose(out, (2, 0, 1))

# --- scband reference (transcript-rebuilt; emitter-appended) ---
"""Pipeline reference for scband-glo-ve-embedding-61306363183672 (READ-ONLY COPY).

The authoritative reference and input builder live on the scoring server;
editing this copy changes nothing except your own understanding.
"""

import jax, jax.numpy as jnp
import numpy as np

VOCAB = 1000000
EMB = 64
B = 4096
L = 200

def setup_inputs(seed: int = 0) -> dict:
    key = jax.random.key(seed)
    k1, k2 = jax.random.split(key)
    inputs = jax.random.randint(k1, (B, L), 0, VOCAB, dtype=jnp.int64) if jax.config.jax_enable_x64 else jax.random.randint(k1, (B, L), 0, VOCAB, dtype=jnp.int32)
    table = jax.random.normal(k2, (VOCAB, EMB), dtype=jnp.float32)
    return {"inputs": inputs, "table": table}

def reference(inputs, table):
    # hid_dim is None -> pure embedding lookup (gather), no projection layer
    embeddings = jnp.take(table, inputs, axis=0)
    return embeddings

if __name__ == "__main__":
    import jax
    _d = setup_inputs()
    print(jax.jit(kernel)(*tuple(_d.values())))

</pallas_src>

<mosaic_0001>
#map = affine_map<(d0, d1) -> (0, 0)>
#map1 = affine_map<(d0, d1) -> (0, 0, 0)>
module attributes {stable_mosaic.version = 14 : i64} {
  func.func @k(%arg0: i32, %arg1: i32, %arg2: memref<200x4096xi32, #tpu.memory_space<hbm>>, %arg3: memref<64x1000000xf32, #tpu.memory_space<hbm>>, %arg4: memref<64x128xf32, #tpu.memory_space<hbm>>, %arg5: memref<200x64x4096xf32, #tpu.memory_space<hbm>>, %arg6: memref<1000064xf32, #tpu.memory_space<vmem_shared>>, %arg7: memref<2048xi32, #tpu.memory_space<vmem>>, %arg8: memref<2048xi32, #tpu.memory_space<vmem>>, %arg9: memref<2048xi32, #tpu.memory_space<vmem>>, %arg10: memref<2048xi32, #tpu.memory_space<vmem>>, %arg11: memref<2048xi32, #tpu.memory_space<vmem>>, %arg12: memref<2048xi32, #tpu.memory_space<vmem>>, %arg13: memref<2048xi32, #tpu.memory_space<vmem>>, %arg14: memref<2048xi32, #tpu.memory_space<vmem>>, %arg15: memref<2048xi32, #tpu.memory_space<vmem>>, %arg16: memref<2048xi32, #tpu.memory_space<vmem>>, %arg17: memref<2048xi32, #tpu.memory_space<vmem>>, %arg18: memref<2048xi32, #tpu.memory_space<vmem>>, %arg19: memref<2048xi32, #tpu.memory_space<vmem>>, %arg20: memref<2048xi32, #tpu.memory_space<vmem>>, %arg21: memref<2048xi32, #tpu.memory_space<vmem>>, %arg22: memref<2048xi32, #tpu.memory_space<vmem>>, %arg23: memref<2048xi32, #tpu.memory_space<vmem>>, %arg24: memref<2048xi32, #tpu.memory_space<vmem>>, %arg25: memref<2048xi32, #tpu.memory_space<vmem>>, %arg26: memref<2048xi32, #tpu.memory_space<vmem>>, %arg27: memref<2048xi32, #tpu.memory_space<vmem>>, %arg28: memref<2048xi32, #tpu.memory_space<vmem>>, %arg29: memref<2048xi32, #tpu.memory_space<vmem>>, %arg30: memref<2048xi32, #tpu.memory_space<vmem>>, %arg31: memref<2048xi32, #tpu.memory_space<vmem>>, %arg32: memref<2048xf32, #tpu.memory_space<vmem>>, %arg33: memref<2048xf32, #tpu.memory_space<vmem>>, %arg34: memref<2048xf32, #tpu.memory_space<vmem>>, %arg35: memref<2048xf32, #tpu.memory_space<vmem>>, %arg36: memref<2048xf32, #tpu.memory_space<vmem>>, %arg37: memref<2048xf32, #tpu.memory_space<vmem>>, %arg38: memref<2048xf32, #tpu.memory_space<vmem>>, %arg39: memref<2048xf32, #tpu.memory_space<vmem>>, %arg40: memref<!tpu.dma_semaphore, #tpu.memory_space<semaphore_mem>>, %arg41: memref<!tpu.dma_semaphore, #tpu.memory_space<semaphore_mem>>, %arg42: memref<!tpu.dma_semaphore, #tpu.memory_space<semaphore_mem>>, %arg43: memref<!tpu.dma_semaphore, #tpu.memory_space<semaphore_mem>>, %arg44: memref<!tpu.dma_semaphore, #tpu.memory_space<semaphore_mem>>, %arg45: memref<!tpu.dma_semaphore, #tpu.memory_space<semaphore_mem>>, %arg46: memref<!tpu.dma_semaphore, #tpu.memory_space<semaphore_mem>>, %arg47: memref<!tpu.dma_semaphore, #tpu.memory_space<semaphore_mem>>, %arg48: memref<!tpu.dma_semaphore, #tpu.memory_space<semaphore_mem>>, %arg49: memref<!tpu.dma_semaphore, #tpu.memory_space<semaphore_mem>>, %arg50: memref<!tpu.dma_semaphore, #tpu.memory_space<semaphore_mem>>, %arg51: memref<!tpu.dma_semaphore, #tpu.memory_space<semaphore_mem>>, %arg52: memref<!tpu.dma_semaphore, #tpu.memory_space<semaphore_mem>>, %arg53: memref<!tpu.dma_semaphore, #tpu.memory_space<semaphore_mem>>, %arg54: memref<!tpu.dma_semaphore, #tpu.memory_space<semaphore_mem>>, %arg55: memref<!tpu.dma_semaphore, #tpu.memory_space<semaphore_mem>>, %arg56: memref<!tpu.dma_semaphore, #tpu.memory_space<semaphore_mem>>) attributes {dimension_semantics = [#tpu.dimension_semantics<core_parallel>, #tpu.dimension_semantics<subcore_parallel>], iteration_bounds = array<i64: 2, 16>, scalar_prefetch = 0 : i64, scratch_operands = 51 : i64, tpu.core_type = #tpu.core_type<sc_vector_subcore>, window_params = [{transform_indices = #map}, {transform_indices = #map}, {transform_indices = #map}, {transform_indices = #map1}]} {
    %add3A = arith.constant 0 : i32
    %add3A_0 = arith.addi %arg1, %add3A : i32
    %jit3A = arith.constant 2 : i32
    %div3A = arith.divsi %add3A_0, %jit3A : i32
    %sign3A = arith.constant 0 : i32
    %sign3A_1 = arith.cmpi sgt, %add3A_0, %sign3A : i32
    %sign3A_2 = arith.extui %sign3A_1 : i1 to i32
    %sign3A_3 = arith.constant 0 : i32
    %sign3A_4 = arith.cmpi slt, %add3A_0, %sign3A_3 : i32
    %sign3A_5 = arith.extui %sign3A_4 : i1 to i32
    %sign3A_6 = arith.subi %sign3A_2, %sign3A_5 : i32
    %sign3A_7 = arith.constant 0 : i32
    %sign3A_8 = arith.cmpi sgt, %jit3A, %sign3A_7 : i32
    %sign3A_9 = arith.extui %sign3A_8 : i1 to i32
    %sign3A_10 = arith.constant 0 : i32
    %sign3A_11 = arith.cmpi slt, %jit3A, %sign3A_10 : i32
    %sign3A_12 = arith.extui %sign3A_11 : i1 to i32
    %sign3A_13 = arith.subi %sign3A_9, %sign3A_12 : i32
    %ne3A = arith.cmpi ne, %sign3A_6, %sign3A_13 : i32
    %rem3A = arith.remsi %add3A_0, %jit3A : i32
    %ne3A_14 = arith.constant 0 : i32
    %ne3A_15 = arith.cmpi ne, %rem3A, %ne3A_14 : i32
    %and3A = arith.andi %ne3A, %ne3A_15 : i1
    %sub3A = arith.constant 1 : i32
    %sub3A_16 = arith.subi %div3A, %sub3A : i32
    %select_n3A = arith.select %and3A, %sub3A_16, %div3A : i32
    %jit3A_17 = arith.constant 2 : i32
    %eq3A = arith.constant 0 : i32
    %eq3A_18 = arith.cmpi eq, %jit3A_17, %eq3A : i32
    %jit3A_19 = arith.constant 1 : i32
    %select_n3A_20 = arith.select %eq3A_18, %jit3A_19, %jit3A_17 : i32
    %rem3A_21 = arith.remsi %add3A_0, %select_n3A_20 : i32
    %ne3A_22 = arith.constant 0 : i32
    %ne3A_23 = arith.cmpi ne, %rem3A_21, %ne3A_22 : i32
    %lt3A = arith.constant 0 : i32
    %lt3A_24 = arith.cmpi slt, %rem3A_21, %lt3A : i32
    %lt3A_25 = arith.constant 0 : i32
    %lt3A_26 = arith.cmpi slt, %select_n3A_20, %lt3A_25 : i32
    %ne3A_27 = arith.xori %lt3A_24, %lt3A_26 : i1
    %and3A_28 = arith.andi %ne3A_27, %ne3A_23 : i1
    %add3A_29 = arith.addi %rem3A_21, %select_n3A_20 : i32
    %select_n3A_30 = arith.select %and3A_28, %add3A_29, %rem3A_21 : i32
    %mul3A = arith.constant 2048 : i32
    %mul3A_31 = arith.muli %select_n3A_30, %mul3A : i32
    "tpu.region"() ({
      %run_scoped3A = tpu.sem_alloc : memref<!tpu.dma_semaphore, #tpu.memory_space<semaphore_mem>>
      %dma_start3A_1125 = arith.constant 0 : i32
      %dma_start3A_1126 = tpu.memref_slice %arg2[%select_n3A, %dma_start3A_1125] : memref<200x4096xi32, #tpu.memory_space<hbm>> -> memref<1x4096xi32, #tpu.memory_space<hbm>>
      %dma_start3A_1127 = tpu.memref_squeeze %dma_start3A_1126 : memref<1x4096xi32, #tpu.memory_space<hbm>> -> memref<4096xi32, #tpu.memory_space<hbm>>
      %dma_start3A_1128 = tpu.memref_slice %dma_start3A_1127[%mul3A_31] : memref<4096xi32, #tpu.memory_space<hbm>> -> memref<2048xi32, #tpu.memory_space<hbm>>
      %dma_start3A_1129 = arith.constant 0 : i32
      %dma_start3A_1130 = tpu.memref_slice %arg2[%select_n3A, %dma_start3A_1129] : memref<200x4096xi32, #tpu.memory_space<hbm>> -> memref<1x4096xi32, #tpu.memory_space<hbm>>
      %dma_start3A_1131 = tpu.memref_squeeze %dma_start3A_1130 : memref<1x4096xi32, #tpu.memory_space<hbm>> -> memref<4096xi32, #tpu.memory_space<hbm>>
      %dma_start3A_1132 = tpu.memref_slice %dma_start3A_1131[%mul3A_31] : memref<4096xi32, #tpu.memory_space<hbm>> -> memref<2048xi32, #tpu.memory_space<hbm>>
      tpu.enqueue_dma source(%dma_start3A_1132 : memref<2048xi32, #tpu.memory_space<hbm>>) target(%arg7 : memref<2048xi32, #tpu.memory_space<vmem>>) target_semaphore(%run_scoped3A : memref<!tpu.dma_semaphore, #tpu.memory_space<semaphore_mem>>)
      %dma_wait3A_1133 = arith.constant 0 : i32
      %dma_wait3A_1134 = tpu.memref_slice %arg2[%select_n3A, %dma_wait3A_1133] : memref<200x4096xi32, #tpu.memory_space<hbm>> -> memref<1x4096xi32, #tpu.memory_space<hbm>>
      %dma_wait3A_1135 = tpu.memref_squeeze %dma_wait3A_1134 : memref<1x4096xi32, #tpu.memory_space<hbm>> -> memref<4096xi32, #tpu.memory_space<hbm>>
      %dma_wait3A_1136 = tpu.memref_slice %dma_wait3A_1135[%mul3A_31] : memref<4096xi32, #tpu.memory_space<hbm>> -> memref<2048xi32, #tpu.memory_space<hbm>>
      %dma_wait3A_1137 = arith.constant 0 : i32
      %dma_wait3A_1138 = tpu.memref_slice %arg2[%select_n3A, %dma_wait3A_1137] : memref<200x4096xi32, #tpu.memory_space<hbm>> -> memref<1x4096xi32, #tpu.memory_space<hbm>>
      %dma_wait3A_1139 = tpu.memref_squeeze %dma_wait3A_1138 : memref<1x4096xi32, #tpu.memory_space<hbm>> -> memref<4096xi32, #tpu.memory_space<hbm>>
      %dma_wait3A_1140 = tpu.memref_slice %dma_wait3A_1139[%mul3A_31] : memref<4096xi32, #tpu.memory_space<hbm>> -> memref<2048xi32, #tpu.memory_space<hbm>>
      tpu.wait_dma2 semaphore(%run_scoped3A : memref<!tpu.dma_semaphore, #tpu.memory_space<semaphore_mem>>) src(%dma_wait3A_1140 : memref<2048xi32, #tpu.memory_space<hbm>>) dst(%arg7 : memref<2048xi32, #tpu.memory_space<vmem>>)
      tpu.yield
    }) : () -> ()
    %add3A_32 = arith.constant 16 : i32
    %add3A_33 = arith.addi %arg1, %add3A_32 : i32
    %jit3A_34 = arith.constant 2 : i32
    %div3A_35 = arith.divsi %add3A_33, %jit3A_34 : i32
    %sign3A_36 = arith.constant 0 : i32
    %sign3A_37 = arith.cmpi sgt, %add3A_33, %sign3A_36 : i32
    %sign3A_38 = arith.extui %sign3A_37 : i1 to i32
    %sign3A_39 = arith.constant 0 : i32
    %sign3A_40 = arith.cmpi slt, %add3A_33, %sign3A_39 : i32
    %sign3A_41 = arith.extui %sign3A_40 : i1 to i32
    %sign3A_42 = arith.subi %sign3A_38, %sign3A_41 : i32
    %sign3A_43 = arith.constant 0 : i32
    %sign3A_44 = arith.cmpi sgt, %jit3A_34, %sign3A_43 : i32
    %sign3A_45 = arith.extui %sign3A_44 : i1 to i32
    %sign3A_46 = arith.constant 0 : i32
    %sign3A_47 = arith.cmpi slt, %jit3A_34, %sign3A_46 : i32
    %sign3A_48 = arith.extui %sign3A_47 : i1 to i32
    %sign3A_49 = arith.subi %sign3A_45, %sign3A_48 : i32
    %ne3A_50 = arith.cmpi ne, %sign3A_42, %sign3A_49 : i32
    %rem3A_51 = arith.remsi %add3A_33, %jit3A_34 : i32
    %ne3A_52 = arith.constant 0 : i32
    %ne3A_53 = arith.cmpi ne, %rem3A_51, %ne3A_52 : i32
    %and3A_54 = arith.andi %ne3A_50, %ne3A_53 : i1
    %sub3A_55 = arith.constant 1 : i32
    %sub3A_56 = arith.subi %div3A_35, %sub3A_55 : i32
    %select_n3A_57 = arith.select %and3A_54, %sub3A_56, %div3A_35 : i32
    %jit3A_58 = arith.constant 2 : i32
    %eq3A_59 = arith.constant 0 : i32
    %eq3A_60 = arith.cmpi eq, %jit3A_58, %eq3A_59 : i32
    %jit3A_61 = arith.constant 1 : i32
    %select_n3A_62 = arith.select %eq3A_60, %jit3A_61, %jit3A_58 : i32
    %rem3A_63 = arith.remsi %add3A_33, %select_n3A_62 : i32
    %ne3A_64 = arith.constant 0 : i32
    %ne3A_65 = arith.cmpi ne, %rem3A_63, %ne3A_64 : i32
    %lt3A_66 = arith.constant 0 : i32
    %lt3A_67 = arith.cmpi slt, %rem3A_63, %lt3A_66 : i32
    %lt3A_68 = arith.constant 0 : i32
    %lt3A_69 = arith.cmpi slt, %select_n3A_62, %lt3A_68 : i32
    %ne3A_70 = arith.xori %lt3A_67, %lt3A_69 : i1
    %and3A_71 = arith.andi %ne3A_70, %ne3A_65 : i1
    %add3A_72 = arith.addi %rem3A_63, %select_n3A_62 : i32
    %select_n3A_73 = arith.select %and3A_71, %add3A_72, %rem3A_63 : i32
    %mul3A_74 = arith.constant 2048 : i32
    %mul3A_75 = arith.muli %select_n3A_73, %mul3A_74 : i32
    "tpu.region"() ({
      %run_scoped3A = tpu.sem_alloc : memref<!tpu.dma_semaphore, #tpu.memory_space<semaphore_mem>>
      %dma_start3A_1125 = arith.constant 0 : i32
      %dma_start3A_1126 = tpu.memref_slice %arg2[%select_n3A_57, %dma_start3A_1125] : memref<200x4096xi32, #tpu.memory_space<hbm>> -> memref<1x4096xi32, #tpu.memory_space<hbm>>
      %dma_start3A_1127 = tpu.memref_squeeze %dma_start3A_1126 : memref<1x4096xi32, #tpu.memory_space<hbm>> -> memref<4096xi32, #tpu.memory_space<hbm>>
      %dma_start3A_1128 = tpu.memref_slice %dma_start3A_1127[%mul3A_75] : memref<4096xi32, #tpu.memory_space<hbm>> -> memref<2048xi32, #tpu.memory_space<hbm>>
      %dma_start3A_1129 = arith.constant 0 : i32
      %dma_start3A_1130 = tpu.memref_slice %arg2[%select_n3A_57, %dma_start3A_1129] : memref<200x4096xi32, #tpu.memory_space<hbm>> -> memref<1x4096xi32, #tpu.memory_space<hbm>>
      %dma_start3A_1131 = tpu.memref_squeeze %dma_start3A_1130 : memref<1x4096xi32, #tpu.memory_space<hbm>> -> memref<4096xi32, #tpu.memory_space<hbm>>
      %dma_start3A_1132 = tpu.memref_slice %dma_start3A_1131[%mul3A_75] : memref<4096xi32, #tpu.memory_space<hbm>> -> memref<2048xi32, #tpu.memory_space<hbm>>
      tpu.enqueue_dma source(%dma_start3A_1132 : memref<2048xi32, #tpu.memory_space<hbm>>) target(%arg8 : memref<2048xi32, #tpu.memory_space<vmem>>) target_semaphore(%run_scoped3A : memref<!tpu.dma_semaphore, #tpu.memory_space<semaphore_mem>>)
      %dma_wait3A_1133 = arith.constant 0 : i32
      %dma_wait3A_1134 = tpu.memref_slice %arg2[%select_n3A_57, %dma_wait3A_1133] : memref<200x4096xi32, #tpu.memory_space<hbm>> -> memref<1x4096xi32, #tpu.memory_space<hbm>>
      %dma_wait3A_1135 = tpu.memref_squeeze %dma_wait3A_1134 : memref<1x4096xi32, #tpu.memory_space<hbm>> -> memref<4096xi32, #tpu.memory_space<hbm>>
      %dma_wait3A_1136 = tpu.memref_slice %dma_wait3A_1135[%mul3A_75] : memref<4096xi32, #tpu.memory_space<hbm>> -> memref<2048xi32, #tpu.memory_space<hbm>>
      %dma_wait3A_1137 = arith.constant 0 : i32
      %dma_wait3A_1138 = tpu.memref_slice %arg2[%select_n3A_57, %dma_wait3A_1137] : memref<200x4096xi32, #tpu.memory_space<hbm>> -> memref<1x4096xi32, #tpu.memory_space<hbm>>
      %dma_wait3A_1139 = tpu.memref_squeeze %dma_wait3A_1138 : memref<1x4096xi32, #tpu.memory_space<hbm>> -> memref<4096xi32, #tpu.memory_space<hbm>>
      %dma_wait3A_1140 = tpu.memref_slice %dma_wait3A_1139[%mul3A_75] : memref<4096xi32, #tpu.memory_space<hbm>> -> memref<2048xi32, #tpu.memory_space<hbm>>
      tpu.wait_dma2 semaphore(%run_scoped3A : memref<!tpu.dma_semaphore, #tpu.memory_space<semaphore_mem>>) src(%dma_wait3A_1140 : memref<2048xi32, #tpu.memory_space<hbm>>) dst(%arg8 : memref<2048xi32, #tpu.memory_space<vmem>>)
      tpu.yield
    }) : () -> ()
    %add3A_76 = arith.constant 32 : i32
    %add3A_77 = arith.addi %arg1, %add3A_76 : i32
    %jit3A_78 = arith.constant 2 : i32
    %div3A_79 = arith.divsi %add3A_77, %jit3A_78 : i32
    %sign3A_80 = arith.constant 0 : i32
    %sign3A_81 = arith.cmpi sgt, %add3A_77, %sign3A_80 : i32
    %sign3A_82 = arith.extui %sign3A_81 : i1 to i32
    %sign3A_83 = arith.constant 0 : i32
    %sign3A_84 = arith.cmpi slt, %add3A_77, %sign3A_83 : i32
    %sign3A_85 = arith.extui %sign3A_84 : i1 to i32
    %sign3A_86 = arith.subi %sign3A_82, %sign3A_85 : i32
    %sign3A_87 = arith.constant 0 : i32
    %sign3A_88 = arith.cmpi sgt, %jit3A_78, %sign3A_87 : i32
    %sign3A_89 = arith.extui %sign3A_88 : i1 to i32
    %sign3A_90 = arith.constant 0 : i32
    %sign3A_91 = arith.cmpi slt, %jit3A_78, %sign3A_90 : i32
    %sign3A_92 = arith.extui %sign3A_91 : i1 to i32
    %sign3A_93 = arith.subi %sign3A_89, %sign3A_92 : i32
    %ne3A_94 = arith.cmpi ne, %sign3A_86, %sign3A_93 : i32
    %rem3A_95 = arith.remsi %add3A_77, %jit3A_78 : i32
    %ne3A_96 = arith.constant 0 : i32
    %ne3A_97 = arith.cmpi ne, %rem3A_95, %ne3A_96 : i32
    %and3A_98 = arith.andi %ne3A_94, %ne3A_97 : i1
    %sub3A_99 = arith.constant 1 : i32
    %sub3A_100 = arith.subi %div3A_79, %sub3A_99 : i32
    %select_n3A_101 = arith.select %and3A_98, %sub3A_100, %div3A_79 : i32
    %jit3A_102 = arith.constant 2 : i32
    %eq3A_103 = arith.constant 0 : i32
    %eq3A_104 = arith.cmpi eq, %jit3A_102, %eq3A_103 : i32
    %jit3A_105 = arith.constant 1 : i32
    %select_n3A_106 = arith.select %eq3A_104, %jit3A_105, %jit3A_102 : i32
    %rem3A_107 = arith.remsi %add3A_77, %select_n3A_106 : i32
    %ne3A_108 = arith.constant 0 : i32
    %ne3A_109 = arith.cmpi ne, %rem3A_107, %ne3A_108 : i32
    %lt3A_110 = arith.constant 0 : i32
    %lt3A_111 = arith.cmpi slt, %rem3A_107, %lt3A_110 : i32
    %lt3A_112 = arith.constant 0 : i32
    %lt3A_113 = arith.cmpi slt, %select_n3A_106, %lt3A_112 : i32
    %ne3A_114 = arith.xori %lt3A_111, %lt3A_113 : i1
    %and3A_115 = arith.andi %ne3A_114, %ne3A_109 : i1
    %add3A_116 = arith.addi %rem3A_107, %select_n3A_106 : i32
    %select_n3A_117 = arith.select %and3A_115, %add3A_116, %rem3A_107 : i32
    %mul3A_118 = arith.constant 2048 : i32
    %mul3A_119 = arith.muli %select_n3A_117, %mul3A_118 : i32
    "tpu.region"() ({
      %run_scoped3A = tpu.sem_alloc : memref<!tpu.dma_semaphore, #tpu.memory_space<semaphore_mem>>
      %dma_start3A_1125 = arith.constant 0 : i32
      %dma_start3A_1126 = tpu.memref_slice %arg2[%select_n3A_101, %dma_start3A_1125] : memref<200x4096xi32, #tpu.memory_space<hbm>> -> memref<1x4096xi32, #tpu.memory_space<hbm>>
      %dma_start3A_1127 = tpu.memref_squeeze %dma_start3A_1126 : memref<1x4096xi32, #tpu.memory_space<hbm>> -> memref<4096xi32, #tpu.memory_space<hbm>>
      %dma_start3A_1128 = tpu.memref_slice %dma_start3A_1127[%mul3A_119] : memref<4096xi32, #tpu.memory_space<hbm>> -> memref<2048xi32, #tpu.memory_space<hbm>>
      %dma_start3A_1129 = arith.constant 0 : i32
      %dma_start3A_1130 = tpu.memref_slice %arg2[%select_n3A_101, %dma_start3A_1129] : memref<200x4096xi32, #tpu.memory_space<hbm>> -> memref<1x4096xi32, #tpu.memory_space<hbm>>
      %dma_start3A_1131 = tpu.memref_squeeze %dma_start3A_1130 : memref<1x4096xi32, #tpu.memory_space<hbm>> -> memref<4096xi32, #tpu.memory_space<hbm>>
      %dma_start3A_1132 = tpu.memref_slice %dma_start3A_1131[%mul3A_119] : memref<4096xi32, #tpu.memory_space<hbm>> -> memref<2048xi32, #tpu.memory_space<hbm>>
      tpu.enqueue_dma source(%dma_start3A_1132 : memref<2048xi32, #tpu.memory_space<hbm>>) target(%arg9 : memref<2048xi32, #tpu.memory_space<vmem>>) target_semaphore(%run_scoped3A : memref<!tpu.dma_semaphore, #tpu.memory_space<semaphore_mem>>)
      %dma_wait3A_1133 = arith.constant 0 : i32
      %dma_wait3A_1134 = tpu.memref_slice %arg2[%select_n3A_101, %dma_wait3A_1133] : memref<200x4096xi32, #tpu.memory_space<hbm>> -> memref<1x4096xi32, #tpu.memory_space<hbm>>
      %dma_wait3A_1135 = tpu.memref_squeeze %dma_wait3A_1134 : memref<1x4096xi32, #tpu.memory_space<hbm>> -> memref<4096xi32, #tpu.memory_space<hbm>>
      %dma_wait3A_1136 = tpu.memref_slice %dma_wait3A_1135[%mul3A_119] : memref<4096xi32, #tpu.memory_space<hbm>> -> memref<2048xi32, #tpu.memory_space<hbm>>
      %dma_wait3A_1137 = arith.constant 0 : i32
      %dma_wait3A_1138 = tpu.memref_slice %arg2[%select_n3A_101, %dma_wait3A_1137] : memref<200x4096xi32, #tpu.memory_space<hbm>> -> memref<1x4096xi32, #tpu.memory_space<hbm>>
      %dma_wait3A_1139 = tpu.memref_squeeze %dma_wait3A_1138 : memref<1x4096xi32, #tpu.memory_space<hbm>> -> memref<4096xi32, #tpu.memory_space<hbm>>
      %dma_wait3A_1140 = tpu.memref_slice %dma_wait3A_1139[%mul3A_119] : memref<4096xi32, #tpu.memory_space<hbm>> -> memref<2048xi32, #tpu.memory_space<hbm>>
      tpu.wait_dma2 semaphore(%run_scoped3A : memref<!tpu.dma_semaphore, #tpu.memory_space<semaphore_mem>>) src(%dma_wait3A_1140 : memref<2048xi32, #tpu.memory_space<hbm>>) dst(%arg9 : memref<2048xi32, #tpu.memory_space<vmem>>)
      tpu.yield
    }) : () -> ()
    %add3A_120 = arith.constant 48 : i32
    %add3A_121 = arith.addi %arg1, %add3A_120 : i32
    %jit3A_122 = arith.constant 2 : i32
    %div3A_123 = arith.divsi %add3A_121, %jit3A_122 : i32
    %sign3A_124 = arith.constant 0 : i32
    %sign3A_125 = arith.cmpi sgt, %add3A_121, %sign3A_124 : i32
    %sign3A_126 = arith.extui %sign3A_125 : i1 to i32
    %sign3A_127 = arith.constant 0 : i32
    %sign3A_128 = arith.cmpi slt, %add3A_121, %sign3A_127 : i32
    %sign3A_129 = arith.extui %sign3A_128 : i1 to i32
    %sign3A_130 = arith.subi %sign3A_126, %sign3A_129 : i32
    %sign3A_131 = arith.constant 0 : i32
    %sign3A_132 = arith.cmpi sgt, %jit3A_122, %sign3A_131 : i32
    %sign3A_133 = arith.extui %sign3A_132 : i1 to i32
    %sign3A_134 = arith.constant 0 : i32
    %sign3A_135 = arith.cmpi slt, %jit3A_122, %sign3A_134 : i32
    %sign3A_136 = arith.extui %sign3A_135 : i1 to i32
    %sign3A_137 = arith.subi %sign3A_133, %sign3A_136 : i32
    %ne3A_138 = arith.cmpi ne, %sign3A_130, %sign3A_137 : i32
    %rem3A_139 = arith.remsi %add3A_121, %jit3A_122 : i32
    %ne3A_140 = arith.constant 0 : i32
    %ne3A_141 = arith.cmpi ne, %rem3A_139, %ne3A_140 : i32
    %and3A_142 = arith.andi %ne3A_138, %ne3A_141 : i1
    %sub3A_143 = arith.constant 1 : i32
    %sub3A_144 = arith.subi %div3A_123, %sub3A_143 : i32
    %select_n3A_145 = arith.select %and3A_142, %sub3A_144, %div3A_123 : i32
    %jit3A_146 = arith.constant 2 : i32
    %eq3A_147 = arith.constant 0 : i32
    %eq3A_148 = arith.cmpi eq, %jit3A_146, %eq3A_147 : i32
    %jit3A_149 = arith.constant 1 : i32
    %select_n3A_150 = arith.select %eq3A_148, %jit3A_149, %jit3A_146 : i32
    %rem3A_151 = arith.remsi %add3A_121, %select_n3A_150 : i32
    %ne3A_152 = arith.constant 0 : i32
    %ne3A_153 = arith.cmpi ne, %rem3A_151, %ne3A_152 : i32
    %lt3A_154 = arith.constant 0 : i32
    %lt3A_155 = arith.cmpi slt, %rem3A_151, %lt3A_154 : i32
    %lt3A_156 = arith.constant 0 : i32
    %lt3A_157 = arith.cmpi slt, %select_n3A_150, %lt3A_156 : i32
    %ne3A_158 = arith.xori %lt3A_155, %lt3A_157 : i1
    %and3A_159 = arith.andi %ne3A_158, %ne3A_153 : i1
    %add3A_160 = arith.addi %rem3A_151, %select_n3A_150 : i32
    %select_n3A_161 = arith.select %and3A_159, %add3A_160, %rem3A_151 : i32
    %mul3A_162 = arith.constant 2048 : i32
    %mul3A_163 = arith.muli %select_n3A_161, %mul3A_162 : i32
    "tpu.region"() ({
      %run_scoped3A = tpu.sem_alloc : memref<!tpu.dma_semaphore, #tpu.memory_space<semaphore_mem>>
      %dma_start3A_1125 = arith.constant 0 : i32
      %dma_start3A_1126 = tpu.memref_slice %arg2[%select_n3A_145, %dma_start3A_1125] : memref<200x4096xi32, #tpu.memory_space<hbm>> -> memref<1x4096xi32, #tpu.memory_space<hbm>>
      %dma_start3A_1127 = tpu.memref_squeeze %dma_start3A_1126 : memref<1x4096xi32, #tpu.memory_space<hbm>> -> memref<4096xi32, #tpu.memory_space<hbm>>
      %dma_start3A_1128 = tpu.memref_slice %dma_start3A_1127[%mul3A_163] : memref<4096xi32, #tpu.memory_space<hbm>> -> memref<2048xi32, #tpu.memory_space<hbm>>
      %dma_start3A_1129 = arith.constant 0 : i32
      %dma_start3A_1130 = tpu.memref_slice %arg2[%select_n3A_145, %dma_start3A_1129] : memref<200x4096xi32, #tpu.memory_space<hbm>> -> memref<1x4096xi32, #tpu.memory_space<hbm>>
      %dma_start3A_1131 = tpu.memref_squeeze %dma_start3A_1130 : memref<1x4096xi32, #tpu.memory_space<hbm>> -> memref<4096xi32, #tpu.memory_space<hbm>>
      %dma_start3A_1132 = tpu.memref_slice %dma_start3A_1131[%mul3A_163] : memref<4096xi32, #tpu.memory_space<hbm>> -> memref<2048xi32, #tpu.memory_space<hbm>>
      tpu.enqueue_dma source(%dma_start3A_1132 : memref<2048xi32, #tpu.memory_space<hbm>>) target(%arg10 : memref<2048xi32, #tpu.memory_space<vmem>>) target_semaphore(%run_scoped3A : memref<!tpu.dma_semaphore, #tpu.memory_space<semaphore_mem>>)
      %dma_wait3A_1133 = arith.constant 0 : i32
      %dma_wait3A_1134 = tpu.memref_slice %arg2[%select_n3A_145, %dma_wait3A_1133] : memref<200x4096xi32, #tpu.memory_space<hbm>> -> memref<1x4096xi32, #tpu.memory_space<hbm>>
      %dma_wait3A_1135 = tpu.memref_squeeze %dma_wait3A_1134 : memref<1x4096xi32, #tpu.memory_space<hbm>> -> memref<4096xi32, #tpu.memory_space<hbm>>
      %dma_wait3A_1136 = tpu.memref_slice %dma_wait3A_1135[%mul3A_163] : memref<4096xi32, #tpu.memory_space<hbm>> -> memref<2048xi32, #tpu.memory_space<hbm>>
      %dma_wait3A_1137 = arith.constant 0 : i32
      %dma_wait3A_1138 = tpu.memref_slice %arg2[%select_n3A_145, %dma_wait3A_1137] : memref<200x4096xi32, #tpu.memory_space<hbm>> -> memref<1x4096xi32, #tpu.memory_space<hbm>>
      %dma_wait3A_1139 = tpu.memref_squeeze %dma_wait3A_1138 : memref<1x4096xi32, #tpu.memory_space<hbm>> -> memref<4096xi32, #tpu.memory_space<hbm>>
      %dma_wait3A_1140 = tpu.memref_slice %dma_wait3A_1139[%mul3A_163] : memref<4096xi32, #tpu.memory_space<hbm>> -> memref<2048xi32, #tpu.memory_space<hbm>>
      tpu.wait_dma2 semaphore(%run_scoped3A : memref<!tpu.dma_semaphore, #tpu.memory_space<semaphore_mem>>) src(%dma_wait3A_1140 : memref<2048xi32, #tpu.memory_space<hbm>>) dst(%arg10 : memref<2048xi32, #tpu.memory_space<vmem>>)
      tpu.yield
    }) : () -> ()
    %add3A_164 = arith.constant 64 : i32
    %add3A_165 = arith.addi %arg1, %add3A_164 : i32
    %jit3A_166 = arith.constant 2 : i32
    %div3A_167 = arith.divsi %add3A_165, %jit3A_166 : i32
    %sign3A_168 = arith.constant 0 : i32
    %sign3A_169 = arith.cmpi sgt, %add3A_165, %sign3A_168 : i32
    %sign3A_170 = arith.extui %sign3A_169 : i1 to i32
    %sign3A_171 = arith.constant 0 : i32
    %sign3A_172 = arith.cmpi slt, %add3A_165, %sign3A_171 : i32
    %sign3A_173 = arith.extui %sign3A_172 : i1 to i32
    %sign3A_174 = arith.subi %sign3A_170, %sign3A_173 : i32
    %sign3A_175 = arith.constant 0 : i32
    %sign3A_176 = arith.cmpi sgt, %jit3A_166, %sign3A_175 : i32
    %sign3A_177 = arith.extui %sign3A_176 : i1 to i32
    %sign3A_178 = arith.constant 0 : i32
    %sign3A_179 = arith.cmpi slt, %jit3A_166, %sign3A_178 : i32
    %sign3A_180 = arith.extui %sign3A_179 : i1 to i32
    %sign3A_181 = arith.subi %sign3A_177, %sign3A_180 : i32
    %ne3A_182 = arith.cmpi ne, %sign3A_174, %sign3A_181 : i32
    %rem3A_183 = arith.remsi %add3A_165, %jit3A_166 : i32
    %ne3A_184 = arith.constant 0 : i32
    %ne3A_185 = arith.cmpi ne, %rem3A_183, %ne3A_184 : i32
    %and3A_186 = arith.andi %ne3A_182, %ne3A_185 : i1
    %sub3A_187 = arith.constant 1 : i32
    %sub3A_188 = arith.subi %div3A_167, %sub3A_187 : i32
    %select_n3A_189 = arith.select %and3A_186, %sub3A_188, %div3A_167 : i32
    %jit3A_190 = arith.constant 2 : i32
    %eq3A_191 = arith.constant 0 : i32
    %eq3A_192 = arith.cmpi eq, %jit3A_190, %eq3A_191 : i32
    %jit3A_193 = arith.constant 1 : i32
    %select_n3A_194 = arith.select %eq3A_192, %jit3A_193, %jit3A_190 : i32
    %rem3A_195 = arith.remsi %add3A_165, %select_n3A_194 : i32
    %ne3A_196 = arith.constant 0 : i32
    %ne3A_197 = arith.cmpi ne, %rem3A_195, %ne3A_196 : i32
    %lt3A_198 = arith.constant 0 : i32
    %lt3A_199 = arith.cmpi slt, %rem3A_195, %lt3A_198 : i32
    %lt3A_200 = arith.constant 0 : i32
    %lt3A_201 = arith.cmpi slt, %select_n3A_194, %lt3A_200 : i32
    %ne3A_202 = arith.xori %lt3A_199, %lt3A_201 : i1
    %and3A_203 = arith.andi %ne3A_202, %ne3A_197 : i1
    %add3A_204 = arith.addi %rem3A_195, %select_n3A_194 : i32
    %select_n3A_205 = arith.select %and3A_203, %add3A_204, %rem3A_195 : i32
    %mul3A_206 = arith.constant 2048 : i32
    %mul3A_207 = arith.muli %select_n3A_205, %mul3A_206 : i32
    "tpu.region"() ({
      %run_scoped3A = tpu.sem_alloc : memref<!tpu.dma_semaphore, #tpu.memory_space<semaphore_mem>>
      %dma_start3A_1125 = arith.constant 0 : i32
      %dma_start3A_1126 = tpu.memref_slice %arg2[%select_n3A_189, %dma_start3A_1125] : memref<200x4096xi32, #tpu.memory_space<hbm>> -> memref<1x4096xi32, #tpu.memory_space<hbm>>
      %dma_start3A_1127 = tpu.memref_squeeze %dma_start3A_1126 : memref<1x4096xi32, #tpu.memory_space<hbm>> -> memref<4096xi32, #tpu.memory_space<hbm>>
      %dma_start3A_1128 = tpu.memref_slice %dma_start3A_1127[%mul3A_207] : memref<4096xi32, #tpu.memory_space<hbm>> -> memref<2048xi32, #tpu.memory_space<hbm>>
      %dma_start3A_1129 = arith.constant 0 : i32
      %dma_start3A_1130 = tpu.memref_slice %arg2[%select_n3A_189, %dma_start3A_1129] : memref<200x4096xi32, #tpu.memory_space<hbm>> -> memref<1x4096xi32, #tpu.memory_space<hbm>>
      %dma_start3A_1131 = tpu.memref_squeeze %dma_start3A_1130 : memref<1x4096xi32, #tpu.memory_space<hbm>> -> memref<4096xi32, #tpu.memory_space<hbm>>
      %dma_start3A_1132 = tpu.memref_slice %dma_start3A_1131[%mul3A_207] : memref<4096xi32, #tpu.memory_space<hbm>> -> memref<2048xi32, #tpu.memory_space<hbm>>
      tpu.enqueue_dma source(%dma_start3A_1132 : memref<2048xi32, #tpu.memory_space<hbm>>) target(%arg11 : memref<2048xi32, #tpu.memory_space<vmem>>) target_semaphore(%run_scoped3A : memref<!tpu.dma_semaphore, #tpu.memory_space<semaphore_mem>>)
      %dma_wait3A_1133 = arith.constant 0 : i32
      %dma_wait3A_1134 = tpu.memref_slice %arg2[%select_n3A_189, %dma_wait3A_1133] : memref<200x4096xi32, #tpu.memory_space<hbm>> -> memref<1x4096xi32, #tpu.memory_space<hbm>>
      %dma_wait3A_1135 = tpu.memref_squeeze %dma_wait3A_1134 : memref<1x4096xi32, #tpu.memory_space<hbm>> -> memref<4096xi32, #tpu.memory_space<hbm>>
      %dma_wait3A_1136 = tpu.memref_slice %dma_wait3A_1135[%mul3A_207] : memref<4096xi32, #tpu.memory_space<hbm>> -> memref<2048xi32, #tpu.memory_space<hbm>>
      %dma_wait3A_1137 = arith.constant 0 : i32
      %dma_wait3A_1138 = tpu.memref_slice %arg2[%select_n3A_189, %dma_wait3A_1137] : memref<200x4096xi32, #tpu.memory_space<hbm>> -> memref<1x4096xi32, #tpu.memory_space<hbm>>
      %dma_wait3A_1139 = tpu.memref_squeeze %dma_wait3A_1138 : memref<1x4096xi32, #tpu.memory_space<hbm>> -> memref<4096xi32, #tpu.memory_space<hbm>>
      %dma_wait3A_1140 = tpu.memref_slice %dma_wait3A_1139[%mul3A_207] : memref<4096xi32, #tpu.memory_space<hbm>> -> memref<2048xi32, #tpu.memory_space<hbm>>
      tpu.wait_dma2 semaphore(%run_scoped3A : memref<!tpu.dma_semaphore, #tpu.memory_space<semaphore_mem>>) src(%dma_wait3A_1140 : memref<2048xi32, #tpu.memory_space<hbm>>) dst(%arg11 : memref<2048xi32, #tpu.memory_space<vmem>>)
      tpu.yield
    }) : () -> ()
    %add3A_208 = arith.constant 80 : i32
    %add3A_209 = arith.addi %arg1, %add3A_208 : i32
    %jit3A_210 = arith.constant 2 : i32
    %div3A_211 = arith.divsi %add3A_209, %jit3A_210 : i32
    %sign3A_212 = arith.constant 0 : i32
    %sign3A_213 = arith.cmpi sgt, %add3A_209, %sign3A_212 : i32
    %sign3A_214 = arith.extui %sign3A_213 : i1 to i32
    %sign3A_215 = arith.constant 0 : i32
    %sign3A_216 = arith.cmpi slt, %add3A_209, %sign3A_215 : i32
    %sign3A_217 = arith.extui %sign3A_216 : i1 to i32
    %sign3A_218 = arith.subi %sign3A_214, %sign3A_217 : i32
    %sign3A_219 = arith.constant 0 : i32
    %sign3A_220 = arith.cmpi sgt, %jit3A_210, %sign3A_219 : i32
    %sign3A_221 = arith.extui %sign3A_220 : i1 to i32
    %sign3A_222 = arith.constant 0 : i32
    %sign3A_223 = arith.cmpi slt, %jit3A_210, %sign3A_222 : i32
    %sign3A_224 = arith.extui %sign3A_223 : i1 to i32
    %sign3A_225 = arith.subi %sign3A_221, %sign3A_224 : i32
    %ne3A_226 = arith.cmpi ne, %sign3A_218, %sign3A_225 : i32
    %rem3A_227 = arith.remsi %add3A_209, %jit3A_210 : i32
    %ne3A_228 = arith.constant 0 : i32
    %ne3A_229 = arith.cmpi ne, %rem3A_227, %ne3A_228 : i32
    %and3A_230 = arith.andi %ne3A_226, %ne3A_229 : i1
    %sub3A_231 = arith.constant 1 : i32
    %sub3A_232 = arith.subi %div3A_211, %sub3A_231 : i32
    %select_n3A_233 = arith.select %and3A_230, %sub3A_232, %div3A_211 : i32
    %jit3A_234 = arith.constant 2 : i32
    %eq3A_235 = arith.constant 0 : i32
    %eq3A_236 = arith.cmpi eq, %jit3A_234, %eq3A_235 : i32
    %jit3A_237 = arith.constant 1 : i32
    %select_n3A_238 = arith.select %eq3A_236, %jit3A_237, %jit3A_234 : i32
    %rem3A_239 = arith.remsi %add3A_209, %select_n3A_238 : i32
    %ne3A_240 = arith.constant 0 : i32
    %ne3A_241 = arith.cmpi ne, %rem3A_239, %ne3A_240 : i32
    %lt3A_242 = arith.constant 0 : i32
    %lt3A_243 = arith.cmpi slt, %rem3A_239, %lt3A_242 : i32
    %lt3A_244 = arith.constant 0 : i32
    %lt3A_245 = arith.cmpi slt, %select_n3A_238, %lt3A_244 : i32
    %ne3A_246 = arith.xori %lt3A_243, %lt3A_245 : i1
    %and3A_247 = arith.andi %ne3A_246, %ne3A_241 : i1
    %add3A_248 = arith.addi %rem3A_239, %select_n3A_238 : i32
    %select_n3A_249 = arith.select %and3A_247, %add3A_248, %rem3A_239 : i32
    %mul3A_250 = arith.constant 2048 : i32
    %mul3A_251 = arith.muli %select_n3A_249, %mul3A_250 : i32
    "tpu.region"() ({
      %run_scoped3A = tpu.sem_alloc : memref<!tpu.dma_semaphore, #tpu.memory_space<semaphore_mem>>
      %dma_start3A_1125 = arith.constant 0 : i32
      %dma_start3A_1126 = tpu.memref_slice %arg2[%select_n3A_233, %dma_start3A_1125] : memref<200x4096xi32, #tpu.memory_space<hbm>> -> memref<1x4096xi32, #tpu.memory_space<hbm>>
      %dma_start3A_1127 = tpu.memref_squeeze %dma_start3A_1126 : memref<1x4096xi32, #tpu.memory_space<hbm>> -> memref<4096xi32, #tpu.memory_space<hbm>>
      %dma_start3A_1128 = tpu.memref_slice %dma_start3A_1127[%mul3A_251] : memref<4096xi32, #tpu.memory_space<hbm>> -> memref<2048xi32, #tpu.memory_space<hbm>>
      %dma_start3A_1129 = arith.constant 0 : i32
      %dma_start3A_1130 = tpu.memref_slice %arg2[%select_n3A_233, %dma_start3A_1129] : memref<200x4096xi32, #tpu.memory_space<hbm>> -> memref<1x4096xi32, #tpu.memory_space<hbm>>
      %dma_start3A_1131 = tpu.memref_squeeze %dma_start3A_1130 : memref<1x4096xi32, #tpu.memory_space<hbm>> -> memref<4096xi32, #tpu.memory_space<hbm>>
      %dma_start3A_1132 = tpu.memref_slice %dma_start3A_1131[%mul3A_251] : memref<4096xi32, #tpu.memory_space<hbm>> -> memref<2048xi32, #tpu.memory_space<hbm>>
      tpu.enqueue_dma source(%dma_start3A_1132 : memref<2048xi32, #tpu.memory_space<hbm>>) target(%arg12 : memref<2048xi32, #tpu.memory_space<vmem>>) target_semaphore(%run_scoped3A : memref<!tpu.dma_semaphore, #tpu.memory_space<semaphore_mem>>)
      %dma_wait3A_1133 = arith.constant 0 : i32
      %dma_wait3A_1134 = tpu.memref_slice %arg2[%select_n3A_233, %dma_wait3A_1133] : memref<200x4096xi32, #tpu.memory_space<hbm>> -> memref<1x4096xi32, #tpu.memory_space<hbm>>
      %dma_wait3A_1135 = tpu.memref_squeeze %dma_wait3A_1134 : memref<1x4096xi32, #tpu.memory_space<hbm>> -> memref<4096xi32, #tpu.memory_space<hbm>>
      %dma_wait3A_1136 = tpu.memref_slice %dma_wait3A_1135[%mul3A_251] : memref<4096xi32, #tpu.memory_space<hbm>> -> memref<2048xi32, #tpu.memory_space<hbm>>
      %dma_wait3A_1137 = arith.constant 0 : i32
      %dma_wait3A_1138 = tpu.memref_slice %arg2[%select_n3A_233, %dma_wait3A_1137] : memref<200x4096xi32, #tpu.memory_space<hbm>> -> memref<1x4096xi32, #tpu.memory_space<hbm>>
      %dma_wait3A_1139 = tpu.memref_squeeze %dma_wait3A_1138 : memref<1x4096xi32, #tpu.memory_space<hbm>> -> memref<4096xi32, #tpu.memory_space<hbm>>
      %dma_wait3A_1140 = tpu.memref_slice %dma_wait3A_1139[%mul3A_251] : memref<4096xi32, #tpu.memory_space<hbm>> -> memref<2048xi32, #tpu.memory_space<hbm>>
      tpu.wait_dma2 semaphore(%run_scoped3A : memref<!tpu.dma_semaphore, #tpu.memory_space<semaphore_mem>>) src(%dma_wait3A_1140 : memref<2048xi32, #tpu.memory_space<hbm>>) dst(%arg12 : memref<2048xi32, #tpu.memory_space<vmem>>)
      tpu.yield
    }) : () -> ()
    %add3A_252 = arith.constant 96 : i32
    %add3A_253 = arith.addi %arg1, %add3A_252 : i32
    %jit3A_254 = arith.constant 2 : i32
    %div3A_255 = arith.divsi %add3A_253, %jit3A_254 : i32
    %sign3A_256 = arith.constant 0 : i32
    %sign3A_257 = arith.cmpi sgt, %add3A_253, %sign3A_256 : i32
    %sign3A_258 = arith.extui %sign3A_257 : i1 to i32
    %sign3A_259 = arith.constant 0 : i32
    %sign3A_260 = arith.cmpi slt, %add3A_253, %sign3A_259 : i32
    %sign3A_261 = arith.extui %sign3A_260 : i1 to i32
    %sign3A_262 = arith.subi %sign3A_258, %sign3A_261 : i32
    %sign3A_263 = arith.constant 0 : i32
    %sign3A_264 = arith.cmpi sgt, %jit3A_254, %sign3A_263 : i32
    %sign3A_265 = arith.extui %sign3A_264 : i1 to i32
    %sign3A_266 = arith.constant 0 : i32
    %sign3A_267 = arith.cmpi slt, %jit3A_254, %sign3A_266 : i32
    %sign3A_268 = arith.extui %sign3A_267 : i1 to i32
    %sign3A_269 = arith.subi %sign3A_265, %sign3A_268 : i32
    %ne3A_270 = arith.cmpi ne, %sign3A_262, %sign3A_269 : i32
    %rem3A_271 = arith.remsi %add3A_253, %jit3A_254 : i32
    %ne3A_272 = arith.constant 0 : i32
    %ne3A_273 = arith.cmpi ne, %rem3A_271, %ne3A_272 : i32
    %and3A_274 = arith.andi %ne3A_270, %ne3A_273 : i1
    %sub3A_275 = arith.constant 1 : i32
    %sub3A_276 = arith.subi %div3A_255, %sub3A_275 : i32
    %select_n3A_277 = arith.select %and3A_274, %sub3A_276, %div3A_255 : i32
    %jit3A_278 = arith.constant 2 : i32
    %eq3A_279 = arith.constant 0 : i32
    %eq3A_280 = arith.cmpi eq, %jit3A_278, %eq3A_279 : i32
    %jit3A_281 = arith.constant 1 : i32
    %select_n3A_282 = arith.select %eq3A_280, %jit3A_281, %jit3A_278 : i32
    %rem3A_283 = arith.remsi %add3A_253, %select_n3A_282 : i32
    %ne3A_284 = arith.constant 0 : i32
    %ne3A_285 = arith.cmpi ne, %rem3A_283, %ne3A_284 : i32
    %lt3A_286 = arith.constant 0 : i32
    %lt3A_287 = arith.cmpi slt, %rem3A_283, %lt3A_286 : i32
    %lt3A_288 = arith.constant 0 : i32
    %lt3A_289 = arith.cmpi slt, %select_n3A_282, %lt3A_288 : i32
    %ne3A_290 = arith.xori %lt3A_287, %lt3A_289 : i1
    %and3A_291 = arith.andi %ne3A_290, %ne3A_285 : i1
    %add3A_292 = arith.addi %rem3A_283, %select_n3A_282 : i32
    %select_n3A_293 = arith.select %and3A_291, %add3A_292, %rem3A_283 : i32
    %mul3A_294 = arith.constant 2048 : i32
    %mul3A_295 = arith.muli %select_n3A_293, %mul3A_294 : i32
    "tpu.region"() ({
      %run_scoped3A = tpu.sem_alloc : memref<!tpu.dma_semaphore, #tpu.memory_space<semaphore_mem>>
      %dma_start3A_1125 = arith.constant 0 : i32
      %dma_start3A_1126 = tpu.memref_slice %arg2[%select_n3A_277, %dma_start3A_1125] : memref<200x4096xi32, #tpu.memory_space<hbm>> -> memref<1x4096xi32, #tpu.memory_space<hbm>>
      %dma_start3A_1127 = tpu.memref_squeeze %dma_start3A_1126 : memref<1x4096xi32, #tpu.memory_space<hbm>> -> memref<4096xi32, #tpu.memory_space<hbm>>
      %dma_start3A_1128 = tpu.memref_slice %dma_start3A_1127[%mul3A_295] : memref<4096xi32, #tpu.memory_space<hbm>> -> memref<2048xi32, #tpu.memory_space<hbm>>
      %dma_start3A_1129 = arith.constant 0 : i32
      %dma_start3A_1130 = tpu.memref_slice %arg2[%select_n3A_277, %dma_start3A_1129] : memref<200x4096xi32, #tpu.memory_space<hbm>> -> memref<1x4096xi32, #tpu.memory_space<hbm>>
      %dma_start3A_1131 = tpu.memref_squeeze %dma_start3A_1130 : memref<1x4096xi32, #tpu.memory_space<hbm>> -> memref<4096xi32, #tpu.memory_space<hbm>>
      %dma_start3A_1132 = tpu.memref_slice %dma_start3A_1131[%mul3A_295] : memref<4096xi32, #tpu.memory_space<hbm>> -> memref<2048xi32, #tpu.memory_space<hbm>>
      tpu.enqueue_dma source(%dma_start3A_1132 : memref<2048xi32, #tpu.memory_space<hbm>>) target(%arg13 : memref<2048xi32, #tpu.memory_space<vmem>>) target_semaphore(%run_scoped3A : memref<!tpu.dma_semaphore, #tpu.memory_space<semaphore_mem>>)
      %dma_wait3A_1133 = arith.constant 0 : i32
      %dma_wait3A_1134 = tpu.memref_slice %arg2[%select_n3A_277, %dma_wait3A_1133] : memref<200x4096xi32, #tpu.memory_space<hbm>> -> memref<1x4096xi32, #tpu.memory_space<hbm>>
      %dma_wait3A_1135 = tpu.memref_squeeze %dma_wait3A_1134 : memref<1x4096xi32, #tpu.memory_space<hbm>> -> memref<4096xi32, #tpu.memory_space<hbm>>
      %dma_wait3A_1136 = tpu.memref_slice %dma_wait3A_1135[%mul3A_295] : memref<4096xi32, #tpu.memory_space<hbm>> -> memref<2048xi32, #tpu.memory_space<hbm>>
      %dma_wait3A_1137 = arith.constant 0 : i32
      %dma_wait3A_1138 = tpu.memref_slice %arg2[%select_n3A_277, %dma_wait3A_1137] : memref<200x4096xi32, #tpu.memory_space<hbm>> -> memref<1x4096xi32, #tpu.memory_space<hbm>>
      %dma_wait3A_1139 = tpu.memref_squeeze %dma_wait3A_1138 : memref<1x4096xi32, #tpu.memory_space<hbm>> -> memref<4096xi32, #tpu.memory_space<hbm>>
      %dma_wait3A_1140 = tpu.memref_slice %dma_wait3A_1139[%mul3A_295] : memref<4096xi32, #tpu.memory_space<hbm>> -> memref<2048xi32, #tpu.memory_space<hbm>>
      tpu.wait_dma2 semaphore(%run_scoped3A : memref<!tpu.dma_semaphore, #tpu.memory_space<semaphore_mem>>) src(%dma_wait3A_1140 : memref<2048xi32, #tpu.memory_space<hbm>>) dst(%arg13 : memref<2048xi32, #tpu.memory_space<vmem>>)
      tpu.yield
    }) : () -> ()
    %add3A_296 = arith.constant 112 : i32
    %add3A_297 = arith.addi %arg1, %add3A_296 : i32
    %jit3A_298 = arith.constant 2 : i32
    %div3A_299 = arith.divsi %add3A_297, %jit3A_298 : i32
    %sign3A_300 = arith.constant 0 : i32
    %sign3A_301 = arith.cmpi sgt, %add3A_297, %sign3A_300 : i32
    %sign3A_302 = arith.extui %sign3A_301 : i1 to i32
    %sign3A_303 = arith.constant 0 : i32
    %sign3A_304 = arith.cmpi slt, %add3A_297, %sign3A_303 : i32
    %sign3A_305 = arith.extui %sign3A_304 : i1 to i32
    %sign3A_306 = arith.subi %sign3A_302, %sign3A_305 : i32
    %sign3A_307 = arith.constant 0 : i32
    %sign3A_308 = arith.cmpi sgt, %jit3A_298, %sign3A_307 : i32
    %sign3A_309 = arith.extui %sign3A_308 : i1 to i32
    %sign3A_310 = arith.constant 0 : i32
    %sign3A_311 = arith.cmpi slt, %jit3A_298, %sign3A_310 : i32
    %sign3A_312 = arith.extui %sign3A_311 : i1 to i32
    %sign3A_313 = arith.subi %sign3A_309, %sign3A_312 : i32
    %ne3A_314 = arith.cmpi ne, %sign3A_306, %sign3A_313 : i32
    %rem3A_315 = arith.remsi %add3A_297, %jit3A_298 : i32
    %ne3A_316 = arith.constant 0 : i32
    %ne3A_317 = arith.cmpi ne, %rem3A_315, %ne3A_316 : i32
    %and3A_318 = arith.andi %ne3A_314, %ne3A_317 : i1
    %sub3A_319 = arith.constant 1 : i32
    %sub3A_320 = arith.subi %div3A_299, %sub3A_319 : i32
    %select_n3A_321 = arith.select %and3A_318, %sub3A_320, %div3A_299 : i32
    %jit3A_322 = arith.constant 2 : i32
    %eq3A_323 = arith.constant 0 : i32
    %eq3A_324 = arith.cmpi eq, %jit3A_322, %eq3A_323 : i32
    %jit3A_325 = arith.constant 1 : i32
    %select_n3A_326 = arith.select %eq3A_324, %jit3A_325, %jit3A_322 : i32
    %rem3A_327 = arith.remsi %add3A_297, %select_n3A_326 : i32
    %ne3A_328 = arith.constant 0 : i32
    %ne3A_329 = arith.cmpi ne, %rem3A_327, %ne3A_328 : i32
    %lt3A_330 = arith.constant 0 : i32
    %lt3A_331 = arith.cmpi slt, %rem3A_327, %lt3A_330 : i32
    %lt3A_332 = arith.constant 0 : i32
    %lt3A_333 = arith.cmpi slt, %select_n3A_326, %lt3A_332 : i32
    %ne3A_334 = arith.xori %lt3A_331, %lt3A_333 : i1
    %and3A_335 = arith.andi %ne3A_334, %ne3A_329 : i1
    %add3A_336 = arith.addi %rem3A_327, %select_n3A_326 : i32
    %select_n3A_337 = arith.select %and3A_335, %add3A_336, %rem3A_327 : i32
    %mul3A_338 = arith.constant 2048 : i32
    %mul3A_339 = arith.muli %select_n3A_337, %mul3A_338 : i32
    "tpu.region"() ({
      %run_scoped3A = tpu.sem_alloc : memref<!tpu.dma_semaphore, #tpu.memory_space<semaphore_mem>>
      %dma_start3A_1125 = arith.constant 0 : i32
      %dma_start3A_1126 = tpu.memref_slice %arg2[%select_n3A_321, %dma_start3A_1125] : memref<200x4096xi32, #tpu.memory_space<hbm>> -> memref<1x4096xi32, #tpu.memory_space<hbm>>
      %dma_start3A_1127 = tpu.memref_squeeze %dma_start3A_1126 : memref<1x4096xi32, #tpu.memory_space<hbm>> -> memref<4096xi32, #tpu.memory_space<hbm>>
      %dma_start3A_1128 = tpu.memref_slice %dma_start3A_1127[%mul3A_339] : memref<4096xi32, #tpu.memory_space<hbm>> -> memref<2048xi32, #tpu.memory_space<hbm>>
      %dma_start3A_1129 = arith.constant 0 : i32
      %dma_start3A_1130 = tpu.memref_slice %arg2[%select_n3A_321, %dma_start3A_1129] : memref<200x4096xi32, #tpu.memory_space<hbm>> -> memref<1x4096xi32, #tpu.memory_space<hbm>>
      %dma_start3A_1131 = tpu.memref_squeeze %dma_start3A_1130 : memref<1x4096xi32, #tpu.memory_space<hbm>> -> memref<4096xi32, #tpu.memory_space<hbm>>
      %dma_start3A_1132 = tpu.memref_slice %dma_start3A_1131[%mul3A_339] : memref<4096xi32, #tpu.memory_space<hbm>> -> memref<2048xi32, #tpu.memory_space<hbm>>
      tpu.enqueue_dma source(%dma_start3A_1132 : memref<2048xi32, #tpu.memory_space<hbm>>) target(%arg14 : memref<2048xi32, #tpu.memory_space<vmem>>) target_semaphore(%run_scoped3A : memref<!tpu.dma_semaphore, #tpu.memory_space<semaphore_mem>>)
      %dma_wait3A_1133 = arith.constant 0 : i32
      %dma_wait3A_1134 = tpu.memref_slice %arg2[%select_n3A_321, %dma_wait3A_1133] : memref<200x4096xi32, #tpu.memory_space<hbm>> -> memref<1x4096xi32, #tpu.memory_space<hbm>>
      %dma_wait3A_1135 = tpu.memref_squeeze %dma_wait3A_1134 : memref<1x4096xi32, #tpu.memory_space<hbm>> -> memref<4096xi32, #tpu.memory_space<hbm>>
      %dma_wait3A_1136 = tpu.memref_slice %dma_wait3A_1135[%mul3A_339] : memref<4096xi32, #tpu.memory_space<hbm>> -> memref<2048xi32, #tpu.memory_space<hbm>>
      %dma_wait3A_1137 = arith.constant 0 : i32
      %dma_wait3A_1138 = tpu.memref_slice %arg2[%select_n3A_321, %dma_wait3A_1137] : memref<200x4096xi32, #tpu.memory_space<hbm>> -> memref<1x4096xi32, #tpu.memory_space<hbm>>
      %dma_wait3A_1139 = tpu.memref_squeeze %dma_wait3A_1138 : memref<1x4096xi32, #tpu.memory_space<hbm>> -> memref<4096xi32, #tpu.memory_space<hbm>>
      %dma_wait3A_1140 = tpu.memref_slice %dma_wait3A_1139[%mul3A_339] : memref<4096xi32, #tpu.memory_space<hbm>> -> memref<2048xi32, #tpu.memory_space<hbm>>
      tpu.wait_dma2 semaphore(%run_scoped3A : memref<!tpu.dma_semaphore, #tpu.memory_space<semaphore_mem>>) src(%dma_wait3A_1140 : memref<2048xi32, #tpu.memory_space<hbm>>) dst(%arg14 : memref<2048xi32, #tpu.memory_space<vmem>>)
      tpu.yield
    }) : () -> ()
    %add3A_340 = arith.constant 128 : i32
    %add3A_341 = arith.addi %arg1, %add3A_340 : i32
    %jit3A_342 = arith.constant 2 : i32
    %div3A_343 = arith.divsi %add3A_341, %jit3A_342 : i32
    %sign3A_344 = arith.constant 0 : i32
    %sign3A_345 = arith.cmpi sgt, %add3A_341, %sign3A_344 : i32
    %sign3A_346 = arith.extui %sign3A_345 : i1 to i32
    %sign3A_347 = arith.constant 0 : i32
    %sign3A_348 = arith.cmpi slt, %add3A_341, %sign3A_347 : i32
    %sign3A_349 = arith.extui %sign3A_348 : i1 to i32
    %sign3A_350 = arith.subi %sign3A_346, %sign3A_349 : i32
    %sign3A_351 = arith.constant 0 : i32
    %sign3A_352 = arith.cmpi sgt, %jit3A_342, %sign3A_351 : i32
    %sign3A_353 = arith.extui %sign3A_352 : i1 to i32
    %sign3A_354 = arith.constant 0 : i32
    %sign3A_355 = arith.cmpi slt, %jit3A_342, %sign3A_354 : i32
    %sign3A_356 = arith.extui %sign3A_355 : i1 to i32
    %sign3A_357 = arith.subi %sign3A_353, %sign3A_356 : i32
    %ne3A_358 = arith.cmpi ne, %sign3A_350, %sign3A_357 : i32
    %rem3A_359 = arith.remsi %add3A_341, %jit3A_342 : i32
    %ne3A_360 = arith.constant 0 : i32
    %ne3A_361 = arith.cmpi ne, %rem3A_359, %ne3A_360 : i32
    %and3A_362 = arith.andi %ne3A_358, %ne3A_361 : i1
    %sub3A_363 = arith.constant 1 : i32
    %sub3A_364 = arith.subi %div3A_343, %sub3A_363 : i32
    %select_n3A_365 = arith.select %and3A_362, %sub3A_364, %div3A_343 : i32
    %jit3A_366 = arith.constant 2 : i32
    %eq3A_367 = arith.constant 0 : i32
    %eq3A_368 = arith.cmpi eq, %jit3A_366, %eq3A_367 : i32
    %jit3A_369 = arith.constant 1 : i32
    %select_n3A_370 = arith.select %eq3A_368, %jit3A_369, %jit3A_366 : i32
    %rem3A_371 = arith.remsi %add3A_341, %select_n3A_370 : i32
    %ne3A_372 = arith.constant 0 : i32
    %ne3A_373 = arith.cmpi ne, %rem3A_371, %ne3A_372 : i32
    %lt3A_374 = arith.constant 0 : i32
    %lt3A_375 = arith.cmpi slt, %rem3A_371, %lt3A_374 : i32
    %lt3A_376 = arith.constant 0 : i32
    %lt3A_377 = arith.cmpi slt, %select_n3A_370, %lt3A_376 : i32
    %ne3A_378 = arith.xori %lt3A_375, %lt3A_377 : i1
    %and3A_379 = arith.andi %ne3A_378, %ne3A_373 : i1
    %add3A_380 = arith.addi %rem3A_371, %select_n3A_370 : i32
    %select_n3A_381 = arith.select %and3A_379, %add3A_380, %rem3A_371 : i32
    %mul3A_382 = arith.constant 2048 : i32
    %mul3A_383 = arith.muli %select_n3A_381, %mul3A_382 : i32
    "tpu.region"() ({
      %run_scoped3A = tpu.sem_alloc : memref<!tpu.dma_semaphore, #tpu.memory_space<semaphore_mem>>
      %dma_start3A_1125 = arith.constant 0 : i32
      %dma_start3A_1126 = tpu.memref_slice %arg2[%select_n3A_365, %dma_start3A_1125] : memref<200x4096xi32, #tpu.memory_space<hbm>> -> memref<1x4096xi32, #tpu.memory_space<hbm>>
      %dma_start3A_1127 = tpu.memref_squeeze %dma_start3A_1126 : memref<1x4096xi32, #tpu.memory_space<hbm>> -> memref<4096xi32, #tpu.memory_space<hbm>>
      %dma_start3A_1128 = tpu.memref_slice %dma_start3A_1127[%mul3A_383] : memref<4096xi32, #tpu.memory_space<hbm>> -> memref<2048xi32, #tpu.memory_space<hbm>>
      %dma_start3A_1129 = arith.constant 0 : i32
      %dma_start3A_1130 = tpu.memref_slice %arg2[%select_n3A_365, %dma_start3A_1129] : memref<200x4096xi32, #tpu.memory_space<hbm>> -> memref<1x4096xi32, #tpu.memory_space<hbm>>
      %dma_start3A_1131 = tpu.memref_squeeze %dma_start3A_1130 : memref<1x4096xi32, #tpu.memory_space<hbm>> -> memref<4096xi32, #tpu.memory_space<hbm>>
      %dma_start3A_1132 = tpu.memref_slice %dma_start3A_1131[%mul3A_383] : memref<4096xi32, #tpu.memory_space<hbm>> -> memref<2048xi32, #tpu.memory_space<hbm>>
      tpu.enqueue_dma source(%dma_start3A_1132 : memref<2048xi32, #tpu.memory_space<hbm>>) target(%arg15 : memref<2048xi32, #tpu.memory_space<vmem>>) target_semaphore(%run_scoped3A : memref<!tpu.dma_semaphore, #tpu.memory_space<semaphore_mem>>)
      %dma_wait3A_1133 = arith.constant 0 : i32
      %dma_wait3A_1134 = tpu.memref_slice %arg2[%select_n3A_365, %dma_wait3A_1133] : memref<200x4096xi32, #tpu.memory_space<hbm>> -> memref<1x4096xi32, #tpu.memory_space<hbm>>
      %dma_wait3A_1135 = tpu.memref_squeeze %dma_wait3A_1134 : memref<1x4096xi32, #tpu.memory_space<hbm>> -> memref<4096xi32, #tpu.memory_space<hbm>>
      %dma_wait3A_1136 = tpu.memref_slice %dma_wait3A_1135[%mul3A_383] : memref<4096xi32, #tpu.memory_space<hbm>> -> memref<2048xi32, #tpu.memory_space<hbm>>
      %dma_wait3A_1137 = arith.constant 0 : i32
      %dma_wait3A_1138 = tpu.memref_slice %arg2[%select_n3A_365, %dma_wait3A_1137] : memref<200x4096xi32, #tpu.memory_space<hbm>> -> memref<1x4096xi32, #tpu.memory_space<hbm>>
      %dma_wait3A_1139 = tpu.memref_squeeze %dma_wait3A_1138 : memref<1x4096xi32, #tpu.memory_space<hbm>> -> memref<4096xi32, #tpu.memory_space<hbm>>
      %dma_wait3A_1140 = tpu.memref_slice %dma_wait3A_1139[%mul3A_383] : memref<4096xi32, #tpu.memory_space<hbm>> -> memref<2048xi32, #tpu.memory_space<hbm>>
      tpu.wait_dma2 semaphore(%run_scoped3A : memref<!tpu.dma_semaphore, #tpu.memory_space<semaphore_mem>>) src(%dma_wait3A_1140 : memref<2048xi32, #tpu.memory_space<hbm>>) dst(%arg15 : memref<2048xi32, #tpu.memory_space<vmem>>)
      tpu.yield
    }) : () -> ()
    %add3A_384 = arith.constant 144 : i32
    %add3A_385 = arith.addi %arg1, %add3A_384 : i32
    %jit3A_386 = arith.constant 2 : i32
    %div3A_387 = arith.divsi %add3A_385, %jit3A_386 : i32
    %sign3A_388 = arith.constant 0 : i32
    %sign3A_389 = arith.cmpi sgt, %add3A_385, %sign3A_388 : i32
    %sign3A_390 = arith.extui %sign3A_389 : i1 to i32
    %sign3A_391 = arith.constant 0 : i32
    %sign3A_392 = arith.cmpi slt, %add3A_385, %sign3A_391 : i32
    %sign3A_393 = arith.extui %sign3A_392 : i1 to i32
    %sign3A_394 = arith.subi %sign3A_390, %sign3A_393 : i32
    %sign3A_395 = arith.constant 0 : i32
    %sign3A_396 = arith.cmpi sgt, %jit3A_386, %sign3A_395 : i32
    %sign3A_397 = arith.extui %sign3A_396 : i1 to i32
    %sign3A_398 = arith.constant 0 : i32
    %sign3A_399 = arith.cmpi slt, %jit3A_386, %sign3A_398 : i32
    %sign3A_400 = arith.extui %sign3A_399 : i1 to i32
    %sign3A_401 = arith.subi %sign3A_397, %sign3A_400 : i32
    %ne3A_402 = arith.cmpi ne, %sign3A_394, %sign3A_401 : i32
    %rem3A_403 = arith.remsi %add3A_385, %jit3A_386 : i32
    %ne3A_404 = arith.constant 0 : i32
    %ne3A_405 = arith.cmpi ne, %rem3A_403, %ne3A_404 : i32
    %and3A_406 = arith.andi %ne3A_402, %ne3A_405 : i1
    %sub3A_407 = arith.constant 1 : i32
    %sub3A_408 = arith.subi %div3A_387, %sub3A_407 : i32
    %select_n3A_409 = arith.select %and3A_406, %sub3A_408, %div3A_387 : i32
    %jit3A_410 = arith.constant 2 : i32
    %eq3A_411 = arith.constant 0 : i32
    %eq3A_412 = arith.cmpi eq, %jit3A_410, %eq3A_411 : i32
    %jit3A_413 = arith.constant 1 : i32
    %select_n3A_414 = arith.select %eq3A_412, %jit3A_413, %jit3A_410 : i32
    %rem3A_415 = arith.remsi %add3A_385, %select_n3A_414 : i32
    %ne3A_416 = arith.constant 0 : i32
    %ne3A_417 = arith.cmpi ne, %rem3A_415, %ne3A_416 : i32
    %lt3A_418 = arith.constant 0 : i32
    %lt3A_419 = arith.cmpi slt, %rem3A_415, %lt3A_418 : i32
    %lt3A_420 = arith.constant 0 : i32
    %lt3A_421 = arith.cmpi slt, %select_n3A_414, %lt3A_420 : i32
    %ne3A_422 = arith.xori %lt3A_419, %lt3A_421 : i1
    %and3A_423 = arith.andi %ne3A_422, %ne3A_417 : i1
    %add3A_424 = arith.addi %rem3A_415, %select_n3A_414 : i32
    %select_n3A_425 = arith.select %and3A_423, %add3A_424, %rem3A_415 : i32
    %mul3A_426 = arith.constant 2048 : i32
    %mul3A_427 = arith.muli %select_n3A_425, %mul3A_426 : i32
    "tpu.region"() ({
      %run_scoped3A = tpu.sem_alloc : memref<!tpu.dma_semaphore, #tpu.memory_space<semaphore_mem>>
      %dma_start3A_1125 = arith.constant 0 : i32
      %dma_start3A_1126 = tpu.memref_slice %arg2[%select_n3A_409, %dma_start3A_1125] : memref<200x4096xi32, #tpu.memory_space<hbm>> -> memref<1x4096xi32, #tpu.memory_space<hbm>>
      %dma_start3A_1127 = tpu.memref_squeeze %dma_start3A_1126 : memref<1x4096xi32, #tpu.memory_space<hbm>> -> memref<4096xi32, #tpu.memory_space<hbm>>
      %dma_start3A_1128 = tpu.memref_slice %dma_start3A_1127[%mul3A_427] : memref<4096xi32, #tpu.memory_space<hbm>> -> memref<2048xi32, #tpu.memory_space<hbm>>
      %dma_start3A_1129 = arith.constant 0 : i32
      %dma_start3A_1130 = tpu.memref_slice %arg2[%select_n3A_409, %dma_start3A_1129] : memref<200x4096xi32, #tpu.memory_space<hbm>> -> memref<1x4096xi32, #tpu.memory_space<hbm>>
      %dma_start3A_1131 = tpu.memref_squeeze %dma_start3A_1130 : memref<1x4096xi32, #tpu.memory_space<hbm>> -> memref<4096xi32, #tpu.memory_space<hbm>>
      %dma_start3A_1132 = tpu.memref_slice %dma_start3A_1131[%mul3A_427] : memref<4096xi32, #tpu.memory_space<hbm>> -> memref<2048xi32, #tpu.memory_space<hbm>>
      tpu.enqueue_dma source(%dma_start3A_1132 : memref<2048xi32, #tpu.memory_space<hbm>>) target(%arg16 : memref<2048xi32, #tpu.memory_space<vmem>>) target_semaphore(%run_scoped3A : memref<!tpu.dma_semaphore, #tpu.memory_space<semaphore_mem>>)
      %dma_wait3A_1133 = arith.constant 0 : i32
      %dma_wait3A_1134 = tpu.memref_slice %arg2[%select_n3A_409, %dma_wait3A_1133] : memref<200x4096xi32, #tpu.memory_space<hbm>> -> memref<1x4096xi32, #tpu.memory_space<hbm>>
      %dma_wait3A_1135 = tpu.memref_squeeze %dma_wait3A_1134 : memref<1x4096xi32, #tpu.memory_space<hbm>> -> memref<4096xi32, #tpu.memory_space<hbm>>
      %dma_wait3A_1136 = tpu.memref_slice %dma_wait3A_1135[%mul3A_427] : memref<4096xi32, #tpu.memory_space<hbm>> -> memref<2048xi32, #tpu.memory_space<hbm>>
      %dma_wait3A_1137 = arith.constant 0 : i32
      %dma_wait3A_1138 = tpu.memref_slice %arg2[%select_n3A_409, %dma_wait3A_1137] : memref<200x4096xi32, #tpu.memory_space<hbm>> -> memref<1x4096xi32, #tpu.memory_space<hbm>>
      %dma_wait3A_1139 = tpu.memref_squeeze %dma_wait3A_1138 : memref<1x4096xi32, #tpu.memory_space<hbm>> -> memref<4096xi32, #tpu.memory_space<hbm>>
      %dma_wait3A_1140 = tpu.memref_slice %dma_wait3A_1139[%mul3A_427] : memref<4096xi32, #tpu.memory_space<hbm>> -> memref<2048xi32, #tpu.memory_space<hbm>>
      tpu.wait_dma2 semaphore(%run_scoped3A : memref<!tpu.dma_semaphore, #tpu.memory_space<semaphore_mem>>) src(%dma_wait3A_1140 : memref<2048xi32, #tpu.memory_space<hbm>>) dst(%arg16 : memref<2048xi32, #tpu.memory_space<vmem>>)
      tpu.yield
    }) : () -> ()
    %add3A_428 = arith.constant 160 : i32
    %add3A_429 = arith.addi %arg1, %add3A_428 : i32
    %jit3A_430 = arith.constant 2 : i32
    %div3A_431 = arith.divsi %add3A_429, %jit3A_430 : i32
    %sign3A_432 = arith.constant 0 : i32
    %sign3A_433 = arith.cmpi sgt, %add3A_429, %sign3A_432 : i32
    %sign3A_434 = arith.extui %sign3A_433 : i1 to i32
    %sign3A_435 = arith.constant 0 : i32
    %sign3A_436 = arith.cmpi slt, %add3A_429, %sign3A_435 : i32
    %sign3A_437 = arith.extui %sign3A_436 : i1 to i32
    %sign3A_438 = arith.subi %sign3A_434, %sign3A_437 : i32
    %sign3A_439 = arith.constant 0 : i32
    %sign3A_440 = arith.cmpi sgt, %jit3A_430, %sign3A_439 : i32
    %sign3A_441 = arith.extui %sign3A_440 : i1 to i32
    %sign3A_442 = arith.constant 0 : i32
    %sign3A_443 = arith.cmpi slt, %jit3A_430, %sign3A_442 : i32
    %sign3A_444 = arith.extui %sign3A_443 : i1 to i32
    %sign3A_445 = arith.subi %sign3A_441, %sign3A_444 : i32
    %ne3A_446 = arith.cmpi ne, %sign3A_438, %sign3A_445 : i32
    %rem3A_447 = arith.remsi %add3A_429, %jit3A_430 : i32
    %ne3A_448 = arith.constant 0 : i32
    %ne3A_449 = arith.cmpi ne, %rem3A_447, %ne3A_448 : i32
    %and3A_450 = arith.andi %ne3A_446, %ne3A_449 : i1
    %sub3A_451 = arith.constant 1 : i32
    %sub3A_452 = arith.subi %div3A_431, %sub3A_451 : i32
    %select_n3A_453 = arith.select %and3A_450, %sub3A_452, %div3A_431 : i32
    %jit3A_454 = arith.constant 2 : i32
    %eq3A_455 = arith.constant 0 : i32
    %eq3A_456 = arith.cmpi eq, %jit3A_454, %eq3A_455 : i32
    %jit3A_457 = arith.constant 1 : i32
    %select_n3A_458 = arith.select %eq3A_456, %jit3A_457, %jit3A_454 : i32
    %rem3A_459 = arith.remsi %add3A_429, %select_n3A_458 : i32
    %ne3A_460 = arith.constant 0 : i32
    %ne3A_461 = arith.cmpi ne, %rem3A_459, %ne3A_460 : i32
    %lt3A_462 = arith.constant 0 : i32
    %lt3A_463 = arith.cmpi slt, %rem3A_459, %lt3A_462 : i32
    %lt3A_464 = arith.constant 0 : i32
    %lt3A_465 = arith.cmpi slt, %select_n3A_458, %lt3A_464 : i32
    %ne3A_466 = arith.xori %lt3A_463, %lt3A_465 : i1
    %and3A_467 = arith.andi %ne3A_466, %ne3A_461 : i1
    %add3A_468 = arith.addi %rem3A_459, %select_n3A_458 : i32
    %select_n3A_469 = arith.select %and3A_467, %add3A_468, %rem3A_459 : i32
    %mul3A_470 = arith.constant 2048 : i32
    %mul3A_471 = arith.muli %select_n3A_469, %mul3A_470 : i32
    "tpu.region"() ({
      %run_scoped3A = tpu.sem_alloc : memref<!tpu.dma_semaphore, #tpu.memory_space<semaphore_mem>>
      %dma_start3A_1125 = arith.constant 0 : i32
      %dma_start3A_1126 = tpu.memref_slice %arg2[%select_n3A_453, %dma_start3A_1125] : memref<200x4096xi32, #tpu.memory_space<hbm>> -> memref<1x4096xi32, #tpu.memory_space<hbm>>
      %dma_start3A_1127 = tpu.memref_squeeze %dma_start3A_1126 : memref<1x4096xi32, #tpu.memory_space<hbm>> -> memref<4096xi32, #tpu.memory_space<hbm>>
      %dma_start3A_1128 = tpu.memref_slice %dma_start3A_1127[%mul3A_471] : memref<4096xi32, #tpu.memory_space<hbm>> -> memref<2048xi32, #tpu.memory_space<hbm>>
      %dma_start3A_1129 = arith.constant 0 : i32
      %dma_start3A_1130 = tpu.memref_slice %arg2[%select_n3A_453, %dma_start3A_1129] : memref<200x4096xi32, #tpu.memory_space<hbm>> -> memref<1x4096xi32, #tpu.memory_space<hbm>>
      %dma_start3A_1131 = tpu.memref_squeeze %dma_start3A_1130 : memref<1x4096xi32, #tpu.memory_space<hbm>> -> memref<4096xi32, #tpu.memory_space<hbm>>
      %dma_start3A_1132 = tpu.memref_slice %dma_start3A_1131[%mul3A_471] : memref<4096xi32, #tpu.memory_space<hbm>> -> memref<2048xi32, #tpu.memory_space<hbm>>
      tpu.enqueue_dma source(%dma_start3A_1132 : memref<2048xi32, #tpu.memory_space<hbm>>) target(%arg17 : memref<2048xi32, #tpu.memory_space<vmem>>) target_semaphore(%run_scoped3A : memref<!tpu.dma_semaphore, #tpu.memory_space<semaphore_mem>>)
      %dma_wait3A_1133 = arith.constant 0 : i32
      %dma_wait3A_1134 = tpu.memref_slice %arg2[%select_n3A_453, %dma_wait3A_1133] : memref<200x4096xi32, #tpu.memory_space<hbm>> -> memref<1x4096xi32, #tpu.memory_space<hbm>>
      %dma_wait3A_1135 = tpu.memref_squeeze %dma_wait3A_1134 : memref<1x4096xi32, #tpu.memory_space<hbm>> -> memref<4096xi32, #tpu.memory_space<hbm>>
      %dma_wait3A_1136 = tpu.memref_slice %dma_wait3A_1135[%mul3A_471] : memref<4096xi32, #tpu.memory_space<hbm>> -> memref<2048xi32, #tpu.memory_space<hbm>>
      %dma_wait3A_1137 = arith.constant 0 : i32
      %dma_wait3A_1138 = tpu.memref_slice %arg2[%select_n3A_453, %dma_wait3A_1137] : memref<200x4096xi32, #tpu.memory_space<hbm>> -> memref<1x4096xi32, #tpu.memory_space<hbm>>
      %dma_wait3A_1139 = tpu.memref_squeeze %dma_wait3A_1138 : memref<1x4096xi32, #tpu.memory_space<hbm>> -> memref<4096xi32, #tpu.memory_space<hbm>>
      %dma_wait3A_1140 = tpu.memref_slice %dma_wait3A_1139[%mul3A_471] : memref<4096xi32, #tpu.memory_space<hbm>> -> memref<2048xi32, #tpu.memory_space<hbm>>
      tpu.wait_dma2 semaphore(%run_scoped3A : memref<!tpu.dma_semaphore, #tpu.memory_space<semaphore_mem>>) src(%dma_wait3A_1140 : memref<2048xi32, #tpu.memory_space<hbm>>) dst(%arg17 : memref<2048xi32, #tpu.memory_space<vmem>>)
      tpu.yield
    }) : () -> ()
    %add3A_472 = arith.constant 176 : i32
    %add3A_473 = arith.addi %arg1, %add3A_472 : i32
    %jit3A_474 = arith.constant 2 : i32
    %div3A_475 = arith.divsi %add3A_473, %jit3A_474 : i32
    %sign3A_476 = arith.constant 0 : i32
    %sign3A_477 = arith.cmpi sgt, %add3A_473, %sign3A_476 : i32
    %sign3A_478 = arith.extui %sign3A_477 : i1 to i32
    %sign3A_479 = arith.constant 0 : i32
    %sign3A_480 = arith.cmpi slt, %add3A_473, %sign3A_479 : i32
    %sign3A_481 = arith.extui %sign3A_480 : i1 to i32
    %sign3A_482 = arith.subi %sign3A_478, %sign3A_481 : i32
    %sign3A_483 = arith.constant 0 : i32
    %sign3A_484 = arith.cmpi sgt, %jit3A_474, %sign3A_483 : i32
    %sign3A_485 = arith.extui %sign3A_484 : i1 to i32
    %sign3A_486 = arith.constant 0 : i32
    %sign3A_487 = arith.cmpi slt, %jit3A_474, %sign3A_486 : i32
    %sign3A_488 = arith.extui %sign3A_487 : i1 to i32
    %sign3A_489 = arith.subi %sign3A_485, %sign3A_488 : i32
    %ne3A_490 = arith.cmpi ne, %sign3A_482, %sign3A_489 : i32
    %rem3A_491 = arith.remsi %add3A_473, %jit3A_474 : i32
    %ne3A_492 = arith.constant 0 : i32
    %ne3A_493 = arith.cmpi ne, %rem3A_491, %ne3A_492 : i32
    %and3A_494 = arith.andi %ne3A_490, %ne3A_493 : i1
    %sub3A_495 = arith.constant 1 : i32
    %sub3A_496 = arith.subi %div3A_475, %sub3A_495 : i32
    %select_n3A_497 = arith.select %and3A_494, %sub3A_496, %div3A_475 : i32
    %jit3A_498 = arith.constant 2 : i32
    %eq3A_499 = arith.constant 0 : i32
    %eq3A_500 = arith.cmpi eq, %jit3A_498, %eq3A_499 : i32
    %jit3A_501 = arith.constant 1 : i32
    %select_n3A_502 = arith.select %eq3A_500, %jit3A_501, %jit3A_498 : i32
    %rem3A_503 = arith.remsi %add3A_473, %select_n3A_502 : i32
    %ne3A_504 = arith.constant 0 : i32
    %ne3A_505 = arith.cmpi ne, %rem3A_503, %ne3A_504 : i32
    %lt3A_506 = arith.constant 0 : i32
    %lt3A_507 = arith.cmpi slt, %rem3A_503, %lt3A_506 : i32
    %lt3A_508 = arith.constant 0 : i32
    %lt3A_509 = arith.cmpi slt, %select_n3A_502, %lt3A_508 : i32
    %ne3A_510 = arith.xori %lt3A_507, %lt3A_509 : i1
    %and3A_511 = arith.andi %ne3A_510, %ne3A_505 : i1
    %add3A_512 = arith.addi %rem3A_503, %select_n3A_502 : i32
    %select_n3A_513 = arith.select %and3A_511, %add3A_512, %rem3A_503 : i32
    %mul3A_514 = arith.constant 2048 : i32
    %mul3A_515 = arith.muli %select_n3A_513, %mul3A_514 : i32
    "tpu.region"() ({
      %run_scoped3A = tpu.sem_alloc : memref<!tpu.dma_semaphore, #tpu.memory_space<semaphore_mem>>
      %dma_start3A_1125 = arith.constant 0 : i32
      %dma_start3A_1126 = tpu.memref_slice %arg2[%select_n3A_497, %dma_start3A_1125] : memref<200x4096xi32, #tpu.memory_space<hbm>> -> memref<1x4096xi32, #tpu.memory_space<hbm>>
      %dma_start3A_1127 = tpu.memref_squeeze %dma_start3A_1126 : memref<1x4096xi32, #tpu.memory_space<hbm>> -> memref<4096xi32, #tpu.memory_space<hbm>>
      %dma_start3A_1128 = tpu.memref_slice %dma_start3A_1127[%mul3A_515] : memref<4096xi32, #tpu.memory_space<hbm>> -> memref<2048xi32, #tpu.memory_space<hbm>>
      %dma_start3A_1129 = arith.constant 0 : i32
      %dma_start3A_1130 = tpu.memref_slice %arg2[%select_n3A_497, %dma_start3A_1129] : memref<200x4096xi32, #tpu.memory_space<hbm>> -> memref<1x4096xi32, #tpu.memory_space<hbm>>
      %dma_start3A_1131 = tpu.memref_squeeze %dma_start3A_1130 : memref<1x4096xi32, #tpu.memory_space<hbm>> -> memref<4096xi32, #tpu.memory_space<hbm>>
      %dma_start3A_1132 = tpu.memref_slice %dma_start3A_1131[%mul3A_515] : memref<4096xi32, #tpu.memory_space<hbm>> -> memref<2048xi32, #tpu.memory_space<hbm>>
      tpu.enqueue_dma source(%dma_start3A_1132 : memref<2048xi32, #tpu.memory_space<hbm>>) target(%arg18 : memref<2048xi32, #tpu.memory_space<vmem>>) target_semaphore(%run_scoped3A : memref<!tpu.dma_semaphore, #tpu.memory_space<semaphore_mem>>)
      %dma_wait3A_1133 = arith.constant 0 : i32
      %dma_wait3A_1134 = tpu.memref_slice %arg2[%select_n3A_497, %dma_wait3A_1133] : memref<200x4096xi32, #tpu.memory_space<hbm>> -> memref<1x4096xi32, #tpu.memory_space<hbm>>
      %dma_wait3A_1135 = tpu.memref_squeeze %dma_wait3A_1134 : memref<1x4096xi32, #tpu.memory_space<hbm>> -> memref<4096xi32, #tpu.memory_space<hbm>>
      %dma_wait3A_1136 = tpu.memref_slice %dma_wait3A_1135[%mul3A_515] : memref<4096xi32, #tpu.memory_space<hbm>> -> memref<2048xi32, #tpu.memory_space<hbm>>
      %dma_wait3A_1137 = arith.constant 0 : i32
      %dma_wait3A_1138 = tpu.memref_slice %arg2[%select_n3A_497, %dma_wait3A_1137] : memref<200x4096xi32, #tpu.memory_space<hbm>> -> memref<1x4096xi32, #tpu.memory_space<hbm>>
      %dma_wait3A_1139 = tpu.memref_squeeze %dma_wait3A_1138 : memref<1x4096xi32, #tpu.memory_space<hbm>> -> memref<4096xi32, #tpu.memory_space<hbm>>
      %dma_wait3A_1140 = tpu.memref_slice %dma_wait3A_1139[%mul3A_515] : memref<4096xi32, #tpu.memory_space<hbm>> -> memref<2048xi32, #tpu.memory_space<hbm>>
      tpu.wait_dma2 semaphore(%run_scoped3A : memref<!tpu.dma_semaphore, #tpu.memory_space<semaphore_mem>>) src(%dma_wait3A_1140 : memref<2048xi32, #tpu.memory_space<hbm>>) dst(%arg18 : memref<2048xi32, #tpu.memory_space<vmem>>)
      tpu.yield
    }) : () -> ()
    %add3A_516 = arith.constant 192 : i32
    %add3A_517 = arith.addi %arg1, %add3A_516 : i32
    %jit3A_518 = arith.constant 2 : i32
    %div3A_519 = arith.divsi %add3A_517, %jit3A_518 : i32
    %sign3A_520 = arith.constant 0 : i32
    %sign3A_521 = arith.cmpi sgt, %add3A_517, %sign3A_520 : i32
    %sign3A_522 = arith.extui %sign3A_521 : i1 to i32
    %sign3A_523 = arith.constant 0 : i32
    %sign3A_524 = arith.cmpi slt, %add3A_517, %sign3A_523 : i32
    %sign3A_525 = arith.extui %sign3A_524 : i1 to i32
    %sign3A_526 = arith.subi %sign3A_522, %sign3A_525 : i32
    %sign3A_527 = arith.constant 0 : i32
    %sign3A_528 = arith.cmpi sgt, %jit3A_518, %sign3A_527 : i32
    %sign3A_529 = arith.extui %sign3A_528 : i1 to i32
    %sign3A_530 = arith.constant 0 : i32
    %sign3A_531 = arith.cmpi slt, %jit3A_518, %sign3A_530 : i32
    %sign3A_532 = arith.extui %sign3A_531 : i1 to i32
    %sign3A_533 = arith.subi %sign3A_529, %sign3A_532 : i32
    %ne3A_534 = arith.cmpi ne, %sign3A_526, %sign3A_533 : i32
    %rem3A_535 = arith.remsi %add3A_517, %jit3A_518 : i32
    %ne3A_536 = arith.constant 0 : i32
    %ne3A_537 = arith.cmpi ne, %rem3A_535, %ne3A_536 : i32
    %and3A_538 = arith.andi %ne3A_534, %ne3A_537 : i1
    %sub3A_539 = arith.constant 1 : i32
    %sub3A_540 = arith.subi %div3A_519, %sub3A_539 : i32
    %select_n3A_541 = arith.select %and3A_538, %sub3A_540, %div3A_519 : i32
    %jit3A_542 = arith.constant 2 : i32
    %eq3A_543 = arith.constant 0 : i32
    %eq3A_544 = arith.cmpi eq, %jit3A_542, %eq3A_543 : i32
    %jit3A_545 = arith.constant 1 : i32
    %select_n3A_546 = arith.select %eq3A_544, %jit3A_545, %jit3A_542 : i32
    %rem3A_547 = arith.remsi %add3A_517, %select_n3A_546 : i32
    %ne3A_548 = arith.constant 0 : i32
    %ne3A_549 = arith.cmpi ne, %rem3A_547, %ne3A_548 : i32
    %lt3A_550 = arith.constant 0 : i32
    %lt3A_551 = arith.cmpi slt, %rem3A_547, %lt3A_550 : i32
    %lt3A_552 = arith.constant 0 : i32
    %lt3A_553 = arith.cmpi slt, %select_n3A_546, %lt3A_552 : i32
    %ne3A_554 = arith.xori %lt3A_551, %lt3A_553 : i1
    %and3A_555 = arith.andi %ne3A_554, %ne3A_549 : i1
    %add3A_556 = arith.addi %rem3A_547, %select_n3A_546 : i32
    %select_n3A_557 = arith.select %and3A_555, %add3A_556, %rem3A_547 : i32
    %mul3A_558 = arith.constant 2048 : i32
    %mul3A_559 = arith.muli %select_n3A_557, %mul3A_558 : i32
    "tpu.region"() ({
      %run_scoped3A = tpu.sem_alloc : memref<!tpu.dma_semaphore, #tpu.memory_space<semaphore_mem>>
      %dma_start3A_1125 = arith.constant 0 : i32
      %dma_start3A_1126 = tpu.memref_slice %arg2[%select_n3A_541, %dma_start3A_1125] : memref<200x4096xi32, #tpu.memory_space<hbm>> -> memref<1x4096xi32, #tpu.memory_space<hbm>>
      %dma_start3A_1127 = tpu.memref_squeeze %dma_start3A_1126 : memref<1x4096xi32, #tpu.memory_space<hbm>> -> memref<4096xi32, #tpu.memory_space<hbm>>
      %dma_start3A_1128 = tpu.memref_slice %dma_start3A_1127[%mul3A_559] : memref<4096xi32, #tpu.memory_space<hbm>> -> memref<2048xi32, #tpu.memory_space<hbm>>
      %dma_start3A_1129 = arith.constant 0 : i32
      %dma_start3A_1130 = tpu.memref_slice %arg2[%select_n3A_541, %dma_start3A_1129] : memref<200x4096xi32, #tpu.memory_space<hbm>> -> memref<1x4096xi32, #tpu.memory_space<hbm>>
      %dma_start3A_1131 = tpu.memref_squeeze %dma_start3A_1130 : memref<1x4096xi32, #tpu.memory_space<hbm>> -> memref<4096xi32, #tpu.memory_space<hbm>>
      %dma_start3A_1132 = tpu.memref_slice %dma_start3A_1131[%mul3A_559] : memref<4096xi32, #tpu.memory_space<hbm>> -> memref<2048xi32, #tpu.memory_space<hbm>>
      tpu.enqueue_dma source(%dma_start3A_1132 : memref<2048xi32, #tpu.memory_space<hbm>>) target(%arg19 : memref<2048xi32, #tpu.memory_space<vmem>>) target_semaphore(%run_scoped3A : memref<!tpu.dma_semaphore, #tpu.memory_space<semaphore_mem>>)
      %dma_wait3A_1133 = arith.constant 0 : i32
      %dma_wait3A_1134 = tpu.memref_slice %arg2[%select_n3A_541, %dma_wait3A_1133] : memref<200x4096xi32, #tpu.memory_space<hbm>> -> memref<1x4096xi32, #tpu.memory_space<hbm>>
      %dma_wait3A_1135 = tpu.memref_squeeze %dma_wait3A_1134 : memref<1x4096xi32, #tpu.memory_space<hbm>> -> memref<4096xi32, #tpu.memory_space<hbm>>
      %dma_wait3A_1136 = tpu.memref_slice %dma_wait3A_1135[%mul3A_559] : memref<4096xi32, #tpu.memory_space<hbm>> -> memref<2048xi32, #tpu.memory_space<hbm>>
      %dma_wait3A_1137 = arith.constant 0 : i32
      %dma_wait3A_1138 = tpu.memref_slice %arg2[%select_n3A_541, %dma_wait3A_1137] : memref<200x4096xi32, #tpu.memory_space<hbm>> -> memref<1x4096xi32, #tpu.memory_space<hbm>>
      %dma_wait3A_1139 = tpu.memref_squeeze %dma_wait3A_1138 : memref<1x4096xi32, #tpu.memory_space<hbm>> -> memref<4096xi32, #tpu.memory_space<hbm>>
      %dma_wait3A_1140 = tpu.memref_slice %dma_wait3A_1139[%mul3A_559] : memref<4096xi32, #tpu.memory_space<hbm>> -> memref<2048xi32, #tpu.memory_space<hbm>>
      tpu.wait_dma2 semaphore(%run_scoped3A : memref<!tpu.dma_semaphore, #tpu.memory_space<semaphore_mem>>) src(%dma_wait3A_1140 : memref<2048xi32, #tpu.memory_space<hbm>>) dst(%arg19 : memref<2048xi32, #tpu.memory_space<vmem>>)
      tpu.yield
    }) : () -> ()
    %add3A_560 = arith.constant 208 : i32
    %add3A_561 = arith.addi %arg1, %add3A_560 : i32
    %jit3A_562 = arith.constant 2 : i32
    %div3A_563 = arith.divsi %add3A_561, %jit3A_562 : i32
    %sign3A_564 = arith.constant 0 : i32
    %sign3A_565 = arith.cmpi sgt, %add3A_561, %sign3A_564 : i32
    %sign3A_566 = arith.extui %sign3A_565 : i1 to i32
    %sign3A_567 = arith.constant 0 : i32
    %sign3A_568 = arith.cmpi slt, %add3A_561, %sign3A_567 : i32
    %sign3A_569 = arith.extui %sign3A_568 : i1 to i32
    %sign3A_570 = arith.subi %sign3A_566, %sign3A_569 : i32
    %sign3A_571 = arith.constant 0 : i32
    %sign3A_572 = arith.cmpi sgt, %jit3A_562, %sign3A_571 : i32
    %sign3A_573 = arith.extui %sign3A_572 : i1 to i32
    %sign3A_574 = arith.constant 0 : i32
    %sign3A_575 = arith.cmpi slt, %jit3A_562, %sign3A_574 : i32
    %sign3A_576 = arith.extui %sign3A_575 : i1 to i32
    %sign3A_577 = arith.subi %sign3A_573, %sign3A_576 : i32
    %ne3A_578 = arith.cmpi ne, %sign3A_570, %sign3A_577 : i32
    %rem3A_579 = arith.remsi %add3A_561, %jit3A_562 : i32
    %ne3A_580 = arith.constant 0 : i32
    %ne3A_581 = arith.cmpi ne, %rem3A_579, %ne3A_580 : i32
    %and3A_582 = arith.andi %ne3A_578, %ne3A_581 : i1
    %sub3A_583 = arith.constant 1 : i32
    %sub3A_584 = arith.subi %div3A_563, %sub3A_583 : i32
    %select_n3A_585 = arith.select %and3A_582, %sub3A_584, %div3A_563 : i32
    %jit3A_586 = arith.constant 2 : i32
    %eq3A_587 = arith.constant 0 : i32
    %eq3A_588 = arith.cmpi eq, %jit3A_586, %eq3A_587 : i32
    %jit3A_589 = arith.constant 1 : i32
    %select_n3A_590 = arith.select %eq3A_588, %jit3A_589, %jit3A_586 : i32
    %rem3A_591 = arith.remsi %add3A_561, %select_n3A_590 : i32
    %ne3A_592 = arith.constant 0 : i32
    %ne3A_593 = arith.cmpi ne, %rem3A_591, %ne3A_592 : i32
    %lt3A_594 = arith.constant 0 : i32
    %lt3A_595 = arith.cmpi slt, %rem3A_591, %lt3A_594 : i32
    %lt3A_596 = arith.constant 0 : i32
    %lt3A_597 = arith.cmpi slt, %select_n3A_590, %lt3A_596 : i32
    %ne3A_598 = arith.xori %lt3A_595, %lt3A_597 : i1
    %and3A_599 = arith.andi %ne3A_598, %ne3A_593 : i1
    %add3A_600 = arith.addi %rem3A_591, %select_n3A_590 : i32
    %select_n3A_601 = arith.select %and3A_599, %add3A_600, %rem3A_591 : i32
    %mul3A_602 = arith.constant 2048 : i32
    %mul3A_603 = arith.muli %select_n3A_601, %mul3A_602 : i32
    "tpu.region"() ({
      %run_scoped3A = tpu.sem_alloc : memref<!tpu.dma_semaphore, #tpu.memory_space<semaphore_mem>>
      %dma_start3A_1125 = arith.constant 0 : i32
      %dma_start3A_1126 = tpu.memref_slice %arg2[%select_n3A_585, %dma_start3A_1125] : memref<200x4096xi32, #tpu.memory_space<hbm>> -> memref<1x4096xi32, #tpu.memory_space<hbm>>
      %dma_start3A_1127 = tpu.memref_squeeze %dma_start3A_1126 : memref<1x4096xi32, #tpu.memory_space<hbm>> -> memref<4096xi32, #tpu.memory_space<hbm>>
      %dma_start3A_1128 = tpu.memref_slice %dma_start3A_1127[%mul3A_603] : memref<4096xi32, #tpu.memory_space<hbm>> -> memref<2048xi32, #tpu.memory_space<hbm>>
      %dma_start3A_1129 = arith.constant 0 : i32
      %dma_start3A_1130 = tpu.memref_slice %arg2[%select_n3A_585, %dma_start3A_1129] : memref<200x4096xi32, #tpu.memory_space<hbm>> -> memref<1x4096xi32, #tpu.memory_space<hbm>>
      %dma_start3A_1131 = tpu.memref_squeeze %dma_start3A_1130 : memref<1x4096xi32, #tpu.memory_space<hbm>> -> memref<4096xi32, #tpu.memory_space<hbm>>
      %dma_start3A_1132 = tpu.memref_slice %dma_start3A_1131[%mul3A_603] : memref<4096xi32, #tpu.memory_space<hbm>> -> memref<2048xi32, #tpu.memory_space<hbm>>
      tpu.enqueue_dma source(%dma_start3A_1132 : memref<2048xi32, #tpu.memory_space<hbm>>) target(%arg20 : memref<2048xi32, #tpu.memory_space<vmem>>) target_semaphore(%run_scoped3A : memref<!tpu.dma_semaphore, #tpu.memory_space<semaphore_mem>>)
      %dma_wait3A_1133 = arith.constant 0 : i32
      %dma_wait3A_1134 = tpu.memref_slice %arg2[%select_n3A_585, %dma_wait3A_1133] : memref<200x4096xi32, #tpu.memory_space<hbm>> -> memref<1x4096xi32, #tpu.memory_space<hbm>>
      %dma_wait3A_1135 = tpu.memref_squeeze %dma_wait3A_1134 : memref<1x4096xi32, #tpu.memory_space<hbm>> -> memref<4096xi32, #tpu.memory_space<hbm>>
      %dma_wait3A_1136 = tpu.memref_slice %dma_wait3A_1135[%mul3A_603] : memref<4096xi32, #tpu.memory_space<hbm>> -> memref<2048xi32, #tpu.memory_space<hbm>>
      %dma_wait3A_1137 = arith.constant 0 : i32
      %dma_wait3A_1138 = tpu.memref_slice %arg2[%select_n3A_585, %dma_wait3A_1137] : memref<200x4096xi32, #tpu.memory_space<hbm>> -> memref<1x4096xi32, #tpu.memory_space<hbm>>
      %dma_wait3A_1139 = tpu.memref_squeeze %dma_wait3A_1138 : memref<1x4096xi32, #tpu.memory_space<hbm>> -> memref<4096xi32, #tpu.memory_space<hbm>>
      %dma_wait3A_1140 = tpu.memref_slice %dma_wait3A_1139[%mul3A_603] : memref<4096xi32, #tpu.memory_space<hbm>> -> memref<2048xi32, #tpu.memory_space<hbm>>
      tpu.wait_dma2 semaphore(%run_scoped3A : memref<!tpu.dma_semaphore, #tpu.memory_space<semaphore_mem>>) src(%dma_wait3A_1140 : memref<2048xi32, #tpu.memory_space<hbm>>) dst(%arg20 : memref<2048xi32, #tpu.memory_space<vmem>>)
      tpu.yield
    }) : () -> ()
    %add3A_604 = arith.constant 224 : i32
    %add3A_605 = arith.addi %arg1, %add3A_604 : i32
    %jit3A_606 = arith.constant 2 : i32
    %div3A_607 = arith.divsi %add3A_605, %jit3A_606 : i32
    %sign3A_608 = arith.constant 0 : i32
    %sign3A_609 = arith.cmpi sgt, %add3A_605, %sign3A_608 : i32
    %sign3A_610 = arith.extui %sign3A_609 : i1 to i32
    %sign3A_611 = arith.constant 0 : i32
    %sign3A_612 = arith.cmpi slt, %add3A_605, %sign3A_611 : i32
    %sign3A_613 = arith.extui %sign3A_612 : i1 to i32
    %sign3A_614 = arith.subi %sign3A_610, %sign3A_613 : i32
    %sign3A_615 = arith.constant 0 : i32
    %sign3A_616 = arith.cmpi sgt, %jit3A_606, %sign3A_615 : i32
    %sign3A_617 = arith.extui %sign3A_616 : i1 to i32
    %sign3A_618 = arith.constant 0 : i32
    %sign3A_619 = arith.cmpi slt, %jit3A_606, %sign3A_618 : i32
    %sign3A_620 = arith.extui %sign3A_619 : i1 to i32
    %sign3A_621 = arith.subi %sign3A_617, %sign3A_620 : i32
    %ne3A_622 = arith.cmpi ne, %sign3A_614, %sign3A_621 : i32
    %rem3A_623 = arith.remsi %add3A_605, %jit3A_606 : i32
    %ne3A_624 = arith.constant 0 : i32
    %ne3A_625 = arith.cmpi ne, %rem3A_623, %ne3A_624 : i32
    %and3A_626 = arith.andi %ne3A_622, %ne3A_625 : i1
    %sub3A_627 = arith.constant 1 : i32
    %sub3A_628 = arith.subi %div3A_607, %sub3A_627 : i32
    %select_n3A_629 = arith.select %and3A_626, %sub3A_628, %div3A_607 : i32
    %jit3A_630 = arith.constant 2 : i32
    %eq3A_631 = arith.constant 0 : i32
    %eq3A_632 = arith.cmpi eq, %jit3A_630, %eq3A_631 : i32
    %jit3A_633 = arith.constant 1 : i32
    %select_n3A_634 = arith.select %eq3A_632, %jit3A_633, %jit3A_630 : i32
    %rem3A_635 = arith.remsi %add3A_605, %select_n3A_634 : i32
    %ne3A_636 = arith.constant 0 : i32
    %ne3A_637 = arith.cmpi ne, %rem3A_635, %ne3A_636 : i32
    %lt3A_638 = arith.constant 0 : i32
    %lt3A_639 = arith.cmpi slt, %rem3A_635, %lt3A_638 : i32
    %lt3A_640 = arith.constant 0 : i32
    %lt3A_641 = arith.cmpi slt, %select_n3A_634, %lt3A_640 : i32
    %ne3A_642 = arith.xori %lt3A_639, %lt3A_641 : i1
    %and3A_643 = arith.andi %ne3A_642, %ne3A_637 : i1
    %add3A_644 = arith.addi %rem3A_635, %select_n3A_634 : i32
    %select_n3A_645 = arith.select %and3A_643, %add3A_644, %rem3A_635 : i32
    %mul3A_646 = arith.constant 2048 : i32
    %mul3A_647 = arith.muli %select_n3A_645, %mul3A_646 : i32
    "tpu.region"() ({
      %run_scoped3A = tpu.sem_alloc : memref<!tpu.dma_semaphore, #tpu.memory_space<semaphore_mem>>
      %dma_start3A_1125 = arith.constant 0 : i32
      %dma_start3A_1126 = tpu.memref_slice %arg2[%select_n3A_629, %dma_start3A_1125] : memref<200x4096xi32, #tpu.memory_space<hbm>> -> memref<1x4096xi32, #tpu.memory_space<hbm>>
      %dma_start3A_1127 = tpu.memref_squeeze %dma_start3A_1126 : memref<1x4096xi32, #tpu.memory_space<hbm>> -> memref<4096xi32, #tpu.memory_space<hbm>>
      %dma_start3A_1128 = tpu.memref_slice %dma_start3A_1127[%mul3A_647] : memref<4096xi32, #tpu.memory_space<hbm>> -> memref<2048xi32, #tpu.memory_space<hbm>>
      %dma_start3A_1129 = arith.constant 0 : i32
      %dma_start3A_1130 = tpu.memref_slice %arg2[%select_n3A_629, %dma_start3A_1129] : memref<200x4096xi32, #tpu.memory_space<hbm>> -> memref<1x4096xi32, #tpu.memory_space<hbm>>
      %dma_start3A_1131 = tpu.memref_squeeze %dma_start3A_1130 : memref<1x4096xi32, #tpu.memory_space<hbm>> -> memref<4096xi32, #tpu.memory_space<hbm>>
      %dma_start3A_1132 = tpu.memref_slice %dma_start3A_1131[%mul3A_647] : memref<4096xi32, #tpu.memory_space<hbm>> -> memref<2048xi32, #tpu.memory_space<hbm>>
      tpu.enqueue_dma source(%dma_start3A_1132 : memref<2048xi32, #tpu.memory_space<hbm>>) target(%arg21 : memref<2048xi32, #tpu.memory_space<vmem>>) target_semaphore(%run_scoped3A : memref<!tpu.dma_semaphore, #tpu.memory_space<semaphore_mem>>)
      %dma_wait3A_1133 = arith.constant 0 : i32
      %dma_wait3A_1134 = tpu.memref_slice %arg2[%select_n3A_629, %dma_wait3A_1133] : memref<200x4096xi32, #tpu.memory_space<hbm>> -> memref<1x4096xi32, #tpu.memory_space<hbm>>
      %dma_wait3A_1135 = tpu.memref_squeeze %dma_wait3A_1134 : memref<1x4096xi32, #tpu.memory_space<hbm>> -> memref<4096xi32, #tpu.memory_space<hbm>>
      %dma_wait3A_1136 = tpu.memref_slice %dma_wait3A_1135[%mul3A_647] : memref<4096xi32, #tpu.memory_space<hbm>> -> memref<2048xi32, #tpu.memory_space<hbm>>
      %dma_wait3A_1137 = arith.constant 0 : i32
      %dma_wait3A_1138 = tpu.memref_slice %arg2[%select_n3A_629, %dma_wait3A_1137] : memref<200x4096xi32, #tpu.memory_space<hbm>> -> memref<1x4096xi32, #tpu.memory_space<hbm>>
      %dma_wait3A_1139 = tpu.memref_squeeze %dma_wait3A_1138 : memref<1x4096xi32, #tpu.memory_space<hbm>> -> memref<4096xi32, #tpu.memory_space<hbm>>
      %dma_wait3A_1140 = tpu.memref_slice %dma_wait3A_1139[%mul3A_647] : memref<4096xi32, #tpu.memory_space<hbm>> -> memref<2048xi32, #tpu.memory_space<hbm>>
      tpu.wait_dma2 semaphore(%run_scoped3A : memref<!tpu.dma_semaphore, #tpu.memory_space<semaphore_mem>>) src(%dma_wait3A_1140 : memref<2048xi32, #tpu.memory_space<hbm>>) dst(%arg21 : memref<2048xi32, #tpu.memory_space<vmem>>)
      tpu.yield
    }) : () -> ()
    %add3A_648 = arith.constant 240 : i32
    %add3A_649 = arith.addi %arg1, %add3A_648 : i32
    %jit3A_650 = arith.constant 2 : i32
    %div3A_651 = arith.divsi %add3A_649, %jit3A_650 : i32
    %sign3A_652 = arith.constant 0 : i32
    %sign3A_653 = arith.cmpi sgt, %add3A_649, %sign3A_652 : i32
    %sign3A_654 = arith.extui %sign3A_653 : i1 to i32
    %sign3A_655 = arith.constant 0 : i32
    %sign3A_656 = arith.cmpi slt, %add3A_649, %sign3A_655 : i32
    %sign3A_657 = arith.extui %sign3A_656 : i1 to i32
    %sign3A_658 = arith.subi %sign3A_654, %sign3A_657 : i32
    %sign3A_659 = arith.constant 0 : i32
    %sign3A_660 = arith.cmpi sgt, %jit3A_650, %sign3A_659 : i32
    %sign3A_661 = arith.extui %sign3A_660 : i1 to i32
    %sign3A_662 = arith.constant 0 : i32
    %sign3A_663 = arith.cmpi slt, %jit3A_650, %sign3A_662 : i32
    %sign3A_664 = arith.extui %sign3A_663 : i1 to i32
    %sign3A_665 = arith.subi %sign3A_661, %sign3A_664 : i32
    %ne3A_666 = arith.cmpi ne, %sign3A_658, %sign3A_665 : i32
    %rem3A_667 = arith.remsi %add3A_649, %jit3A_650 : i32
    %ne3A_668 = arith.constant 0 : i32
    %ne3A_669 = arith.cmpi ne, %rem3A_667, %ne3A_668 : i32
    %and3A_670 = arith.andi %ne3A_666, %ne3A_669 : i1
    %sub3A_671 = arith.constant 1 : i32
    %sub3A_672 = arith.subi %div3A_651, %sub3A_671 : i32
    %select_n3A_673 = arith.select %and3A_670, %sub3A_672, %div3A_651 : i32
    %jit3A_674 = arith.constant 2 : i32
    %eq3A_675 = arith.constant 0 : i32
    %eq3A_676 = arith.cmpi eq, %jit3A_674, %eq3A_675 : i32
    %jit3A_677 = arith.constant 1 : i32
    %select_n3A_678 = arith.select %eq3A_676, %jit3A_677, %jit3A_674 : i32
    %rem3A_679 = arith.remsi %add3A_649, %select_n3A_678 : i32
    %ne3A_680 = arith.constant 0 : i32
    %ne3A_681 = arith.cmpi ne, %rem3A_679, %ne3A_680 : i32
    %lt3A_682 = arith.constant 0 : i32
    %lt3A_683 = arith.cmpi slt, %rem3A_679, %lt3A_682 : i32
    %lt3A_684 = arith.constant 0 : i32
    %lt3A_685 = arith.cmpi slt, %select_n3A_678, %lt3A_684 : i32
    %ne3A_686 = arith.xori %lt3A_683, %lt3A_685 : i1
    %and3A_687 = arith.andi %ne3A_686, %ne3A_681 : i1
    %add3A_688 = arith.addi %rem3A_679, %select_n3A_678 : i32
    %select_n3A_689 = arith.select %and3A_687, %add3A_688, %rem3A_679 : i32
    %mul3A_690 = arith.constant 2048 : i32
    %mul3A_691 = arith.muli %select_n3A_689, %mul3A_690 : i32
    "tpu.region"() ({
      %run_scoped3A = tpu.sem_alloc : memref<!tpu.dma_semaphore, #tpu.memory_space<semaphore_mem>>
      %dma_start3A_1125 = arith.constant 0 : i32
      %dma_start3A_1126 = tpu.memref_slice %arg2[%select_n3A_673, %dma_start3A_1125] : memref<200x4096xi32, #tpu.memory_space<hbm>> -> memref<1x4096xi32, #tpu.memory_space<hbm>>
      %dma_start3A_1127 = tpu.memref_squeeze %dma_start3A_1126 : memref<1x4096xi32, #tpu.memory_space<hbm>> -> memref<4096xi32, #tpu.memory_space<hbm>>
      %dma_start3A_1128 = tpu.memref_slice %dma_start3A_1127[%mul3A_691] : memref<4096xi32, #tpu.memory_space<hbm>> -> memref<2048xi32, #tpu.memory_space<hbm>>
      %dma_start3A_1129 = arith.constant 0 : i32
      %dma_start3A_1130 = tpu.memref_slice %arg2[%select_n3A_673, %dma_start3A_1129] : memref<200x4096xi32, #tpu.memory_space<hbm>> -> memref<1x4096xi32, #tpu.memory_space<hbm>>
      %dma_start3A_1131 = tpu.memref_squeeze %dma_start3A_1130 : memref<1x4096xi32, #tpu.memory_space<hbm>> -> memref<4096xi32, #tpu.memory_space<hbm>>
      %dma_start3A_1132 = tpu.memref_slice %dma_start3A_1131[%mul3A_691] : memref<4096xi32, #tpu.memory_space<hbm>> -> memref<2048xi32, #tpu.memory_space<hbm>>
      tpu.enqueue_dma source(%dma_start3A_1132 : memref<2048xi32, #tpu.memory_space<hbm>>) target(%arg22 : memref<2048xi32, #tpu.memory_space<vmem>>) target_semaphore(%run_scoped3A : memref<!tpu.dma_semaphore, #tpu.memory_space<semaphore_mem>>)
      %dma_wait3A_1133 = arith.constant 0 : i32
      %dma_wait3A_1134 = tpu.memref_slice %arg2[%select_n3A_673, %dma_wait3A_1133] : memref<200x4096xi32, #tpu.memory_space<hbm>> -> memref<1x4096xi32, #tpu.memory_space<hbm>>
      %dma_wait3A_1135 = tpu.memref_squeeze %dma_wait3A_1134 : memref<1x4096xi32, #tpu.memory_space<hbm>> -> memref<4096xi32, #tpu.memory_space<hbm>>
      %dma_wait3A_1136 = tpu.memref_slice %dma_wait3A_1135[%mul3A_691] : memref<4096xi32, #tpu.memory_space<hbm>> -> memref<2048xi32, #tpu.memory_space<hbm>>
      %dma_wait3A_1137 = arith.constant 0 : i32
      %dma_wait3A_1138 = tpu.memref_slice %arg2[%select_n3A_673, %dma_wait3A_1137] : memref<200x4096xi32, #tpu.memory_space<hbm>> -> memref<1x4096xi32, #tpu.memory_space<hbm>>
      %dma_wait3A_1139 = tpu.memref_squeeze %dma_wait3A_1138 : memref<1x4096xi32, #tpu.memory_space<hbm>> -> memref<4096xi32, #tpu.memory_space<hbm>>
      %dma_wait3A_1140 = tpu.memref_slice %dma_wait3A_1139[%mul3A_691] : memref<4096xi32, #tpu.memory_space<hbm>> -> memref<2048xi32, #tpu.memory_space<hbm>>
      tpu.wait_dma2 semaphore(%run_scoped3A : memref<!tpu.dma_semaphore, #tpu.memory_space<semaphore_mem>>) src(%dma_wait3A_1140 : memref<2048xi32, #tpu.memory_space<hbm>>) dst(%arg22 : memref<2048xi32, #tpu.memory_space<vmem>>)
      tpu.yield
    }) : () -> ()
    %add3A_692 = arith.constant 256 : i32
    %add3A_693 = arith.addi %arg1, %add3A_692 : i32
    %jit3A_694 = arith.constant 2 : i32
    %div3A_695 = arith.divsi %add3A_693, %jit3A_694 : i32
    %sign3A_696 = arith.constant 0 : i32
    %sign3A_697 = arith.cmpi sgt, %add3A_693, %sign3A_696 : i32
    %sign3A_698 = arith.extui %sign3A_697 : i1 to i32
    %sign3A_699 = arith.constant 0 : i32
    %sign3A_700 = arith.cmpi slt, %add3A_693, %sign3A_699 : i32
    %sign3A_701 = arith.extui %sign3A_700 : i1 to i32
    %sign3A_702 = arith.subi %sign3A_698, %sign3A_701 : i32
    %sign3A_703 = arith.constant 0 : i32
    %sign3A_704 = arith.cmpi sgt, %jit3A_694, %sign3A_703 : i32
    %sign3A_705 = arith.extui %sign3A_704 : i1 to i32
    %sign3A_706 = arith.constant 0 : i32
    %sign3A_707 = arith.cmpi slt, %jit3A_694, %sign3A_706 : i32
    %sign3A_708 = arith.extui %sign3A_707 : i1 to i32
    %sign3A_709 = arith.subi %sign3A_705, %sign3A_708 : i32
    %ne3A_710 = arith.cmpi ne, %sign3A_702, %sign3A_709 : i32
    %rem3A_711 = arith.remsi %add3A_693, %jit3A_694 : i32
    %ne3A_712 = arith.constant 0 : i32
    %ne3A_713 = arith.cmpi ne, %rem3A_711, %ne3A_712 : i32
    %and3A_714 = arith.andi %ne3A_710, %ne3A_713 : i1
    %sub3A_715 = arith.constant 1 : i32
    %sub3A_716 = arith.subi %div3A_695, %sub3A_715 : i32
    %select_n3A_717 = arith.select %and3A_714, %sub3A_716, %div3A_695 : i32
    %jit3A_718 = arith.constant 2 : i32
    %eq3A_719 = arith.constant 0 : i32
    %eq3A_720 = arith.cmpi eq, %jit3A_718, %eq3A_719 : i32
    %jit3A_721 = arith.constant 1 : i32
    %select_n3A_722 = arith.select %eq3A_720, %jit3A_721, %jit3A_718 : i32
    %rem3A_723 = arith.remsi %add3A_693, %select_n3A_722 : i32
    %ne3A_724 = arith.constant 0 : i32
    %ne3A_725 = arith.cmpi ne, %rem3A_723, %ne3A_724 : i32
    %lt3A_726 = arith.constant 0 : i32
    %lt3A_727 = arith.cmpi slt, %rem3A_723, %lt3A_726 : i32
    %lt3A_728 = arith.constant 0 : i32
    %lt3A_729 = arith.cmpi slt, %select_n3A_722, %lt3A_728 : i32
    %ne3A_730 = arith.xori %lt3A_727, %lt3A_729 : i1
    %and3A_731 = arith.andi %ne3A_730, %ne3A_725 : i1
    %add3A_732 = arith.addi %rem3A_723, %select_n3A_722 : i32
    %select_n3A_733 = arith.select %and3A_731, %add3A_732, %rem3A_723 : i32
    %mul3A_734 = arith.constant 2048 : i32
    %mul3A_735 = arith.muli %select_n3A_733, %mul3A_734 : i32
    "tpu.region"() ({
      %run_scoped3A = tpu.sem_alloc : memref<!tpu.dma_semaphore, #tpu.memory_space<semaphore_mem>>
      %dma_start3A_1125 = arith.constant 0 : i32
      %dma_start3A_1126 = tpu.memref_slice %arg2[%select_n3A_717, %dma_start3A_1125] : memref<200x4096xi32, #tpu.memory_space<hbm>> -> memref<1x4096xi32, #tpu.memory_space<hbm>>
      %dma_start3A_1127 = tpu.memref_squeeze %dma_start3A_1126 : memref<1x4096xi32, #tpu.memory_space<hbm>> -> memref<4096xi32, #tpu.memory_space<hbm>>
      %dma_start3A_1128 = tpu.memref_slice %dma_start3A_1127[%mul3A_735] : memref<4096xi32, #tpu.memory_space<hbm>> -> memref<2048xi32, #tpu.memory_space<hbm>>
      %dma_start3A_1129 = arith.constant 0 : i32
      %dma_start3A_1130 = tpu.memref_slice %arg2[%select_n3A_717, %dma_start3A_1129] : memref<200x4096xi32, #tpu.memory_space<hbm>> -> memref<1x4096xi32, #tpu.memory_space<hbm>>
      %dma_start3A_1131 = tpu.memref_squeeze %dma_start3A_1130 : memref<1x4096xi32, #tpu.memory_space<hbm>> -> memref<4096xi32, #tpu.memory_space<hbm>>
      %dma_start3A_1132 = tpu.memref_slice %dma_start3A_1131[%mul3A_735] : memref<4096xi32, #tpu.memory_space<hbm>> -> memref<2048xi32, #tpu.memory_space<hbm>>
      tpu.enqueue_dma source(%dma_start3A_1132 : memref<2048xi32, #tpu.memory_space<hbm>>) target(%arg23 : memref<2048xi32, #tpu.memory_space<vmem>>) target_semaphore(%run_scoped3A : memref<!tpu.dma_semaphore, #tpu.memory_space<semaphore_mem>>)
      %dma_wait3A_1133 = arith.constant 0 : i32
      %dma_wait3A_1134 = tpu.memref_slice %arg2[%select_n3A_717, %dma_wait3A_1133] : memref<200x4096xi32, #tpu.memory_space<hbm>> -> memref<1x4096xi32, #tpu.memory_space<hbm>>
      %dma_wait3A_1135 = tpu.memref_squeeze %dma_wait3A_1134 : memref<1x4096xi32, #tpu.memory_space<hbm>> -> memref<4096xi32, #tpu.memory_space<hbm>>
      %dma_wait3A_1136 = tpu.memref_slice %dma_wait3A_1135[%mul3A_735] : memref<4096xi32, #tpu.memory_space<hbm>> -> memref<2048xi32, #tpu.memory_space<hbm>>
      %dma_wait3A_1137 = arith.constant 0 : i32
      %dma_wait3A_1138 = tpu.memref_slice %arg2[%select_n3A_717, %dma_wait3A_1137] : memref<200x4096xi32, #tpu.memory_space<hbm>> -> memref<1x4096xi32, #tpu.memory_space<hbm>>
      %dma_wait3A_1139 = tpu.memref_squeeze %dma_wait3A_1138 : memref<1x4096xi32, #tpu.memory_space<hbm>> -> memref<4096xi32, #tpu.memory_space<hbm>>
      %dma_wait3A_1140 = tpu.memref_slice %dma_wait3A_1139[%mul3A_735] : memref<4096xi32, #tpu.memory_space<hbm>> -> memref<2048xi32, #tpu.memory_space<hbm>>
      tpu.wait_dma2 semaphore(%run_scoped3A : memref<!tpu.dma_semaphore, #tpu.memory_space<semaphore_mem>>) src(%dma_wait3A_1140 : memref<2048xi32, #tpu.memory_space<hbm>>) dst(%arg23 : memref<2048xi32, #tpu.memory_space<vmem>>)
      tpu.yield
    }) : () -> ()
    %add3A_736 = arith.constant 272 : i32
    %add3A_737 = arith.addi %arg1, %add3A_736 : i32
    %jit3A_738 = arith.constant 2 : i32
    %div3A_739 = arith.divsi %add3A_737, %jit3A_738 : i32
    %sign3A_740 = arith.constant 0 : i32
    %sign3A_741 = arith.cmpi sgt, %add3A_737, %sign3A_740 : i32
    %sign3A_742 = arith.extui %sign3A_741 : i1 to i32
    %sign3A_743 = arith.constant 0 : i32
    %sign3A_744 = arith.cmpi slt, %add3A_737, %sign3A_743 : i32
    %sign3A_745 = arith.extui %sign3A_744 : i1 to i32
    %sign3A_746 = arith.subi %sign3A_742, %sign3A_745 : i32
    %sign3A_747 = arith.constant 0 : i32
    %sign3A_748 = arith.cmpi sgt, %jit3A_738, %sign3A_747 : i32
    %sign3A_749 = arith.extui %sign3A_748 : i1 to i32
    %sign3A_750 = arith.constant 0 : i32
    %sign3A_751 = arith.cmpi slt, %jit3A_738, %sign3A_750 : i32
    %sign3A_752 = arith.extui %sign3A_751 : i1 to i32
    %sign3A_753 = arith.subi %sign3A_749, %sign3A_752 : i32
    %ne3A_754 = arith.cmpi ne, %sign3A_746, %sign3A_753 : i32
    %rem3A_755 = arith.remsi %add3A_737, %jit3A_738 : i32
    %ne3A_756 = arith.constant 0 : i32
    %ne3A_757 = arith.cmpi ne, %rem3A_755, %ne3A_756 : i32
    %and3A_758 = arith.andi %ne3A_754, %ne3A_757 : i1
    %sub3A_759 = arith.constant 1 : i32
    %sub3A_760 = arith.subi %div3A_739, %sub3A_759 : i32
    %select_n3A_761 = arith.select %and3A_758, %sub3A_760, %div3A_739 : i32
    %jit3A_762 = arith.constant 2 : i32
    %eq3A_763 = arith.constant 0 : i32
    %eq3A_764 = arith.cmpi eq, %jit3A_762, %eq3A_763 : i32
    %jit3A_765 = arith.constant 1 : i32
    %select_n3A_766 = arith.select %eq3A_764, %jit3A_765, %jit3A_762 : i32
    %rem3A_767 = arith.remsi %add3A_737, %select_n3A_766 : i32
    %ne3A_768 = arith.constant 0 : i32
    %ne3A_769 = arith.cmpi ne, %rem3A_767, %ne3A_768 : i32
    %lt3A_770 = arith.constant 0 : i32
    %lt3A_771 = arith.cmpi slt, %rem3A_767, %lt3A_770 : i32
    %lt3A_772 = arith.constant 0 : i32
    %lt3A_773 = arith.cmpi slt, %select_n3A_766, %lt3A_772 : i32
    %ne3A_774 = arith.xori %lt3A_771, %lt3A_773 : i1
    %and3A_775 = arith.andi %ne3A_774, %ne3A_769 : i1
    %add3A_776 = arith.addi %rem3A_767, %select_n3A_766 : i32
    %select_n3A_777 = arith.select %and3A_775, %add3A_776, %rem3A_767 : i32
    %mul3A_778 = arith.constant 2048 : i32
    %mul3A_779 = arith.muli %select_n3A_777, %mul3A_778 : i32
    "tpu.region"() ({
      %run_scoped3A = tpu.sem_alloc : memref<!tpu.dma_semaphore, #tpu.memory_space<semaphore_mem>>
      %dma_start3A_1125 = arith.constant 0 : i32
      %dma_start3A_1126 = tpu.memref_slice %arg2[%select_n3A_761, %dma_start3A_1125] : memref<200x4096xi32, #tpu.memory_space<hbm>> -> memref<1x4096xi32, #tpu.memory_space<hbm>>
      %dma_start3A_1127 = tpu.memref_squeeze %dma_start3A_1126 : memref<1x4096xi32, #tpu.memory_space<hbm>> -> memref<4096xi32, #tpu.memory_space<hbm>>
      %dma_start3A_1128 = tpu.memref_slice %dma_start3A_1127[%mul3A_779] : memref<4096xi32, #tpu.memory_space<hbm>> -> memref<2048xi32, #tpu.memory_space<hbm>>
      %dma_start3A_1129 = arith.constant 0 : i32
      %dma_start3A_1130 = tpu.memref_slice %arg2[%select_n3A_761, %dma_start3A_1129] : memref<200x4096xi32, #tpu.memory_space<hbm>> -> memref<1x4096xi32, #tpu.memory_space<hbm>>
      %dma_start3A_1131 = tpu.memref_squeeze %dma_start3A_1130 : memref<1x4096xi32, #tpu.memory_space<hbm>> -> memref<4096xi32, #tpu.memory_space<hbm>>
      %dma_start3A_1132 = tpu.memref_slice %dma_start3A_1131[%mul3A_779] : memref<4096xi32, #tpu.memory_space<hbm>> -> memref<2048xi32, #tpu.memory_space<hbm>>
      tpu.enqueue_dma source(%dma_start3A_1132 : memref<2048xi32, #tpu.memory_space<hbm>>) target(%arg24 : memref<2048xi32, #tpu.memory_space<vmem>>) target_semaphore(%run_scoped3A : memref<!tpu.dma_semaphore, #tpu.memory_space<semaphore_mem>>)
      %dma_wait3A_1133 = arith.constant 0 : i32
      %dma_wait3A_1134 = tpu.memref_slice %arg2[%select_n3A_761, %dma_wait3A_1133] : memref<200x4096xi32, #tpu.memory_space<hbm>> -> memref<1x4096xi32, #tpu.memory_space<hbm>>
      %dma_wait3A_1135 = tpu.memref_squeeze %dma_wait3A_1134 : memref<1x4096xi32, #tpu.memory_space<hbm>> -> memref<4096xi32, #tpu.memory_space<hbm>>
      %dma_wait3A_1136 = tpu.memref_slice %dma_wait3A_1135[%mul3A_779] : memref<4096xi32, #tpu.memory_space<hbm>> -> memref<2048xi32, #tpu.memory_space<hbm>>
      %dma_wait3A_1137 = arith.constant 0 : i32
      %dma_wait3A_1138 = tpu.memref_slice %arg2[%select_n3A_761, %dma_wait3A_1137] : memref<200x4096xi32, #tpu.memory_space<hbm>> -> memref<1x4096xi32, #tpu.memory_space<hbm>>
      %dma_wait3A_1139 = tpu.memref_squeeze %dma_wait3A_1138 : memref<1x4096xi32, #tpu.memory_space<hbm>> -> memref<4096xi32, #tpu.memory_space<hbm>>
      %dma_wait3A_1140 = tpu.memref_slice %dma_wait3A_1139[%mul3A_779] : memref<4096xi32, #tpu.memory_space<hbm>> -> memref<2048xi32, #tpu.memory_space<hbm>>
      tpu.wait_dma2 semaphore(%run_scoped3A : memref<!tpu.dma_semaphore, #tpu.memory_space<semaphore_mem>>) src(%dma_wait3A_1140 : memref<2048xi32, #tpu.memory_space<hbm>>) dst(%arg24 : memref<2048xi32, #tpu.memory_space<vmem>>)
      tpu.yield
    }) : () -> ()
    %add3A_780 = arith.constant 288 : i32
    %add3A_781 = arith.addi %arg1, %add3A_780 : i32
    %jit3A_782 = arith.constant 2 : i32
    %div3A_783 = arith.divsi %add3A_781, %jit3A_782 : i32
    %sign3A_784 = arith.constant 0 : i32
    %sign3A_785 = arith.cmpi sgt, %add3A_781, %sign3A_784 : i32
    %sign3A_786 = arith.extui %sign3A_785 : i1 to i32
    %sign3A_787 = arith.constant 0 : i32
    %sign3A_788 = arith.cmpi slt, %add3A_781, %sign3A_787 : i32
    %sign3A_789 = arith.extui %sign3A_788 : i1 to i32
    %sign3A_790 = arith.subi %sign3A_786, %sign3A_789 : i32
    %sign3A_791 = arith.constant 0 : i32
    %sign3A_792 = arith.cmpi sgt, %jit3A_782, %sign3A_791 : i32
    %sign3A_793 = arith.extui %sign3A_792 : i1 to i32
    %sign3A_794 = arith.constant 0 : i32
    %sign3A_795 = arith.cmpi slt, %jit3A_782, %sign3A_794 : i32
    %sign3A_796 = arith.extui %sign3A_795 : i1 to i32
    %sign3A_797 = arith.subi %sign3A_793, %sign3A_796 : i32
    %ne3A_798 = arith.cmpi ne, %sign3A_790, %sign3A_797 : i32
    %rem3A_799 = arith.remsi %add3A_781, %jit3A_782 : i32
    %ne3A_800 = arith.constant 0 : i32
    %ne3A_801 = arith.cmpi ne, %rem3A_799, %ne3A_800 : i32
    %and3A_802 = arith.andi %ne3A_798, %ne3A_801 : i1
    %sub3A_803 = arith.constant 1 : i32
    %sub3A_804 = arith.subi %div3A_783, %sub3A_803 : i32
    %select_n3A_805 = arith.select %and3A_802, %sub3A_804, %div3A_783 : i32
    %jit3A_806 = arith.constant 2 : i32
    %eq3A_807 = arith.constant 0 : i32
    %eq3A_808 = arith.cmpi eq, %jit3A_806, %eq3A_807 : i32
    %jit3A_809 = arith.constant 1 : i32
    %select_n3A_810 = arith.select %eq3A_808, %jit3A_809, %jit3A_806 : i32
    %rem3A_811 = arith.remsi %add3A_781, %select_n3A_810 : i32
    %ne3A_812 = arith.constant 0 : i32
    %ne3A_813 = arith.cmpi ne, %rem3A_811, %ne3A_812 : i32
    %lt3A_814 = arith.constant 0 : i32
    %lt3A_815 = arith.cmpi slt, %rem3A_811, %lt3A_814 : i32
    %lt3A_816 = arith.constant 0 : i32
    %lt3A_817 = arith.cmpi slt, %select_n3A_810, %lt3A_816 : i32
    %ne3A_818 = arith.xori %lt3A_815, %lt3A_817 : i1
    %and3A_819 = arith.andi %ne3A_818, %ne3A_813 : i1
    %add3A_820 = arith.addi %rem3A_811, %select_n3A_810 : i32
    %select_n3A_821 = arith.select %and3A_819, %add3A_820, %rem3A_811 : i32
    %mul3A_822 = arith.constant 2048 : i32
    %mul3A_823 = arith.muli %select_n3A_821, %mul3A_822 : i32
    "tpu.region"() ({
      %run_scoped3A = tpu.sem_alloc : memref<!tpu.dma_semaphore, #tpu.memory_space<semaphore_mem>>
      %dma_start3A_1125 = arith.constant 0 : i32
      %dma_start3A_1126 = tpu.memref_slice %arg2[%select_n3A_805, %dma_start3A_1125] : memref<200x4096xi32, #tpu.memory_space<hbm>> -> memref<1x4096xi32, #tpu.memory_space<hbm>>
      %dma_start3A_1127 = tpu.memref_squeeze %dma_start3A_1126 : memref<1x4096xi32, #tpu.memory_space<hbm>> -> memref<4096xi32, #tpu.memory_space<hbm>>
      %dma_start3A_1128 = tpu.memref_slice %dma_start3A_1127[%mul3A_823] : memref<4096xi32, #tpu.memory_space<hbm>> -> memref<2048xi32, #tpu.memory_space<hbm>>
      %dma_start3A_1129 = arith.constant 0 : i32
      %dma_start3A_1130 = tpu.memref_slice %arg2[%select_n3A_805, %dma_start3A_1129] : memref<200x4096xi32, #tpu.memory_space<hbm>> -> memref<1x4096xi32, #tpu.memory_space<hbm>>
      %dma_start3A_1131 = tpu.memref_squeeze %dma_start3A_1130 : memref<1x4096xi32, #tpu.memory_space<hbm>> -> memref<4096xi32, #tpu.memory_space<hbm>>
      %dma_start3A_1132 = tpu.memref_slice %dma_start3A_1131[%mul3A_823] : memref<4096xi32, #tpu.memory_space<hbm>> -> memref<2048xi32, #tpu.memory_space<hbm>>
      tpu.enqueue_dma source(%dma_start3A_1132 : memref<2048xi32, #tpu.memory_space<hbm>>) target(%arg25 : memref<2048xi32, #tpu.memory_space<vmem>>) target_semaphore(%run_scoped3A : memref<!tpu.dma_semaphore, #tpu.memory_space<semaphore_mem>>)
      %dma_wait3A_1133 = arith.constant 0 : i32
      %dma_wait3A_1134 = tpu.memref_slice %arg2[%select_n3A_805, %dma_wait3A_1133] : memref<200x4096xi32, #tpu.memory_space<hbm>> -> memref<1x4096xi32, #tpu.memory_space<hbm>>
      %dma_wait3A_1135 = tpu.memref_squeeze %dma_wait3A_1134 : memref<1x4096xi32, #tpu.memory_space<hbm>> -> memref<4096xi32, #tpu.memory_space<hbm>>
      %dma_wait3A_1136 = tpu.memref_slice %dma_wait3A_1135[%mul3A_823] : memref<4096xi32, #tpu.memory_space<hbm>> -> memref<2048xi32, #tpu.memory_space<hbm>>
      %dma_wait3A_1137 = arith.constant 0 : i32
      %dma_wait3A_1138 = tpu.memref_slice %arg2[%select_n3A_805, %dma_wait3A_1137] : memref<200x4096xi32, #tpu.memory_space<hbm>> -> memref<1x4096xi32, #tpu.memory_space<hbm>>
      %dma_wait3A_1139 = tpu.memref_squeeze %dma_wait3A_1138 : memref<1x4096xi32, #tpu.memory_space<hbm>> -> memref<4096xi32, #tpu.memory_space<hbm>>
      %dma_wait3A_1140 = tpu.memref_slice %dma_wait3A_1139[%mul3A_823] : memref<4096xi32, #tpu.memory_space<hbm>> -> memref<2048xi32, #tpu.memory_space<hbm>>
      tpu.wait_dma2 semaphore(%run_scoped3A : memref<!tpu.dma_semaphore, #tpu.memory_space<semaphore_mem>>) src(%dma_wait3A_1140 : memref<2048xi32, #tpu.memory_space<hbm>>) dst(%arg25 : memref<2048xi32, #tpu.memory_space<vmem>>)
      tpu.yield
    }) : () -> ()
    %add3A_824 = arith.constant 304 : i32
    %add3A_825 = arith.addi %arg1, %add3A_824 : i32
    %jit3A_826 = arith.constant 2 : i32
    %div3A_827 = arith.divsi %add3A_825, %jit3A_826 : i32
    %sign3A_828 = arith.constant 0 : i32
    %sign3A_829 = arith.cmpi sgt, %add3A_825, %sign3A_828 : i32
    %sign3A_830 = arith.extui %sign3A_829 : i1 to i32
    %sign3A_831 = arith.constant 0 : i32
    %sign3A_832 = arith.cmpi slt, %add3A_825, %sign3A_831 : i32
    %sign3A_833 = arith.extui %sign3A_832 : i1 to i32
    %sign3A_834 = arith.subi %sign3A_830, %sign3A_833 : i32
    %sign3A_835 = arith.constant 0 : i32
    %sign3A_836 = arith.cmpi sgt, %jit3A_826, %sign3A_835 : i32
    %sign3A_837 = arith.extui %sign3A_836 : i1 to i32
    %sign3A_838 = arith.constant 0 : i32
    %sign3A_839 = arith.cmpi slt, %jit3A_826, %sign3A_838 : i32
    %sign3A_840 = arith.extui %sign3A_839 : i1 to i32
    %sign3A_841 = arith.subi %sign3A_837, %sign3A_840 : i32
    %ne3A_842 = arith.cmpi ne, %sign3A_834, %sign3A_841 : i32
    %rem3A_843 = arith.remsi %add3A_825, %jit3A_826 : i32
    %ne3A_844 = arith.constant 0 : i32
    %ne3A_845 = arith.cmpi ne, %rem3A_843, %ne3A_844 : i32
    %and3A_846 = arith.andi %ne3A_842, %ne3A_845 : i1
    %sub3A_847 = arith.constant 1 : i32
    %sub3A_848 = arith.subi %div3A_827, %sub3A_847 : i32
    %select_n3A_849 = arith.select %and3A_846, %sub3A_848, %div3A_827 : i32
    %jit3A_850 = arith.constant 2 : i32
    %eq3A_851 = arith.constant 0 : i32
    %eq3A_852 = arith.cmpi eq, %jit3A_850, %eq3A_851 : i32
    %jit3A_853 = arith.constant 1 : i32
    %select_n3A_854 = arith.select %eq3A_852, %jit3A_853, %jit3A_850 : i32
    %rem3A_855 = arith.remsi %add3A_825, %select_n3A_854 : i32
    %ne3A_856 = arith.constant 0 : i32
    %ne3A_857 = arith.cmpi ne, %rem3A_855, %ne3A_856 : i32
    %lt3A_858 = arith.constant 0 : i32
    %lt3A_859 = arith.cmpi slt, %rem3A_855, %lt3A_858 : i32
    %lt3A_860 = arith.constant 0 : i32
    %lt3A_861 = arith.cmpi slt, %select_n3A_854, %lt3A_860 : i32
    %ne3A_862 = arith.xori %lt3A_859, %lt3A_861 : i1
    %and3A_863 = arith.andi %ne3A_862, %ne3A_857 : i1
    %add3A_864 = arith.addi %rem3A_855, %select_n3A_854 : i32
    %select_n3A_865 = arith.select %and3A_863, %add3A_864, %rem3A_855 : i32
    %mul3A_866 = arith.constant 2048 : i32
    %mul3A_867 = arith.muli %select_n3A_865, %mul3A_866 : i32
    "tpu.region"() ({
      %run_scoped3A = tpu.sem_alloc : memref<!tpu.dma_semaphore, #tpu.memory_space<semaphore_mem>>
      %dma_start3A_1125 = arith.constant 0 : i32
      %dma_start3A_1126 = tpu.memref_slice %arg2[%select_n3A_849, %dma_start3A_1125] : memref<200x4096xi32, #tpu.memory_space<hbm>> -> memref<1x4096xi32, #tpu.memory_space<hbm>>
      %dma_start3A_1127 = tpu.memref_squeeze %dma_start3A_1126 : memref<1x4096xi32, #tpu.memory_space<hbm>> -> memref<4096xi32, #tpu.memory_space<hbm>>
      %dma_start3A_1128 = tpu.memref_slice %dma_start3A_1127[%mul3A_867] : memref<4096xi32, #tpu.memory_space<hbm>> -> memref<2048xi32, #tpu.memory_space<hbm>>
      %dma_start3A_1129 = arith.constant 0 : i32
      %dma_start3A_1130 = tpu.memref_slice %arg2[%select_n3A_849, %dma_start3A_1129] : memref<200x4096xi32, #tpu.memory_space<hbm>> -> memref<1x4096xi32, #tpu.memory_space<hbm>>
      %dma_start3A_1131 = tpu.memref_squeeze %dma_start3A_1130 : memref<1x4096xi32, #tpu.memory_space<hbm>> -> memref<4096xi32, #tpu.memory_space<hbm>>
      %dma_start3A_1132 = tpu.memref_slice %dma_start3A_1131[%mul3A_867] : memref<4096xi32, #tpu.memory_space<hbm>> -> memref<2048xi32, #tpu.memory_space<hbm>>
      tpu.enqueue_dma source(%dma_start3A_1132 : memref<2048xi32, #tpu.memory_space<hbm>>) target(%arg26 : memref<2048xi32, #tpu.memory_space<vmem>>) target_semaphore(%run_scoped3A : memref<!tpu.dma_semaphore, #tpu.memory_space<semaphore_mem>>)
      %dma_wait3A_1133 = arith.constant 0 : i32
      %dma_wait3A_1134 = tpu.memref_slice %arg2[%select_n3A_849, %dma_wait3A_1133] : memref<200x4096xi32, #tpu.memory_space<hbm>> -> memref<1x4096xi32, #tpu.memory_space<hbm>>
      %dma_wait3A_1135 = tpu.memref_squeeze %dma_wait3A_1134 : memref<1x4096xi32, #tpu.memory_space<hbm>> -> memref<4096xi32, #tpu.memory_space<hbm>>
      %dma_wait3A_1136 = tpu.memref_slice %dma_wait3A_1135[%mul3A_867] : memref<4096xi32, #tpu.memory_space<hbm>> -> memref<2048xi32, #tpu.memory_space<hbm>>
      %dma_wait3A_1137 = arith.constant 0 : i32
      %dma_wait3A_1138 = tpu.memref_slice %arg2[%select_n3A_849, %dma_wait3A_1137] : memref<200x4096xi32, #tpu.memory_space<hbm>> -> memref<1x4096xi32, #tpu.memory_space<hbm>>
      %dma_wait3A_1139 = tpu.memref_squeeze %dma_wait3A_1138 : memref<1x4096xi32, #tpu.memory_space<hbm>> -> memref<4096xi32, #tpu.memory_space<hbm>>
      %dma_wait3A_1140 = tpu.memref_slice %dma_wait3A_1139[%mul3A_867] : memref<4096xi32, #tpu.memory_space<hbm>> -> memref<2048xi32, #tpu.memory_space<hbm>>
      tpu.wait_dma2 semaphore(%run_scoped3A : memref<!tpu.dma_semaphore, #tpu.memory_space<semaphore_mem>>) src(%dma_wait3A_1140 : memref<2048xi32, #tpu.memory_space<hbm>>) dst(%arg26 : memref<2048xi32, #tpu.memory_space<vmem>>)
      tpu.yield
    }) : () -> ()
    %add3A_868 = arith.constant 320 : i32
    %add3A_869 = arith.addi %arg1, %add3A_868 : i32
    %jit3A_870 = arith.constant 2 : i32
    %div3A_871 = arith.divsi %add3A_869, %jit3A_870 : i32
    %sign3A_872 = arith.constant 0 : i32
    %sign3A_873 = arith.cmpi sgt, %add3A_869, %sign3A_872 : i32
    %sign3A_874 = arith.extui %sign3A_873 : i1 to i32
    %sign3A_875 = arith.constant 0 : i32
    %sign3A_876 = arith.cmpi slt, %add3A_869, %sign3A_875 : i32
    %sign3A_877 = arith.extui %sign3A_876 : i1 to i32
    %sign3A_878 = arith.subi %sign3A_874, %sign3A_877 : i32
    %sign3A_879 = arith.constant 0 : i32
    %sign3A_880 = arith.cmpi sgt, %jit3A_870, %sign3A_879 : i32
    %sign3A_881 = arith.extui %sign3A_880 : i1 to i32
    %sign3A_882 = arith.constant 0 : i32
    %sign3A_883 = arith.cmpi slt, %jit3A_870, %sign3A_882 : i32
    %sign3A_884 = arith.extui %sign3A_883 : i1 to i32
    %sign3A_885 = arith.subi %sign3A_881, %sign3A_884 : i32
    %ne3A_886 = arith.cmpi ne, %sign3A_878, %sign3A_885 : i32
    %rem3A_887 = arith.remsi %add3A_869, %jit3A_870 : i32
    %ne3A_888 = arith.constant 0 : i32
    %ne3A_889 = arith.cmpi ne, %rem3A_887, %ne3A_888 : i32
    %and3A_890 = arith.andi %ne3A_886, %ne3A_889 : i1
    %sub3A_891 = arith.constant 1 : i32
    %sub3A_892 = arith.subi %div3A_871, %sub3A_891 : i32
    %select_n3A_893 = arith.select %and3A_890, %sub3A_892, %div3A_871 : i32
    %jit3A_894 = arith.constant 2 : i32
    %eq3A_895 = arith.constant 0 : i32
    %eq3A_896 = arith.cmpi eq, %jit3A_894, %eq3A_895 : i32
    %jit3A_897 = arith.constant 1 : i32
    %select_n3A_898 = arith.select %eq3A_896, %jit3A_897, %jit3A_894 : i32
    %rem3A_899 = arith.remsi %add3A_869, %select_n3A_898 : i32
    %ne3A_900 = arith.constant 0 : i32
    %ne3A_901 = arith.cmpi ne, %rem3A_899, %ne3A_900 : i32
    %lt3A_902 = arith.constant 0 : i32
    %lt3A_903 = arith.cmpi slt, %rem3A_899, %lt3A_902 : i32
    %lt3A_904 = arith.constant 0 : i32
    %lt3A_905 = arith.cmpi slt, %select_n3A_898, %lt3A_904 : i32
    %ne3A_906 = arith.xori %lt3A_903, %lt3A_905 : i1
    %and3A_907 = arith.andi %ne3A_906, %ne3A_901 : i1
    %add3A_908 = arith.addi %rem3A_899, %select_n3A_898 : i32
    %select_n3A_909 = arith.select %and3A_907, %add3A_908, %rem3A_899 : i32
    %mul3A_910 = arith.constant 2048 : i32
    %mul3A_911 = arith.muli %select_n3A_909, %mul3A_910 : i32
    "tpu.region"() ({
      %run_scoped3A = tpu.sem_alloc : memref<!tpu.dma_semaphore, #tpu.memory_space<semaphore_mem>>
      %dma_start3A_1125 = arith.constant 0 : i32
      %dma_start3A_1126 = tpu.memref_slice %arg2[%select_n3A_893, %dma_start3A_1125] : memref<200x4096xi32, #tpu.memory_space<hbm>> -> memref<1x4096xi32, #tpu.memory_space<hbm>>
      %dma_start3A_1127 = tpu.memref_squeeze %dma_start3A_1126 : memref<1x4096xi32, #tpu.memory_space<hbm>> -> memref<4096xi32, #tpu.memory_space<hbm>>
      %dma_start3A_1128 = tpu.memref_slice %dma_start3A_1127[%mul3A_911] : memref<4096xi32, #tpu.memory_space<hbm>> -> memref<2048xi32, #tpu.memory_space<hbm>>
      %dma_start3A_1129 = arith.constant 0 : i32
      %dma_start3A_1130 = tpu.memref_slice %arg2[%select_n3A_893, %dma_start3A_1129] : memref<200x4096xi32, #tpu.memory_space<hbm>> -> memref<1x4096xi32, #tpu.memory_space<hbm>>
      %dma_start3A_1131 = tpu.memref_squeeze %dma_start3A_1130 : memref<1x4096xi32, #tpu.memory_space<hbm>> -> memref<4096xi32, #tpu.memory_space<hbm>>
      %dma_start3A_1132 = tpu.memref_slice %dma_start3A_1131[%mul3A_911] : memref<4096xi32, #tpu.memory_space<hbm>> -> memref<2048xi32, #tpu.memory_space<hbm>>
      tpu.enqueue_dma source(%dma_start3A_1132 : memref<2048xi32, #tpu.memory_space<hbm>>) target(%arg27 : memref<2048xi32, #tpu.memory_space<vmem>>) target_semaphore(%run_scoped3A : memref<!tpu.dma_semaphore, #tpu.memory_space<semaphore_mem>>)
      %dma_wait3A_1133 = arith.constant 0 : i32
      %dma_wait3A_1134 = tpu.memref_slice %arg2[%select_n3A_893, %dma_wait3A_1133] : memref<200x4096xi32, #tpu.memory_space<hbm>> -> memref<1x4096xi32, #tpu.memory_space<hbm>>
      %dma_wait3A_1135 = tpu.memref_squeeze %dma_wait3A_1134 : memref<1x4096xi32, #tpu.memory_space<hbm>> -> memref<4096xi32, #tpu.memory_space<hbm>>
      %dma_wait3A_1136 = tpu.memref_slice %dma_wait3A_1135[%mul3A_911] : memref<4096xi32, #tpu.memory_space<hbm>> -> memref<2048xi32, #tpu.memory_space<hbm>>
      %dma_wait3A_1137 = arith.constant 0 : i32
      %dma_wait3A_1138 = tpu.memref_slice %arg2[%select_n3A_893, %dma_wait3A_1137] : memref<200x4096xi32, #tpu.memory_space<hbm>> -> memref<1x4096xi32, #tpu.memory_space<hbm>>
      %dma_wait3A_1139 = tpu.memref_squeeze %dma_wait3A_1138 : memref<1x4096xi32, #tpu.memory_space<hbm>> -> memref<4096xi32, #tpu.memory_space<hbm>>
      %dma_wait3A_1140 = tpu.memref_slice %dma_wait3A_1139[%mul3A_911] : memref<4096xi32, #tpu.memory_space<hbm>> -> memref<2048xi32, #tpu.memory_space<hbm>>
      tpu.wait_dma2 semaphore(%run_scoped3A : memref<!tpu.dma_semaphore, #tpu.memory_space<semaphore_mem>>) src(%dma_wait3A_1140 : memref<2048xi32, #tpu.memory_space<hbm>>) dst(%arg27 : memref<2048xi32, #tpu.memory_space<vmem>>)
      tpu.yield
    }) : () -> ()
    %add3A_912 = arith.constant 336 : i32
    %add3A_913 = arith.addi %arg1, %add3A_912 : i32
    %jit3A_914 = arith.constant 2 : i32
    %div3A_915 = arith.divsi %add3A_913, %jit3A_914 : i32
    %sign3A_916 = arith.constant 0 : i32
    %sign3A_917 = arith.cmpi sgt, %add3A_913, %sign3A_916 : i32
    %sign3A_918 = arith.extui %sign3A_917 : i1 to i32
    %sign3A_919 = arith.constant 0 : i32
    %sign3A_920 = arith.cmpi slt, %add3A_913, %sign3A_919 : i32
    %sign3A_921 = arith.extui %sign3A_920 : i1 to i32
    %sign3A_922 = arith.subi %sign3A_918, %sign3A_921 : i32
    %sign3A_923 = arith.constant 0 : i32
    %sign3A_924 = arith.cmpi sgt, %jit3A_914, %sign3A_923 : i32
    %sign3A_925 = arith.extui %sign3A_924 : i1 to i32
    %sign3A_926 = arith.constant 0 : i32
    %sign3A_927 = arith.cmpi slt, %jit3A_914, %sign3A_926 : i32
    %sign3A_928 = arith.extui %sign3A_927 : i1 to i32
    %sign3A_929 = arith.subi %sign3A_925, %sign3A_928 : i32
    %ne3A_930 = arith.cmpi ne, %sign3A_922, %sign3A_929 : i32
    %rem3A_931 = arith.remsi %add3A_913, %jit3A_914 : i32
    %ne3A_932 = arith.constant 0 : i32
    %ne3A_933 = arith.cmpi ne, %rem3A_931, %ne3A_932 : i32
    %and3A_934 = arith.andi %ne3A_930, %ne3A_933 : i1
    %sub3A_935 = arith.constant 1 : i32
    %sub3A_936 = arith.subi %div3A_915, %sub3A_935 : i32
    %select_n3A_937 = arith.select %and3A_934, %sub3A_936, %div3A_915 : i32
    %jit3A_938 = arith.constant 2 : i32
    %eq3A_939 = arith.constant 0 : i32
    %eq3A_940 = arith.cmpi eq, %jit3A_938, %eq3A_939 : i32
    %jit3A_941 = arith.constant 1 : i32
    %select_n3A_942 = arith.select %eq3A_940, %jit3A_941, %jit3A_938 : i32
    %rem3A_943 = arith.remsi %add3A_913, %select_n3A_942 : i32
    %ne3A_944 = arith.constant 0 : i32
    %ne3A_945 = arith.cmpi ne, %rem3A_943, %ne3A_944 : i32
    %lt3A_946 = arith.constant 0 : i32
    %lt3A_947 = arith.cmpi slt, %rem3A_943, %lt3A_946 : i32
    %lt3A_948 = arith.constant 0 : i32
    %lt3A_949 = arith.cmpi slt, %select_n3A_942, %lt3A_948 : i32
    %ne3A_950 = arith.xori %lt3A_947, %lt3A_949 : i1
    %and3A_951 = arith.andi %ne3A_950, %ne3A_945 : i1
    %add3A_952 = arith.addi %rem3A_943, %select_n3A_942 : i32
    %select_n3A_953 = arith.select %and3A_951, %add3A_952, %rem3A_943 : i32
    %mul3A_954 = arith.constant 2048 : i32
    %mul3A_955 = arith.muli %select_n3A_953, %mul3A_954 : i32
    "tpu.region"() ({
      %run_scoped3A = tpu.sem_alloc : memref<!tpu.dma_semaphore, #tpu.memory_space<semaphore_mem>>
      %dma_start3A_1125 = arith.constant 0 : i32
      %dma_start3A_1126 = tpu.memref_slice %arg2[%select_n3A_937, %dma_start3A_1125] : memref<200x4096xi32, #tpu.memory_space<hbm>> -> memref<1x4096xi32, #tpu.memory_space<hbm>>
      %dma_start3A_1127 = tpu.memref_squeeze %dma_start3A_1126 : memref<1x4096xi32, #tpu.memory_space<hbm>> -> memref<4096xi32, #tpu.memory_space<hbm>>
      %dma_start3A_1128 = tpu.memref_slice %dma_start3A_1127[%mul3A_955] : memref<4096xi32, #tpu.memory_space<hbm>> -> memref<2048xi32, #tpu.memory_space<hbm>>
      %dma_start3A_1129 = arith.constant 0 : i32
      %dma_start3A_1130 = tpu.memref_slice %arg2[%select_n3A_937, %dma_start3A_1129] : memref<200x4096xi32, #tpu.memory_space<hbm>> -> memref<1x4096xi32, #tpu.memory_space<hbm>>
      %dma_start3A_1131 = tpu.memref_squeeze %dma_start3A_1130 : memref<1x4096xi32, #tpu.memory_space<hbm>> -> memref<4096xi32, #tpu.memory_space<hbm>>
      %dma_start3A_1132 = tpu.memref_slice %dma_start3A_1131[%mul3A_955] : memref<4096xi32, #tpu.memory_space<hbm>> -> memref<2048xi32, #tpu.memory_space<hbm>>
      tpu.enqueue_dma source(%dma_start3A_1132 : memref<2048xi32, #tpu.memory_space<hbm>>) target(%arg28 : memref<2048xi32, #tpu.memory_space<vmem>>) target_semaphore(%run_scoped3A : memref<!tpu.dma_semaphore, #tpu.memory_space<semaphore_mem>>)
      %dma_wait3A_1133 = arith.constant 0 : i32
      %dma_wait3A_1134 = tpu.memref_slice %arg2[%select_n3A_937, %dma_wait3A_1133] : memref<200x4096xi32, #tpu.memory_space<hbm>> -> memref<1x4096xi32, #tpu.memory_space<hbm>>
      %dma_wait3A_1135 = tpu.memref_squeeze %dma_wait3A_1134 : memref<1x4096xi32, #tpu.memory_space<hbm>> -> memref<4096xi32, #tpu.memory_space<hbm>>
      %dma_wait3A_1136 = tpu.memref_slice %dma_wait3A_1135[%mul3A_955] : memref<4096xi32, #tpu.memory_space<hbm>> -> memref<2048xi32, #tpu.memory_space<hbm>>
      %dma_wait3A_1137 = arith.constant 0 : i32
      %dma_wait3A_1138 = tpu.memref_slice %arg2[%select_n3A_937, %dma_wait3A_1137] : memref<200x4096xi32, #tpu.memory_space<hbm>> -> memref<1x4096xi32, #tpu.memory_space<hbm>>
      %dma_wait3A_1139 = tpu.memref_squeeze %dma_wait3A_1138 : memref<1x4096xi32, #tpu.memory_space<hbm>> -> memref<4096xi32, #tpu.memory_space<hbm>>
      %dma_wait3A_1140 = tpu.memref_slice %dma_wait3A_1139[%mul3A_955] : memref<4096xi32, #tpu.memory_space<hbm>> -> memref<2048xi32, #tpu.memory_space<hbm>>
      tpu.wait_dma2 semaphore(%run_scoped3A : memref<!tpu.dma_semaphore, #tpu.memory_space<semaphore_mem>>) src(%dma_wait3A_1140 : memref<2048xi32, #tpu.memory_space<hbm>>) dst(%arg28 : memref<2048xi32, #tpu.memory_space<vmem>>)
      tpu.yield
    }) : () -> ()
    %add3A_956 = arith.constant 352 : i32
    %add3A_957 = arith.addi %arg1, %add3A_956 : i32
    %jit3A_958 = arith.constant 2 : i32
    %div3A_959 = arith.divsi %add3A_957, %jit3A_958 : i32
    %sign3A_960 = arith.constant 0 : i32
    %sign3A_961 = arith.cmpi sgt, %add3A_957, %sign3A_960 : i32
    %sign3A_962 = arith.extui %sign3A_961 : i1 to i32
    %sign3A_963 = arith.constant 0 : i32
    %sign3A_964 = arith.cmpi slt, %add3A_957, %sign3A_963 : i32
    %sign3A_965 = arith.extui %sign3A_964 : i1 to i32
    %sign3A_966 = arith.subi %sign3A_962, %sign3A_965 : i32
    %sign3A_967 = arith.constant 0 : i32
    %sign3A_968 = arith.cmpi sgt, %jit3A_958, %sign3A_967 : i32
    %sign3A_969 = arith.extui %sign3A_968 : i1 to i32
    %sign3A_970 = arith.constant 0 : i32
    %sign3A_971 = arith.cmpi slt, %jit3A_958, %sign3A_970 : i32
    %sign3A_972 = arith.extui %sign3A_971 : i1 to i32
    %sign3A_973 = arith.subi %sign3A_969, %sign3A_972 : i32
    %ne3A_974 = arith.cmpi ne, %sign3A_966, %sign3A_973 : i32
    %rem3A_975 = arith.remsi %add3A_957, %jit3A_958 : i32
    %ne3A_976 = arith.constant 0 : i32
    %ne3A_977 = arith.cmpi ne, %rem3A_975, %ne3A_976 : i32
    %and3A_978 = arith.andi %ne3A_974, %ne3A_977 : i1
    %sub3A_979 = arith.constant 1 : i32
    %sub3A_980 = arith.subi %div3A_959, %sub3A_979 : i32
    %select_n3A_981 = arith.select %and3A_978, %sub3A_980, %div3A_959 : i32
    %jit3A_982 = arith.constant 2 : i32
    %eq3A_983 = arith.constant 0 : i32
    %eq3A_984 = arith.cmpi eq, %jit3A_982, %eq3A_983 : i32
    %jit3A_985 = arith.constant 1 : i32
    %select_n3A_986 = arith.select %eq3A_984, %jit3A_985, %jit3A_982 : i32
    %rem3A_987 = arith.remsi %add3A_957, %select_n3A_986 : i32
    %ne3A_988 = arith.constant 0 : i32
    %ne3A_989 = arith.cmpi ne, %rem3A_987, %ne3A_988 : i32
    %lt3A_990 = arith.constant 0 : i32
    %lt3A_991 = arith.cmpi slt, %rem3A_987, %lt3A_990 : i32
    %lt3A_992 = arith.constant 0 : i32
    %lt3A_993 = arith.cmpi slt, %select_n3A_986, %lt3A_992 : i32
    %ne3A_994 = arith.xori %lt3A_991, %lt3A_993 : i1
    %and3A_995 = arith.andi %ne3A_994, %ne3A_989 : i1
    %add3A_996 = arith.addi %rem3A_987, %select_n3A_986 : i32
    %select_n3A_997 = arith.select %and3A_995, %add3A_996, %rem3A_987 : i32
    %mul3A_998 = arith.constant 2048 : i32
    %mul3A_999 = arith.muli %select_n3A_997, %mul3A_998 : i32
    "tpu.region"() ({
      %run_scoped3A = tpu.sem_alloc : memref<!tpu.dma_semaphore, #tpu.memory_space<semaphore_mem>>
      %dma_start3A_1125 = arith.constant 0 : i32
      %dma_start3A_1126 = tpu.memref_slice %arg2[%select_n3A_981, %dma_start3A_1125] : memref<200x4096xi32, #tpu.memory_space<hbm>> -> memref<1x4096xi32, #tpu.memory_space<hbm>>
      %dma_start3A_1127 = tpu.memref_squeeze %dma_start3A_1126 : memref<1x4096xi32, #tpu.memory_space<hbm>> -> memref<4096xi32, #tpu.memory_space<hbm>>
      %dma_start3A_1128 = tpu.memref_slice %dma_start3A_1127[%mul3A_999] : memref<4096xi32, #tpu.memory_space<hbm>> -> memref<2048xi32, #tpu.memory_space<hbm>>
      %dma_start3A_1129 = arith.constant 0 : i32
      %dma_start3A_1130 = tpu.memref_slice %arg2[%select_n3A_981, %dma_start3A_1129] : memref<200x4096xi32, #tpu.memory_space<hbm>> -> memref<1x4096xi32, #tpu.memory_space<hbm>>
      %dma_start3A_1131 = tpu.memref_squeeze %dma_start3A_1130 : memref<1x4096xi32, #tpu.memory_space<hbm>> -> memref<4096xi32, #tpu.memory_space<hbm>>
      %dma_start3A_1132 = tpu.memref_slice %dma_start3A_1131[%mul3A_999] : memref<4096xi32, #tpu.memory_space<hbm>> -> memref<2048xi32, #tpu.memory_space<hbm>>
      tpu.enqueue_dma source(%dma_start3A_1132 : memref<2048xi32, #tpu.memory_space<hbm>>) target(%arg29 : memref<2048xi32, #tpu.memory_space<vmem>>) target_semaphore(%run_scoped3A : memref<!tpu.dma_semaphore, #tpu.memory_space<semaphore_mem>>)
      %dma_wait3A_1133 = arith.constant 0 : i32
      %dma_wait3A_1134 = tpu.memref_slice %arg2[%select_n3A_981, %dma_wait3A_1133] : memref<200x4096xi32, #tpu.memory_space<hbm>> -> memref<1x4096xi32, #tpu.memory_space<hbm>>
      %dma_wait3A_1135 = tpu.memref_squeeze %dma_wait3A_1134 : memref<1x4096xi32, #tpu.memory_space<hbm>> -> memref<4096xi32, #tpu.memory_space<hbm>>
      %dma_wait3A_1136 = tpu.memref_slice %dma_wait3A_1135[%mul3A_999] : memref<4096xi32, #tpu.memory_space<hbm>> -> memref<2048xi32, #tpu.memory_space<hbm>>
      %dma_wait3A_1137 = arith.constant 0 : i32
      %dma_wait3A_1138 = tpu.memref_slice %arg2[%select_n3A_981, %dma_wait3A_1137] : memref<200x4096xi32, #tpu.memory_space<hbm>> -> memref<1x4096xi32, #tpu.memory_space<hbm>>
      %dma_wait3A_1139 = tpu.memref_squeeze %dma_wait3A_1138 : memref<1x4096xi32, #tpu.memory_space<hbm>> -> memref<4096xi32, #tpu.memory_space<hbm>>
      %dma_wait3A_1140 = tpu.memref_slice %dma_wait3A_1139[%mul3A_999] : memref<4096xi32, #tpu.memory_space<hbm>> -> memref<2048xi32, #tpu.memory_space<hbm>>
      tpu.wait_dma2 semaphore(%run_scoped3A : memref<!tpu.dma_semaphore, #tpu.memory_space<semaphore_mem>>) src(%dma_wait3A_1140 : memref<2048xi32, #tpu.memory_space<hbm>>) dst(%arg29 : memref<2048xi32, #tpu.memory_space<vmem>>)
      tpu.yield
    }) : () -> ()
    %add3A_1000 = arith.constant 368 : i32
    %add3A_1001 = arith.addi %arg1, %add3A_1000 : i32
    %jit3A_1002 = arith.constant 2 : i32
    %div3A_1003 = arith.divsi %add3A_1001, %jit3A_1002 : i32
    %sign3A_1004 = arith.constant 0 : i32
    %sign3A_1005 = arith.cmpi sgt, %add3A_1001, %sign3A_1004 : i32
    %sign3A_1006 = arith.extui %sign3A_1005 : i1 to i32
    %sign3A_1007 = arith.constant 0 : i32
    %sign3A_1008 = arith.cmpi slt, %add3A_1001, %sign3A_1007 : i32
    %sign3A_1009 = arith.extui %sign3A_1008 : i1 to i32
    %sign3A_1010 = arith.subi %sign3A_1006, %sign3A_1009 : i32
    %sign3A_1011 = arith.constant 0 : i32
    %sign3A_1012 = arith.cmpi sgt, %jit3A_1002, %sign3A_1011 : i32
    %sign3A_1013 = arith.extui %sign3A_1012 : i1 to i32
    %sign3A_1014 = arith.constant 0 : i32
    %sign3A_1015 = arith.cmpi slt, %jit3A_1002, %sign3A_1014 : i32
    %sign3A_1016 = arith.extui %sign3A_1015 : i1 to i32
    %sign3A_1017 = arith.subi %sign3A_1013, %sign3A_1016 : i32
    %ne3A_1018 = arith.cmpi ne, %sign3A_1010, %sign3A_1017 : i32
    %rem3A_1019 = arith.remsi %add3A_1001, %jit3A_1002 : i32
    %ne3A_1020 = arith.constant 0 : i32
    %ne3A_1021 = arith.cmpi ne, %rem3A_1019, %ne3A_1020 : i32
    %and3A_1022 = arith.andi %ne3A_1018, %ne3A_1021 : i1
    %sub3A_1023 = arith.constant 1 : i32
    %sub3A_1024 = arith.subi %div3A_1003, %sub3A_1023 : i32
    %select_n3A_1025 = arith.select %and3A_1022, %sub3A_1024, %div3A_1003 : i32
    %jit3A_1026 = arith.constant 2 : i32
    %eq3A_1027 = arith.constant 0 : i32
    %eq3A_1028 = arith.cmpi eq, %jit3A_1026, %eq3A_1027 : i32
    %jit3A_1029 = arith.constant 1 : i32
    %select_n3A_1030 = arith.select %eq3A_1028, %jit3A_1029, %jit3A_1026 : i32
    %rem3A_1031 = arith.remsi %add3A_1001, %select_n3A_1030 : i32
    %ne3A_1032 = arith.constant 0 : i32
    %ne3A_1033 = arith.cmpi ne, %rem3A_1031, %ne3A_1032 : i32
    %lt3A_1034 = arith.constant 0 : i32
    %lt3A_1035 = arith.cmpi slt, %rem3A_1031, %lt3A_1034 : i32
    %lt3A_1036 = arith.constant 0 : i32
    %lt3A_1037 = arith.cmpi slt, %select_n3A_1030, %lt3A_1036 : i32
    %ne3A_1038 = arith.xori %lt3A_1035, %lt3A_1037 : i1
    %and3A_1039 = arith.andi %ne3A_1038, %ne3A_1033 : i1
    %add3A_1040 = arith.addi %rem3A_1031, %select_n3A_1030 : i32
    %select_n3A_1041 = arith.select %and3A_1039, %add3A_1040, %rem3A_1031 : i32
    %mul3A_1042 = arith.constant 2048 : i32
    %mul3A_1043 = arith.muli %select_n3A_1041, %mul3A_1042 : i32
    "tpu.region"() ({
      %run_scoped3A = tpu.sem_alloc : memref<!tpu.dma_semaphore, #tpu.memory_space<semaphore_mem>>
      %dma_start3A_1125 = arith.constant 0 : i32
      %dma_start3A_1126 = tpu.memref_slice %arg2[%select_n3A_1025, %dma_start3A_1125] : memref<200x4096xi32, #tpu.memory_space<hbm>> -> memref<1x4096xi32, #tpu.memory_space<hbm>>
      %dma_start3A_1127 = tpu.memref_squeeze %dma_start3A_1126 : memref<1x4096xi32, #tpu.memory_space<hbm>> -> memref<4096xi32, #tpu.memory_space<hbm>>
      %dma_start3A_1128 = tpu.memref_slice %dma_start3A_1127[%mul3A_1043] : memref<4096xi32, #tpu.memory_space<hbm>> -> memref<2048xi32, #tpu.memory_space<hbm>>
      %dma_start3A_1129 = arith.constant 0 : i32
      %dma_start3A_1130 = tpu.memref_slice %arg2[%select_n3A_1025, %dma_start3A_1129] : memref<200x4096xi32, #tpu.memory_space<hbm>> -> memref<1x4096xi32, #tpu.memory_space<hbm>>
      %dma_start3A_1131 = tpu.memref_squeeze %dma_start3A_1130 : memref<1x4096xi32, #tpu.memory_space<hbm>> -> memref<4096xi32, #tpu.memory_space<hbm>>
      %dma_start3A_1132 = tpu.memref_slice %dma_start3A_1131[%mul3A_1043] : memref<4096xi32, #tpu.memory_space<hbm>> -> memref<2048xi32, #tpu.memory_space<hbm>>
      tpu.enqueue_dma source(%dma_start3A_1132 : memref<2048xi32, #tpu.memory_space<hbm>>) target(%arg30 : memref<2048xi32, #tpu.memory_space<vmem>>) target_semaphore(%run_scoped3A : memref<!tpu.dma_semaphore, #tpu.memory_space<semaphore_mem>>)
      %dma_wait3A_1133 = arith.constant 0 : i32
      %dma_wait3A_1134 = tpu.memref_slice %arg2[%select_n3A_1025, %dma_wait3A_1133] : memref<200x4096xi32, #tpu.memory_space<hbm>> -> memref<1x4096xi32, #tpu.memory_space<hbm>>
      %dma_wait3A_1135 = tpu.memref_squeeze %dma_wait3A_1134 : memref<1x4096xi32, #tpu.memory_space<hbm>> -> memref<4096xi32, #tpu.memory_space<hbm>>
      %dma_wait3A_1136 = tpu.memref_slice %dma_wait3A_1135[%mul3A_1043] : memref<4096xi32, #tpu.memory_space<hbm>> -> memref<2048xi32, #tpu.memory_space<hbm>>
      %dma_wait3A_1137 = arith.constant 0 : i32
      %dma_wait3A_1138 = tpu.memref_slice %arg2[%select_n3A_1025, %dma_wait3A_1137] : memref<200x4096xi32, #tpu.memory_space<hbm>> -> memref<1x4096xi32, #tpu.memory_space<hbm>>
      %dma_wait3A_1139 = tpu.memref_squeeze %dma_wait3A_1138 : memref<1x4096xi32, #tpu.memory_space<hbm>> -> memref<4096xi32, #tpu.memory_space<hbm>>
      %dma_wait3A_1140 = tpu.memref_slice %dma_wait3A_1139[%mul3A_1043] : memref<4096xi32, #tpu.memory_space<hbm>> -> memref<2048xi32, #tpu.memory_space<hbm>>
      tpu.wait_dma2 semaphore(%run_scoped3A : memref<!tpu.dma_semaphore, #tpu.memory_space<semaphore_mem>>) src(%dma_wait3A_1140 : memref<2048xi32, #tpu.memory_space<hbm>>) dst(%arg30 : memref<2048xi32, #tpu.memory_space<vmem>>)
      tpu.yield
    }) : () -> ()
    %add3A_1044 = arith.constant 384 : i32
    %add3A_1045 = arith.addi %arg1, %add3A_1044 : i32
    %jit3A_1046 = arith.constant 2 : i32
    %div3A_1047 = arith.divsi %add3A_1045, %jit3A_1046 : i32
    %sign3A_1048 = arith.constant 0 : i32
    %sign3A_1049 = arith.cmpi sgt, %add3A_1045, %sign3A_1048 : i32
    %sign3A_1050 = arith.extui %sign3A_1049 : i1 to i32
    %sign3A_1051 = arith.constant 0 : i32
    %sign3A_1052 = arith.cmpi slt, %add3A_1045, %sign3A_1051 : i32
    %sign3A_1053 = arith.extui %sign3A_1052 : i1 to i32
    %sign3A_1054 = arith.subi %sign3A_1050, %sign3A_1053 : i32
    %sign3A_1055 = arith.constant 0 : i32
    %sign3A_1056 = arith.cmpi sgt, %jit3A_1046, %sign3A_1055 : i32
    %sign3A_1057 = arith.extui %sign3A_1056 : i1 to i32
    %sign3A_1058 = arith.constant 0 : i32
    %sign3A_1059 = arith.cmpi slt, %jit3A_1046, %sign3A_1058 : i32
    %sign3A_1060 = arith.extui %sign3A_1059 : i1 to i32
    %sign3A_1061 = arith.subi %sign3A_1057, %sign3A_1060 : i32
    %ne3A_1062 = arith.cmpi ne, %sign3A_1054, %sign3A_1061 : i32
    %rem3A_1063 = arith.remsi %add3A_1045, %jit3A_1046 : i32
    %ne3A_1064 = arith.constant 0 : i32
    %ne3A_1065 = arith.cmpi ne, %rem3A_1063, %ne3A_1064 : i32
    %and3A_1066 = arith.andi %ne3A_1062, %ne3A_1065 : i1
    %sub3A_1067 = arith.constant 1 : i32
    %sub3A_1068 = arith.subi %div3A_1047, %sub3A_1067 : i32
    %select_n3A_1069 = arith.select %and3A_1066, %sub3A_1068, %div3A_1047 : i32
    %jit3A_1070 = arith.constant 2 : i32
    %eq3A_1071 = arith.constant 0 : i32
    %eq3A_1072 = arith.cmpi eq, %jit3A_1070, %eq3A_1071 : i32
    %jit3A_1073 = arith.constant 1 : i32
    %select_n3A_1074 = arith.select %eq3A_1072, %jit3A_1073, %jit3A_1070 : i32
    %rem3A_1075 = arith.remsi %add3A_1045, %select_n3A_1074 : i32
    %ne3A_1076 = arith.constant 0 : i32
    %ne3A_1077 = arith.cmpi ne, %rem3A_1075, %ne3A_1076 : i32
    %lt3A_1078 = arith.constant 0 : i32
    %lt3A_1079 = arith.cmpi slt, %rem3A_1075, %lt3A_1078 : i32
    %lt3A_1080 = arith.constant 0 : i32
    %lt3A_1081 = arith.cmpi slt, %select_n3A_1074, %lt3A_1080 : i32
    %ne3A_1082 = arith.xori %lt3A_1079, %lt3A_1081 : i1
    %and3A_1083 = arith.andi %ne3A_1082, %ne3A_1077 : i1
    %add3A_1084 = arith.addi %rem3A_1075, %select_n3A_1074 : i32
    %select_n3A_1085 = arith.select %and3A_1083, %add3A_1084, %rem3A_1075 : i32
    %mul3A_1086 = arith.constant 2048 : i32
    %mul3A_1087 = arith.muli %select_n3A_1085, %mul3A_1086 : i32
    "tpu.region"() ({
      %run_scoped3A = tpu.sem_alloc : memref<!tpu.dma_semaphore, #tpu.memory_space<semaphore_mem>>
      %dma_start3A_1125 = arith.constant 0 : i32
      %dma_start3A_1126 = tpu.memref_slice %arg2[%select_n3A_1069, %dma_start3A_1125] : memref<200x4096xi32, #tpu.memory_space<hbm>> -> memref<1x4096xi32, #tpu.memory_space<hbm>>
      %dma_start3A_1127 = tpu.memref_squeeze %dma_start3A_1126 : memref<1x4096xi32, #tpu.memory_space<hbm>> -> memref<4096xi32, #tpu.memory_space<hbm>>
      %dma_start3A_1128 = tpu.memref_slice %dma_start3A_1127[%mul3A_1087] : memref<4096xi32, #tpu.memory_space<hbm>> -> memref<2048xi32, #tpu.memory_space<hbm>>
      %dma_start3A_1129 = arith.constant 0 : i32
      %dma_start3A_1130 = tpu.memref_slice %arg2[%select_n3A_1069, %dma_start3A_1129] : memref<200x4096xi32, #tpu.memory_space<hbm>> -> memref<1x4096xi32, #tpu.memory_space<hbm>>
      %dma_start3A_1131 = tpu.memref_squeeze %dma_start3A_1130 : memref<1x4096xi32, #tpu.memory_space<hbm>> -> memref<4096xi32, #tpu.memory_space<hbm>>
      %dma_start3A_1132 = tpu.memref_slice %dma_start3A_1131[%mul3A_1087] : memref<4096xi32, #tpu.memory_space<hbm>> -> memref<2048xi32, #tpu.memory_space<hbm>>
      tpu.enqueue_dma source(%dma_start3A_1132 : memref<2048xi32, #tpu.memory_space<hbm>>) target(%arg31 : memref<2048xi32, #tpu.memory_space<vmem>>) target_semaphore(%run_scoped3A : memref<!tpu.dma_semaphore, #tpu.memory_space<semaphore_mem>>)
      %dma_wait3A_1133 = arith.constant 0 : i32
      %dma_wait3A_1134 = tpu.memref_slice %arg2[%select_n3A_1069, %dma_wait3A_1133] : memref<200x4096xi32, #tpu.memory_space<hbm>> -> memref<1x4096xi32, #tpu.memory_space<hbm>>
      %dma_wait3A_1135 = tpu.memref_squeeze %dma_wait3A_1134 : memref<1x4096xi32, #tpu.memory_space<hbm>> -> memref<4096xi32, #tpu.memory_space<hbm>>
      %dma_wait3A_1136 = tpu.memref_slice %dma_wait3A_1135[%mul3A_1087] : memref<4096xi32, #tpu.memory_space<hbm>> -> memref<2048xi32, #tpu.memory_space<hbm>>
      %dma_wait3A_1137 = arith.constant 0 : i32
      %dma_wait3A_1138 = tpu.memref_slice %arg2[%select_n3A_1069, %dma_wait3A_1137] : memref<200x4096xi32, #tpu.memory_space<hbm>> -> memref<1x4096xi32, #tpu.memory_space<hbm>>
      %dma_wait3A_1139 = tpu.memref_squeeze %dma_wait3A_1138 : memref<1x4096xi32, #tpu.memory_space<hbm>> -> memref<4096xi32, #tpu.memory_space<hbm>>
      %dma_wait3A_1140 = tpu.memref_slice %dma_wait3A_1139[%mul3A_1087] : memref<4096xi32, #tpu.memory_space<hbm>> -> memref<2048xi32, #tpu.memory_space<hbm>>
      tpu.wait_dma2 semaphore(%run_scoped3A : memref<!tpu.dma_semaphore, #tpu.memory_space<semaphore_mem>>) src(%dma_wait3A_1140 : memref<2048xi32, #tpu.memory_space<hbm>>) dst(%arg31 : memref<2048xi32, #tpu.memory_space<vmem>>)
      tpu.yield
    }) : () -> ()
    %mul3A_1088 = arith.constant 32 : i32
    %mul3A_1089 = arith.muli %arg0, %mul3A_1088 : i32
    %mul3A_1090 = arith.constant 62464 : i32
    %mul3A_1091 = arith.muli %arg1, %mul3A_1090 : i32
    %mul3A_1092 = arith.constant 62464 : i32
    %mul3A_1093 = arith.muli %arg1, %mul3A_1092 : i32
    %dma_start3A = tpu.memref_slice %arg6[%mul3A_1093] : memref<1000064xf32, #tpu.memory_space<vmem_shared>> -> memref<62464xf32, #tpu.memory_space<vmem_shared>>
    %dma_start3A_1094 = arith.constant 0 : i32
    %dma_start3A_1095 = tpu.memref_slice %arg3[%mul3A_1089, %dma_start3A_1094] : memref<64x1000000xf32, #tpu.memory_space<hbm>> -> memref<1x1000000xf32, #tpu.memory_space<hbm>>
    %dma_start3A_1096 = tpu.memref_squeeze %dma_start3A_1095 : memref<1x1000000xf32, #tpu.memory_space<hbm>> -> memref<1000000xf32, #tpu.memory_space<hbm>>
    %dma_start3A_1097 = tpu.memref_slice %dma_start3A_1096[%mul3A_1091] : memref<1000000xf32, #tpu.memory_space<hbm>> -> memref<62464xf32, #tpu.memory_space<hbm>>
    tpu.enqueue_dma source(%dma_start3A_1097 : memref<62464xf32, #tpu.memory_space<hbm>>) target(%dma_start3A : memref<62464xf32, #tpu.memory_space<vmem_shared>>) target_semaphore(%arg40 : memref<!tpu.dma_semaphore, #tpu.memory_space<semaphore_mem>>)
    %lt3A_1098 = arith.constant 4 : i32
    %lt3A_1099 = arith.cmpi slt, %arg1, %lt3A_1098 : i32
    %convert_element_type3A = arith.extui %lt3A_1099 : i1 to i32
    %cond3A = arith.constant 0 : i32
    %cond3A_1100 = arith.cmpi ne, %convert_element_type3A, %cond3A : i32
    scf.if %cond3A_1100 {
      %mul3A_1125 = arith.constant 128 : i32
      %mul3A_1126 = arith.muli %mul3A_1125, %arg1 : i32
      %add3A_1127 = arith.constant 999424 : i32
      %add3A_1128 = arith.addi %add3A_1127, %mul3A_1126 : i32
      %mul3A_1129 = arith.constant 128 : i32
      %mul3A_1130 = arith.muli %mul3A_1129, %arg1 : i32
      %add3A_1131 = arith.constant 999424 : i32
      %add3A_1132 = arith.addi %add3A_1131, %mul3A_1130 : i32
      %dma_start3A_1133 = tpu.memref_slice %arg6[%add3A_1132] : memref<1000064xf32, #tpu.memory_space<vmem_shared>> -> memref<128xf32, #tpu.memory_space<vmem_shared>>
      %dma_start3A_1134 = arith.constant 0 : i32
      %dma_start3A_1135 = tpu.memref_slice %arg3[%mul3A_1089, %dma_start3A_1134] : memref<64x1000000xf32, #tpu.memory_space<hbm>> -> memref<1x1000000xf32, #tpu.memory_space<hbm>>
      %dma_start3A_1136 = tpu.memref_squeeze %dma_start3A_1135 : memref<1x1000000xf32, #tpu.memory_space<hbm>> -> memref<1000000xf32, #tpu.memory_space<hbm>>
      %dma_start3A_1137 = tpu.memref_slice %dma_start3A_1136[%add3A_1128] : memref<1000000xf32, #tpu.memory_space<hbm>> -> memref<128xf32, #tpu.memory_space<hbm>>
      tpu.enqueue_dma source(%dma_start3A_1137 : memref<128xf32, #tpu.memory_space<hbm>>) target(%dma_start3A_1133 : memref<128xf32, #tpu.memory_space<vmem_shared>>) target_semaphore(%arg40 : memref<!tpu.dma_semaphore, #tpu.memory_space<semaphore_mem>>)
    } else {
    }
    %eq3A_1101 = arith.constant 4 : i32
    %eq3A_1102 = arith.cmpi eq, %arg1, %eq3A_1101 : i32
    %convert_element_type3A_1103 = arith.extui %eq3A_1102 : i1 to i32
    %cond3A_1104 = arith.constant 0 : i32
    %cond3A_1105 = arith.cmpi ne, %convert_element_type3A_1103, %cond3A_1104 : i32
    scf.if %cond3A_1105 {
      %dma_start3A_1125 = arith.constant 999936 : i32
      %dma_start3A_1126 = tpu.memref_slice %arg6[%dma_start3A_1125] : memref<1000064xf32, #tpu.memory_space<vmem_shared>> -> memref<128xf32, #tpu.memory_space<vmem_shared>>
      %dma_start3A_1127 = arith.constant 0 : i32
      %dma_start3A_1128 = tpu.memref_slice %arg4[%mul3A_1089, %dma_start3A_1127] : memref<64x128xf32, #tpu.memory_space<hbm>> -> memref<1x128xf32, #tpu.memory_space<hbm>>
      %dma_start3A_1129 = tpu.memref_squeeze %dma_start3A_1128 : memref<1x128xf32, #tpu.memory_space<hbm>> -> memref<128xf32, #tpu.memory_space<hbm>>
      tpu.enqueue_dma source(%dma_start3A_1129 : memref<128xf32, #tpu.memory_space<hbm>>) target(%dma_start3A_1126 : memref<128xf32, #tpu.memory_space<vmem_shared>>) target_semaphore(%arg40 : memref<!tpu.dma_semaphore, #tpu.memory_space<semaphore_mem>>)
    } else {
    }
    %dma_wait3A = arith.constant 0 : i32
    %dma_wait3A_1106 = arith.constant 0 : i32
    %dma_wait3A_1107 = tpu.memref_slice %arg6[%dma_wait3A_1106] : memref<1000064xf32, #tpu.memory_space<vmem_shared>> -> memref<62464xf32, #tpu.memory_space<vmem_shared>>
    %dma_wait3A_1108 = arith.constant 0 : i32
    %dma_wait3A_1109 = tpu.memref_slice %arg3[%dma_wait3A, %dma_wait3A_1108] : memref<64x1000000xf32, #tpu.memory_space<hbm>> -> memref<1x1000000xf32, #tpu.memory_space<hbm>>
    %dma_wait3A_1110 = tpu.memref_squeeze %dma_wait3A_1109 : memref<1x1000000xf32, #tpu.memory_space<hbm>> -> memref<1000000xf32, #tpu.memory_space<hbm>>
    %dma_wait3A_1111 = arith.constant 0 : i32
    %dma_wait3A_1112 = tpu.memref_slice %dma_wait3A_1110[%dma_wait3A_1111] : memref<1000000xf32, #tpu.memory_space<hbm>> -> memref<62464xf32, #tpu.memory_space<hbm>>
    tpu.wait_dma2 semaphore(%arg40 : memref<!tpu.dma_semaphore, #tpu.memory_space<semaphore_mem>>) src(%dma_wait3A_1112 : memref<62464xf32, #tpu.memory_space<hbm>>) dst(%dma_wait3A_1107 : memref<62464xf32, #tpu.memory_space<vmem_shared>>)
    %lt3A_1113 = arith.constant 4 : i32
    %lt3A_1114 = arith.cmpi slt, %arg1, %lt3A_1113 : i32
    %eq3A_1115 = arith.constant 4 : i32
    %eq3A_1116 = arith.cmpi eq, %arg1, %eq3A_1115 : i32
    %or3A = arith.ori %lt3A_1114, %eq3A_1116 : i1
    %convert_element_type3A_1117 = arith.extui %or3A : i1 to i32
    %cond3A_1118 = arith.constant 0 : i32
    %cond3A_1119 = arith.cmpi ne, %convert_element_type3A_1117, %cond3A_1118 : i32
    scf.if %cond3A_1119 {
      %dma_wait3A_1125 = arith.constant 0 : i32
      %dma_wait3A_1126 = arith.constant 999936 : i32
      %dma_wait3A_1127 = tpu.memref_slice %arg6[%dma_wait3A_1126] : memref<1000064xf32, #tpu.memory_space<vmem_shared>> -> memref<128xf32, #tpu.memory_space<vmem_shared>>
      %dma_wait3A_1128 = arith.constant 0 : i32
      %dma_wait3A_1129 = tpu.memref_slice %arg4[%dma_wait3A_1125, %dma_wait3A_1128] : memref<64x128xf32, #tpu.memory_space<hbm>> -> memref<1x128xf32, #tpu.memory_space<hbm>>
      %dma_wait3A_1130 = tpu.memref_squeeze %dma_wait3A_1129 : memref<1x128xf32, #tpu.memory_space<hbm>> -> memref<128xf32, #tpu.memory_space<hbm>>
      tpu.wait_dma2 semaphore(%arg40 : memref<!tpu.dma_semaphore, #tpu.memory_space<semaphore_mem>>) src(%dma_wait3A_1130 : memref<128xf32, #tpu.memory_space<hbm>>) dst(%dma_wait3A_1127 : memref<128xf32, #tpu.memory_space<vmem_shared>>)
    } else {
    }
    %barrier3A = arith.constant 0 : index
    tpu.barrier barrier_id(%barrier3A)
    %scan3A = arith.constant 0 : i32
    %scan3A_1120 = arith.constant 0 : i32
    %scan3A_1121 = arith.constant 32 : i32
    %scan3A_1122 = arith.addi %scan3A_1120, %scan3A_1121 : i32
    %scan3A_1123 = arith.constant 1 : i32
    scf.for %scan3A_1125 = %scan3A_1120 to %scan3A_1122 step %scan3A_1123  : i32 {
      %add3A_1126 = arith.addi %mul3A_1089, %scan3A_1125 : i32
      %dma_start3A_1127 = arith.constant 0 : i32
      %dma_start3A_1128 = tpu.memref_slice %arg6[%dma_start3A_1127] : memref<1000064xf32, #tpu.memory_space<vmem_shared>> -> memref<1000064xf32, #tpu.memory_space<vmem_shared>>
      tpu.enqueue_indirect_dma source(%dma_start3A_1128 : memref<1000064xf32, #tpu.memory_space<vmem_shared>>) target(%arg32 : memref<2048xf32, #tpu.memory_space<vmem>>) offsets(%arg7 : memref<2048xi32, #tpu.memory_space<vmem>>) semaphore(%arg41 : memref<!tpu.dma_semaphore, #tpu.memory_space<semaphore_mem>>)
      %dma_start3A_1129 = arith.constant 0 : i32
      %dma_start3A_1130 = tpu.memref_slice %arg6[%dma_start3A_1129] : memref<1000064xf32, #tpu.memory_space<vmem_shared>> -> memref<1000064xf32, #tpu.memory_space<vmem_shared>>
      tpu.enqueue_indirect_dma source(%dma_start3A_1130 : memref<1000064xf32, #tpu.memory_space<vmem_shared>>) target(%arg33 : memref<2048xf32, #tpu.memory_space<vmem>>) offsets(%arg8 : memref<2048xi32, #tpu.memory_space<vmem>>) semaphore(%arg42 : memref<!tpu.dma_semaphore, #tpu.memory_space<semaphore_mem>>)
      %dma_start3A_1131 = arith.constant 0 : i32
      %dma_start3A_1132 = tpu.memref_slice %arg6[%dma_start3A_1131] : memref<1000064xf32, #tpu.memory_space<vmem_shared>> -> memref<1000064xf32, #tpu.memory_space<vmem_shared>>
      tpu.enqueue_indirect_dma source(%dma_start3A_1132 : memref<1000064xf32, #tpu.memory_space<vmem_shared>>) target(%arg34 : memref<2048xf32, #tpu.memory_space<vmem>>) offsets(%arg9 : memref<2048xi32, #tpu.memory_space<vmem>>) semaphore(%arg43 : memref<!tpu.dma_semaphore, #tpu.memory_space<semaphore_mem>>)
      %dma_start3A_1133 = arith.constant 0 : i32
      %dma_start3A_1134 = tpu.memref_slice %arg6[%dma_start3A_1133] : memref<1000064xf32, #tpu.memory_space<vmem_shared>> -> memref<1000064xf32, #tpu.memory_space<vmem_shared>>
      tpu.enqueue_indirect_dma source(%dma_start3A_1134 : memref<1000064xf32, #tpu.memory_space<vmem_shared>>) target(%arg35 : memref<2048xf32, #tpu.memory_space<vmem>>) offsets(%arg10 : memref<2048xi32, #tpu.memory_space<vmem>>) semaphore(%arg44 : memref<!tpu.dma_semaphore, #tpu.memory_space<semaphore_mem>>)
      %dma_start3A_1135 = arith.constant 0 : i32
      %dma_start3A_1136 = tpu.memref_slice %arg6[%dma_start3A_1135] : memref<1000064xf32, #tpu.memory_space<vmem_shared>> -> memref<1000064xf32, #tpu.memory_space<vmem_shared>>
      tpu.enqueue_indirect_dma source(%dma_start3A_1136 : memref<1000064xf32, #tpu.memory_space<vmem_shared>>) target(%arg36 : memref<2048xf32, #tpu.memory_space<vmem>>) offsets(%arg11 : memref<2048xi32, #tpu.memory_space<vmem>>) semaphore(%arg45 : memref<!tpu.dma_semaphore, #tpu.memory_space<semaphore_mem>>)
      %dma_start3A_1137 = arith.constant 0 : i32
      %dma_start3A_1138 = tpu.memref_slice %arg6[%dma_start3A_1137] : memref<1000064xf32, #tpu.memory_space<vmem_shared>> -> memref<1000064xf32, #tpu.memory_space<vmem_shared>>
      tpu.enqueue_indirect_dma source(%dma_start3A_1138 : memref<1000064xf32, #tpu.memory_space<vmem_shared>>) target(%arg37 : memref<2048xf32, #tpu.memory_space<vmem>>) offsets(%arg12 : memref<2048xi32, #tpu.memory_space<vmem>>) semaphore(%arg46 : memref<!tpu.dma_semaphore, #tpu.memory_space<semaphore_mem>>)
      %dma_start3A_1139 = arith.constant 0 : i32
      %dma_start3A_1140 = tpu.memref_slice %arg6[%dma_start3A_1139] : memref<1000064xf32, #tpu.memory_space<vmem_shared>> -> memref<1000064xf32, #tpu.memory_space<vmem_shared>>
      tpu.enqueue_indirect_dma source(%dma_start3A_1140 : memref<1000064xf32, #tpu.memory_space<vmem_shared>>) target(%arg38 : memref<2048xf32, #tpu.memory_space<vmem>>) offsets(%arg13 : memref<2048xi32, #tpu.memory_space<vmem>>) semaphore(%arg47 : memref<!tpu.dma_semaphore, #tpu.memory_space<semaphore_mem>>)
      %dma_start3A_1141 = arith.constant 0 : i32
      %dma_start3A_1142 = tpu.memref_slice %arg6[%dma_start3A_1141] : memref<1000064xf32, #tpu.memory_space<vmem_shared>> -> memref<1000064xf32, #tpu.memory_space<vmem_shared>>
      tpu.enqueue_indirect_dma source(%dma_start3A_1142 : memref<1000064xf32, #tpu.memory_space<vmem_shared>>) target(%arg39 : memref<2048xf32, #tpu.memory_space<vmem>>) offsets(%arg14 : memref<2048xi32, #tpu.memory_space<vmem>>) semaphore(%arg48 : memref<!tpu.dma_semaphore, #tpu.memory_space<semaphore_mem>>)
      %add3A_1143 = arith.constant 0 : i32
      %add3A_1144 = arith.addi %arg1, %add3A_1143 : i32
      %jit3A_1145 = arith.constant 2 : i32
      %div3A_1146 = arith.divsi %add3A_1144, %jit3A_1145 : i32
      %sign3A_1147 = arith.constant 0 : i32
      %sign3A_1148 = arith.cmpi sgt, %add3A_1144, %sign3A_1147 : i32
      %sign3A_1149 = arith.extui %sign3A_1148 : i1 to i32
      %sign3A_1150 = arith.constant 0 : i32
      %sign3A_1151 = arith.cmpi slt, %add3A_1144, %sign3A_1150 : i32
      %sign3A_1152 = arith.extui %sign3A_1151 : i1 to i32
      %sign3A_1153 = arith.subi %sign3A_1149, %sign3A_1152 : i32
      %sign3A_1154 = arith.constant 0 : i32
      %sign3A_1155 = arith.cmpi sgt, %jit3A_1145, %sign3A_1154 : i32
      %sign3A_1156 = arith.extui %sign3A_1155 : i1 to i32
      %sign3A_1157 = arith.constant 0 : i32
      %sign3A_1158 = arith.cmpi slt, %jit3A_1145, %sign3A_1157 : i32
      %sign3A_1159 = arith.extui %sign3A_1158 : i1 to i32
      %sign3A_1160 = arith.subi %sign3A_1156, %sign3A_1159 : i32
      %ne3A_1161 = arith.cmpi ne, %sign3A_1153, %sign3A_1160 : i32
      %rem3A_1162 = arith.remsi %add3A_1144, %jit3A_1145 : i32
      %ne3A_1163 = arith.constant 0 : i32
      %ne3A_1164 = arith.cmpi ne, %rem3A_1162, %ne3A_1163 : i32
      %and3A_1165 = arith.andi %ne3A_1161, %ne3A_1164 : i1
      %sub3A_1166 = arith.constant 1 : i32
      %sub3A_1167 = arith.subi %div3A_1146, %sub3A_1166 : i32
      %select_n3A_1168 = arith.select %and3A_1165, %sub3A_1167, %div3A_1146 : i32
      %jit3A_1169 = arith.constant 2 : i32
      %eq3A_1170 = arith.constant 0 : i32
      %eq3A_1171 = arith.cmpi eq, %jit3A_1169, %eq3A_1170 : i32
      %jit3A_1172 = arith.constant 1 : i32
      %select_n3A_1173 = arith.select %eq3A_1171, %jit3A_1172, %jit3A_1169 : i32
      %rem3A_1174 = arith.remsi %add3A_1144, %select_n3A_1173 : i32
      %ne3A_1175 = arith.constant 0 : i32
      %ne3A_1176 = arith.cmpi ne, %rem3A_1174, %ne3A_1175 : i32
      %lt3A_1177 = arith.constant 0 : i32
      %lt3A_1178 = arith.cmpi slt, %rem3A_1174, %lt3A_1177 : i32
      %lt3A_1179 = arith.constant 0 : i32
      %lt3A_1180 = arith.cmpi slt, %select_n3A_1173, %lt3A_1179 : i32
      %ne3A_1181 = arith.xori %lt3A_1178, %lt3A_1180 : i1
      %and3A_1182 = arith.andi %ne3A_1181, %ne3A_1176 : i1
      %add3A_1183 = arith.addi %rem3A_1174, %select_n3A_1173 : i32
      %select_n3A_1184 = arith.select %and3A_1182, %add3A_1183, %rem3A_1174 : i32
      %mul3A_1185 = arith.constant 2048 : i32
      %mul3A_1186 = arith.muli %select_n3A_1184, %mul3A_1185 : i32
      %dma_wait3A_1187 = arith.constant 0 : i32
      %dma_wait3A_1188 = tpu.memref_slice %arg6[%dma_wait3A_1187] : memref<1000064xf32, #tpu.memory_space<vmem_shared>> -> memref<1000064xf32, #tpu.memory_space<vmem_shared>>
      tpu.wait_indirect_dma semaphore(%arg41 : memref<!tpu.dma_semaphore, #tpu.memory_space<semaphore_mem>>) src(%dma_wait3A_1188 : memref<1000064xf32, #tpu.memory_space<vmem_shared>>) dst(%arg32 : memref<2048xf32, #tpu.memory_space<vmem>>)
      %dma_start3A_1189 = arith.constant 0 : i32
      %dma_start3A_1190 = arith.constant 0 : i32
      %dma_start3A_1191 = tpu.memref_slice %arg5[%select_n3A_1168, %dma_start3A_1189, %dma_start3A_1190] : memref<200x64x4096xf32, #tpu.memory_space<hbm>> -> memref<1x64x4096xf32, #tpu.memory_space<hbm>>
      %dma_start3A_1192 = tpu.memref_squeeze %dma_start3A_1191 : memref<1x64x4096xf32, #tpu.memory_space<hbm>> -> memref<64x4096xf32, #tpu.memory_space<hbm>>
      %dma_start3A_1193 = arith.constant 0 : i32
      %dma_start3A_1194 = tpu.memref_slice %dma_start3A_1192[%add3A_1126, %dma_start3A_1193] : memref<64x4096xf32, #tpu.memory_space<hbm>> -> memref<1x4096xf32, #tpu.memory_space<hbm>>
      %dma_start3A_1195 = tpu.memref_squeeze %dma_start3A_1194 : memref<1x4096xf32, #tpu.memory_space<hbm>> -> memref<4096xf32, #tpu.memory_space<hbm>>
      %dma_start3A_1196 = tpu.memref_slice %dma_start3A_1195[%mul3A_1186] : memref<4096xf32, #tpu.memory_space<hbm>> -> memref<2048xf32, #tpu.memory_space<hbm>>
      %dma_start3A_1197 = arith.constant 0 : i32
      %dma_start3A_1198 = arith.constant 0 : i32
      %dma_start3A_1199 = tpu.memref_slice %arg5[%select_n3A_1168, %dma_start3A_1197, %dma_start3A_1198] : memref<200x64x4096xf32, #tpu.memory_space<hbm>> -> memref<1x64x4096xf32, #tpu.memory_space<hbm>>
      %dma_start3A_1200 = tpu.memref_squeeze %dma_start3A_1199 : memref<1x64x4096xf32, #tpu.memory_space<hbm>> -> memref<64x4096xf32, #tpu.memory_space<hbm>>
      %dma_start3A_1201 = arith.constant 0 : i32
      %dma_start3A_1202 = tpu.memref_slice %dma_start3A_1200[%add3A_1126, %dma_start3A_1201] : memref<64x4096xf32, #tpu.memory_space<hbm>> -> memref<1x4096xf32, #tpu.memory_space<hbm>>
      %dma_start3A_1203 = tpu.memref_squeeze %dma_start3A_1202 : memref<1x4096xf32, #tpu.memory_space<hbm>> -> memref<4096xf32, #tpu.memory_space<hbm>>
      %dma_start3A_1204 = tpu.memref_slice %dma_start3A_1203[%mul3A_1186] : memref<4096xf32, #tpu.memory_space<hbm>> -> memref<2048xf32, #tpu.memory_space<hbm>>
      tpu.enqueue_dma source(%arg32 : memref<2048xf32, #tpu.memory_space<vmem>>) target(%dma_start3A_1204 : memref<2048xf32, #tpu.memory_space<hbm>>) target_semaphore(%arg49 : memref<!tpu.dma_semaphore, #tpu.memory_space<semaphore_mem>>)
      %dma_wait3A_1205 = arith.constant 0 : i32
      %dma_wait3A_1206 = arith.constant 0 : i32
      %dma_wait3A_1207 = arith.constant 0 : i32
      %dma_wait3A_1208 = arith.constant 0 : i32
      %dma_wait3A_1209 = tpu.memref_slice %arg5[%dma_wait3A_1205, %dma_wait3A_1207, %dma_wait3A_1208] : memref<200x64x4096xf32, #tpu.memory_space<hbm>> -> memref<1x64x4096xf32, #tpu.memory_space<hbm>>
      %dma_wait3A_1210 = tpu.memref_squeeze %dma_wait3A_1209 : memref<1x64x4096xf32, #tpu.memory_space<hbm>> -> memref<64x4096xf32, #tpu.memory_space<hbm>>
      %dma_wait3A_1211 = arith.constant 0 : i32
      %dma_wait3A_1212 = tpu.memref_slice %dma_wait3A_1210[%dma_wait3A_1206, %dma_wait3A_1211] : memref<64x4096xf32, #tpu.memory_space<hbm>> -> memref<1x4096xf32, #tpu.memory_space<hbm>>
      %dma_wait3A_1213 = tpu.memref_squeeze %dma_wait3A_1212 : memref<1x4096xf32, #tpu.memory_space<hbm>> -> memref<4096xf32, #tpu.memory_space<hbm>>
      %dma_wait3A_1214 = arith.constant 0 : i32
      %dma_wait3A_1215 = tpu.memref_slice %dma_wait3A_1213[%dma_wait3A_1214] : memref<4096xf32, #tpu.memory_space<hbm>> -> memref<2048xf32, #tpu.memory_space<hbm>>
      %dma_wait3A_1216 = arith.constant 0 : i32
      %dma_wait3A_1217 = arith.constant 0 : i32
      %dma_wait3A_1218 = tpu.memref_slice %arg5[%dma_wait3A_1205, %dma_wait3A_1216, %dma_wait3A_1217] : memref<200x64x4096xf32, #tpu.memory_space<hbm>> -> memref<1x64x4096xf32, #tpu.memory_space<hbm>>
      %dma_wait3A_1219 = tpu.memref_squeeze %dma_wait3A_1218 : memref<1x64x4096xf32, #tpu.memory_space<hbm>> -> memref<64x4096xf32, #tpu.memory_space<hbm>>
      %dma_wait3A_1220 = arith.constant 0 : i32
      %dma_wait3A_1221 = tpu.memref_slice %dma_wait3A_1219[%dma_wait3A_1206, %dma_wait3A_1220] : memref<64x4096xf32, #tpu.memory_space<hbm>> -> memref<1x4096xf32, #tpu.memory_space<hbm>>
      %dma_wait3A_1222 = tpu.memref_squeeze %dma_wait3A_1221 : memref<1x4096xf32, #tpu.memory_space<hbm>> -> memref<4096xf32, #tpu.memory_space<hbm>>
      %dma_wait3A_1223 = arith.constant 0 : i32
      %dma_wait3A_1224 = tpu.memref_slice %dma_wait3A_1222[%dma_wait3A_1223] : memref<4096xf32, #tpu.memory_space<hbm>> -> memref<2048xf32, #tpu.memory_space<hbm>>
      tpu.wait_dma2 semaphore(%arg49 : memref<!tpu.dma_semaphore, #tpu.memory_space<semaphore_mem>>) src(%arg32 : memref<2048xf32, #tpu.memory_space<vmem>>) dst(%dma_wait3A_1224 : memref<2048xf32, #tpu.memory_space<hbm>>)
      %dma_start3A_1225 = arith.constant 0 : i32
      %dma_start3A_1226 = tpu.memref_slice %arg6[%dma_start3A_1225] : memref<1000064xf32, #tpu.memory_space<vmem_shared>> -> memref<1000064xf32, #tpu.memory_space<vmem_shared>>
      tpu.enqueue_indirect_dma source(%dma_start3A_1226 : memref<1000064xf32, #tpu.memory_space<vmem_shared>>) target(%arg32 : memref<2048xf32, #tpu.memory_space<vmem>>) offsets(%arg15 : memref<2048xi32, #tpu.memory_space<vmem>>) semaphore(%arg41 : memref<!tpu.dma_semaphore, #tpu.memory_space<semaphore_mem>>)
      %add3A_1227 = arith.constant 16 : i32
      %add3A_1228 = arith.addi %arg1, %add3A_1227 : i32
      %jit3A_1229 = arith.constant 2 : i32
      %div3A_1230 = arith.divsi %add3A_1228, %jit3A_1229 : i32
      %sign3A_1231 = arith.constant 0 : i32
      %sign3A_1232 = arith.cmpi sgt, %add3A_1228, %sign3A_1231 : i32
      %sign3A_1233 = arith.extui %sign3A_1232 : i1 to i32
      %sign3A_1234 = arith.constant 0 : i32
      %sign3A_1235 = arith.cmpi slt, %add3A_1228, %sign3A_1234 : i32
      %sign3A_1236 = arith.extui %sign3A_1235 : i1 to i32
      %sign3A_1237 = arith.subi %sign3A_1233, %sign3A_1236 : i32
      %sign3A_1238 = arith.constant 0 : i32
      %sign3A_1239 = arith.cmpi sgt, %jit3A_1229, %sign3A_1238 : i32
      %sign3A_1240 = arith.extui %sign3A_1239 : i1 to i32
      %sign3A_1241 = arith.constant 0 : i32
      %sign3A_1242 = arith.cmpi slt, %jit3A_1229, %sign3A_1241 : i32
      %sign3A_1243 = arith.extui %sign3A_1242 : i1 to i32
      %sign3A_1244 = arith.subi %sign3A_1240, %sign3A_1243 : i32
      %ne3A_1245 = arith.cmpi ne, %sign3A_1237, %sign3A_1244 : i32
      %rem3A_1246 = arith.remsi %add3A_1228, %jit3A_1229 : i32
      %ne3A_1247 = arith.constant 0 : i32
      %ne3A_1248 = arith.cmpi ne, %rem3A_1246, %ne3A_1247 : i32
      %and3A_1249 = arith.andi %ne3A_1245, %ne3A_1248 : i1
      %sub3A_1250 = arith.constant 1 : i32
      %sub3A_1251 = arith.subi %div3A_1230, %sub3A_1250 : i32
      %select_n3A_1252 = arith.select %and3A_1249, %sub3A_1251, %div3A_1230 : i32
      %jit3A_1253 = arith.constant 2 : i32
      %eq3A_1254 = arith.constant 0 : i32
      %eq3A_1255 = arith.cmpi eq, %jit3A_1253, %eq3A_1254 : i32
      %jit3A_1256 = arith.constant 1 : i32
      %select_n3A_1257 = arith.select %eq3A_1255, %jit3A_1256, %jit3A_1253 : i32
      %rem3A_1258 = arith.remsi %add3A_1228, %select_n3A_1257 : i32
      %ne3A_1259 = arith.constant 0 : i32
      %ne3A_1260 = arith.cmpi ne, %rem3A_1258, %ne3A_1259 : i32
      %lt3A_1261 = arith.constant 0 : i32
      %lt3A_1262 = arith.cmpi slt, %rem3A_1258, %lt3A_1261 : i32
      %lt3A_1263 = arith.constant 0 : i32
      %lt3A_1264 = arith.cmpi slt, %select_n3A_1257, %lt3A_1263 : i32
      %ne3A_1265 = arith.xori %lt3A_1262, %lt3A_1264 : i1
      %and3A_1266 = arith.andi %ne3A_1265, %ne3A_1260 : i1
      %add3A_1267 = arith.addi %rem3A_1258, %select_n3A_1257 : i32
      %select_n3A_1268 = arith.select %and3A_1266, %add3A_1267, %rem3A_1258 : i32
      %mul3A_1269 = arith.constant 2048 : i32
      %mul3A_1270 = arith.muli %select_n3A_1268, %mul3A_1269 : i32
      %dma_wait3A_1271 = arith.constant 0 : i32
      %dma_wait3A_1272 = tpu.memref_slice %arg6[%dma_wait3A_1271] : memref<1000064xf32, #tpu.memory_space<vmem_shared>> -> memref<1000064xf32, #tpu.memory_space<vmem_shared>>
      tpu.wait_indirect_dma semaphore(%arg42 : memref<!tpu.dma_semaphore, #tpu.memory_space<semaphore_mem>>) src(%dma_wait3A_1272 : memref<1000064xf32, #tpu.memory_space<vmem_shared>>) dst(%arg33 : memref<2048xf32, #tpu.memory_space<vmem>>)
      %dma_start3A_1273 = arith.constant 0 : i32
      %dma_start3A_1274 = arith.constant 0 : i32
      %dma_start3A_1275 = tpu.memref_slice %arg5[%select_n3A_1252, %dma_start3A_1273, %dma_start3A_1274] : memref<200x64x4096xf32, #tpu.memory_space<hbm>> -> memref<1x64x4096xf32, #tpu.memory_space<hbm>>
      %dma_start3A_1276 = tpu.memref_squeeze %dma_start3A_1275 : memref<1x64x4096xf32, #tpu.memory_space<hbm>> -> memref<64x4096xf32, #tpu.memory_space<hbm>>
      %dma_start3A_1277 = arith.constant 0 : i32
      %dma_start3A_1278 = tpu.memref_slice %dma_start3A_1276[%add3A_1126, %dma_start3A_1277] : memref<64x4096xf32, #tpu.memory_space<hbm>> -> memref<1x4096xf32, #tpu.memory_space<hbm>>
      %dma_start3A_1279 = tpu.memref_squeeze %dma_start3A_1278 : memref<1x4096xf32, #tpu.memory_space<hbm>> -> memref<4096xf32, #tpu.memory_space<hbm>>
      %dma_start3A_1280 = tpu.memref_slice %dma_start3A_1279[%mul3A_1270] : memref<4096xf32, #tpu.memory_space<hbm>> -> memref<2048xf32, #tpu.memory_space<hbm>>
      %dma_start3A_1281 = arith.constant 0 : i32
      %dma_start3A_1282 = arith.constant 0 : i32
      %dma_start3A_1283 = tpu.memref_slice %arg5[%select_n3A_1252, %dma_start3A_1281, %dma_start3A_1282] : memref<200x64x4096xf32, #tpu.memory_space<hbm>> -> memref<1x64x4096xf32, #tpu.memory_space<hbm>>
      %dma_start3A_1284 = tpu.memref_squeeze %dma_start3A_1283 : memref<1x64x4096xf32, #tpu.memory_space<hbm>> -> memref<64x4096xf32, #tpu.memory_space<hbm>>
      %dma_start3A_1285 = arith.constant 0 : i32
      %dma_start3A_1286 = tpu.memref_slice %dma_start3A_1284[%add3A_1126, %dma_start3A_1285] : memref<64x4096xf32, #tpu.memory_space<hbm>> -> memref<1x4096xf32, #tpu.memory_space<hbm>>
      %dma_start3A_1287 = tpu.memref_squeeze %dma_start3A_1286 : memref<1x4096xf32, #tpu.memory_space<hbm>> -> memref<4096xf32, #tpu.memory_space<hbm>>
      %dma_start3A_1288 = tpu.memref_slice %dma_start3A_1287[%mul3A_1270] : memref<4096xf32, #tpu.memory_space<hbm>> -> memref<2048xf32, #tpu.memory_space<hbm>>
      tpu.enqueue_dma source(%arg33 : memref<2048xf32, #tpu.memory_space<vmem>>) target(%dma_start3A_1288 : memref<2048xf32, #tpu.memory_space<hbm>>) target_semaphore(%arg50 : memref<!tpu.dma_semaphore, #tpu.memory_space<semaphore_mem>>)
      %dma_wait3A_1289 = arith.constant 0 : i32
      %dma_wait3A_1290 = arith.constant 0 : i32
      %dma_wait3A_1291 = arith.constant 0 : i32
      %dma_wait3A_1292 = arith.constant 0 : i32
      %dma_wait3A_1293 = tpu.memref_slice %arg5[%dma_wait3A_1289, %dma_wait3A_1291, %dma_wait3A_1292] : memref<200x64x4096xf32, #tpu.memory_space<hbm>> -> memref<1x64x4096xf32, #tpu.memory_space<hbm>>
      %dma_wait3A_1294 = tpu.memref_squeeze %dma_wait3A_1293 : memref<1x64x4096xf32, #tpu.memory_space<hbm>> -> memref<64x4096xf32, #tpu.memory_space<hbm>>
      %dma_wait3A_1295 = arith.constant 0 : i32
      %dma_wait3A_1296 = tpu.memref_slice %dma_wait3A_1294[%dma_wait3A_1290, %dma_wait3A_1295] : memref<64x4096xf32, #tpu.memory_space<hbm>> -> memref<1x4096xf32, #tpu.memory_space<hbm>>
      %dma_wait3A_1297 = tpu.memref_squeeze %dma_wait3A_1296 : memref<1x4096xf32, #tpu.memory_space<hbm>> -> memref<4096xf32, #tpu.memory_space<hbm>>
      %dma_wait3A_1298 = arith.constant 0 : i32
      %dma_wait3A_1299 = tpu.memref_slice %dma_wait3A_1297[%dma_wait3A_1298] : memref<4096xf32, #tpu.memory_space<hbm>> -> memref<2048xf32, #tpu.memory_space<hbm>>
      %dma_wait3A_1300 = arith.constant 0 : i32
      %dma_wait3A_1301 = arith.constant 0 : i32
      %dma_wait3A_1302 = tpu.memref_slice %arg5[%dma_wait3A_1289, %dma_wait3A_1300, %dma_wait3A_1301] : memref<200x64x4096xf32, #tpu.memory_space<hbm>> -> memref<1x64x4096xf32, #tpu.memory_space<hbm>>
      %dma_wait3A_1303 = tpu.memref_squeeze %dma_wait3A_1302 : memref<1x64x4096xf32, #tpu.memory_space<hbm>> -> memref<64x4096xf32, #tpu.memory_space<hbm>>
      %dma_wait3A_1304 = arith.constant 0 : i32
      %dma_wait3A_1305 = tpu.memref_slice %dma_wait3A_1303[%dma_wait3A_1290, %dma_wait3A_1304] : memref<64x4096xf32, #tpu.memory_space<hbm>> -> memref<1x4096xf32, #tpu.memory_space<hbm>>
      %dma_wait3A_1306 = tpu.memref_squeeze %dma_wait3A_1305 : memref<1x4096xf32, #tpu.memory_space<hbm>> -> memref<4096xf32, #tpu.memory_space<hbm>>
      %dma_wait3A_1307 = arith.constant 0 : i32
      %dma_wait3A_1308 = tpu.memref_slice %dma_wait3A_1306[%dma_wait3A_1307] : memref<4096xf32, #tpu.memory_space<hbm>> -> memref<2048xf32, #tpu.memory_space<hbm>>
      tpu.wait_dma2 semaphore(%arg50 : memref<!tpu.dma_semaphore, #tpu.memory_space<semaphore_mem>>) src(%arg33 : memref<2048xf32, #tpu.memory_space<vmem>>) dst(%dma_wait3A_1308 : memref<2048xf32, #tpu.memory_space<hbm>>)
      %dma_start3A_1309 = arith.constant 0 : i32
      %dma_start3A_1310 = tpu.memref_slice %arg6[%dma_start3A_1309] : memref<1000064xf32, #tpu.memory_space<vmem_shared>> -> memref<1000064xf32, #tpu.memory_space<vmem_shared>>
      tpu.enqueue_indirect_dma source(%dma_start3A_1310 : memref<1000064xf32, #tpu.memory_space<vmem_shared>>) target(%arg33 : memref<2048xf32, #tpu.memory_space<vmem>>) offsets(%arg16 : memref<2048xi32, #tpu.memory_space<vmem>>) semaphore(%arg42 : memref<!tpu.dma_semaphore, #tpu.memory_space<semaphore_mem>>)
      %add3A_1311 = arith.constant 32 : i32
      %add3A_1312 = arith.addi %arg1, %add3A_1311 : i32
      %jit3A_1313 = arith.constant 2 : i32
      %div3A_1314 = arith.divsi %add3A_1312, %jit3A_1313 : i32
      %sign3A_1315 = arith.constant 0 : i32
      %sign3A_1316 = arith.cmpi sgt, %add3A_1312, %sign3A_1315 : i32
      %sign3A_1317 = arith.extui %sign3A_1316 : i1 to i32
      %sign3A_1318 = arith.constant 0 : i32
      %sign3A_1319 = arith.cmpi slt, %add3A_1312, %sign3A_1318 : i32
      %sign3A_1320 = arith.extui %sign3A_1319 : i1 to i32
      %sign3A_1321 = arith.subi %sign3A_1317, %sign3A_1320 : i32
      %sign3A_1322 = arith.constant 0 : i32
      %sign3A_1323 = arith.cmpi sgt, %jit3A_1313, %sign3A_1322 : i32
      %sign3A_1324 = arith.extui %sign3A_1323 : i1 to i32
      %sign3A_1325 = arith.constant 0 : i32
      %sign3A_1326 = arith.cmpi slt, %jit3A_1313, %sign3A_1325 : i32
      %sign3A_1327 = arith.extui %sign3A_1326 : i1 to i32
      %sign3A_1328 = arith.subi %sign3A_1324, %sign3A_1327 : i32
      %ne3A_1329 = arith.cmpi ne, %sign3A_1321, %sign3A_1328 : i32
      %rem3A_1330 = arith.remsi %add3A_1312, %jit3A_1313 : i32
      %ne3A_1331 = arith.constant 0 : i32
      %ne3A_1332 = arith.cmpi ne, %rem3A_1330, %ne3A_1331 : i32
      %and3A_1333 = arith.andi %ne3A_1329, %ne3A_1332 : i1
      %sub3A_1334 = arith.constant 1 : i32
      %sub3A_1335 = arith.subi %div3A_1314, %sub3A_1334 : i32
      %select_n3A_1336 = arith.select %and3A_1333, %sub3A_1335, %div3A_1314 : i32
      %jit3A_1337 = arith.constant 2 : i32
      %eq3A_1338 = arith.constant 0 : i32
      %eq3A_1339 = arith.cmpi eq, %jit3A_1337, %eq3A_1338 : i32
      %jit3A_1340 = arith.constant 1 : i32
      %select_n3A_1341 = arith.select %eq3A_1339, %jit3A_1340, %jit3A_1337 : i32
      %rem3A_1342 = arith.remsi %add3A_1312, %select_n3A_1341 : i32
      %ne3A_1343 = arith.constant 0 : i32
      %ne3A_1344 = arith.cmpi ne, %rem3A_1342, %ne3A_1343 : i32
      %lt3A_1345 = arith.constant 0 : i32
      %lt3A_1346 = arith.cmpi slt, %rem3A_1342, %lt3A_1345 : i32
      %lt3A_1347 = arith.constant 0 : i32
      %lt3A_1348 = arith.cmpi slt, %select_n3A_1341, %lt3A_1347 : i32
      %ne3A_1349 = arith.xori %lt3A_1346, %lt3A_1348 : i1
      %and3A_1350 = arith.andi %ne3A_1349, %ne3A_1344 : i1
      %add3A_1351 = arith.addi %rem3A_1342, %select_n3A_1341 : i32
      %select_n3A_1352 = arith.select %and3A_1350, %add3A_1351, %rem3A_1342 : i32
      %mul3A_1353 = arith.constant 2048 : i32
      %mul3A_1354 = arith.muli %select_n3A_1352, %mul3A_1353 : i32
      %dma_wait3A_1355 = arith.constant 0 : i32
      %dma_wait3A_1356 = tpu.memref_slice %arg6[%dma_wait3A_1355] : memref<1000064xf32, #tpu.memory_space<vmem_shared>> -> memref<1000064xf32, #tpu.memory_space<vmem_shared>>
      tpu.wait_indirect_dma semaphore(%arg43 : memref<!tpu.dma_semaphore, #tpu.memory_space<semaphore_mem>>) src(%dma_wait3A_1356 : memref<1000064xf32, #tpu.memory_space<vmem_shared>>) dst(%arg34 : memref<2048xf32, #tpu.memory_space<vmem>>)
      %dma_start3A_1357 = arith.constant 0 : i32
      %dma_start3A_1358 = arith.constant 0 : i32
      %dma_start3A_1359 = tpu.memref_slice %arg5[%select_n3A_1336, %dma_start3A_1357, %dma_start3A_1358] : memref<200x64x4096xf32, #tpu.memory_space<hbm>> -> memref<1x64x4096xf32, #tpu.memory_space<hbm>>
      %dma_start3A_1360 = tpu.memref_squeeze %dma_start3A_1359 : memref<1x64x4096xf32, #tpu.memory_space<hbm>> -> memref<64x4096xf32, #tpu.memory_space<hbm>>
      %dma_start3A_1361 = arith.constant 0 : i32
      %dma_start3A_1362 = tpu.memref_slice %dma_start3A_1360[%add3A_1126, %dma_start3A_1361] : memref<64x4096xf32, #tpu.memory_space<hbm>> -> memref<1x4096xf32, #tpu.memory_space<hbm>>
      %dma_start3A_1363 = tpu.memref_squeeze %dma_start3A_1362 : memref<1x4096xf32, #tpu.memory_space<hbm>> -> memref<4096xf32, #tpu.memory_space<hbm>>
      %dma_start3A_1364 = tpu.memref_slice %dma_start3A_1363[%mul3A_1354] : memref<4096xf32, #tpu.memory_space<hbm>> -> memref<2048xf32, #tpu.memory_space<hbm>>
      %dma_start3A_1365 = arith.constant 0 : i32
      %dma_start3A_1366 = arith.constant 0 : i32
      %dma_start3A_1367 = tpu.memref_slice %arg5[%select_n3A_1336, %dma_start3A_1365, %dma_start3A_1366] : memref<200x64x4096xf32, #tpu.memory_space<hbm>> -> memref<1x64x4096xf32, #tpu.memory_space<hbm>>
      %dma_start3A_1368 = tpu.memref_squeeze %dma_start3A_1367 : memref<1x64x4096xf32, #tpu.memory_space<hbm>> -> memref<64x4096xf32, #tpu.memory_space<hbm>>
      %dma_start3A_1369 = arith.constant 0 : i32
      %dma_start3A_1370 = tpu.memref_slice %dma_start3A_1368[%add3A_1126, %dma_start3A_1369] : memref<64x4096xf32, #tpu.memory_space<hbm>> -> memref<1x4096xf32, #tpu.memory_space<hbm>>
      %dma_start3A_1371 = tpu.memref_squeeze %dma_start3A_1370 : memref<1x4096xf32, #tpu.memory_space<hbm>> -> memref<4096xf32, #tpu.memory_space<hbm>>
      %dma_start3A_1372 = tpu.memref_slice %dma_start3A_1371[%mul3A_1354] : memref<4096xf32, #tpu.memory_space<hbm>> -> memref<2048xf32, #tpu.memory_space<hbm>>
      tpu.enqueue_dma source(%arg34 : memref<2048xf32, #tpu.memory_space<vmem>>) target(%dma_start3A_1372 : memref<2048xf32, #tpu.memory_space<hbm>>) target_semaphore(%arg51 : memref<!tpu.dma_semaphore, #tpu.memory_space<semaphore_mem>>)
      %dma_wait3A_1373 = arith.constant 0 : i32
      %dma_wait3A_1374 = arith.constant 0 : i32
      %dma_wait3A_1375 = arith.constant 0 : i32
      %dma_wait3A_1376 = arith.constant 0 : i32
      %dma_wait3A_1377 = tpu.memref_slice %arg5[%dma_wait3A_1373, %dma_wait3A_1375, %dma_wait3A_1376] : memref<200x64x4096xf32, #tpu.memory_space<hbm>> -> memref<1x64x4096xf32, #tpu.memory_space<hbm>>
      %dma_wait3A_1378 = tpu.memref_squeeze %dma_wait3A_1377 : memref<1x64x4096xf32, #tpu.memory_space<hbm>> -> memref<64x4096xf32, #tpu.memory_space<hbm>>
      %dma_wait3A_1379 = arith.constant 0 : i32
      %dma_wait3A_1380 = tpu.memref_slice %dma_wait3A_1378[%dma_wait3A_1374, %dma_wait3A_1379] : memref<64x4096xf32, #tpu.memory_space<hbm>> -> memref<1x4096xf32, #tpu.memory_space<hbm>>
      %dma_wait3A_1381 = tpu.memref_squeeze %dma_wait3A_1380 : memref<1x4096xf32, #tpu.memory_space<hbm>> -> memref<4096xf32, #tpu.memory_space<hbm>>
      %dma_wait3A_1382 = arith.constant 0 : i32
      %dma_wait3A_1383 = tpu.memref_slice %dma_wait3A_1381[%dma_wait3A_1382] : memref<4096xf32, #tpu.memory_space<hbm>> -> memref<2048xf32, #tpu.memory_space<hbm>>
      %dma_wait3A_1384 = arith.constant 0 : i32
      %dma_wait3A_1385 = arith.constant 0 : i32
      %dma_wait3A_1386 = tpu.memref_slice %arg5[%dma_wait3A_1373, %dma_wait3A_1384, %dma_wait3A_1385] : memref<200x64x4096xf32, #tpu.memory_space<hbm>> -> memref<1x64x4096xf32, #tpu.memory_space<hbm>>
      %dma_wait3A_1387 = tpu.memref_squeeze %dma_wait3A_1386 : memref<1x64x4096xf32, #tpu.memory_space<hbm>> -> memref<64x4096xf32, #tpu.memory_space<hbm>>
      %dma_wait3A_1388 = arith.constant 0 : i32
      %dma_wait3A_1389 = tpu.memref_slice %dma_wait3A_1387[%dma_wait3A_1374, %dma_wait3A_1388] : memref<64x4096xf32, #tpu.memory_space<hbm>> -> memref<1x4096xf32, #tpu.memory_space<hbm>>
      %dma_wait3A_1390 = tpu.memref_squeeze %dma_wait3A_1389 : memref<1x4096xf32, #tpu.memory_space<hbm>> -> memref<4096xf32, #tpu.memory_space<hbm>>
      %dma_wait3A_1391 = arith.constant 0 : i32
      %dma_wait3A_1392 = tpu.memref_slice %dma_wait3A_1390[%dma_wait3A_1391] : memref<4096xf32, #tpu.memory_space<hbm>> -> memref<2048xf32, #tpu.memory_space<hbm>>
      tpu.wait_dma2 semaphore(%arg51 : memref<!tpu.dma_semaphore, #tpu.memory_space<semaphore_mem>>) src(%arg34 : memref<2048xf32, #tpu.memory_space<vmem>>) dst(%dma_wait3A_1392 : memref<2048xf32, #tpu.memory_space<hbm>>)
      %dma_start3A_1393 = arith.constant 0 : i32
      %dma_start3A_1394 = tpu.memref_slice %arg6[%dma_start3A_1393] : memref<1000064xf32, #tpu.memory_space<vmem_shared>> -> memref<1000064xf32, #tpu.memory_space<vmem_shared>>
      tpu.enqueue_indirect_dma source(%dma_start3A_1394 : memref<1000064xf32, #tpu.memory_space<vmem_shared>>) target(%arg34 : memref<2048xf32, #tpu.memory_space<vmem>>) offsets(%arg17 : memref<2048xi32, #tpu.memory_space<vmem>>) semaphore(%arg43 : memref<!tpu.dma_semaphore, #tpu.memory_space<semaphore_mem>>)
      %add3A_1395 = arith.constant 48 : i32
      %add3A_1396 = arith.addi %arg1, %add3A_1395 : i32
      %jit3A_1397 = arith.constant 2 : i32
      %div3A_1398 = arith.divsi %add3A_1396, %jit3A_1397 : i32
      %sign3A_1399 = arith.constant 0 : i32
      %sign3A_1400 = arith.cmpi sgt, %add3A_1396, %sign3A_1399 : i32
      %sign3A_1401 = arith.extui %sign3A_1400 : i1 to i32
      %sign3A_1402 = arith.constant 0 : i32
      %sign3A_1403 = arith.cmpi slt, %add3A_1396, %sign3A_1402 : i32
      %sign3A_1404 = arith.extui %sign3A_1403 : i1 to i32
      %sign3A_1405 = arith.subi %sign3A_1401, %sign3A_1404 : i32
      %sign3A_1406 = arith.constant 0 : i32
      %sign3A_1407 = arith.cmpi sgt, %jit3A_1397, %sign3A_1406 : i32
      %sign3A_1408 = arith.extui %sign3A_1407 : i1 to i32
      %sign3A_1409 = arith.constant 0 : i32
      %sign3A_1410 = arith.cmpi slt, %jit3A_1397, %sign3A_1409 : i32
      %sign3A_1411 = arith.extui %sign3A_1410 : i1 to i32
      %sign3A_1412 = arith.subi %sign3A_1408, %sign3A_1411 : i32
      %ne3A_1413 = arith.cmpi ne, %sign3A_1405, %sign3A_1412 : i32
      %rem3A_1414 = arith.remsi %add3A_1396, %jit3A_1397 : i32
      %ne3A_1415 = arith.constant 0 : i32
      %ne3A_1416 = arith.cmpi ne, %rem3A_1414, %ne3A_1415 : i32
      %and3A_1417 = arith.andi %ne3A_1413, %ne3A_1416 : i1
      %sub3A_1418 = arith.constant 1 : i32
      %sub3A_1419 = arith.subi %div3A_1398, %sub3A_1418 : i32
      %select_n3A_1420 = arith.select %and3A_1417, %sub3A_1419, %div3A_1398 : i32
      %jit3A_1421 = arith.constant 2 : i32
      %eq3A_1422 = arith.constant 0 : i32
      %eq3A_1423 = arith.cmpi eq, %jit3A_1421, %eq3A_1422 : i32
      %jit3A_1424 = arith.constant 1 : i32
      %select_n3A_1425 = arith.select %eq3A_1423, %jit3A_1424, %jit3A_1421 : i32
      %rem3A_1426 = arith.remsi %add3A_1396, %select_n3A_1425 : i32
      %ne3A_1427 = arith.constant 0 : i32
      %ne3A_1428 = arith.cmpi ne, %rem3A_1426, %ne3A_1427 : i32
      %lt3A_1429 = arith.constant 0 : i32
      %lt3A_1430 = arith.cmpi slt, %rem3A_1426, %lt3A_1429 : i32
      %lt3A_1431 = arith.constant 0 : i32
      %lt3A_1432 = arith.cmpi slt, %select_n3A_1425, %lt3A_1431 : i32
      %ne3A_1433 = arith.xori %lt3A_1430, %lt3A_1432 : i1
      %and3A_1434 = arith.andi %ne3A_1433, %ne3A_1428 : i1
      %add3A_1435 = arith.addi %rem3A_1426, %select_n3A_1425 : i32
      %select_n3A_1436 = arith.select %and3A_1434, %add3A_1435, %rem3A_1426 : i32
      %mul3A_1437 = arith.constant 2048 : i32
      %mul3A_1438 = arith.muli %select_n3A_1436, %mul3A_1437 : i32
      %dma_wait3A_1439 = arith.constant 0 : i32
      %dma_wait3A_1440 = tpu.memref_slice %arg6[%dma_wait3A_1439] : memref<1000064xf32, #tpu.memory_space<vmem_shared>> -> memref<1000064xf32, #tpu.memory_space<vmem_shared>>
      tpu.wait_indirect_dma semaphore(%arg44 : memref<!tpu.dma_semaphore, #tpu.memory_space<semaphore_mem>>) src(%dma_wait3A_1440 : memref<1000064xf32, #tpu.memory_space<vmem_shared>>) dst(%arg35 : memref<2048xf32, #tpu.memory_space<vmem>>)
      %dma_start3A_1441 = arith.constant 0 : i32
      %dma_start3A_1442 = arith.constant 0 : i32
      %dma_start3A_1443 = tpu.memref_slice %arg5[%select_n3A_1420, %dma_start3A_1441, %dma_start3A_1442] : memref<200x64x4096xf32, #tpu.memory_space<hbm>> -> memref<1x64x4096xf32, #tpu.memory_space<hbm>>
      %dma_start3A_1444 = tpu.memref_squeeze %dma_start3A_1443 : memref<1x64x4096xf32, #tpu.memory_space<hbm>> -> memref<64x4096xf32, #tpu.memory_space<hbm>>
      %dma_start3A_1445 = arith.constant 0 : i32
      %dma_start3A_1446 = tpu.memref_slice %dma_start3A_1444[%add3A_1126, %dma_start3A_1445] : memref<64x4096xf32, #tpu.memory_space<hbm>> -> memref<1x4096xf32, #tpu.memory_space<hbm>>
      %dma_start3A_1447 = tpu.memref_squeeze %dma_start3A_1446 : memref<1x4096xf32, #tpu.memory_space<hbm>> -> memref<4096xf32, #tpu.memory_space<hbm>>
      %dma_start3A_1448 = tpu.memref_slice %dma_start3A_1447[%mul3A_1438] : memref<4096xf32, #tpu.memory_space<hbm>> -> memref<2048xf32, #tpu.memory_space<hbm>>
      %dma_start3A_1449 = arith.constant 0 : i32
      %dma_start3A_1450 = arith.constant 0 : i32
      %dma_start3A_1451 = tpu.memref_slice %arg5[%select_n3A_1420, %dma_start3A_1449, %dma_start3A_1450] : memref<200x64x4096xf32, #tpu.memory_space<hbm>> -> memref<1x64x4096xf32, #tpu.memory_space<hbm>>
      %dma_start3A_1452 = tpu.memref_squeeze %dma_start3A_1451 : memref<1x64x4096xf32, #tpu.memory_space<hbm>> -> memref<64x4096xf32, #tpu.memory_space<hbm>>
      %dma_start3A_1453 = arith.constant 0 : i32
      %dma_start3A_1454 = tpu.memref_slice %dma_start3A_1452[%add3A_1126, %dma_start3A_1453] : memref<64x4096xf32, #tpu.memory_space<hbm>> -> memref<1x4096xf32, #tpu.memory_space<hbm>>
      %dma_start3A_1455 = tpu.memref_squeeze %dma_start3A_1454 : memref<1x4096xf32, #tpu.memory_space<hbm>> -> memref<4096xf32, #tpu.memory_space<hbm>>
      %dma_start3A_1456 = tpu.memref_slice %dma_start3A_1455[%mul3A_1438] : memref<4096xf32, #tpu.memory_space<hbm>> -> memref<2048xf32, #tpu.memory_space<hbm>>
      tpu.enqueue_dma source(%arg35 : memref<2048xf32, #tpu.memory_space<vmem>>) target(%dma_start3A_1456 : memref<2048xf32, #tpu.memory_space<hbm>>) target_semaphore(%arg52 : memref<!tpu.dma_semaphore, #tpu.memory_space<semaphore_mem>>)
      %dma_wait3A_1457 = arith.constant 0 : i32
      %dma_wait3A_1458 = arith.constant 0 : i32
      %dma_wait3A_1459 = arith.constant 0 : i32
      %dma_wait3A_1460 = arith.constant 0 : i32
      %dma_wait3A_1461 = tpu.memref_slice %arg5[%dma_wait3A_1457, %dma_wait3A_1459, %dma_wait3A_1460] : memref<200x64x4096xf32, #tpu.memory_space<hbm>> -> memref<1x64x4096xf32, #tpu.memory_space<hbm>>
      %dma_wait3A_1462 = tpu.memref_squeeze %dma_wait3A_1461 : memref<1x64x4096xf32, #tpu.memory_space<hbm>> -> memref<64x4096xf32, #tpu.memory_space<hbm>>
      %dma_wait3A_1463 = arith.constant 0 : i32
      %dma_wait3A_1464 = tpu.memref_slice %dma_wait3A_1462[%dma_wait3A_1458, %dma_wait3A_1463] : memref<64x4096xf32, #tpu.memory_space<hbm>> -> memref<1x4096xf32, #tpu.memory_space<hbm>>
      %dma_wait3A_1465 = tpu.memref_squeeze %dma_wait3A_1464 : memref<1x4096xf32, #tpu.memory_space<hbm>> -> memref<4096xf32, #tpu.memory_space<hbm>>
      %dma_wait3A_1466 = arith.constant 0 : i32
      %dma_wait3A_1467 = tpu.memref_slice %dma_wait3A_1465[%dma_wait3A_1466] : memref<4096xf32, #tpu.memory_space<hbm>> -> memref<2048xf32, #tpu.memory_space<hbm>>
      %dma_wait3A_1468 = arith.constant 0 : i32
      %dma_wait3A_1469 = arith.constant 0 : i32
      %dma_wait3A_1470 = tpu.memref_slice %arg5[%dma_wait3A_1457, %dma_wait3A_1468, %dma_wait3A_1469] : memref<200x64x4096xf32, #tpu.memory_space<hbm>> -> memref<1x64x4096xf32, #tpu.memory_space<hbm>>
      %dma_wait3A_1471 = tpu.memref_squeeze %dma_wait3A_1470 : memref<1x64x4096xf32, #tpu.memory_space<hbm>> -> memref<64x4096xf32, #tpu.memory_space<hbm>>
      %dma_wait3A_1472 = arith.constant 0 : i32
      %dma_wait3A_1473 = tpu.memref_slice %dma_wait3A_1471[%dma_wait3A_1458, %dma_wait3A_1472] : memref<64x4096xf32, #tpu.memory_space<hbm>> -> memref<1x4096xf32, #tpu.memory_space<hbm>>
      %dma_wait3A_1474 = tpu.memref_squeeze %dma_wait3A_1473 : memref<1x4096xf32, #tpu.memory_space<hbm>> -> memref<4096xf32, #tpu.memory_space<hbm>>
      %dma_wait3A_1475 = arith.constant 0 : i32
      %dma_wait3A_1476 = tpu.memref_slice %dma_wait3A_1474[%dma_wait3A_1475] : memref<4096xf32, #tpu.memory_space<hbm>> -> memref<2048xf32, #tpu.memory_space<hbm>>
      tpu.wait_dma2 semaphore(%arg52 : memref<!tpu.dma_semaphore, #tpu.memory_space<semaphore_mem>>) src(%arg35 : memref<2048xf32, #tpu.memory_space<vmem>>) dst(%dma_wait3A_1476 : memref<2048xf32, #tpu.memory_space<hbm>>)
      %dma_start3A_1477 = arith.constant 0 : i32
      %dma_start3A_1478 = tpu.memref_slice %arg6[%dma_start3A_1477] : memref<1000064xf32, #tpu.memory_space<vmem_shared>> -> memref<1000064xf32, #tpu.memory_space<vmem_shared>>
      tpu.enqueue_indirect_dma source(%dma_start3A_1478 : memref<1000064xf32, #tpu.memory_space<vmem_shared>>) target(%arg35 : memref<2048xf32, #tpu.memory_space<vmem>>) offsets(%arg18 : memref<2048xi32, #tpu.memory_space<vmem>>) semaphore(%arg44 : memref<!tpu.dma_semaphore, #tpu.memory_space<semaphore_mem>>)
      %add3A_1479 = arith.constant 64 : i32
      %add3A_1480 = arith.addi %arg1, %add3A_1479 : i32
      %jit3A_1481 = arith.constant 2 : i32
      %div3A_1482 = arith.divsi %add3A_1480, %jit3A_1481 : i32
      %sign3A_1483 = arith.constant 0 : i32
      %sign3A_1484 = arith.cmpi sgt, %add3A_1480, %sign3A_1483 : i32
      %sign3A_1485 = arith.extui %sign3A_1484 : i1 to i32
      %sign3A_1486 = arith.constant 0 : i32
      %sign3A_1487 = arith.cmpi slt, %add3A_1480, %sign3A_1486 : i32
      %sign3A_1488 = arith.extui %sign3A_1487 : i1 to i32
      %sign3A_1489 = arith.subi %sign3A_1485, %sign3A_1488 : i32
      %sign3A_1490 = arith.constant 0 : i32
      %sign3A_1491 = arith.cmpi sgt, %jit3A_1481, %sign3A_1490 : i32
      %sign3A_1492 = arith.extui %sign3A_1491 : i1 to i32
      %sign3A_1493 = arith.constant 0 : i32
      %sign3A_1494 = arith.cmpi slt, %jit3A_1481, %sign3A_1493 : i32
      %sign3A_1495 = arith.extui %sign3A_1494 : i1 to i32
      %sign3A_1496 = arith.subi %sign3A_1492, %sign3A_1495 : i32
      %ne3A_1497 = arith.cmpi ne, %sign3A_1489, %sign3A_1496 : i32
      %rem3A_1498 = arith.remsi %add3A_1480, %jit3A_1481 : i32
      %ne3A_1499 = arith.constant 0 : i32
      %ne3A_1500 = arith.cmpi ne, %rem3A_1498, %ne3A_1499 : i32
      %and3A_1501 = arith.andi %ne3A_1497, %ne3A_1500 : i1
      %sub3A_1502 = arith.constant 1 : i32
      %sub3A_1503 = arith.subi %div3A_1482, %sub3A_1502 : i32
      %select_n3A_1504 = arith.select %and3A_1501, %sub3A_1503, %div3A_1482 : i32
      %jit3A_1505 = arith.constant 2 : i32
      %eq3A_1506 = arith.constant 0 : i32
      %eq3A_1507 = arith.cmpi eq, %jit3A_1505, %eq3A_1506 : i32
      %jit3A_1508 = arith.constant 1 : i32
      %select_n3A_1509 = arith.select %eq3A_1507, %jit3A_1508, %jit3A_1505 : i32
      %rem3A_1510 = arith.remsi %add3A_1480, %select_n3A_1509 : i32
      %ne3A_1511 = arith.constant 0 : i32
      %ne3A_1512 = arith.cmpi ne, %rem3A_1510, %ne3A_1511 : i32
      %lt3A_1513 = arith.constant 0 : i32
      %lt3A_1514 = arith.cmpi slt, %rem3A_1510, %lt3A_1513 : i32
      %lt3A_1515 = arith.constant 0 : i32
      %lt3A_1516 = arith.cmpi slt, %select_n3A_1509, %lt3A_1515 : i32
      %ne3A_1517 = arith.xori %lt3A_1514, %lt3A_1516 : i1
      %and3A_1518 = arith.andi %ne3A_1517, %ne3A_1512 : i1
      %add3A_1519 = arith.addi %rem3A_1510, %select_n3A_1509 : i32
      %select_n3A_1520 = arith.select %and3A_1518, %add3A_1519, %rem3A_1510 : i32
      %mul3A_1521 = arith.constant 2048 : i32
      %mul3A_1522 = arith.muli %select_n3A_1520, %mul3A_1521 : i32
      %dma_wait3A_1523 = arith.constant 0 : i32
      %dma_wait3A_1524 = tpu.memref_slice %arg6[%dma_wait3A_1523] : memref<1000064xf32, #tpu.memory_space<vmem_shared>> -> memref<1000064xf32, #tpu.memory_space<vmem_shared>>
      tpu.wait_indirect_dma semaphore(%arg45 : memref<!tpu.dma_semaphore, #tpu.memory_space<semaphore_mem>>) src(%dma_wait3A_1524 : memref<1000064xf32, #tpu.memory_space<vmem_shared>>) dst(%arg36 : memref<2048xf32, #tpu.memory_space<vmem>>)
      %dma_start3A_1525 = arith.constant 0 : i32
      %dma_start3A_1526 = arith.constant 0 : i32
      %dma_start3A_1527 = tpu.memref_slice %arg5[%select_n3A_1504, %dma_start3A_1525, %dma_start3A_1526] : memref<200x64x4096xf32, #tpu.memory_space<hbm>> -> memref<1x64x4096xf32, #tpu.memory_space<hbm>>
      %dma_start3A_1528 = tpu.memref_squeeze %dma_start3A_1527 : memref<1x64x4096xf32, #tpu.memory_space<hbm>> -> memref<64x4096xf32, #tpu.memory_space<hbm>>
      %dma_start3A_1529 = arith.constant 0 : i32
      %dma_start3A_1530 = tpu.memref_slice %dma_start3A_1528[%add3A_1126, %dma_start3A_1529] : memref<64x4096xf32, #tpu.memory_space<hbm>> -> memref<1x4096xf32, #tpu.memory_space<hbm>>
      %dma_start3A_1531 = tpu.memref_squeeze %dma_start3A_1530 : memref<1x4096xf32, #tpu.memory_space<hbm>> -> memref<4096xf32, #tpu.memory_space<hbm>>
      %dma_start3A_1532 = tpu.memref_slice %dma_start3A_1531[%mul3A_1522] : memref<4096xf32, #tpu.memory_space<hbm>> -> memref<2048xf32, #tpu.memory_space<hbm>>
      %dma_start3A_1533 = arith.constant 0 : i32
      %dma_start3A_1534 = arith.constant 0 : i32
      %dma_start3A_1535 = tpu.memref_slice %arg5[%select_n3A_1504, %dma_start3A_1533, %dma_start3A_1534] : memref<200x64x4096xf32, #tpu.memory_space<hbm>> -> memref<1x64x4096xf32, #tpu.memory_space<hbm>>
      %dma_start3A_1536 = tpu.memref_squeeze %dma_start3A_1535 : memref<1x64x4096xf32, #tpu.memory_space<hbm>> -> memref<64x4096xf32, #tpu.memory_space<hbm>>
      %dma_start3A_1537 = arith.constant 0 : i32
      %dma_start3A_1538 = tpu.memref_slice %dma_start3A_1536[%add3A_1126, %dma_start3A_1537] : memref<64x4096xf32, #tpu.memory_space<hbm>> -> memref<1x4096xf32, #tpu.memory_space<hbm>>
      %dma_start3A_1539 = tpu.memref_squeeze %dma_start3A_1538 : memref<1x4096xf32, #tpu.memory_space<hbm>> -> memref<4096xf32, #tpu.memory_space<hbm>>
      %dma_start3A_1540 = tpu.memref_slice %dma_start3A_1539[%mul3A_1522] : memref<4096xf32, #tpu.memory_space<hbm>> -> memref<2048xf32, #tpu.memory_space<hbm>>
      tpu.enqueue_dma source(%arg36 : memref<2048xf32, #tpu.memory_space<vmem>>) target(%dma_start3A_1540 : memref<2048xf32, #tpu.memory_space<hbm>>) target_semaphore(%arg53 : memref<!tpu.dma_semaphore, #tpu.memory_space<semaphore_mem>>)
      %dma_wait3A_1541 = arith.constant 0 : i32
      %dma_wait3A_1542 = arith.constant 0 : i32
      %dma_wait3A_1543 = arith.constant 0 : i32
      %dma_wait3A_1544 = arith.constant 0 : i32
      %dma_wait3A_1545 = tpu.memref_slice %arg5[%dma_wait3A_1541, %dma_wait3A_1543, %dma_wait3A_1544] : memref<200x64x4096xf32, #tpu.memory_space<hbm>> -> memref<1x64x4096xf32, #tpu.memory_space<hbm>>
      %dma_wait3A_1546 = tpu.memref_squeeze %dma_wait3A_1545 : memref<1x64x4096xf32, #tpu.memory_space<hbm>> -> memref<64x4096xf32, #tpu.memory_space<hbm>>
      %dma_wait3A_1547 = arith.constant 0 : i32
      %dma_wait3A_1548 = tpu.memref_slice %dma_wait3A_1546[%dma_wait3A_1542, %dma_wait3A_1547] : memref<64x4096xf32, #tpu.memory_space<hbm>> -> memref<1x4096xf32, #tpu.memory_space<hbm>>
      %dma_wait3A_1549 = tpu.memref_squeeze %dma_wait3A_1548 : memref<1x4096xf32, #tpu.memory_space<hbm>> -> memref<4096xf32, #tpu.memory_space<hbm>>
      %dma_wait3A_1550 = arith.constant 0 : i32
      %dma_wait3A_1551 = tpu.memref_slice %dma_wait3A_1549[%dma_wait3A_1550] : memref<4096xf32, #tpu.memory_space<hbm>> -> memref<2048xf32, #tpu.memory_space<hbm>>
      %dma_wait3A_1552 = arith.constant 0 : i32
      %dma_wait3A_1553 = arith.constant 0 : i32
      %dma_wait3A_1554 = tpu.memref_slice %arg5[%dma_wait3A_1541, %dma_wait3A_1552, %dma_wait3A_1553] : memref<200x64x4096xf32, #tpu.memory_space<hbm>> -> memref<1x64x4096xf32, #tpu.memory_space<hbm>>
      %dma_wait3A_1555 = tpu.memref_squeeze %dma_wait3A_1554 : memref<1x64x4096xf32, #tpu.memory_space<hbm>> -> memref<64x4096xf32, #tpu.memory_space<hbm>>
      %dma_wait3A_1556 = arith.constant 0 : i32
      %dma_wait3A_1557 = tpu.memref_slice %dma_wait3A_1555[%dma_wait3A_1542, %dma_wait3A_1556] : memref<64x4096xf32, #tpu.memory_space<hbm>> -> memref<1x4096xf32, #tpu.memory_space<hbm>>
      %dma_wait3A_1558 = tpu.memref_squeeze %dma_wait3A_1557 : memref<1x4096xf32, #tpu.memory_space<hbm>> -> memref<4096xf32, #tpu.memory_space<hbm>>
      %dma_wait3A_1559 = arith.constant 0 : i32
      %dma_wait3A_1560 = tpu.memref_slice %dma_wait3A_1558[%dma_wait3A_1559] : memref<4096xf32, #tpu.memory_space<hbm>> -> memref<2048xf32, #tpu.memory_space<hbm>>
      tpu.wait_dma2 semaphore(%arg53 : memref<!tpu.dma_semaphore, #tpu.memory_space<semaphore_mem>>) src(%arg36 : memref<2048xf32, #tpu.memory_space<vmem>>) dst(%dma_wait3A_1560 : memref<2048xf32, #tpu.memory_space<hbm>>)
      %dma_start3A_1561 = arith.constant 0 : i32
      %dma_start3A_1562 = tpu.memref_slice %arg6[%dma_start3A_1561] : memref<1000064xf32, #tpu.memory_space<vmem_shared>> -> memref<1000064xf32, #tpu.memory_space<vmem_shared>>
      tpu.enqueue_indirect_dma source(%dma_start3A_1562 : memref<1000064xf32, #tpu.memory_space<vmem_shared>>) target(%arg36 : memref<2048xf32, #tpu.memory_space<vmem>>) offsets(%arg19 : memref<2048xi32, #tpu.memory_space<vmem>>) semaphore(%arg45 : memref<!tpu.dma_semaphore, #tpu.memory_space<semaphore_mem>>)
      %add3A_1563 = arith.constant 80 : i32
      %add3A_1564 = arith.addi %arg1, %add3A_1563 : i32
      %jit3A_1565 = arith.constant 2 : i32
      %div3A_1566 = arith.divsi %add3A_1564, %jit3A_1565 : i32
      %sign3A_1567 = arith.constant 0 : i32
      %sign3A_1568 = arith.cmpi sgt, %add3A_1564, %sign3A_1567 : i32
      %sign3A_1569 = arith.extui %sign3A_1568 : i1 to i32
      %sign3A_1570 = arith.constant 0 : i32
      %sign3A_1571 = arith.cmpi slt, %add3A_1564, %sign3A_1570 : i32
      %sign3A_1572 = arith.extui %sign3A_1571 : i1 to i32
      %sign3A_1573 = arith.subi %sign3A_1569, %sign3A_1572 : i32
      %sign3A_1574 = arith.constant 0 : i32
      %sign3A_1575 = arith.cmpi sgt, %jit3A_1565, %sign3A_1574 : i32
      %sign3A_1576 = arith.extui %sign3A_1575 : i1 to i32
      %sign3A_1577 = arith.constant 0 : i32
      %sign3A_1578 = arith.cmpi slt, %jit3A_1565, %sign3A_1577 : i32
      %sign3A_1579 = arith.extui %sign3A_1578 : i1 to i32
      %sign3A_1580 = arith.subi %sign3A_1576, %sign3A_1579 : i32
      %ne3A_1581 = arith.cmpi ne, %sign3A_1573, %sign3A_1580 : i32
      %rem3A_1582 = arith.remsi %add3A_1564, %jit3A_1565 : i32
      %ne3A_1583 = arith.constant 0 : i32
      %ne3A_1584 = arith.cmpi ne, %rem3A_1582, %ne3A_1583 : i32
      %and3A_1585 = arith.andi %ne3A_1581, %ne3A_1584 : i1
      %sub3A_1586 = arith.constant 1 : i32
      %sub3A_1587 = arith.subi %div3A_1566, %sub3A_1586 : i32
      %select_n3A_1588 = arith.select %and3A_1585, %sub3A_1587, %div3A_1566 : i32
      %jit3A_1589 = arith.constant 2 : i32
      %eq3A_1590 = arith.constant 0 : i32
      %eq3A_1591 = arith.cmpi eq, %jit3A_1589, %eq3A_1590 : i32
      %jit3A_1592 = arith.constant 1 : i32
      %select_n3A_1593 = arith.select %eq3A_1591, %jit3A_1592, %jit3A_1589 : i32
      %rem3A_1594 = arith.remsi %add3A_1564, %select_n3A_1593 : i32
      %ne3A_1595 = arith.constant 0 : i32
      %ne3A_1596 = arith.cmpi ne, %rem3A_1594, %ne3A_1595 : i32
      %lt3A_1597 = arith.constant 0 : i32
      %lt3A_1598 = arith.cmpi slt, %rem3A_1594, %lt3A_1597 : i32
      %lt3A_1599 = arith.constant 0 : i32
      %lt3A_1600 = arith.cmpi slt, %select_n3A_1593, %lt3A_1599 : i32
      %ne3A_1601 = arith.xori %lt3A_1598, %lt3A_1600 : i1
      %and3A_1602 = arith.andi %ne3A_1601, %ne3A_1596 : i1
      %add3A_1603 = arith.addi %rem3A_1594, %select_n3A_1593 : i32
      %select_n3A_1604 = arith.select %and3A_1602, %add3A_1603, %rem3A_1594 : i32
      %mul3A_1605 = arith.constant 2048 : i32
      %mul3A_1606 = arith.muli %select_n3A_1604, %mul3A_1605 : i32
      %dma_wait3A_1607 = arith.constant 0 : i32
      %dma_wait3A_1608 = tpu.memref_slice %arg6[%dma_wait3A_1607] : memref<1000064xf32, #tpu.memory_space<vmem_shared>> -> memref<1000064xf32, #tpu.memory_space<vmem_shared>>
      tpu.wait_indirect_dma semaphore(%arg46 : memref<!tpu.dma_semaphore, #tpu.memory_space<semaphore_mem>>) src(%dma_wait3A_1608 : memref<1000064xf32, #tpu.memory_space<vmem_shared>>) dst(%arg37 : memref<2048xf32, #tpu.memory_space<vmem>>)
      %dma_start3A_1609 = arith.constant 0 : i32
      %dma_start3A_1610 = arith.constant 0 : i32
      %dma_start3A_1611 = tpu.memref_slice %arg5[%select_n3A_1588, %dma_start3A_1609, %dma_start3A_1610] : memref<200x64x4096xf32, #tpu.memory_space<hbm>> -> memref<1x64x4096xf32, #tpu.memory_space<hbm>>
      %dma_start3A_1612 = tpu.memref_squeeze %dma_start3A_1611 : memref<1x64x4096xf32, #tpu.memory_space<hbm>> -> memref<64x4096xf32, #tpu.memory_space<hbm>>
      %dma_start3A_1613 = arith.constant 0 : i32
      %dma_start3A_1614 = tpu.memref_slice %dma_start3A_1612[%add3A_1126, %dma_start3A_1613] : memref<64x4096xf32, #tpu.memory_space<hbm>> -> memref<1x4096xf32, #tpu.memory_space<hbm>>
      %dma_start3A_1615 = tpu.memref_squeeze %dma_start3A_1614 : memref<1x4096xf32, #tpu.memory_space<hbm>> -> memref<4096xf32, #tpu.memory_space<hbm>>
      %dma_start3A_1616 = tpu.memref_slice %dma_start3A_1615[%mul3A_1606] : memref<4096xf32, #tpu.memory_space<hbm>> -> memref<2048xf32, #tpu.memory_space<hbm>>
      %dma_start3A_1617 = arith.constant 0 : i32
      %dma_start3A_1618 = arith.constant 0 : i32
      %dma_start3A_1619 = tpu.memref_slice %arg5[%select_n3A_1588, %dma_start3A_1617, %dma_start3A_1618] : memref<200x64x4096xf32, #tpu.memory_space<hbm>> -> memref<1x64x4096xf32, #tpu.memory_space<hbm>>
      %dma_start3A_1620 = tpu.memref_squeeze %dma_start3A_1619 : memref<1x64x4096xf32, #tpu.memory_space<hbm>> -> memref<64x4096xf32, #tpu.memory_space<hbm>>
      %dma_start3A_1621 = arith.constant 0 : i32
      %dma_start3A_1622 = tpu.memref_slice %dma_start3A_1620[%add3A_1126, %dma_start3A_1621] : memref<64x4096xf32, #tpu.memory_space<hbm>> -> memref<1x4096xf32, #tpu.memory_space<hbm>>
      %dma_start3A_1623 = tpu.memref_squeeze %dma_start3A_1622 : memref<1x4096xf32, #tpu.memory_space<hbm>> -> memref<4096xf32, #tpu.memory_space<hbm>>
      %dma_start3A_1624 = tpu.memref_slice %dma_start3A_1623[%mul3A_1606] : memref<4096xf32, #tpu.memory_space<hbm>> -> memref<2048xf32, #tpu.memory_space<hbm>>
      tpu.enqueue_dma source(%arg37 : memref<2048xf32, #tpu.memory_space<vmem>>) target(%dma_start3A_1624 : memref<2048xf32, #tpu.memory_space<hbm>>) target_semaphore(%arg54 : memref<!tpu.dma_semaphore, #tpu.memory_space<semaphore_mem>>)
      %dma_wait3A_1625 = arith.constant 0 : i32
      %dma_wait3A_1626 = arith.constant 0 : i32
      %dma_wait3A_1627 = arith.constant 0 : i32
      %dma_wait3A_1628 = arith.constant 0 : i32
      %dma_wait3A_1629 = tpu.memref_slice %arg5[%dma_wait3A_1625, %dma_wait3A_1627, %dma_wait3A_1628] : memref<200x64x4096xf32, #tpu.memory_space<hbm>> -> memref<1x64x4096xf32, #tpu.memory_space<hbm>>
      %dma_wait3A_1630 = tpu.memref_squeeze %dma_wait3A_1629 : memref<1x64x4096xf32, #tpu.memory_space<hbm>> -> memref<64x4096xf32, #tpu.memory_space<hbm>>
      %dma_wait3A_1631 = arith.constant 0 : i32
      %dma_wait3A_1632 = tpu.memref_slice %dma_wait3A_1630[%dma_wait3A_1626, %dma_wait3A_1631] : memref<64x4096xf32, #tpu.memory_space<hbm>> -> memref<1x4096xf32, #tpu.memory_space<hbm>>
      %dma_wait3A_1633 = tpu.memref_squeeze %dma_wait3A_1632 : memref<1x4096xf32, #tpu.memory_space<hbm>> -> memref<4096xf32, #tpu.memory_space<hbm>>
      %dma_wait3A_1634 = arith.constant 0 : i32
      %dma_wait3A_1635 = tpu.memref_slice %dma_wait3A_1633[%dma_wait3A_1634] : memref<4096xf32, #tpu.memory_space<hbm>> -> memref<2048xf32, #tpu.memory_space<hbm>>
      %dma_wait3A_1636 = arith.constant 0 : i32
      %dma_wait3A_1637 = arith.constant 0 : i32
      %dma_wait3A_1638 = tpu.memref_slice %arg5[%dma_wait3A_1625, %dma_wait3A_1636, %dma_wait3A_1637] : memref<200x64x4096xf32, #tpu.memory_space<hbm>> -> memref<1x64x4096xf32, #tpu.memory_space<hbm>>
      %dma_wait3A_1639 = tpu.memref_squeeze %dma_wait3A_1638 : memref<1x64x4096xf32, #tpu.memory_space<hbm>> -> memref<64x4096xf32, #tpu.memory_space<hbm>>
      %dma_wait3A_1640 = arith.constant 0 : i32
      %dma_wait3A_1641 = tpu.memref_slice %dma_wait3A_1639[%dma_wait3A_1626, %dma_wait3A_1640] : memref<64x4096xf32, #tpu.memory_space<hbm>> -> memref<1x4096xf32, #tpu.memory_space<hbm>>
      %dma_wait3A_1642 = tpu.memref_squeeze %dma_wait3A_1641 : memref<1x4096xf32, #tpu.memory_space<hbm>> -> memref<4096xf32, #tpu.memory_space<hbm>>
      %dma_wait3A_1643 = arith.constant 0 : i32
      %dma_wait3A_1644 = tpu.memref_slice %dma_wait3A_1642[%dma_wait3A_1643] : memref<4096xf32, #tpu.memory_space<hbm>> -> memref<2048xf32, #tpu.memory_space<hbm>>
      tpu.wait_dma2 semaphore(%arg54 : memref<!tpu.dma_semaphore, #tpu.memory_space<semaphore_mem>>) src(%arg37 : memref<2048xf32, #tpu.memory_space<vmem>>) dst(%dma_wait3A_1644 : memref<2048xf32, #tpu.memory_space<hbm>>)
      %dma_start3A_1645 = arith.constant 0 : i32
      %dma_start3A_1646 = tpu.memref_slice %arg6[%dma_start3A_1645] : memref<1000064xf32, #tpu.memory_space<vmem_shared>> -> memref<1000064xf32, #tpu.memory_space<vmem_shared>>
      tpu.enqueue_indirect_dma source(%dma_start3A_1646 : memref<1000064xf32, #tpu.memory_space<vmem_shared>>) target(%arg37 : memref<2048xf32, #tpu.memory_space<vmem>>) offsets(%arg20 : memref<2048xi32, #tpu.memory_space<vmem>>) semaphore(%arg46 : memref<!tpu.dma_semaphore, #tpu.memory_space<semaphore_mem>>)
      %add3A_1647 = arith.constant 96 : i32
      %add3A_1648 = arith.addi %arg1, %add3A_1647 : i32
      %jit3A_1649 = arith.constant 2 : i32
      %div3A_1650 = arith.divsi %add3A_1648, %jit3A_1649 : i32
      %sign3A_1651 = arith.constant 0 : i32
      %sign3A_1652 = arith.cmpi sgt, %add3A_1648, %sign3A_1651 : i32
      %sign3A_1653 = arith.extui %sign3A_1652 : i1 to i32
      %sign3A_1654 = arith.constant 0 : i32
      %sign3A_1655 = arith.cmpi slt, %add3A_1648, %sign3A_1654 : i32
      %sign3A_1656 = arith.extui %sign3A_1655 : i1 to i32
      %sign3A_1657 = arith.subi %sign3A_1653, %sign3A_1656 : i32
      %sign3A_1658 = arith.constant 0 : i32
      %sign3A_1659 = arith.cmpi sgt, %jit3A_1649, %sign3A_1658 : i32
      %sign3A_1660 = arith.extui %sign3A_1659 : i1 to i32
      %sign3A_1661 = arith.constant 0 : i32
      %sign3A_1662 = arith.cmpi slt, %jit3A_1649, %sign3A_1661 : i32
      %sign3A_1663 = arith.extui %sign3A_1662 : i1 to i32
      %sign3A_1664 = arith.subi %sign3A_1660, %sign3A_1663 : i32
      %ne3A_1665 = arith.cmpi ne, %sign3A_1657, %sign3A_1664 : i32
      %rem3A_1666 = arith.remsi %add3A_1648, %jit3A_1649 : i32
      %ne3A_1667 = arith.constant 0 : i32
      %ne3A_1668 = arith.cmpi ne, %rem3A_1666, %ne3A_1667 : i32
      %and3A_1669 = arith.andi %ne3A_1665, %ne3A_1668 : i1
      %sub3A_1670 = arith.constant 1 : i32
      %sub3A_1671 = arith.subi %div3A_1650, %sub3A_1670 : i32
      %select_n3A_1672 = arith.select %and3A_1669, %sub3A_1671, %div3A_1650 : i32
      %jit3A_1673 = arith.constant 2 : i32
      %eq3A_1674 = arith.constant 0 : i32
      %eq3A_1675 = arith.cmpi eq, %jit3A_1673, %eq3A_1674 : i32
      %jit3A_1676 = arith.constant 1 : i32
      %select_n3A_1677 = arith.select %eq3A_1675, %jit3A_1676, %jit3A_1673 : i32
      %rem3A_1678 = arith.remsi %add3A_1648, %select_n3A_1677 : i32
      %ne3A_1679 = arith.constant 0 : i32
      %ne3A_1680 = arith.cmpi ne, %rem3A_1678, %ne3A_1679 : i32
      %lt3A_1681 = arith.constant 0 : i32
      %lt3A_1682 = arith.cmpi slt, %rem3A_1678, %lt3A_1681 : i32
      %lt3A_1683 = arith.constant 0 : i32
      %lt3A_1684 = arith.cmpi slt, %select_n3A_1677, %lt3A_1683 : i32
      %ne3A_1685 = arith.xori %lt3A_1682, %lt3A_1684 : i1
      %and3A_1686 = arith.andi %ne3A_1685, %ne3A_1680 : i1
      %add3A_1687 = arith.addi %rem3A_1678, %select_n3A_1677 : i32
      %select_n3A_1688 = arith.select %and3A_1686, %add3A_1687, %rem3A_1678 : i32
      %mul3A_1689 = arith.constant 2048 : i32
      %mul3A_1690 = arith.muli %select_n3A_1688, %mul3A_1689 : i32
      %dma_wait3A_1691 = arith.constant 0 : i32
      %dma_wait3A_1692 = tpu.memref_slice %arg6[%dma_wait3A_1691] : memref<1000064xf32, #tpu.memory_space<vmem_shared>> -> memref<1000064xf32, #tpu.memory_space<vmem_shared>>
      tpu.wait_indirect_dma semaphore(%arg47 : memref<!tpu.dma_semaphore, #tpu.memory_space<semaphore_mem>>) src(%dma_wait3A_1692 : memref<1000064xf32, #tpu.memory_space<vmem_shared>>) dst(%arg38 : memref<2048xf32, #tpu.memory_space<vmem>>)
      %dma_start3A_1693 = arith.constant 0 : i32
      %dma_start3A_1694 = arith.constant 0 : i32
      %dma_start3A_1695 = tpu.memref_slice %arg5[%select_n3A_1672, %dma_start3A_1693, %dma_start3A_1694] : memref<200x64x4096xf32, #tpu.memory_space<hbm>> -> memref<1x64x4096xf32, #tpu.memory_space<hbm>>
      %dma_start3A_1696 = tpu.memref_squeeze %dma_start3A_1695 : memref<1x64x4096xf32, #tpu.memory_space<hbm>> -> memref<64x4096xf32, #tpu.memory_space<hbm>>
      %dma_start3A_1697 = arith.constant 0 : i32
      %dma_start3A_1698 = tpu.memref_slice %dma_start3A_1696[%add3A_1126, %dma_start3A_1697] : memref<64x4096xf32, #tpu.memory_space<hbm>> -> memref<1x4096xf32, #tpu.memory_space<hbm>>
      %dma_start3A_1699 = tpu.memref_squeeze %dma_start3A_1698 : memref<1x4096xf32, #tpu.memory_space<hbm>> -> memref<4096xf32, #tpu.memory_space<hbm>>
      %dma_start3A_1700 = tpu.memref_slice %dma_start3A_1699[%mul3A_1690] : memref<4096xf32, #tpu.memory_space<hbm>> -> memref<2048xf32, #tpu.memory_space<hbm>>
      %dma_start3A_1701 = arith.constant 0 : i32
      %dma_start3A_1702 = arith.constant 0 : i32
      %dma_start3A_1703 = tpu.memref_slice %arg5[%select_n3A_1672, %dma_start3A_1701, %dma_start3A_1702] : memref<200x64x4096xf32, #tpu.memory_space<hbm>> -> memref<1x64x4096xf32, #tpu.memory_space<hbm>>
      %dma_start3A_1704 = tpu.memref_squeeze %dma_start3A_1703 : memref<1x64x4096xf32, #tpu.memory_space<hbm>> -> memref<64x4096xf32, #tpu.memory_space<hbm>>
      %dma_start3A_1705 = arith.constant 0 : i32
      %dma_start3A_1706 = tpu.memref_slice %dma_start3A_1704[%add3A_1126, %dma_start3A_1705] : memref<64x4096xf32, #tpu.memory_space<hbm>> -> memref<1x4096xf32, #tpu.memory_space<hbm>>
      %dma_start3A_1707 = tpu.memref_squeeze %dma_start3A_1706 : memref<1x4096xf32, #tpu.memory_space<hbm>> -> memref<4096xf32, #tpu.memory_space<hbm>>
      %dma_start3A_1708 = tpu.memref_slice %dma_start3A_1707[%mul3A_1690] : memref<4096xf32, #tpu.memory_space<hbm>> -> memref<2048xf32, #tpu.memory_space<hbm>>
      tpu.enqueue_dma source(%arg38 : memref<2048xf32, #tpu.memory_space<vmem>>) target(%dma_start3A_1708 : memref<2048xf32, #tpu.memory_space<hbm>>) target_semaphore(%arg55 : memref<!tpu.dma_semaphore, #tpu.memory_space<semaphore_mem>>)
      %dma_wait3A_1709 = arith.constant 0 : i32
      %dma_wait3A_1710 = arith.constant 0 : i32
      %dma_wait3A_1711 = arith.constant 0 : i32
      %dma_wait3A_1712 = arith.constant 0 : i32
      %dma_wait3A_1713 = tpu.memref_slice %arg5[%dma_wait3A_1709, %dma_wait3A_1711, %dma_wait3A_1712] : memref<200x64x4096xf32, #tpu.memory_space<hbm>> -> memref<1x64x4096xf32, #tpu.memory_space<hbm>>
      %dma_wait3A_1714 = tpu.memref_squeeze %dma_wait3A_1713 : memref<1x64x4096xf32, #tpu.memory_space<hbm>> -> memref<64x4096xf32, #tpu.memory_space<hbm>>
      %dma_wait3A_1715 = arith.constant 0 : i32
      %dma_wait3A_1716 = tpu.memref_slice %dma_wait3A_1714[%dma_wait3A_1710, %dma_wait3A_1715] : memref<64x4096xf32, #tpu.memory_space<hbm>> -> memref<1x4096xf32, #tpu.memory_space<hbm>>
      %dma_wait3A_1717 = tpu.memref_squeeze %dma_wait3A_1716 : memref<1x4096xf32, #tpu.memory_space<hbm>> -> memref<4096xf32, #tpu.memory_space<hbm>>
      %dma_wait3A_1718 = arith.constant 0 : i32
      %dma_wait3A_1719 = tpu.memref_slice %dma_wait3A_1717[%dma_wait3A_1718] : memref<4096xf32, #tpu.memory_space<hbm>> -> memref<2048xf32, #tpu.memory_space<hbm>>
      %dma_wait3A_1720 = arith.constant 0 : i32
      %dma_wait3A_1721 = arith.constant 0 : i32
      %dma_wait3A_1722 = tpu.memref_slice %arg5[%dma_wait3A_1709, %dma_wait3A_1720, %dma_wait3A_1721] : memref<200x64x4096xf32, #tpu.memory_space<hbm>> -> memref<1x64x4096xf32, #tpu.memory_space<hbm>>
      %dma_wait3A_1723 = tpu.memref_squeeze %dma_wait3A_1722 : memref<1x64x4096xf32, #tpu.memory_space<hbm>> -> memref<64x4096xf32, #tpu.memory_space<hbm>>
      %dma_wait3A_1724 = arith.constant 0 : i32
      %dma_wait3A_1725 = tpu.memref_slice %dma_wait3A_1723[%dma_wait3A_1710, %dma_wait3A_1724] : memref<64x4096xf32, #tpu.memory_space<hbm>> -> memref<1x4096xf32, #tpu.memory_space<hbm>>
      %dma_wait3A_1726 = tpu.memref_squeeze %dma_wait3A_1725 : memref<1x4096xf32, #tpu.memory_space<hbm>> -> memref<4096xf32, #tpu.memory_space<hbm>>
      %dma_wait3A_1727 = arith.constant 0 : i32
      %dma_wait3A_1728 = tpu.memref_slice %dma_wait3A_1726[%dma_wait3A_1727] : memref<4096xf32, #tpu.memory_space<hbm>> -> memref<2048xf32, #tpu.memory_space<hbm>>
      tpu.wait_dma2 semaphore(%arg55 : memref<!tpu.dma_semaphore, #tpu.memory_space<semaphore_mem>>) src(%arg38 : memref<2048xf32, #tpu.memory_space<vmem>>) dst(%dma_wait3A_1728 : memref<2048xf32, #tpu.memory_space<hbm>>)
      %dma_start3A_1729 = arith.constant 0 : i32
      %dma_start3A_1730 = tpu.memref_slice %arg6[%dma_start3A_1729] : memref<1000064xf32, #tpu.memory_space<vmem_shared>> -> memref<1000064xf32, #tpu.memory_space<vmem_shared>>
      tpu.enqueue_indirect_dma source(%dma_start3A_1730 : memref<1000064xf32, #tpu.memory_space<vmem_shared>>) target(%arg38 : memref<2048xf32, #tpu.memory_space<vmem>>) offsets(%arg21 : memref<2048xi32, #tpu.memory_space<vmem>>) semaphore(%arg47 : memref<!tpu.dma_semaphore, #tpu.memory_space<semaphore_mem>>)
      %add3A_1731 = arith.constant 112 : i32
      %add3A_1732 = arith.addi %arg1, %add3A_1731 : i32
      %jit3A_1733 = arith.constant 2 : i32
      %div3A_1734 = arith.divsi %add3A_1732, %jit3A_1733 : i32
      %sign3A_1735 = arith.constant 0 : i32
      %sign3A_1736 = arith.cmpi sgt, %add3A_1732, %sign3A_1735 : i32
      %sign3A_1737 = arith.extui %sign3A_1736 : i1 to i32
      %sign3A_1738 = arith.constant 0 : i32
      %sign3A_1739 = arith.cmpi slt, %add3A_1732, %sign3A_1738 : i32
      %sign3A_1740 = arith.extui %sign3A_1739 : i1 to i32
      %sign3A_1741 = arith.subi %sign3A_1737, %sign3A_1740 : i32
      %sign3A_1742 = arith.constant 0 : i32
      %sign3A_1743 = arith.cmpi sgt, %jit3A_1733, %sign3A_1742 : i32
      %sign3A_1744 = arith.extui %sign3A_1743 : i1 to i32
      %sign3A_1745 = arith.constant 0 : i32
      %sign3A_1746 = arith.cmpi slt, %jit3A_1733, %sign3A_1745 : i32
      %sign3A_1747 = arith.extui %sign3A_1746 : i1 to i32
      %sign3A_1748 = arith.subi %sign3A_1744, %sign3A_1747 : i32
      %ne3A_1749 = arith.cmpi ne, %sign3A_1741, %sign3A_1748 : i32
      %rem3A_1750 = arith.remsi %add3A_1732, %jit3A_1733 : i32
      %ne3A_1751 = arith.constant 0 : i32
      %ne3A_1752 = arith.cmpi ne, %rem3A_1750, %ne3A_1751 : i32
      %and3A_1753 = arith.andi %ne3A_1749, %ne3A_1752 : i1
      %sub3A_1754 = arith.constant 1 : i32
      %sub3A_1755 = arith.subi %div3A_1734, %sub3A_1754 : i32
      %select_n3A_1756 = arith.select %and3A_1753, %sub3A_1755, %div3A_1734 : i32
      %jit3A_1757 = arith.constant 2 : i32
      %eq3A_1758 = arith.constant 0 : i32
      %eq3A_1759 = arith.cmpi eq, %jit3A_1757, %eq3A_1758 : i32
      %jit3A_1760 = arith.constant 1 : i32
      %select_n3A_1761 = arith.select %eq3A_1759, %jit3A_1760, %jit3A_1757 : i32
      %rem3A_1762 = arith.remsi %add3A_1732, %select_n3A_1761 : i32
      %ne3A_1763 = arith.constant 0 : i32
      %ne3A_1764 = arith.cmpi ne, %rem3A_1762, %ne3A_1763 : i32
      %lt3A_1765 = arith.constant 0 : i32
      %lt3A_1766 = arith.cmpi slt, %rem3A_1762, %lt3A_1765 : i32
      %lt3A_1767 = arith.constant 0 : i32
      %lt3A_1768 = arith.cmpi slt, %select_n3A_1761, %lt3A_1767 : i32
      %ne3A_1769 = arith.xori %lt3A_1766, %lt3A_1768 : i1
      %and3A_1770 = arith.andi %ne3A_1769, %ne3A_1764 : i1
      %add3A_1771 = arith.addi %rem3A_1762, %select_n3A_1761 : i32
      %select_n3A_1772 = arith.select %and3A_1770, %add3A_1771, %rem3A_1762 : i32
      %mul3A_1773 = arith.constant 2048 : i32
      %mul3A_1774 = arith.muli %select_n3A_1772, %mul3A_1773 : i32
      %dma_wait3A_1775 = arith.constant 0 : i32
      %dma_wait3A_1776 = tpu.memref_slice %arg6[%dma_wait3A_1775] : memref<1000064xf32, #tpu.memory_space<vmem_shared>> -> memref<1000064xf32, #tpu.memory_space<vmem_shared>>
      tpu.wait_indirect_dma semaphore(%arg48 : memref<!tpu.dma_semaphore, #tpu.memory_space<semaphore_mem>>) src(%dma_wait3A_1776 : memref<1000064xf32, #tpu.memory_space<vmem_shared>>) dst(%arg39 : memref<2048xf32, #tpu.memory_space<vmem>>)
      %dma_start3A_1777 = arith.constant 0 : i32
      %dma_start3A_1778 = arith.constant 0 : i32
      %dma_start3A_1779 = tpu.memref_slice %arg5[%select_n3A_1756, %dma_start3A_1777, %dma_start3A_1778] : memref<200x64x4096xf32, #tpu.memory_space<hbm>> -> memref<1x64x4096xf32, #tpu.memory_space<hbm>>
      %dma_start3A_1780 = tpu.memref_squeeze %dma_start3A_1779 : memref<1x64x4096xf32, #tpu.memory_space<hbm>> -> memref<64x4096xf32, #tpu.memory_space<hbm>>
      %dma_start3A_1781 = arith.constant 0 : i32
      %dma_start3A_1782 = tpu.memref_slice %dma_start3A_1780[%add3A_1126, %dma_start3A_1781] : memref<64x4096xf32, #tpu.memory_space<hbm>> -> memref<1x4096xf32, #tpu.memory_space<hbm>>
      %dma_start3A_1783 = tpu.memref_squeeze %dma_start3A_1782 : memref<1x4096xf32, #tpu.memory_space<hbm>> -> memref<4096xf32, #tpu.memory_space<hbm>>
      %dma_start3A_1784 = tpu.memref_slice %dma_start3A_1783[%mul3A_1774] : memref<4096xf32, #tpu.memory_space<hbm>> -> memref<2048xf32, #tpu.memory_space<hbm>>
      %dma_start3A_1785 = arith.constant 0 : i32
      %dma_start3A_1786 = arith.constant 0 : i32
      %dma_start3A_1787 = tpu.memref_slice %arg5[%select_n3A_1756, %dma_start3A_1785, %dma_start3A_1786] : memref<200x64x4096xf32, #tpu.memory_space<hbm>> -> memref<1x64x4096xf32, #tpu.memory_space<hbm>>
      %dma_start3A_1788 = tpu.memref_squeeze %dma_start3A_1787 : memref<1x64x4096xf32, #tpu.memory_space<hbm>> -> memref<64x4096xf32, #tpu.memory_space<hbm>>
      %dma_start3A_1789 = arith.constant 0 : i32
      %dma_start3A_1790 = tpu.memref_slice %dma_start3A_1788[%add3A_1126, %dma_start3A_1789] : memref<64x4096xf32, #tpu.memory_space<hbm>> -> memref<1x4096xf32, #tpu.memory_space<hbm>>
      %dma_start3A_1791 = tpu.memref_squeeze %dma_start3A_1790 : memref<1x4096xf32, #tpu.memory_space<hbm>> -> memref<4096xf32, #tpu.memory_space<hbm>>
      %dma_start3A_1792 = tpu.memref_slice %dma_start3A_1791[%mul3A_1774] : memref<4096xf32, #tpu.memory_space<hbm>> -> memref<2048xf32, #tpu.memory_space<hbm>>
      tpu.enqueue_dma source(%arg39 : memref<2048xf32, #tpu.memory_space<vmem>>) target(%dma_start3A_1792 : memref<2048xf32, #tpu.memory_space<hbm>>) target_semaphore(%arg56 : memref<!tpu.dma_semaphore, #tpu.memory_space<semaphore_mem>>)
      %dma_wait3A_1793 = arith.constant 0 : i32
      %dma_wait3A_1794 = arith.constant 0 : i32
      %dma_wait3A_1795 = arith.constant 0 : i32
      %dma_wait3A_1796 = arith.constant 0 : i32
      %dma_wait3A_1797 = tpu.memref_slice %arg5[%dma_wait3A_1793, %dma_wait3A_1795, %dma_wait3A_1796] : memref<200x64x4096xf32, #tpu.memory_space<hbm>> -> memref<1x64x4096xf32, #tpu.memory_space<hbm>>
      %dma_wait3A_1798 = tpu.memref_squeeze %dma_wait3A_1797 : memref<1x64x4096xf32, #tpu.memory_space<hbm>> -> memref<64x4096xf32, #tpu.memory_space<hbm>>
      %dma_wait3A_1799 = arith.constant 0 : i32
      %dma_wait3A_1800 = tpu.memref_slice %dma_wait3A_1798[%dma_wait3A_1794, %dma_wait3A_1799] : memref<64x4096xf32, #tpu.memory_space<hbm>> -> memref<1x4096xf32, #tpu.memory_space<hbm>>
      %dma_wait3A_1801 = tpu.memref_squeeze %dma_wait3A_1800 : memref<1x4096xf32, #tpu.memory_space<hbm>> -> memref<4096xf32, #tpu.memory_space<hbm>>
      %dma_wait3A_1802 = arith.constant 0 : i32
      %dma_wait3A_1803 = tpu.memref_slice %dma_wait3A_1801[%dma_wait3A_1802] : memref<4096xf32, #tpu.memory_space<hbm>> -> memref<2048xf32, #tpu.memory_space<hbm>>
      %dma_wait3A_1804 = arith.constant 0 : i32
      %dma_wait3A_1805 = arith.constant 0 : i32
      %dma_wait3A_1806 = tpu.memref_slice %arg5[%dma_wait3A_1793, %dma_wait3A_1804, %dma_wait3A_1805] : memref<200x64x4096xf32, #tpu.memory_space<hbm>> -> memref<1x64x4096xf32, #tpu.memory_space<hbm>>
      %dma_wait3A_1807 = tpu.memref_squeeze %dma_wait3A_1806 : memref<1x64x4096xf32, #tpu.memory_space<hbm>> -> memref<64x4096xf32, #tpu.memory_space<hbm>>
      %dma_wait3A_1808 = arith.constant 0 : i32
      %dma_wait3A_1809 = tpu.memref_slice %dma_wait3A_1807[%dma_wait3A_1794, %dma_wait3A_1808] : memref<64x4096xf32, #tpu.memory_space<hbm>> -> memref<1x4096xf32, #tpu.memory_space<hbm>>
      %dma_wait3A_1810 = tpu.memref_squeeze %dma_wait3A_1809 : memref<1x4096xf32, #tpu.memory_space<hbm>> -> memref<4096xf32, #tpu.memory_space<hbm>>
      %dma_wait3A_1811 = arith.constant 0 : i32
      %dma_wait3A_1812 = tpu.memref_slice %dma_wait3A_1810[%dma_wait3A_1811] : memref<4096xf32, #tpu.memory_space<hbm>> -> memref<2048xf32, #tpu.memory_space<hbm>>
      tpu.wait_dma2 semaphore(%arg56 : memref<!tpu.dma_semaphore, #tpu.memory_space<semaphore_mem>>) src(%arg39 : memref<2048xf32, #tpu.memory_space<vmem>>) dst(%dma_wait3A_1812 : memref<2048xf32, #tpu.memory_space<hbm>>)
      %dma_start3A_1813 = arith.constant 0 : i32
      %dma_start3A_1814 = tpu.memref_slice %arg6[%dma_start3A_1813] : memref<1000064xf32, #tpu.memory_space<vmem_shared>> -> memref<1000064xf32, #tpu.memory_space<vmem_shared>>
      tpu.enqueue_indirect_dma source(%dma_start3A_1814 : memref<1000064xf32, #tpu.memory_space<vmem_shared>>) target(%arg39 : memref<2048xf32, #tpu.memory_space<vmem>>) offsets(%arg22 : memref<2048xi32, #tpu.memory_space<vmem>>) semaphore(%arg48 : memref<!tpu.dma_semaphore, #tpu.memory_space<semaphore_mem>>)
      %add3A_1815 = arith.constant 128 : i32
      %add3A_1816 = arith.addi %arg1, %add3A_1815 : i32
      %jit3A_1817 = arith.constant 2 : i32
      %div3A_1818 = arith.divsi %add3A_1816, %jit3A_1817 : i32
      %sign3A_1819 = arith.constant 0 : i32
      %sign3A_1820 = arith.cmpi sgt, %add3A_1816, %sign3A_1819 : i32
      %sign3A_1821 = arith.extui %sign3A_1820 : i1 to i32
      %sign3A_1822 = arith.constant 0 : i32
      %sign3A_1823 = arith.cmpi slt, %add3A_1816, %sign3A_1822 : i32
      %sign3A_1824 = arith.extui %sign3A_1823 : i1 to i32
      %sign3A_1825 = arith.subi %sign3A_1821, %sign3A_1824 : i32
      %sign3A_1826 = arith.constant 0 : i32
      %sign3A_1827 = arith.cmpi sgt, %jit3A_1817, %sign3A_1826 : i32
      %sign3A_1828 = arith.extui %sign3A_1827 : i1 to i32
      %sign3A_1829 = arith.constant 0 : i32
      %sign3A_1830 = arith.cmpi slt, %jit3A_1817, %sign3A_1829 : i32
      %sign3A_1831 = arith.extui %sign3A_1830 : i1 to i32
      %sign3A_1832 = arith.subi %sign3A_1828, %sign3A_1831 : i32
      %ne3A_1833 = arith.cmpi ne, %sign3A_1825, %sign3A_1832 : i32
      %rem3A_1834 = arith.remsi %add3A_1816, %jit3A_1817 : i32
      %ne3A_1835 = arith.constant 0 : i32
      %ne3A_1836 = arith.cmpi ne, %rem3A_1834, %ne3A_1835 : i32
      %and3A_1837 = arith.andi %ne3A_1833, %ne3A_1836 : i1
      %sub3A_1838 = arith.constant 1 : i32
      %sub3A_1839 = arith.subi %div3A_1818, %sub3A_1838 : i32
      %select_n3A_1840 = arith.select %and3A_1837, %sub3A_1839, %div3A_1818 : i32
      %jit3A_1841 = arith.constant 2 : i32
      %eq3A_1842 = arith.constant 0 : i32
      %eq3A_1843 = arith.cmpi eq, %jit3A_1841, %eq3A_1842 : i32
      %jit3A_1844 = arith.constant 1 : i32
      %select_n3A_1845 = arith.select %eq3A_1843, %jit3A_1844, %jit3A_1841 : i32
      %rem3A_1846 = arith.remsi %add3A_1816, %select_n3A_1845 : i32
      %ne3A_1847 = arith.constant 0 : i32
      %ne3A_1848 = arith.cmpi ne, %rem3A_1846, %ne3A_1847 : i32
      %lt3A_1849 = arith.constant 0 : i32
      %lt3A_1850 = arith.cmpi slt, %rem3A_1846, %lt3A_1849 : i32
      %lt3A_1851 = arith.constant 0 : i32
      %lt3A_1852 = arith.cmpi slt, %select_n3A_1845, %lt3A_1851 : i32
      %ne3A_1853 = arith.xori %lt3A_1850, %lt3A_1852 : i1
      %and3A_1854 = arith.andi %ne3A_1853, %ne3A_1848 : i1
      %add3A_1855 = arith.addi %rem3A_1846, %select_n3A_1845 : i32
      %select_n3A_1856 = arith.select %and3A_1854, %add3A_1855, %rem3A_1846 : i32
      %mul3A_1857 = arith.constant 2048 : i32
      %mul3A_1858 = arith.muli %select_n3A_1856, %mul3A_1857 : i32
      %dma_wait3A_1859 = arith.constant 0 : i32
      %dma_wait3A_1860 = tpu.memref_slice %arg6[%dma_wait3A_1859] : memref<1000064xf32, #tpu.memory_space<vmem_shared>> -> memref<1000064xf32, #tpu.memory_space<vmem_shared>>
      tpu.wait_indirect_dma semaphore(%arg41 : memref<!tpu.dma_semaphore, #tpu.memory_space<semaphore_mem>>) src(%dma_wait3A_1860 : memref<1000064xf32, #tpu.memory_space<vmem_shared>>) dst(%arg32 : memref<2048xf32, #tpu.memory_space<vmem>>)
      %dma_start3A_1861 = arith.constant 0 : i32
      %dma_start3A_1862 = arith.constant 0 : i32
      %dma_start3A_1863 = tpu.memref_slice %arg5[%select_n3A_1840, %dma_start3A_1861, %dma_start3A_1862] : memref<200x64x4096xf32, #tpu.memory_space<hbm>> -> memref<1x64x4096xf32, #tpu.memory_space<hbm>>
      %dma_start3A_1864 = tpu.memref_squeeze %dma_start3A_1863 : memref<1x64x4096xf32, #tpu.memory_space<hbm>> -> memref<64x4096xf32, #tpu.memory_space<hbm>>
      %dma_start3A_1865 = arith.constant 0 : i32
      %dma_start3A_1866 = tpu.memref_slice %dma_start3A_1864[%add3A_1126, %dma_start3A_1865] : memref<64x4096xf32, #tpu.memory_space<hbm>> -> memref<1x4096xf32, #tpu.memory_space<hbm>>
      %dma_start3A_1867 = tpu.memref_squeeze %dma_start3A_1866 : memref<1x4096xf32, #tpu.memory_space<hbm>> -> memref<4096xf32, #tpu.memory_space<hbm>>
      %dma_start3A_1868 = tpu.memref_slice %dma_start3A_1867[%mul3A_1858] : memref<4096xf32, #tpu.memory_space<hbm>> -> memref<2048xf32, #tpu.memory_space<hbm>>
      %dma_start3A_1869 = arith.constant 0 : i32
      %dma_start3A_1870 = arith.constant 0 : i32
      %dma_start3A_1871 = tpu.memref_slice %arg5[%select_n3A_1840, %dma_start3A_1869, %dma_start3A_1870] : memref<200x64x4096xf32, #tpu.memory_space<hbm>> -> memref<1x64x4096xf32, #tpu.memory_space<hbm>>
      %dma_start3A_1872 = tpu.memref_squeeze %dma_start3A_1871 : memref<1x64x4096xf32, #tpu.memory_space<hbm>> -> memref<64x4096xf32, #tpu.memory_space<hbm>>
      %dma_start3A_1873 = arith.constant 0 : i32
      %dma_start3A_1874 = tpu.memref_slice %dma_start3A_1872[%add3A_1126, %dma_start3A_1873] : memref<64x4096xf32, #tpu.memory_space<hbm>> -> memref<1x4096xf32, #tpu.memory_space<hbm>>
      %dma_start3A_1875 = tpu.memref_squeeze %dma_start3A_1874 : memref<1x4096xf32, #tpu.memory_space<hbm>> -> memref<4096xf32, #tpu.memory_space<hbm>>
      %dma_start3A_1876 = tpu.memref_slice %dma_start3A_1875[%mul3A_1858] : memref<4096xf32, #tpu.memory_space<hbm>> -> memref<2048xf32, #tpu.memory_space<hbm>>
      tpu.enqueue_dma source(%arg32 : memref<2048xf32, #tpu.memory_space<vmem>>) target(%dma_start3A_1876 : memref<2048xf32, #tpu.memory_space<hbm>>) target_semaphore(%arg49 : memref<!tpu.dma_semaphore, #tpu.memory_space<semaphore_mem>>)
      %dma_wait3A_1877 = arith.constant 0 : i32
      %dma_wait3A_1878 = arith.constant 0 : i32
      %dma_wait3A_1879 = arith.constant 0 : i32
      %dma_wait3A_1880 = arith.constant 0 : i32
      %dma_wait3A_1881 = tpu.memref_slice %arg5[%dma_wait3A_1877, %dma_wait3A_1879, %dma_wait3A_1880] : memref<200x64x4096xf32, #tpu.memory_space<hbm>> -> memref<1x64x4096xf32, #tpu.memory_space<hbm>>
      %dma_wait3A_1882 = tpu.memref_squeeze %dma_wait3A_1881 : memref<1x64x4096xf32, #tpu.memory_space<hbm>> -> memref<64x4096xf32, #tpu.memory_space<hbm>>
      %dma_wait3A_1883 = arith.constant 0 : i32
      %dma_wait3A_1884 = tpu.memref_slice %dma_wait3A_1882[%dma_wait3A_1878, %dma_wait3A_1883] : memref<64x4096xf32, #tpu.memory_space<hbm>> -> memref<1x4096xf32, #tpu.memory_space<hbm>>
      %dma_wait3A_1885 = tpu.memref_squeeze %dma_wait3A_1884 : memref<1x4096xf32, #tpu.memory_space<hbm>> -> memref<4096xf32, #tpu.memory_space<hbm>>
      %dma_wait3A_1886 = arith.constant 0 : i32
      %dma_wait3A_1887 = tpu.memref_slice %dma_wait3A_1885[%dma_wait3A_1886] : memref<4096xf32, #tpu.memory_space<hbm>> -> memref<2048xf32, #tpu.memory_space<hbm>>
      %dma_wait3A_1888 = arith.constant 0 : i32
      %dma_wait3A_1889 = arith.constant 0 : i32
      %dma_wait3A_1890 = tpu.memref_slice %arg5[%dma_wait3A_1877, %dma_wait3A_1888, %dma_wait3A_1889] : memref<200x64x4096xf32, #tpu.memory_space<hbm>> -> memref<1x64x4096xf32, #tpu.memory_space<hbm>>
      %dma_wait3A_1891 = tpu.memref_squeeze %dma_wait3A_1890 : memref<1x64x4096xf32, #tpu.memory_space<hbm>> -> memref<64x4096xf32, #tpu.memory_space<hbm>>
      %dma_wait3A_1892 = arith.constant 0 : i32
      %dma_wait3A_1893 = tpu.memref_slice %dma_wait3A_1891[%dma_wait3A_1878, %dma_wait3A_1892] : memref<64x4096xf32, #tpu.memory_space<hbm>> -> memref<1x4096xf32, #tpu.memory_space<hbm>>
      %dma_wait3A_1894 = tpu.memref_squeeze %dma_wait3A_1893 : memref<1x4096xf32, #tpu.memory_space<hbm>> -> memref<4096xf32, #tpu.memory_space<hbm>>
      %dma_wait3A_1895 = arith.constant 0 : i32
      %dma_wait3A_1896 = tpu.memref_slice %dma_wait3A_1894[%dma_wait3A_1895] : memref<4096xf32, #tpu.memory_space<hbm>> -> memref<2048xf32, #tpu.memory_space<hbm>>
      tpu.wait_dma2 semaphore(%arg49 : memref<!tpu.dma_semaphore, #tpu.memory_space<semaphore_mem>>) src(%arg32 : memref<2048xf32, #tpu.memory_space<vmem>>) dst(%dma_wait3A_1896 : memref<2048xf32, #tpu.memory_space<hbm>>)
      %dma_start3A_1897 = arith.constant 0 : i32
      %dma_start3A_1898 = tpu.memref_slice %arg6[%dma_start3A_1897] : memref<1000064xf32, #tpu.memory_space<vmem_shared>> -> memref<1000064xf32, #tpu.memory_space<vmem_shared>>
      tpu.enqueue_indirect_dma source(%dma_start3A_1898 : memref<1000064xf32, #tpu.memory_space<vmem_shared>>) target(%arg32 : memref<2048xf32, #tpu.memory_space<vmem>>) offsets(%arg23 : memref<2048xi32, #tpu.memory_space<vmem>>) semaphore(%arg41 : memref<!tpu.dma_semaphore, #tpu.memory_space<semaphore_mem>>)
      %add3A_1899 = arith.constant 144 : i32
      %add3A_1900 = arith.addi %arg1, %add3A_1899 : i32
      %jit3A_1901 = arith.constant 2 : i32
      %div3A_1902 = arith.divsi %add3A_1900, %jit3A_1901 : i32
      %sign3A_1903 = arith.constant 0 : i32
      %sign3A_1904 = arith.cmpi sgt, %add3A_1900, %sign3A_1903 : i32
      %sign3A_1905 = arith.extui %sign3A_1904 : i1 to i32
      %sign3A_1906 = arith.constant 0 : i32
      %sign3A_1907 = arith.cmpi slt, %add3A_1900, %sign3A_1906 : i32
      %sign3A_1908 = arith.extui %sign3A_1907 : i1 to i32
      %sign3A_1909 = arith.subi %sign3A_1905, %sign3A_1908 : i32
      %sign3A_1910 = arith.constant 0 : i32
      %sign3A_1911 = arith.cmpi sgt, %jit3A_1901, %sign3A_1910 : i32
      %sign3A_1912 = arith.extui %sign3A_1911 : i1 to i32
      %sign3A_1913 = arith.constant 0 : i32
      %sign3A_1914 = arith.cmpi slt, %jit3A_1901, %sign3A_1913 : i32
      %sign3A_1915 = arith.extui %sign3A_1914 : i1 to i32
      %sign3A_1916 = arith.subi %sign3A_1912, %sign3A_1915 : i32
      %ne3A_1917 = arith.cmpi ne, %sign3A_1909, %sign3A_1916 : i32
      %rem3A_1918 = arith.remsi %add3A_1900, %jit3A_1901 : i32
      %ne3A_1919 = arith.constant 0 : i32
      %ne3A_1920 = arith.cmpi ne, %rem3A_1918, %ne3A_1919 : i32
      %and3A_1921 = arith.andi %ne3A_1917, %ne3A_1920 : i1
      %sub3A_1922 = arith.constant 1 : i32
      %sub3A_1923 = arith.subi %div3A_1902, %sub3A_1922 : i32
      %select_n3A_1924 = arith.select %and3A_1921, %sub3A_1923, %div3A_1902 : i32
      %jit3A_1925 = arith.constant 2 : i32
      %eq3A_1926 = arith.constant 0 : i32
      %eq3A_1927 = arith.cmpi eq, %jit3A_1925, %eq3A_1926 : i32
      %jit3A_1928 = arith.constant 1 : i32
      %select_n3A_1929 = arith.select %eq3A_1927, %jit3A_1928, %jit3A_1925 : i32
      %rem3A_1930 = arith.remsi %add3A_1900, %select_n3A_1929 : i32
      %ne3A_1931 = arith.constant 0 : i32
      %ne3A_1932 = arith.cmpi ne, %rem3A_1930, %ne3A_1931 : i32
      %lt3A_1933 = arith.constant 0 : i32
      %lt3A_1934 = arith.cmpi slt, %rem3A_1930, %lt3A_1933 : i32
      %lt3A_1935 = arith.constant 0 : i32
      %lt3A_1936 = arith.cmpi slt, %select_n3A_1929, %lt3A_1935 : i32
      %ne3A_1937 = arith.xori %lt3A_1934, %lt3A_1936 : i1
      %and3A_1938 = arith.andi %ne3A_1937, %ne3A_1932 : i1
      %add3A_1939 = arith.addi %rem3A_1930, %select_n3A_1929 : i32
      %select_n3A_1940 = arith.select %and3A_1938, %add3A_1939, %rem3A_1930 : i32
      %mul3A_1941 = arith.constant 2048 : i32
      %mul3A_1942 = arith.muli %select_n3A_1940, %mul3A_1941 : i32
      %dma_wait3A_1943 = arith.constant 0 : i32
      %dma_wait3A_1944 = tpu.memref_slice %arg6[%dma_wait3A_1943] : memref<1000064xf32, #tpu.memory_space<vmem_shared>> -> memref<1000064xf32, #tpu.memory_space<vmem_shared>>
      tpu.wait_indirect_dma semaphore(%arg42 : memref<!tpu.dma_semaphore, #tpu.memory_space<semaphore_mem>>) src(%dma_wait3A_1944 : memref<1000064xf32, #tpu.memory_space<vmem_shared>>) dst(%arg33 : memref<2048xf32, #tpu.memory_space<vmem>>)
      %dma_start3A_1945 = arith.constant 0 : i32
      %dma_start3A_1946 = arith.constant 0 : i32
      %dma_start3A_1947 = tpu.memref_slice %arg5[%select_n3A_1924, %dma_start3A_1945, %dma_start3A_1946] : memref<200x64x4096xf32, #tpu.memory_space<hbm>> -> memref<1x64x4096xf32, #tpu.memory_space<hbm>>
      %dma_start3A_1948 = tpu.memref_squeeze %dma_start3A_1947 : memref<1x64x4096xf32, #tpu.memory_space<hbm>> -> memref<64x4096xf32, #tpu.memory_space<hbm>>
      %dma_start3A_1949 = arith.constant 0 : i32
      %dma_start3A_1950 = tpu.memref_slice %dma_start3A_1948[%add3A_1126, %dma_start3A_1949] : memref<64x4096xf32, #tpu.memory_space<hbm>> -> memref<1x4096xf32, #tpu.memory_space<hbm>>
      %dma_start3A_1951 = tpu.memref_squeeze %dma_start3A_1950 : memref<1x4096xf32, #tpu.memory_space<hbm>> -> memref<4096xf32, #tpu.memory_space<hbm>>
      %dma_start3A_1952 = tpu.memref_slice %dma_start3A_1951[%mul3A_1942] : memref<4096xf32, #tpu.memory_space<hbm>> -> memref<2048xf32, #tpu.memory_space<hbm>>
      %dma_start3A_1953 = arith.constant 0 : i32
      %dma_start3A_1954 = arith.constant 0 : i32
      %dma_start3A_1955 = tpu.memref_slice %arg5[%select_n3A_1924, %dma_start3A_1953, %dma_start3A_1954] : memref<200x64x4096xf32, #tpu.memory_space<hbm>> -> memref<1x64x4096xf32, #tpu.memory_space<hbm>>
      %dma_start3A_1956 = tpu.memref_squeeze %dma_start3A_1955 : memref<1x64x4096xf32, #tpu.memory_space<hbm>> -> memref<64x4096xf32, #tpu.memory_space<hbm>>
      %dma_start3A_1957 = arith.constant 0 : i32
      %dma_start3A_1958 = tpu.memref_slice %dma_start3A_1956[%add3A_1126, %dma_start3A_1957] : memref<64x4096xf32, #tpu.memory_space<hbm>> -> memref<1x4096xf32, #tpu.memory_space<hbm>>
      %dma_start3A_1959 = tpu.memref_squeeze %dma_start3A_1958 : memref<1x4096xf32, #tpu.memory_space<hbm>> -> memref<4096xf32, #tpu.memory_space<hbm>>
      %dma_start3A_1960 = tpu.memref_slice %dma_start3A_1959[%mul3A_1942] : memref<4096xf32, #tpu.memory_space<hbm>> -> memref<2048xf32, #tpu.memory_space<hbm>>
      tpu.enqueue_dma source(%arg33 : memref<2048xf32, #tpu.memory_space<vmem>>) target(%dma_start3A_1960 : memref<2048xf32, #tpu.memory_space<hbm>>) target_semaphore(%arg50 : memref<!tpu.dma_semaphore, #tpu.memory_space<semaphore_mem>>)
      %dma_wait3A_1961 = arith.constant 0 : i32
      %dma_wait3A_1962 = arith.constant 0 : i32
      %dma_wait3A_1963 = arith.constant 0 : i32
      %dma_wait3A_1964 = arith.constant 0 : i32
      %dma_wait3A_1965 = tpu.memref_slice %arg5[%dma_wait3A_1961, %dma_wait3A_1963, %dma_wait3A_1964] : memref<200x64x4096xf32, #tpu.memory_space<hbm>> -> memref<1x64x4096xf32, #tpu.memory_space<hbm>>
      %dma_wait3A_1966 = tpu.memref_squeeze %dma_wait3A_1965 : memref<1x64x4096xf32, #tpu.memory_space<hbm>> -> memref<64x4096xf32, #tpu.memory_space<hbm>>
      %dma_wait3A_1967 = arith.constant 0 : i32
      %dma_wait3A_1968 = tpu.memref_slice %dma_wait3A_1966[%dma_wait3A_1962, %dma_wait3A_1967] : memref<64x4096xf32, #tpu.memory_space<hbm>> -> memref<1x4096xf32, #tpu.memory_space<hbm>>
      %dma_wait3A_1969 = tpu.memref_squeeze %dma_wait3A_1968 : memref<1x4096xf32, #tpu.memory_space<hbm>> -> memref<4096xf32, #tpu.memory_space<hbm>>
      %dma_wait3A_1970 = arith.constant 0 : i32
      %dma_wait3A_1971 = tpu.memref_slice %dma_wait3A_1969[%dma_wait3A_1970] : memref<4096xf32, #tpu.memory_space<hbm>> -> memref<2048xf32, #tpu.memory_space<hbm>>
      %dma_wait3A_1972 = arith.constant 0 : i32
      %dma_wait3A_1973 = arith.constant 0 : i32
      %dma_wait3A_1974 = tpu.memref_slice %arg5[%dma_wait3A_1961, %dma_wait3A_1972, %dma_wait3A_1973] : memref<200x64x4096xf32, #tpu.memory_space<hbm>> -> memref<1x64x4096xf32, #tpu.memory_space<hbm>>
      %dma_wait3A_1975 = tpu.memref_squeeze %dma_wait3A_1974 : memref<1x64x4096xf32, #tpu.memory_space<hbm>> -> memref<64x4096xf32, #tpu.memory_space<hbm>>
      %dma_wait3A_1976 = arith.constant 0 : i32
      %dma_wait3A_1977 = tpu.memref_slice %dma_wait3A_1975[%dma_wait3A_1962, %dma_wait3A_1976] : memref<64x4096xf32, #tpu.memory_space<hbm>> -> memref<1x4096xf32, #tpu.memory_space<hbm>>
      %dma_wait3A_1978 = tpu.memref_squeeze %dma_wait3A_1977 : memref<1x4096xf32, #tpu.memory_space<hbm>> -> memref<4096xf32, #tpu.memory_space<hbm>>
      %dma_wait3A_1979 = arith.constant 0 : i32
      %dma_wait3A_1980 = tpu.memref_slice %dma_wait3A_1978[%dma_wait3A_1979] : memref<4096xf32, #tpu.memory_space<hbm>> -> memref<2048xf32, #tpu.memory_space<hbm>>
      tpu.wait_dma2 semaphore(%arg50 : memref<!tpu.dma_semaphore, #tpu.memory_space<semaphore_mem>>) src(%arg33 : memref<2048xf32, #tpu.memory_space<vmem>>) dst(%dma_wait3A_1980 : memref<2048xf32, #tpu.memory_space<hbm>>)
      %dma_start3A_1981 = arith.constant 0 : i32
      %dma_start3A_1982 = tpu.memref_slice %arg6[%dma_start3A_1981] : memref<1000064xf32, #tpu.memory_space<vmem_shared>> -> memref<1000064xf32, #tpu.memory_space<vmem_shared>>
      tpu.enqueue_indirect_dma source(%dma_start3A_1982 : memref<1000064xf32, #tpu.memory_space<vmem_shared>>) target(%arg33 : memref<2048xf32, #tpu.memory_space<vmem>>) offsets(%arg24 : memref<2048xi32, #tpu.memory_space<vmem>>) semaphore(%arg42 : memref<!tpu.dma_semaphore, #tpu.memory_space<semaphore_mem>>)
      %add3A_1983 = arith.constant 160 : i32
      %add3A_1984 = arith.addi %arg1, %add3A_1983 : i32
      %jit3A_1985 = arith.constant 2 : i32
      %div3A_1986 = arith.divsi %add3A_1984, %jit3A_1985 : i32
      %sign3A_1987 = arith.constant 0 : i32
      %sign3A_1988 = arith.cmpi sgt, %add3A_1984, %sign3A_1987 : i32
      %sign3A_1989 = arith.extui %sign3A_1988 : i1 to i32
      %sign3A_1990 = arith.constant 0 : i32
      %sign3A_1991 = arith.cmpi slt, %add3A_1984, %sign3A_1990 : i32
      %sign3A_1992 = arith.extui %sign3A_1991 : i1 to i32
      %sign3A_1993 = arith.subi %sign3A_1989, %sign3A_1992 : i32
      %sign3A_1994 = arith.constant 0 : i32
      %sign3A_1995 = arith.cmpi sgt, %jit3A_1985, %sign3A_1994 : i32
      %sign3A_1996 = arith.extui %sign3A_1995 : i1 to i32
      %sign3A_1997 = arith.constant 0 : i32
      %sign3A_1998 = arith.cmpi slt, %jit3A_1985, %sign3A_1997 : i32
      %sign3A_1999 = arith.extui %sign3A_1998 : i1 to i32
      %sign3A_2000 = arith.subi %sign3A_1996, %sign3A_1999 : i32
      %ne3A_2001 = arith.cmpi ne, %sign3A_1993, %sign3A_2000 : i32
      %rem3A_2002 = arith.remsi %add3A_1984, %jit3A_1985 : i32
      %ne3A_2003 = arith.constant 0 : i32
      %ne3A_2004 = arith.cmpi ne, %rem3A_2002, %ne3A_2003 : i32
      %and3A_2005 = arith.andi %ne3A_2001, %ne3A_2004 : i1
      %sub3A_2006 = arith.constant 1 : i32
      %sub3A_2007 = arith.subi %div3A_1986, %sub3A_2006 : i32
      %select_n3A_2008 = arith.select %and3A_2005, %sub3A_2007, %div3A_1986 : i32
      %jit3A_2009 = arith.constant 2 : i32
      %eq3A_2010 = arith.constant 0 : i32
      %eq3A_2011 = arith.cmpi eq, %jit3A_2009, %eq3A_2010 : i32
      %jit3A_2012 = arith.constant 1 : i32
      %select_n3A_2013 = arith.select %eq3A_2011, %jit3A_2012, %jit3A_2009 : i32
      %rem3A_2014 = arith.remsi %add3A_1984, %select_n3A_2013 : i32
      %ne3A_2015 = arith.constant 0 : i32
      %ne3A_2016 = arith.cmpi ne, %rem3A_2014, %ne3A_2015 : i32
      %lt3A_2017 = arith.constant 0 : i32
      %lt3A_2018 = arith.cmpi slt, %rem3A_2014, %lt3A_2017 : i32
      %lt3A_2019 = arith.constant 0 : i32
      %lt3A_2020 = arith.cmpi slt, %select_n3A_2013, %lt3A_2019 : i32
      %ne3A_2021 = arith.xori %lt3A_2018, %lt3A_2020 : i1
      %and3A_2022 = arith.andi %ne3A_2021, %ne3A_2016 : i1
      %add3A_2023 = arith.addi %rem3A_2014, %select_n3A_2013 : i32
      %select_n3A_2024 = arith.select %and3A_2022, %add3A_2023, %rem3A_2014 : i32
      %mul3A_2025 = arith.constant 2048 : i32
      %mul3A_2026 = arith.muli %select_n3A_2024, %mul3A_2025 : i32
      %dma_wait3A_2027 = arith.constant 0 : i32
      %dma_wait3A_2028 = tpu.memref_slice %arg6[%dma_wait3A_2027] : memref<1000064xf32, #tpu.memory_space<vmem_shared>> -> memref<1000064xf32, #tpu.memory_space<vmem_shared>>
      tpu.wait_indirect_dma semaphore(%arg43 : memref<!tpu.dma_semaphore, #tpu.memory_space<semaphore_mem>>) src(%dma_wait3A_2028 : memref<1000064xf32, #tpu.memory_space<vmem_shared>>) dst(%arg34 : memref<2048xf32, #tpu.memory_space<vmem>>)
      %dma_start3A_2029 = arith.constant 0 : i32
      %dma_start3A_2030 = arith.constant 0 : i32
      %dma_start3A_2031 = tpu.memref_slice %arg5[%select_n3A_2008, %dma_start3A_2029, %dma_start3A_2030] : memref<200x64x4096xf32, #tpu.memory_space<hbm>> -> memref<1x64x4096xf32, #tpu.memory_space<hbm>>
      %dma_start3A_2032 = tpu.memref_squeeze %dma_start3A_2031 : memref<1x64x4096xf32, #tpu.memory_space<hbm>> -> memref<64x4096xf32, #tpu.memory_space<hbm>>
      %dma_start3A_2033 = arith.constant 0 : i32
      %dma_start3A_2034 = tpu.memref_slice %dma_start3A_2032[%add3A_1126, %dma_start3A_2033] : memref<64x4096xf32, #tpu.memory_space<hbm>> -> memref<1x4096xf32, #tpu.memory_space<hbm>>
      %dma_start3A_2035 = tpu.memref_squeeze %dma_start3A_2034 : memref<1x4096xf32, #tpu.memory_space<hbm>> -> memref<4096xf32, #tpu.memory_space<hbm>>
      %dma_start3A_2036 = tpu.memref_slice %dma_start3A_2035[%mul3A_2026] : memref<4096xf32, #tpu.memory_space<hbm>> -> memref<2048xf32, #tpu.memory_space<hbm>>
      %dma_start3A_2037 = arith.constant 0 : i32
      %dma_start3A_2038 = arith.constant 0 : i32
      %dma_start3A_2039 = tpu.memref_slice %arg5[%select_n3A_2008, %dma_start3A_2037, %dma_start3A_2038] : memref<200x64x4096xf32, #tpu.memory_space<hbm>> -> memref<1x64x4096xf32, #tpu.memory_space<hbm>>
      %dma_start3A_2040 = tpu.memref_squeeze %dma_start3A_2039 : memref<1x64x4096xf32, #tpu.memory_space<hbm>> -> memref<64x4096xf32, #tpu.memory_space<hbm>>
      %dma_start3A_2041 = arith.constant 0 : i32
      %dma_start3A_2042 = tpu.memref_slice %dma_start3A_2040[%add3A_1126, %dma_start3A_2041] : memref<64x4096xf32, #tpu.memory_space<hbm>> -> memref<1x4096xf32, #tpu.memory_space<hbm>>
      %dma_start3A_2043 = tpu.memref_squeeze %dma_start3A_2042 : memref<1x4096xf32, #tpu.memory_space<hbm>> -> memref<4096xf32, #tpu.memory_space<hbm>>
      %dma_start3A_2044 = tpu.memref_slice %dma_start3A_2043[%mul3A_2026] : memref<4096xf32, #tpu.memory_space<hbm>> -> memref<2048xf32, #tpu.memory_space<hbm>>
      tpu.enqueue_dma source(%arg34 : memref<2048xf32, #tpu.memory_space<vmem>>) target(%dma_start3A_2044 : memref<2048xf32, #tpu.memory_space<hbm>>) target_semaphore(%arg51 : memref<!tpu.dma_semaphore, #tpu.memory_space<semaphore_mem>>)
      %dma_wait3A_2045 = arith.constant 0 : i32
      %dma_wait3A_2046 = arith.constant 0 : i32
      %dma_wait3A_2047 = arith.constant 0 : i32
      %dma_wait3A_2048 = arith.constant 0 : i32
      %dma_wait3A_2049 = tpu.memref_slice %arg5[%dma_wait3A_2045, %dma_wait3A_2047, %dma_wait3A_2048] : memref<200x64x4096xf32, #tpu.memory_space<hbm>> -> memref<1x64x4096xf32, #tpu.memory_space<hbm>>
      %dma_wait3A_2050 = tpu.memref_squeeze %dma_wait3A_2049 : memref<1x64x4096xf32, #tpu.memory_space<hbm>> -> memref<64x4096xf32, #tpu.memory_space<hbm>>
      %dma_wait3A_2051 = arith.constant 0 : i32
      %dma_wait3A_2052 = tpu.memref_slice %dma_wait3A_2050[%dma_wait3A_2046, %dma_wait3A_2051] : memref<64x4096xf32, #tpu.memory_space<hbm>> -> memref<1x4096xf32, #tpu.memory_space<hbm>>
      %dma_wait3A_2053 = tpu.memref_squeeze %dma_wait3A_2052 : memref<1x4096xf32, #tpu.memory_space<hbm>> -> memref<4096xf32, #tpu.memory_space<hbm>>
      %dma_wait3A_2054 = arith.constant 0 : i32
      %dma_wait3A_2055 = tpu.memref_slice %dma_wait3A_2053[%dma_wait3A_2054] : memref<4096xf32, #tpu.memory_space<hbm>> -> memref<2048xf32, #tpu.memory_space<hbm>>
      %dma_wait3A_2056 = arith.constant 0 : i32
      %dma_wait3A_2057 = arith.constant 0 : i32
      %dma_wait3A_2058 = tpu.memref_slice %arg5[%dma_wait3A_2045, %dma_wait3A_2056, %dma_wait3A_2057] : memref<200x64x4096xf32, #tpu.memory_space<hbm>> -> memref<1x64x4096xf32, #tpu.memory_space<hbm>>
      %dma_wait3A_2059 = tpu.memref_squeeze %dma_wait3A_2058 : memref<1x64x4096xf32, #tpu.memory_space<hbm>> -> memref<64x4096xf32, #tpu.memory_space<hbm>>
      %dma_wait3A_2060 = arith.constant 0 : i32
      %dma_wait3A_2061 = tpu.memref_slice %dma_wait3A_2059[%dma_wait3A_2046, %dma_wait3A_2060] : memref<64x4096xf32, #tpu.memory_space<hbm>> -> memref<1x4096xf32, #tpu.memory_space<hbm>>
      %dma_wait3A_2062 = tpu.memref_squeeze %dma_wait3A_2061 : memref<1x4096xf32, #tpu.memory_space<hbm>> -> memref<4096xf32, #tpu.memory_space<hbm>>
      %dma_wait3A_2063 = arith.constant 0 : i32
      %dma_wait3A_2064 = tpu.memref_slice %dma_wait3A_2062[%dma_wait3A_2063] : memref<4096xf32, #tpu.memory_space<hbm>> -> memref<2048xf32, #tpu.memory_space<hbm>>
      tpu.wait_dma2 semaphore(%arg51 : memref<!tpu.dma_semaphore, #tpu.memory_space<semaphore_mem>>) src(%arg34 : memref<2048xf32, #tpu.memory_space<vmem>>) dst(%dma_wait3A_2064 : memref<2048xf32, #tpu.memory_space<hbm>>)
      %dma_start3A_2065 = arith.constant 0 : i32
      %dma_start3A_2066 = tpu.memref_slice %arg6[%dma_start3A_2065] : memref<1000064xf32, #tpu.memory_space<vmem_shared>> -> memref<1000064xf32, #tpu.memory_space<vmem_shared>>
      tpu.enqueue_indirect_dma source(%dma_start3A_2066 : memref<1000064xf32, #tpu.memory_space<vmem_shared>>) target(%arg34 : memref<2048xf32, #tpu.memory_space<vmem>>) offsets(%arg25 : memref<2048xi32, #tpu.memory_space<vmem>>) semaphore(%arg43 : memref<!tpu.dma_semaphore, #tpu.memory_space<semaphore_mem>>)
      %add3A_2067 = arith.constant 176 : i32
      %add3A_2068 = arith.addi %arg1, %add3A_2067 : i32
      %jit3A_2069 = arith.constant 2 : i32
      %div3A_2070 = arith.divsi %add3A_2068, %jit3A_2069 : i32
      %sign3A_2071 = arith.constant 0 : i32
      %sign3A_2072 = arith.cmpi sgt, %add3A_2068, %sign3A_2071 : i32
      %sign3A_2073 = arith.extui %sign3A_2072 : i1 to i32
      %sign3A_2074 = arith.constant 0 : i32
      %sign3A_2075 = arith.cmpi slt, %add3A_2068, %sign3A_2074 : i32
      %sign3A_2076 = arith.extui %sign3A_2075 : i1 to i32
      %sign3A_2077 = arith.subi %sign3A_2073, %sign3A_2076 : i32
      %sign3A_2078 = arith.constant 0 : i32
      %sign3A_2079 = arith.cmpi sgt, %jit3A_2069, %sign3A_2078 : i32
      %sign3A_2080 = arith.extui %sign3A_2079 : i1 to i32
      %sign3A_2081 = arith.constant 0 : i32
      %sign3A_2082 = arith.cmpi slt, %jit3A_2069, %sign3A_2081 : i32
      %sign3A_2083 = arith.extui %sign3A_2082 : i1 to i32
      %sign3A_2084 = arith.subi %sign3A_2080, %sign3A_2083 : i32
      %ne3A_2085 = arith.cmpi ne, %sign3A_2077, %sign3A_2084 : i32
      %rem3A_2086 = arith.remsi %add3A_2068, %jit3A_2069 : i32
      %ne3A_2087 = arith.constant 0 : i32
      %ne3A_2088 = arith.cmpi ne, %rem3A_2086, %ne3A_2087 : i32
      %and3A_2089 = arith.andi %ne3A_2085, %ne3A_2088 : i1
      %sub3A_2090 = arith.constant 1 : i32
      %sub3A_2091 = arith.subi %div3A_2070, %sub3A_2090 : i32
      %select_n3A_2092 = arith.select %and3A_2089, %sub3A_2091, %div3A_2070 : i32
      %jit3A_2093 = arith.constant 2 : i32
      %eq3A_2094 = arith.constant 0 : i32
      %eq3A_2095 = arith.cmpi eq, %jit3A_2093, %eq3A_2094 : i32
      %jit3A_2096 = arith.constant 1 : i32
      %select_n3A_2097 = arith.select %eq3A_2095, %jit3A_2096, %jit3A_2093 : i32
      %rem3A_2098 = arith.remsi %add3A_2068, %select_n3A_2097 : i32
      %ne3A_2099 = arith.constant 0 : i32
      %ne3A_2100 = arith.cmpi ne, %rem3A_2098, %ne3A_2099 : i32
      %lt3A_2101 = arith.constant 0 : i32
      %lt3A_2102 = arith.cmpi slt, %rem3A_2098, %lt3A_2101 : i32
      %lt3A_2103 = arith.constant 0 : i32
      %lt3A_2104 = arith.cmpi slt, %select_n3A_2097, %lt3A_2103 : i32
      %ne3A_2105 = arith.xori %lt3A_2102, %lt3A_2104 : i1
      %and3A_2106 = arith.andi %ne3A_2105, %ne3A_2100 : i1
      %add3A_2107 = arith.addi %rem3A_2098, %select_n3A_2097 : i32
      %select_n3A_2108 = arith.select %and3A_2106, %add3A_2107, %rem3A_2098 : i32
      %mul3A_2109 = arith.constant 2048 : i32
      %mul3A_2110 = arith.muli %select_n3A_2108, %mul3A_2109 : i32
      %dma_wait3A_2111 = arith.constant 0 : i32
      %dma_wait3A_2112 = tpu.memref_slice %arg6[%dma_wait3A_2111] : memref<1000064xf32, #tpu.memory_space<vmem_shared>> -> memref<1000064xf32, #tpu.memory_space<vmem_shared>>
      tpu.wait_indirect_dma semaphore(%arg44 : memref<!tpu.dma_semaphore, #tpu.memory_space<semaphore_mem>>) src(%dma_wait3A_2112 : memref<1000064xf32, #tpu.memory_space<vmem_shared>>) dst(%arg35 : memref<2048xf32, #tpu.memory_space<vmem>>)
      %dma_start3A_2113 = arith.constant 0 : i32
      %dma_start3A_2114 = arith.constant 0 : i32
      %dma_start3A_2115 = tpu.memref_slice %arg5[%select_n3A_2092, %dma_start3A_2113, %dma_start3A_2114] : memref<200x64x4096xf32, #tpu.memory_space<hbm>> -> memref<1x64x4096xf32, #tpu.memory_space<hbm>>
      %dma_start3A_2116 = tpu.memref_squeeze %dma_start3A_2115 : memref<1x64x4096xf32, #tpu.memory_space<hbm>> -> memref<64x4096xf32, #tpu.memory_space<hbm>>
      %dma_start3A_2117 = arith.constant 0 : i32
      %dma_start3A_2118 = tpu.memref_slice %dma_start3A_2116[%add3A_1126, %dma_start3A_2117] : memref<64x4096xf32, #tpu.memory_space<hbm>> -> memref<1x4096xf32, #tpu.memory_space<hbm>>
      %dma_start3A_2119 = tpu.memref_squeeze %dma_start3A_2118 : memref<1x4096xf32, #tpu.memory_space<hbm>> -> memref<4096xf32, #tpu.memory_space<hbm>>
      %dma_start3A_2120 = tpu.memref_slice %dma_start3A_2119[%mul3A_2110] : memref<4096xf32, #tpu.memory_space<hbm>> -> memref<2048xf32, #tpu.memory_space<hbm>>
      %dma_start3A_2121 = arith.constant 0 : i32
      %dma_start3A_2122 = arith.constant 0 : i32
      %dma_start3A_2123 = tpu.memref_slice %arg5[%select_n3A_2092, %dma_start3A_2121, %dma_start3A_2122] : memref<200x64x4096xf32, #tpu.memory_space<hbm>> -> memref<1x64x4096xf32, #tpu.memory_space<hbm>>
      %dma_start3A_2124 = tpu.memref_squeeze %dma_start3A_2123 : memref<1x64x4096xf32, #tpu.memory_space<hbm>> -> memref<64x4096xf32, #tpu.memory_space<hbm>>
      %dma_start3A_2125 = arith.constant 0 : i32
      %dma_start3A_2126 = tpu.memref_slice %dma_start3A_2124[%add3A_1126, %dma_start3A_2125] : memref<64x4096xf32, #tpu.memory_space<hbm>> -> memref<1x4096xf32, #tpu.memory_space<hbm>>
      %dma_start3A_2127 = tpu.memref_squeeze %dma_start3A_2126 : memref<1x4096xf32, #tpu.memory_space<hbm>> -> memref<4096xf32, #tpu.memory_space<hbm>>
      %dma_start3A_2128 = tpu.memref_slice %dma_start3A_2127[%mul3A_2110] : memref<4096xf32, #tpu.memory_space<hbm>> -> memref<2048xf32, #tpu.memory_space<hbm>>
      tpu.enqueue_dma source(%arg35 : memref<2048xf32, #tpu.memory_space<vmem>>) target(%dma_start3A_2128 : memref<2048xf32, #tpu.memory_space<hbm>>) target_semaphore(%arg52 : memref<!tpu.dma_semaphore, #tpu.memory_space<semaphore_mem>>)
      %dma_wait3A_2129 = arith.constant 0 : i32
      %dma_wait3A_2130 = arith.constant 0 : i32
      %dma_wait3A_2131 = arith.constant 0 : i32
      %dma_wait3A_2132 = arith.constant 0 : i32
      %dma_wait3A_2133 = tpu.memref_slice %arg5[%dma_wait3A_2129, %dma_wait3A_2131, %dma_wait3A_2132] : memref<200x64x4096xf32, #tpu.memory_space<hbm>> -> memref<1x64x4096xf32, #tpu.memory_space<hbm>>
      %dma_wait3A_2134 = tpu.memref_squeeze %dma_wait3A_2133 : memref<1x64x4096xf32, #tpu.memory_space<hbm>> -> memref<64x4096xf32, #tpu.memory_space<hbm>>
      %dma_wait3A_2135 = arith.constant 0 : i32
      %dma_wait3A_2136 = tpu.memref_slice %dma_wait3A_2134[%dma_wait3A_2130, %dma_wait3A_2135] : memref<64x4096xf32, #tpu.memory_space<hbm>> -> memref<1x4096xf32, #tpu.memory_space<hbm>>
      %dma_wait3A_2137 = tpu.memref_squeeze %dma_wait3A_2136 : memref<1x4096xf32, #tpu.memory_space<hbm>> -> memref<4096xf32, #tpu.memory_space<hbm>>
      %dma_wait3A_2138 = arith.constant 0 : i32
      %dma_wait3A_2139 = tpu.memref_slice %dma_wait3A_2137[%dma_wait3A_2138] : memref<4096xf32, #tpu.memory_space<hbm>> -> memref<2048xf32, #tpu.memory_space<hbm>>
      %dma_wait3A_2140 = arith.constant 0 : i32
      %dma_wait3A_2141 = arith.constant 0 : i32
      %dma_wait3A_2142 = tpu.memref_slice %arg5[%dma_wait3A_2129, %dma_wait3A_2140, %dma_wait3A_2141] : memref<200x64x4096xf32, #tpu.memory_space<hbm>> -> memref<1x64x4096xf32, #tpu.memory_space<hbm>>
      %dma_wait3A_2143 = tpu.memref_squeeze %dma_wait3A_2142 : memref<1x64x4096xf32, #tpu.memory_space<hbm>> -> memref<64x4096xf32, #tpu.memory_space<hbm>>
      %dma_wait3A_2144 = arith.constant 0 : i32
      %dma_wait3A_2145 = tpu.memref_slice %dma_wait3A_2143[%dma_wait3A_2130, %dma_wait3A_2144] : memref<64x4096xf32, #tpu.memory_space<hbm>> -> memref<1x4096xf32, #tpu.memory_space<hbm>>
      %dma_wait3A_2146 = tpu.memref_squeeze %dma_wait3A_2145 : memref<1x4096xf32, #tpu.memory_space<hbm>> -> memref<4096xf32, #tpu.memory_space<hbm>>
      %dma_wait3A_2147 = arith.constant 0 : i32
      %dma_wait3A_2148 = tpu.memref_slice %dma_wait3A_2146[%dma_wait3A_2147] : memref<4096xf32, #tpu.memory_space<hbm>> -> memref<2048xf32, #tpu.memory_space<hbm>>
      tpu.wait_dma2 semaphore(%arg52 : memref<!tpu.dma_semaphore, #tpu.memory_space<semaphore_mem>>) src(%arg35 : memref<2048xf32, #tpu.memory_space<vmem>>) dst(%dma_wait3A_2148 : memref<2048xf32, #tpu.memory_space<hbm>>)
      %dma_start3A_2149 = arith.constant 0 : i32
      %dma_start3A_2150 = tpu.memref_slice %arg6[%dma_start3A_2149] : memref<1000064xf32, #tpu.memory_space<vmem_shared>> -> memref<1000064xf32, #tpu.memory_space<vmem_shared>>
      tpu.enqueue_indirect_dma source(%dma_start3A_2150 : memref<1000064xf32, #tpu.memory_space<vmem_shared>>) target(%arg35 : memref<2048xf32, #tpu.memory_space<vmem>>) offsets(%arg26 : memref<2048xi32, #tpu.memory_space<vmem>>) semaphore(%arg44 : memref<!tpu.dma_semaphore, #tpu.memory_space<semaphore_mem>>)
      %add3A_2151 = arith.constant 192 : i32
      %add3A_2152 = arith.addi %arg1, %add3A_2151 : i32
      %jit3A_2153 = arith.constant 2 : i32
      %div3A_2154 = arith.divsi %add3A_2152, %jit3A_2153 : i32
      %sign3A_2155 = arith.constant 0 : i32
      %sign3A_2156 = arith.cmpi sgt, %add3A_2152, %sign3A_2155 : i32
      %sign3A_2157 = arith.extui %sign3A_2156 : i1 to i32
      %sign3A_2158 = arith.constant 0 : i32
      %sign3A_2159 = arith.cmpi slt, %add3A_2152, %sign3A_2158 : i32
      %sign3A_2160 = arith.extui %sign3A_2159 : i1 to i32
      %sign3A_2161 = arith.subi %sign3A_2157, %sign3A_2160 : i32
      %sign3A_2162 = arith.constant 0 : i32
      %sign3A_2163 = arith.cmpi sgt, %jit3A_2153, %sign3A_2162 : i32
      %sign3A_2164 = arith.extui %sign3A_2163 : i1 to i32
      %sign3A_2165 = arith.constant 0 : i32
      %sign3A_2166 = arith.cmpi slt, %jit3A_2153, %sign3A_2165 : i32
      %sign3A_2167 = arith.extui %sign3A_2166 : i1 to i32
      %sign3A_2168 = arith.subi %sign3A_2164, %sign3A_2167 : i32
      %ne3A_2169 = arith.cmpi ne, %sign3A_2161, %sign3A_2168 : i32
      %rem3A_2170 = arith.remsi %add3A_2152, %jit3A_2153 : i32
      %ne3A_2171 = arith.constant 0 : i32
      %ne3A_2172 = arith.cmpi ne, %rem3A_2170, %ne3A_2171 : i32
      %and3A_2173 = arith.andi %ne3A_2169, %ne3A_2172 : i1
      %sub3A_2174 = arith.constant 1 : i32
      %sub3A_2175 = arith.subi %div3A_2154, %sub3A_2174 : i32
      %select_n3A_2176 = arith.select %and3A_2173, %sub3A_2175, %div3A_2154 : i32
      %jit3A_2177 = arith.constant 2 : i32
      %eq3A_2178 = arith.constant 0 : i32
      %eq3A_2179 = arith.cmpi eq, %jit3A_2177, %eq3A_2178 : i32
      %jit3A_2180 = arith.constant 1 : i32
      %select_n3A_2181 = arith.select %eq3A_2179, %jit3A_2180, %jit3A_2177 : i32
      %rem3A_2182 = arith.remsi %add3A_2152, %select_n3A_2181 : i32
      %ne3A_2183 = arith.constant 0 : i32
      %ne3A_2184 = arith.cmpi ne, %rem3A_2182, %ne3A_2183 : i32
      %lt3A_2185 = arith.constant 0 : i32
      %lt3A_2186 = arith.cmpi slt, %rem3A_2182, %lt3A_2185 : i32
      %lt3A_2187 = arith.constant 0 : i32
      %lt3A_2188 = arith.cmpi slt, %select_n3A_2181, %lt3A_2187 : i32
      %ne3A_2189 = arith.xori %lt3A_2186, %lt3A_2188 : i1
      %and3A_2190 = arith.andi %ne3A_2189, %ne3A_2184 : i1
      %add3A_2191 = arith.addi %rem3A_2182, %select_n3A_2181 : i32
      %select_n3A_2192 = arith.select %and3A_2190, %add3A_2191, %rem3A_2182 : i32
      %mul3A_2193 = arith.constant 2048 : i32
      %mul3A_2194 = arith.muli %select_n3A_2192, %mul3A_2193 : i32
      %dma_wait3A_2195 = arith.constant 0 : i32
      %dma_wait3A_2196 = tpu.memref_slice %arg6[%dma_wait3A_2195] : memref<1000064xf32, #tpu.memory_space<vmem_shared>> -> memref<1000064xf32, #tpu.memory_space<vmem_shared>>
      tpu.wait_indirect_dma semaphore(%arg45 : memref<!tpu.dma_semaphore, #tpu.memory_space<semaphore_mem>>) src(%dma_wait3A_2196 : memref<1000064xf32, #tpu.memory_space<vmem_shared>>) dst(%arg36 : memref<2048xf32, #tpu.memory_space<vmem>>)
      %dma_start3A_2197 = arith.constant 0 : i32
      %dma_start3A_2198 = arith.constant 0 : i32
      %dma_start3A_2199 = tpu.memref_slice %arg5[%select_n3A_2176, %dma_start3A_2197, %dma_start3A_2198] : memref<200x64x4096xf32, #tpu.memory_space<hbm>> -> memref<1x64x4096xf32, #tpu.memory_space<hbm>>
      %dma_start3A_2200 = tpu.memref_squeeze %dma_start3A_2199 : memref<1x64x4096xf32, #tpu.memory_space<hbm>> -> memref<64x4096xf32, #tpu.memory_space<hbm>>
      %dma_start3A_2201 = arith.constant 0 : i32
      %dma_start3A_2202 = tpu.memref_slice %dma_start3A_2200[%add3A_1126, %dma_start3A_2201] : memref<64x4096xf32, #tpu.memory_space<hbm>> -> memref<1x4096xf32, #tpu.memory_space<hbm>>
      %dma_start3A_2203 = tpu.memref_squeeze %dma_start3A_2202 : memref<1x4096xf32, #tpu.memory_space<hbm>> -> memref<4096xf32, #tpu.memory_space<hbm>>
      %dma_start3A_2204 = tpu.memref_slice %dma_start3A_2203[%mul3A_2194] : memref<4096xf32, #tpu.memory_space<hbm>> -> memref<2048xf32, #tpu.memory_space<hbm>>
      %dma_start3A_2205 = arith.constant 0 : i32
      %dma_start3A_2206 = arith.constant 0 : i32
      %dma_start3A_2207 = tpu.memref_slice %arg5[%select_n3A_2176, %dma_start3A_2205, %dma_start3A_2206] : memref<200x64x4096xf32, #tpu.memory_space<hbm>> -> memref<1x64x4096xf32, #tpu.memory_space<hbm>>
      %dma_start3A_2208 = tpu.memref_squeeze %dma_start3A_2207 : memref<1x64x4096xf32, #tpu.memory_space<hbm>> -> memref<64x4096xf32, #tpu.memory_space<hbm>>
      %dma_start3A_2209 = arith.constant 0 : i32
      %dma_start3A_2210 = tpu.memref_slice %dma_start3A_2208[%add3A_1126, %dma_start3A_2209] : memref<64x4096xf32, #tpu.memory_space<hbm>> -> memref<1x4096xf32, #tpu.memory_space<hbm>>
      %dma_start3A_2211 = tpu.memref_squeeze %dma_start3A_2210 : memref<1x4096xf32, #tpu.memory_space<hbm>> -> memref<4096xf32, #tpu.memory_space<hbm>>
      %dma_start3A_2212 = tpu.memref_slice %dma_start3A_2211[%mul3A_2194] : memref<4096xf32, #tpu.memory_space<hbm>> -> memref<2048xf32, #tpu.memory_space<hbm>>
      tpu.enqueue_dma source(%arg36 : memref<2048xf32, #tpu.memory_space<vmem>>) target(%dma_start3A_2212 : memref<2048xf32, #tpu.memory_space<hbm>>) target_semaphore(%arg53 : memref<!tpu.dma_semaphore, #tpu.memory_space<semaphore_mem>>)
      %dma_wait3A_2213 = arith.constant 0 : i32
      %dma_wait3A_2214 = arith.constant 0 : i32
      %dma_wait3A_2215 = arith.constant 0 : i32
      %dma_wait3A_2216 = arith.constant 0 : i32
      %dma_wait3A_2217 = tpu.memref_slice %arg5[%dma_wait3A_2213, %dma_wait3A_2215, %dma_wait3A_2216] : memref<200x64x4096xf32, #tpu.memory_space<hbm>> -> memref<1x64x4096xf32, #tpu.memory_space<hbm>>
      %dma_wait3A_2218 = tpu.memref_squeeze %dma_wait3A_2217 : memref<1x64x4096xf32, #tpu.memory_space<hbm>> -> memref<64x4096xf32, #tpu.memory_space<hbm>>
      %dma_wait3A_2219 = arith.constant 0 : i32
      %dma_wait3A_2220 = tpu.memref_slice %dma_wait3A_2218[%dma_wait3A_2214, %dma_wait3A_2219] : memref<64x4096xf32, #tpu.memory_space<hbm>> -> memref<1x4096xf32, #tpu.memory_space<hbm>>
      %dma_wait3A_2221 = tpu.memref_squeeze %dma_wait3A_2220 : memref<1x4096xf32, #tpu.memory_space<hbm>> -> memref<4096xf32, #tpu.memory_space<hbm>>
      %dma_wait3A_2222 = arith.constant 0 : i32
      %dma_wait3A_2223 = tpu.memref_slice %dma_wait3A_2221[%dma_wait3A_2222] : memref<4096xf32, #tpu.memory_space<hbm>> -> memref<2048xf32, #tpu.memory_space<hbm>>
      %dma_wait3A_2224 = arith.constant 0 : i32
      %dma_wait3A_2225 = arith.constant 0 : i32
      %dma_wait3A_2226 = tpu.memref_slice %arg5[%dma_wait3A_2213, %dma_wait3A_2224, %dma_wait3A_2225] : memref<200x64x4096xf32, #tpu.memory_space<hbm>> -> memref<1x64x4096xf32, #tpu.memory_space<hbm>>
      %dma_wait3A_2227 = tpu.memref_squeeze %dma_wait3A_2226 : memref<1x64x4096xf32, #tpu.memory_space<hbm>> -> memref<64x4096xf32, #tpu.memory_space<hbm>>
      %dma_wait3A_2228 = arith.constant 0 : i32
      %dma_wait3A_2229 = tpu.memref_slice %dma_wait3A_2227[%dma_wait3A_2214, %dma_wait3A_2228] : memref<64x4096xf32, #tpu.memory_space<hbm>> -> memref<1x4096xf32, #tpu.memory_space<hbm>>
      %dma_wait3A_2230 = tpu.memref_squeeze %dma_wait3A_2229 : memref<1x4096xf32, #tpu.memory_space<hbm>> -> memref<4096xf32, #tpu.memory_space<hbm>>
      %dma_wait3A_2231 = arith.constant 0 : i32
      %dma_wait3A_2232 = tpu.memref_slice %dma_wait3A_2230[%dma_wait3A_2231] : memref<4096xf32, #tpu.memory_space<hbm>> -> memref<2048xf32, #tpu.memory_space<hbm>>
      tpu.wait_dma2 semaphore(%arg53 : memref<!tpu.dma_semaphore, #tpu.memory_space<semaphore_mem>>) src(%arg36 : memref<2048xf32, #tpu.memory_space<vmem>>) dst(%dma_wait3A_2232 : memref<2048xf32, #tpu.memory_space<hbm>>)
      %dma_start3A_2233 = arith.constant 0 : i32
      %dma_start3A_2234 = tpu.memref_slice %arg6[%dma_start3A_2233] : memref<1000064xf32, #tpu.memory_space<vmem_shared>> -> memref<1000064xf32, #tpu.memory_space<vmem_shared>>
      tpu.enqueue_indirect_dma source(%dma_start3A_2234 : memref<1000064xf32, #tpu.memory_space<vmem_shared>>) target(%arg36 : memref<2048xf32, #tpu.memory_space<vmem>>) offsets(%arg27 : memref<2048xi32, #tpu.memory_space<vmem>>) semaphore(%arg45 : memref<!tpu.dma_semaphore, #tpu.memory_space<semaphore_mem>>)
      %add3A_2235 = arith.constant 208 : i32
      %add3A_2236 = arith.addi %arg1, %add3A_2235 : i32
      %jit3A_2237 = arith.constant 2 : i32
      %div3A_2238 = arith.divsi %add3A_2236, %jit3A_2237 : i32
      %sign3A_2239 = arith.constant 0 : i32
      %sign3A_2240 = arith.cmpi sgt, %add3A_2236, %sign3A_2239 : i32
      %sign3A_2241 = arith.extui %sign3A_2240 : i1 to i32
      %sign3A_2242 = arith.constant 0 : i32
      %sign3A_2243 = arith.cmpi slt, %add3A_2236, %sign3A_2242 : i32
      %sign3A_2244 = arith.extui %sign3A_2243 : i1 to i32
      %sign3A_2245 = arith.subi %sign3A_2241, %sign3A_2244 : i32
      %sign3A_2246 = arith.constant 0 : i32
      %sign3A_2247 = arith.cmpi sgt, %jit3A_2237, %sign3A_2246 : i32
      %sign3A_2248 = arith.extui %sign3A_2247 : i1 to i32
      %sign3A_2249 = arith.constant 0 : i32
      %sign3A_2250 = arith.cmpi slt, %jit3A_2237, %sign3A_2249 : i32
      %sign3A_2251 = arith.extui %sign3A_2250 : i1 to i32
      %sign3A_2252 = arith.subi %sign3A_2248, %sign3A_2251 : i32
      %ne3A_2253 = arith.cmpi ne, %sign3A_2245, %sign3A_2252 : i32
      %rem3A_2254 = arith.remsi %add3A_2236, %jit3A_2237 : i32
      %ne3A_2255 = arith.constant 0 : i32
      %ne3A_2256 = arith.cmpi ne, %rem3A_2254, %ne3A_2255 : i32
      %and3A_2257 = arith.andi %ne3A_2253, %ne3A_2256 : i1
      %sub3A_2258 = arith.constant 1 : i32
      %sub3A_2259 = arith.subi %div3A_2238, %sub3A_2258 : i32
      %select_n3A_2260 = arith.select %and3A_2257, %sub3A_2259, %div3A_2238 : i32
      %jit3A_2261 = arith.constant 2 : i32
      %eq3A_2262 = arith.constant 0 : i32
      %eq3A_2263 = arith.cmpi eq, %jit3A_2261, %eq3A_2262 : i32
      %jit3A_2264 = arith.constant 1 : i32
      %select_n3A_2265 = arith.select %eq3A_2263, %jit3A_2264, %jit3A_2261 : i32
      %rem3A_2266 = arith.remsi %add3A_2236, %select_n3A_2265 : i32
      %ne3A_2267 = arith.constant 0 : i32
      %ne3A_2268 = arith.cmpi ne, %rem3A_2266, %ne3A_2267 : i32
      %lt3A_2269 = arith.constant 0 : i32
      %lt3A_2270 = arith.cmpi slt, %rem3A_2266, %lt3A_2269 : i32
      %lt3A_2271 = arith.constant 0 : i32
      %lt3A_2272 = arith.cmpi slt, %select_n3A_2265, %lt3A_2271 : i32
      %ne3A_2273 = arith.xori %lt3A_2270, %lt3A_2272 : i1
      %and3A_2274 = arith.andi %ne3A_2273, %ne3A_2268 : i1
      %add3A_2275 = arith.addi %rem3A_2266, %select_n3A_2265 : i32
      %select_n3A_2276 = arith.select %and3A_2274, %add3A_2275, %rem3A_2266 : i32
      %mul3A_2277 = arith.constant 2048 : i32
      %mul3A_2278 = arith.muli %select_n3A_2276, %mul3A_2277 : i32
      %dma_wait3A_2279 = arith.constant 0 : i32
      %dma_wait3A_2280 = tpu.memref_slice %arg6[%dma_wait3A_2279] : memref<1000064xf32, #tpu.memory_space<vmem_shared>> -> memref<1000064xf32, #tpu.memory_space<vmem_shared>>
      tpu.wait_indirect_dma semaphore(%arg46 : memref<!tpu.dma_semaphore, #tpu.memory_space<semaphore_mem>>) src(%dma_wait3A_2280 : memref<1000064xf32, #tpu.memory_space<vmem_shared>>) dst(%arg37 : memref<2048xf32, #tpu.memory_space<vmem>>)
      %dma_start3A_2281 = arith.constant 0 : i32
      %dma_start3A_2282 = arith.constant 0 : i32
      %dma_start3A_2283 = tpu.memref_slice %arg5[%select_n3A_2260, %dma_start3A_2281, %dma_start3A_2282] : memref<200x64x4096xf32, #tpu.memory_space<hbm>> -> memref<1x64x4096xf32, #tpu.memory_space<hbm>>
      %dma_start3A_2284 = tpu.memref_squeeze %dma_start3A_2283 : memref<1x64x4096xf32, #tpu.memory_space<hbm>> -> memref<64x4096xf32, #tpu.memory_space<hbm>>
      %dma_start3A_2285 = arith.constant 0 : i32
      %dma_start3A_2286 = tpu.memref_slice %dma_start3A_2284[%add3A_1126, %dma_start3A_2285] : memref<64x4096xf32, #tpu.memory_space<hbm>> -> memref<1x4096xf32, #tpu.memory_space<hbm>>
      %dma_start3A_2287 = tpu.memref_squeeze %dma_start3A_2286 : memref<1x4096xf32, #tpu.memory_space<hbm>> -> memref<4096xf32, #tpu.memory_space<hbm>>
      %dma_start3A_2288 = tpu.memref_slice %dma_start3A_2287[%mul3A_2278] : memref<4096xf32, #tpu.memory_space<hbm>> -> memref<2048xf32, #tpu.memory_space<hbm>>
      %dma_start3A_2289 = arith.constant 0 : i32
      %dma_start3A_2290 = arith.constant 0 : i32
      %dma_start3A_2291 = tpu.memref_slice %arg5[%select_n3A_2260, %dma_start3A_2289, %dma_start3A_2290] : memref<200x64x4096xf32, #tpu.memory_space<hbm>> -> memref<1x64x4096xf32, #tpu.memory_space<hbm>>
      %dma_start3A_2292 = tpu.memref_squeeze %dma_start3A_2291 : memref<1x64x4096xf32, #tpu.memory_space<hbm>> -> memref<64x4096xf32, #tpu.memory_space<hbm>>
      %dma_start3A_2293 = arith.constant 0 : i32
      %dma_start3A_2294 = tpu.memref_slice %dma_start3A_2292[%add3A_1126, %dma_start3A_2293] : memref<64x4096xf32, #tpu.memory_space<hbm>> -> memref<1x4096xf32, #tpu.memory_space<hbm>>
      %dma_start3A_2295 = tpu.memref_squeeze %dma_start3A_2294 : memref<1x4096xf32, #tpu.memory_space<hbm>> -> memref<4096xf32, #tpu.memory_space<hbm>>
      %dma_start3A_2296 = tpu.memref_slice %dma_start3A_2295[%mul3A_2278] : memref<4096xf32, #tpu.memory_space<hbm>> -> memref<2048xf32, #tpu.memory_space<hbm>>
      tpu.enqueue_dma source(%arg37 : memref<2048xf32, #tpu.memory_space<vmem>>) target(%dma_start3A_2296 : memref<2048xf32, #tpu.memory_space<hbm>>) target_semaphore(%arg54 : memref<!tpu.dma_semaphore, #tpu.memory_space<semaphore_mem>>)
      %dma_wait3A_2297 = arith.constant 0 : i32
      %dma_wait3A_2298 = arith.constant 0 : i32
      %dma_wait3A_2299 = arith.constant 0 : i32
      %dma_wait3A_2300 = arith.constant 0 : i32
      %dma_wait3A_2301 = tpu.memref_slice %arg5[%dma_wait3A_2297, %dma_wait3A_2299, %dma_wait3A_2300] : memref<200x64x4096xf32, #tpu.memory_space<hbm>> -> memref<1x64x4096xf32, #tpu.memory_space<hbm>>
      %dma_wait3A_2302 = tpu.memref_squeeze %dma_wait3A_2301 : memref<1x64x4096xf32, #tpu.memory_space<hbm>> -> memref<64x4096xf32, #tpu.memory_space<hbm>>
      %dma_wait3A_2303 = arith.constant 0 : i32
      %dma_wait3A_2304 = tpu.memref_slice %dma_wait3A_2302[%dma_wait3A_2298, %dma_wait3A_2303] : memref<64x4096xf32, #tpu.memory_space<hbm>> -> memref<1x4096xf32, #tpu.memory_space<hbm>>
      %dma_wait3A_2305 = tpu.memref_squeeze %dma_wait3A_2304 : memref<1x4096xf32, #tpu.memory_space<hbm>> -> memref<4096xf32, #tpu.memory_space<hbm>>
      %dma_wait3A_2306 = arith.constant 0 : i32
      %dma_wait3A_2307 = tpu.memref_slice %dma_wait3A_2305[%dma_wait3A_2306] : memref<4096xf32, #tpu.memory_space<hbm>> -> memref<2048xf32, #tpu.memory_space<hbm>>
      %dma_wait3A_2308 = arith.constant 0 : i32
      %dma_wait3A_2309 = arith.constant 0 : i32
      %dma_wait3A_2310 = tpu.memref_slice %arg5[%dma_wait3A_2297, %dma_wait3A_2308, %dma_wait3A_2309] : memref<200x64x4096xf32, #tpu.memory_space<hbm>> -> memref<1x64x4096xf32, #tpu.memory_space<hbm>>
      %dma_wait3A_2311 = tpu.memref_squeeze %dma_wait3A_2310 : memref<1x64x4096xf32, #tpu.memory_space<hbm>> -> memref<64x4096xf32, #tpu.memory_space<hbm>>
      %dma_wait3A_2312 = arith.constant 0 : i32
      %dma_wait3A_2313 = tpu.memref_slice %dma_wait3A_2311[%dma_wait3A_2298, %dma_wait3A_2312] : memref<64x4096xf32, #tpu.memory_space<hbm>> -> memref<1x4096xf32, #tpu.memory_space<hbm>>
      %dma_wait3A_2314 = tpu.memref_squeeze %dma_wait3A_2313 : memref<1x4096xf32, #tpu.memory_space<hbm>> -> memref<4096xf32, #tpu.memory_space<hbm>>
      %dma_wait3A_2315 = arith.constant 0 : i32
      %dma_wait3A_2316 = tpu.memref_slice %dma_wait3A_2314[%dma_wait3A_2315] : memref<4096xf32, #tpu.memory_space<hbm>> -> memref<2048xf32, #tpu.memory_space<hbm>>
      tpu.wait_dma2 semaphore(%arg54 : memref<!tpu.dma_semaphore, #tpu.memory_space<semaphore_mem>>) src(%arg37 : memref<2048xf32, #tpu.memory_space<vmem>>) dst(%dma_wait3A_2316 : memref<2048xf32, #tpu.memory_space<hbm>>)
      %dma_start3A_2317 = arith.constant 0 : i32
      %dma_start3A_2318 = tpu.memref_slice %arg6[%dma_start3A_2317] : memref<1000064xf32, #tpu.memory_space<vmem_shared>> -> memref<1000064xf32, #tpu.memory_space<vmem_shared>>
      tpu.enqueue_indirect_dma source(%dma_start3A_2318 : memref<1000064xf32, #tpu.memory_space<vmem_shared>>) target(%arg37 : memref<2048xf32, #tpu.memory_space<vmem>>) offsets(%arg28 : memref<2048xi32, #tpu.memory_space<vmem>>) semaphore(%arg46 : memref<!tpu.dma_semaphore, #tpu.memory_space<semaphore_mem>>)
      %add3A_2319 = arith.constant 224 : i32
      %add3A_2320 = arith.addi %arg1, %add3A_2319 : i32
      %jit3A_2321 = arith.constant 2 : i32
      %div3A_2322 = arith.divsi %add3A_2320, %jit3A_2321 : i32
      %sign3A_2323 = arith.constant 0 : i32
      %sign3A_2324 = arith.cmpi sgt, %add3A_2320, %sign3A_2323 : i32
      %sign3A_2325 = arith.extui %sign3A_2324 : i1 to i32
      %sign3A_2326 = arith.constant 0 : i32
      %sign3A_2327 = arith.cmpi slt, %add3A_2320, %sign3A_2326 : i32
      %sign3A_2328 = arith.extui %sign3A_2327 : i1 to i32
      %sign3A_2329 = arith.subi %sign3A_2325, %sign3A_2328 : i32
      %sign3A_2330 = arith.constant 0 : i32
      %sign3A_2331 = arith.cmpi sgt, %jit3A_2321, %sign3A_2330 : i32
      %sign3A_2332 = arith.extui %sign3A_2331 : i1 to i32
      %sign3A_2333 = arith.constant 0 : i32
      %sign3A_2334 = arith.cmpi slt, %jit3A_2321, %sign3A_2333 : i32
      %sign3A_2335 = arith.extui %sign3A_2334 : i1 to i32
      %sign3A_2336 = arith.subi %sign3A_2332, %sign3A_2335 : i32
      %ne3A_2337 = arith.cmpi ne, %sign3A_2329, %sign3A_2336 : i32
      %rem3A_2338 = arith.remsi %add3A_2320, %jit3A_2321 : i32
      %ne3A_2339 = arith.constant 0 : i32
      %ne3A_2340 = arith.cmpi ne, %rem3A_2338, %ne3A_2339 : i32
      %and3A_2341 = arith.andi %ne3A_2337, %ne3A_2340 : i1
      %sub3A_2342 = arith.constant 1 : i32
      %sub3A_2343 = arith.subi %div3A_2322, %sub3A_2342 : i32
      %select_n3A_2344 = arith.select %and3A_2341, %sub3A_2343, %div3A_2322 : i32
      %jit3A_2345 = arith.constant 2 : i32
      %eq3A_2346 = arith.constant 0 : i32
      %eq3A_2347 = arith.cmpi eq, %jit3A_2345, %eq3A_2346 : i32
      %jit3A_2348 = arith.constant 1 : i32
      %select_n3A_2349 = arith.select %eq3A_2347, %jit3A_2348, %jit3A_2345 : i32
      %rem3A_2350 = arith.remsi %add3A_2320, %select_n3A_2349 : i32
      %ne3A_2351 = arith.constant 0 : i32
      %ne3A_2352 = arith.cmpi ne, %rem3A_2350, %ne3A_2351 : i32
      %lt3A_2353 = arith.constant 0 : i32
      %lt3A_2354 = arith.cmpi slt, %rem3A_2350, %lt3A_2353 : i32
      %lt3A_2355 = arith.constant 0 : i32
      %lt3A_2356 = arith.cmpi slt, %select_n3A_2349, %lt3A_2355 : i32
      %ne3A_2357 = arith.xori %lt3A_2354, %lt3A_2356 : i1
      %and3A_2358 = arith.andi %ne3A_2357, %ne3A_2352 : i1
      %add3A_2359 = arith.addi %rem3A_2350, %select_n3A_2349 : i32
      %select_n3A_2360 = arith.select %and3A_2358, %add3A_2359, %rem3A_2350 : i32
      %mul3A_2361 = arith.constant 2048 : i32
      %mul3A_2362 = arith.muli %select_n3A_2360, %mul3A_2361 : i32
      %dma_wait3A_2363 = arith.constant 0 : i32
      %dma_wait3A_2364 = tpu.memref_slice %arg6[%dma_wait3A_2363] : memref<1000064xf32, #tpu.memory_space<vmem_shared>> -> memref<1000064xf32, #tpu.memory_space<vmem_shared>>
      tpu.wait_indirect_dma semaphore(%arg47 : memref<!tpu.dma_semaphore, #tpu.memory_space<semaphore_mem>>) src(%dma_wait3A_2364 : memref<1000064xf32, #tpu.memory_space<vmem_shared>>) dst(%arg38 : memref<2048xf32, #tpu.memory_space<vmem>>)
      %dma_start3A_2365 = arith.constant 0 : i32
      %dma_start3A_2366 = arith.constant 0 : i32
      %dma_start3A_2367 = tpu.memref_slice %arg5[%select_n3A_2344, %dma_start3A_2365, %dma_start3A_2366] : memref<200x64x4096xf32, #tpu.memory_space<hbm>> -> memref<1x64x4096xf32, #tpu.memory_space<hbm>>
      %dma_start3A_2368 = tpu.memref_squeeze %dma_start3A_2367 : memref<1x64x4096xf32, #tpu.memory_space<hbm>> -> memref<64x4096xf32, #tpu.memory_space<hbm>>
      %dma_start3A_2369 = arith.constant 0 : i32
      %dma_start3A_2370 = tpu.memref_slice %dma_start3A_2368[%add3A_1126, %dma_start3A_2369] : memref<64x4096xf32, #tpu.memory_space<hbm>> -> memref<1x4096xf32, #tpu.memory_space<hbm>>
      %dma_start3A_2371 = tpu.memref_squeeze %dma_start3A_2370 : memref<1x4096xf32, #tpu.memory_space<hbm>> -> memref<4096xf32, #tpu.memory_space<hbm>>
      %dma_start3A_2372 = tpu.memref_slice %dma_start3A_2371[%mul3A_2362] : memref<4096xf32, #tpu.memory_space<hbm>> -> memref<2048xf32, #tpu.memory_space<hbm>>
      %dma_start3A_2373 = arith.constant 0 : i32
      %dma_start3A_2374 = arith.constant 0 : i32
      %dma_start3A_2375 = tpu.memref_slice %arg5[%select_n3A_2344, %dma_start3A_2373, %dma_start3A_2374] : memref<200x64x4096xf32, #tpu.memory_space<hbm>> -> memref<1x64x4096xf32, #tpu.memory_space<hbm>>
      %dma_start3A_2376 = tpu.memref_squeeze %dma_start3A_2375 : memref<1x64x4096xf32, #tpu.memory_space<hbm>> -> memref<64x4096xf32, #tpu.memory_space<hbm>>
      %dma_start3A_2377 = arith.constant 0 : i32
      %dma_start3A_2378 = tpu.memref_slice %dma_start3A_2376[%add3A_1126, %dma_start3A_2377] : memref<64x4096xf32, #tpu.memory_space<hbm>> -> memref<1x4096xf32, #tpu.memory_space<hbm>>
      %dma_start3A_2379 = tpu.memref_squeeze %dma_start3A_2378 : memref<1x4096xf32, #tpu.memory_space<hbm>> -> memref<4096xf32, #tpu.memory_space<hbm>>
      %dma_start3A_2380 = tpu.memref_slice %dma_start3A_2379[%mul3A_2362] : memref<4096xf32, #tpu.memory_space<hbm>> -> memref<2048xf32, #tpu.memory_space<hbm>>
      tpu.enqueue_dma source(%arg38 : memref<2048xf32, #tpu.memory_space<vmem>>) target(%dma_start3A_2380 : memref<2048xf32, #tpu.memory_space<hbm>>) target_semaphore(%arg55 : memref<!tpu.dma_semaphore, #tpu.memory_space<semaphore_mem>>)
      %dma_wait3A_2381 = arith.constant 0 : i32
      %dma_wait3A_2382 = arith.constant 0 : i32
      %dma_wait3A_2383 = arith.constant 0 : i32
      %dma_wait3A_2384 = arith.constant 0 : i32
      %dma_wait3A_2385 = tpu.memref_slice %arg5[%dma_wait3A_2381, %dma_wait3A_2383, %dma_wait3A_2384] : memref<200x64x4096xf32, #tpu.memory_space<hbm>> -> memref<1x64x4096xf32, #tpu.memory_space<hbm>>
      %dma_wait3A_2386 = tpu.memref_squeeze %dma_wait3A_2385 : memref<1x64x4096xf32, #tpu.memory_space<hbm>> -> memref<64x4096xf32, #tpu.memory_space<hbm>>
      %dma_wait3A_2387 = arith.constant 0 : i32
      %dma_wait3A_2388 = tpu.memref_slice %dma_wait3A_2386[%dma_wait3A_2382, %dma_wait3A_2387] : memref<64x4096xf32, #tpu.memory_space<hbm>> -> memref<1x4096xf32, #tpu.memory_space<hbm>>
      %dma_wait3A_2389 = tpu.memref_squeeze %dma_wait3A_2388 : memref<1x4096xf32, #tpu.memory_space<hbm>> -> memref<4096xf32, #tpu.memory_space<hbm>>
      %dma_wait3A_2390 = arith.constant 0 : i32
      %dma_wait3A_2391 = tpu.memref_slice %dma_wait3A_2389[%dma_wait3A_2390] : memref<4096xf32, #tpu.memory_space<hbm>> -> memref<2048xf32, #tpu.memory_space<hbm>>
      %dma_wait3A_2392 = arith.constant 0 : i32
      %dma_wait3A_2393 = arith.constant 0 : i32
      %dma_wait3A_2394 = tpu.memref_slice %arg5[%dma_wait3A_2381, %dma_wait3A_2392, %dma_wait3A_2393] : memref<200x64x4096xf32, #tpu.memory_space<hbm>> -> memref<1x64x4096xf32, #tpu.memory_space<hbm>>
      %dma_wait3A_2395 = tpu.memref_squeeze %dma_wait3A_2394 : memref<1x64x4096xf32, #tpu.memory_space<hbm>> -> memref<64x4096xf32, #tpu.memory_space<hbm>>
      %dma_wait3A_2396 = arith.constant 0 : i32
      %dma_wait3A_2397 = tpu.memref_slice %dma_wait3A_2395[%dma_wait3A_2382, %dma_wait3A_2396] : memref<64x4096xf32, #tpu.memory_space<hbm>> -> memref<1x4096xf32, #tpu.memory_space<hbm>>
      %dma_wait3A_2398 = tpu.memref_squeeze %dma_wait3A_2397 : memref<1x4096xf32, #tpu.memory_space<hbm>> -> memref<4096xf32, #tpu.memory_space<hbm>>
      %dma_wait3A_2399 = arith.constant 0 : i32
      %dma_wait3A_2400 = tpu.memref_slice %dma_wait3A_2398[%dma_wait3A_2399] : memref<4096xf32, #tpu.memory_space<hbm>> -> memref<2048xf32, #tpu.memory_space<hbm>>
      tpu.wait_dma2 semaphore(%arg55 : memref<!tpu.dma_semaphore, #tpu.memory_space<semaphore_mem>>) src(%arg38 : memref<2048xf32, #tpu.memory_space<vmem>>) dst(%dma_wait3A_2400 : memref<2048xf32, #tpu.memory_space<hbm>>)
      %dma_start3A_2401 = arith.constant 0 : i32
      %dma_start3A_2402 = tpu.memref_slice %arg6[%dma_start3A_2401] : memref<1000064xf32, #tpu.memory_space<vmem_shared>> -> memref<1000064xf32, #tpu.memory_space<vmem_shared>>
      tpu.enqueue_indirect_dma source(%dma_start3A_2402 : memref<1000064xf32, #tpu.memory_space<vmem_shared>>) target(%arg38 : memref<2048xf32, #tpu.memory_space<vmem>>) offsets(%arg29 : memref<2048xi32, #tpu.memory_space<vmem>>) semaphore(%arg47 : memref<!tpu.dma_semaphore, #tpu.memory_space<semaphore_mem>>)
      %add3A_2403 = arith.constant 240 : i32
      %add3A_2404 = arith.addi %arg1, %add3A_2403 : i32
      %jit3A_2405 = arith.constant 2 : i32
      %div3A_2406 = arith.divsi %add3A_2404, %jit3A_2405 : i32
      %sign3A_2407 = arith.constant 0 : i32
      %sign3A_2408 = arith.cmpi sgt, %add3A_2404, %sign3A_2407 : i32
      %sign3A_2409 = arith.extui %sign3A_2408 : i1 to i32
      %sign3A_2410 = arith.constant 0 : i32
      %sign3A_2411 = arith.cmpi slt, %add3A_2404, %sign3A_2410 : i32
      %sign3A_2412 = arith.extui %sign3A_2411 : i1 to i32
      %sign3A_2413 = arith.subi %sign3A_2409, %sign3A_2412 : i32
      %sign3A_2414 = arith.constant 0 : i32
      %sign3A_2415 = arith.cmpi sgt, %jit3A_2405, %sign3A_2414 : i32
      %sign3A_2416 = arith.extui %sign3A_2415 : i1 to i32
      %sign3A_2417 = arith.constant 0 : i32
      %sign3A_2418 = arith.cmpi slt, %jit3A_2405, %sign3A_2417 : i32
      %sign3A_2419 = arith.extui %sign3A_2418 : i1 to i32
      %sign3A_2420 = arith.subi %sign3A_2416, %sign3A_2419 : i32
      %ne3A_2421 = arith.cmpi ne, %sign3A_2413, %sign3A_2420 : i32
      %rem3A_2422 = arith.remsi %add3A_2404, %jit3A_2405 : i32
      %ne3A_2423 = arith.constant 0 : i32
      %ne3A_2424 = arith.cmpi ne, %rem3A_2422, %ne3A_2423 : i32
      %and3A_2425 = arith.andi %ne3A_2421, %ne3A_2424 : i1
      %sub3A_2426 = arith.constant 1 : i32
      %sub3A_2427 = arith.subi %div3A_2406, %sub3A_2426 : i32
      %select_n3A_2428 = arith.select %and3A_2425, %sub3A_2427, %div3A_2406 : i32
      %jit3A_2429 = arith.constant 2 : i32
      %eq3A_2430 = arith.constant 0 : i32
      %eq3A_2431 = arith.cmpi eq, %jit3A_2429, %eq3A_2430 : i32
      %jit3A_2432 = arith.constant 1 : i32
      %select_n3A_2433 = arith.select %eq3A_2431, %jit3A_2432, %jit3A_2429 : i32
      %rem3A_2434 = arith.remsi %add3A_2404, %select_n3A_2433 : i32
      %ne3A_2435 = arith.constant 0 : i32
      %ne3A_2436 = arith.cmpi ne, %rem3A_2434, %ne3A_2435 : i32
      %lt3A_2437 = arith.constant 0 : i32
      %lt3A_2438 = arith.cmpi slt, %rem3A_2434, %lt3A_2437 : i32
      %lt3A_2439 = arith.constant 0 : i32
      %lt3A_2440 = arith.cmpi slt, %select_n3A_2433, %lt3A_2439 : i32
      %ne3A_2441 = arith.xori %lt3A_2438, %lt3A_2440 : i1
      %and3A_2442 = arith.andi %ne3A_2441, %ne3A_2436 : i1
      %add3A_2443 = arith.addi %rem3A_2434, %select_n3A_2433 : i32
      %select_n3A_2444 = arith.select %and3A_2442, %add3A_2443, %rem3A_2434 : i32
      %mul3A_2445 = arith.constant 2048 : i32
      %mul3A_2446 = arith.muli %select_n3A_2444, %mul3A_2445 : i32
      %dma_wait3A_2447 = arith.constant 0 : i32
      %dma_wait3A_2448 = tpu.memref_slice %arg6[%dma_wait3A_2447] : memref<1000064xf32, #tpu.memory_space<vmem_shared>> -> memref<1000064xf32, #tpu.memory_space<vmem_shared>>
      tpu.wait_indirect_dma semaphore(%arg48 : memref<!tpu.dma_semaphore, #tpu.memory_space<semaphore_mem>>) src(%dma_wait3A_2448 : memref<1000064xf32, #tpu.memory_space<vmem_shared>>) dst(%arg39 : memref<2048xf32, #tpu.memory_space<vmem>>)
      %dma_start3A_2449 = arith.constant 0 : i32
      %dma_start3A_2450 = arith.constant 0 : i32
      %dma_start3A_2451 = tpu.memref_slice %arg5[%select_n3A_2428, %dma_start3A_2449, %dma_start3A_2450] : memref<200x64x4096xf32, #tpu.memory_space<hbm>> -> memref<1x64x4096xf32, #tpu.memory_space<hbm>>
      %dma_start3A_2452 = tpu.memref_squeeze %dma_start3A_2451 : memref<1x64x4096xf32, #tpu.memory_space<hbm>> -> memref<64x4096xf32, #tpu.memory_space<hbm>>
      %dma_start3A_2453 = arith.constant 0 : i32
      %dma_start3A_2454 = tpu.memref_slice %dma_start3A_2452[%add3A_1126, %dma_start3A_2453] : memref<64x4096xf32, #tpu.memory_space<hbm>> -> memref<1x4096xf32, #tpu.memory_space<hbm>>
      %dma_start3A_2455 = tpu.memref_squeeze %dma_start3A_2454 : memref<1x4096xf32, #tpu.memory_space<hbm>> -> memref<4096xf32, #tpu.memory_space<hbm>>
      %dma_start3A_2456 = tpu.memref_slice %dma_start3A_2455[%mul3A_2446] : memref<4096xf32, #tpu.memory_space<hbm>> -> memref<2048xf32, #tpu.memory_space<hbm>>
      %dma_start3A_2457 = arith.constant 0 : i32
      %dma_start3A_2458 = arith.constant 0 : i32
      %dma_start3A_2459 = tpu.memref_slice %arg5[%select_n3A_2428, %dma_start3A_2457, %dma_start3A_2458] : memref<200x64x4096xf32, #tpu.memory_space<hbm>> -> memref<1x64x4096xf32, #tpu.memory_space<hbm>>
      %dma_start3A_2460 = tpu.memref_squeeze %dma_start3A_2459 : memref<1x64x4096xf32, #tpu.memory_space<hbm>> -> memref<64x4096xf32, #tpu.memory_space<hbm>>
      %dma_start3A_2461 = arith.constant 0 : i32
      %dma_start3A_2462 = tpu.memref_slice %dma_start3A_2460[%add3A_1126, %dma_start3A_2461] : memref<64x4096xf32, #tpu.memory_space<hbm>> -> memref<1x4096xf32, #tpu.memory_space<hbm>>
      %dma_start3A_2463 = tpu.memref_squeeze %dma_start3A_2462 : memref<1x4096xf32, #tpu.memory_space<hbm>> -> memref<4096xf32, #tpu.memory_space<hbm>>
      %dma_start3A_2464 = tpu.memref_slice %dma_start3A_2463[%mul3A_2446] : memref<4096xf32, #tpu.memory_space<hbm>> -> memref<2048xf32, #tpu.memory_space<hbm>>
      tpu.enqueue_dma source(%arg39 : memref<2048xf32, #tpu.memory_space<vmem>>) target(%dma_start3A_2464 : memref<2048xf32, #tpu.memory_space<hbm>>) target_semaphore(%arg56 : memref<!tpu.dma_semaphore, #tpu.memory_space<semaphore_mem>>)
      %dma_wait3A_2465 = arith.constant 0 : i32
      %dma_wait3A_2466 = arith.constant 0 : i32
      %dma_wait3A_2467 = arith.constant 0 : i32
      %dma_wait3A_2468 = arith.constant 0 : i32
      %dma_wait3A_2469 = tpu.memref_slice %arg5[%dma_wait3A_2465, %dma_wait3A_2467, %dma_wait3A_2468] : memref<200x64x4096xf32, #tpu.memory_space<hbm>> -> memref<1x64x4096xf32, #tpu.memory_space<hbm>>
      %dma_wait3A_2470 = tpu.memref_squeeze %dma_wait3A_2469 : memref<1x64x4096xf32, #tpu.memory_space<hbm>> -> memref<64x4096xf32, #tpu.memory_space<hbm>>
      %dma_wait3A_2471 = arith.constant 0 : i32
      %dma_wait3A_2472 = tpu.memref_slice %dma_wait3A_2470[%dma_wait3A_2466, %dma_wait3A_2471] : memref<64x4096xf32, #tpu.memory_space<hbm>> -> memref<1x4096xf32, #tpu.memory_space<hbm>>
      %dma_wait3A_2473 = tpu.memref_squeeze %dma_wait3A_2472 : memref<1x4096xf32, #tpu.memory_space<hbm>> -> memref<4096xf32, #tpu.memory_space<hbm>>
      %dma_wait3A_2474 = arith.constant 0 : i32
      %dma_wait3A_2475 = tpu.memref_slice %dma_wait3A_2473[%dma_wait3A_2474] : memref<4096xf32, #tpu.memory_space<hbm>> -> memref<2048xf32, #tpu.memory_space<hbm>>
      %dma_wait3A_2476 = arith.constant 0 : i32
      %dma_wait3A_2477 = arith.constant 0 : i32
      %dma_wait3A_2478 = tpu.memref_slice %arg5[%dma_wait3A_2465, %dma_wait3A_2476, %dma_wait3A_2477] : memref<200x64x4096xf32, #tpu.memory_space<hbm>> -> memref<1x64x4096xf32, #tpu.memory_space<hbm>>
      %dma_wait3A_2479 = tpu.memref_squeeze %dma_wait3A_2478 : memref<1x64x4096xf32, #tpu.memory_space<hbm>> -> memref<64x4096xf32, #tpu.memory_space<hbm>>
      %dma_wait3A_2480 = arith.constant 0 : i32
      %dma_wait3A_2481 = tpu.memref_slice %dma_wait3A_2479[%dma_wait3A_2466, %dma_wait3A_2480] : memref<64x4096xf32, #tpu.memory_space<hbm>> -> memref<1x4096xf32, #tpu.memory_space<hbm>>
      %dma_wait3A_2482 = tpu.memref_squeeze %dma_wait3A_2481 : memref<1x4096xf32, #tpu.memory_space<hbm>> -> memref<4096xf32, #tpu.memory_space<hbm>>
      %dma_wait3A_2483 = arith.constant 0 : i32
      %dma_wait3A_2484 = tpu.memref_slice %dma_wait3A_2482[%dma_wait3A_2483] : memref<4096xf32, #tpu.memory_space<hbm>> -> memref<2048xf32, #tpu.memory_space<hbm>>
      tpu.wait_dma2 semaphore(%arg56 : memref<!tpu.dma_semaphore, #tpu.memory_space<semaphore_mem>>) src(%arg39 : memref<2048xf32, #tpu.memory_space<vmem>>) dst(%dma_wait3A_2484 : memref<2048xf32, #tpu.memory_space<hbm>>)
      %dma_start3A_2485 = arith.constant 0 : i32
      %dma_start3A_2486 = tpu.memref_slice %arg6[%dma_start3A_2485] : memref<1000064xf32, #tpu.memory_space<vmem_shared>> -> memref<1000064xf32, #tpu.memory_space<vmem_shared>>
      tpu.enqueue_indirect_dma source(%dma_start3A_2486 : memref<1000064xf32, #tpu.memory_space<vmem_shared>>) target(%arg39 : memref<2048xf32, #tpu.memory_space<vmem>>) offsets(%arg30 : memref<2048xi32, #tpu.memory_space<vmem>>) semaphore(%arg48 : memref<!tpu.dma_semaphore, #tpu.memory_space<semaphore_mem>>)
      %add3A_2487 = arith.constant 256 : i32
      %add3A_2488 = arith.addi %arg1, %add3A_2487 : i32
      %jit3A_2489 = arith.constant 2 : i32
      %div3A_2490 = arith.divsi %add3A_2488, %jit3A_2489 : i32
      %sign3A_2491 = arith.constant 0 : i32
      %sign3A_2492 = arith.cmpi sgt, %add3A_2488, %sign3A_2491 : i32
      %sign3A_2493 = arith.extui %sign3A_2492 : i1 to i32
      %sign3A_2494 = arith.constant 0 : i32
      %sign3A_2495 = arith.cmpi slt, %add3A_2488, %sign3A_2494 : i32
      %sign3A_2496 = arith.extui %sign3A_2495 : i1 to i32
      %sign3A_2497 = arith.subi %sign3A_2493, %sign3A_2496 : i32
      %sign3A_2498 = arith.constant 0 : i32
      %sign3A_2499 = arith.cmpi sgt, %jit3A_2489, %sign3A_2498 : i32
      %sign3A_2500 = arith.extui %sign3A_2499 : i1 to i32
      %sign3A_2501 = arith.constant 0 : i32
      %sign3A_2502 = arith.cmpi slt, %jit3A_2489, %sign3A_2501 : i32
      %sign3A_2503 = arith.extui %sign3A_2502 : i1 to i32
      %sign3A_2504 = arith.subi %sign3A_2500, %sign3A_2503 : i32
      %ne3A_2505 = arith.cmpi ne, %sign3A_2497, %sign3A_2504 : i32
      %rem3A_2506 = arith.remsi %add3A_2488, %jit3A_2489 : i32
      %ne3A_2507 = arith.constant 0 : i32
      %ne3A_2508 = arith.cmpi ne, %rem3A_2506, %ne3A_2507 : i32
      %and3A_2509 = arith.andi %ne3A_2505, %ne3A_2508 : i1
      %sub3A_2510 = arith.constant 1 : i32
      %sub3A_2511 = arith.subi %div3A_2490, %sub3A_2510 : i32
      %select_n3A_2512 = arith.select %and3A_2509, %sub3A_2511, %div3A_2490 : i32
      %jit3A_2513 = arith.constant 2 : i32
      %eq3A_2514 = arith.constant 0 : i32
      %eq3A_2515 = arith.cmpi eq, %jit3A_2513, %eq3A_2514 : i32
      %jit3A_2516 = arith.constant 1 : i32
      %select_n3A_2517 = arith.select %eq3A_2515, %jit3A_2516, %jit3A_2513 : i32
      %rem3A_2518 = arith.remsi %add3A_2488, %select_n3A_2517 : i32
      %ne3A_2519 = arith.constant 0 : i32
      %ne3A_2520 = arith.cmpi ne, %rem3A_2518, %ne3A_2519 : i32
      %lt3A_2521 = arith.constant 0 : i32
      %lt3A_2522 = arith.cmpi slt, %rem3A_2518, %lt3A_2521 : i32
      %lt3A_2523 = arith.constant 0 : i32
      %lt3A_2524 = arith.cmpi slt, %select_n3A_2517, %lt3A_2523 : i32
      %ne3A_2525 = arith.xori %lt3A_2522, %lt3A_2524 : i1
      %and3A_2526 = arith.andi %ne3A_2525, %ne3A_2520 : i1
      %add3A_2527 = arith.addi %rem3A_2518, %select_n3A_2517 : i32
      %select_n3A_2528 = arith.select %and3A_2526, %add3A_2527, %rem3A_2518 : i32
      %mul3A_2529 = arith.constant 2048 : i32
      %mul3A_2530 = arith.muli %select_n3A_2528, %mul3A_2529 : i32
      %dma_wait3A_2531 = arith.constant 0 : i32
      %dma_wait3A_2532 = tpu.memref_slice %arg6[%dma_wait3A_2531] : memref<1000064xf32, #tpu.memory_space<vmem_shared>> -> memref<1000064xf32, #tpu.memory_space<vmem_shared>>
      tpu.wait_indirect_dma semaphore(%arg41 : memref<!tpu.dma_semaphore, #tpu.memory_space<semaphore_mem>>) src(%dma_wait3A_2532 : memref<1000064xf32, #tpu.memory_space<vmem_shared>>) dst(%arg32 : memref<2048xf32, #tpu.memory_space<vmem>>)
      %dma_start3A_2533 = arith.constant 0 : i32
      %dma_start3A_2534 = arith.constant 0 : i32
      %dma_start3A_2535 = tpu.memref_slice %arg5[%select_n3A_2512, %dma_start3A_2533, %dma_start3A_2534] : memref<200x64x4096xf32, #tpu.memory_space<hbm>> -> memref<1x64x4096xf32, #tpu.memory_space<hbm>>
      %dma_start3A_2536 = tpu.memref_squeeze %dma_start3A_2535 : memref<1x64x4096xf32, #tpu.memory_space<hbm>> -> memref<64x4096xf32, #tpu.memory_space<hbm>>
      %dma_start3A_2537 = arith.constant 0 : i32
      %dma_start3A_2538 = tpu.memref_slice %dma_start3A_2536[%add3A_1126, %dma_start3A_2537] : memref<64x4096xf32, #tpu.memory_space<hbm>> -> memref<1x4096xf32, #tpu.memory_space<hbm>>
      %dma_start3A_2539 = tpu.memref_squeeze %dma_start3A_2538 : memref<1x4096xf32, #tpu.memory_space<hbm>> -> memref<4096xf32, #tpu.memory_space<hbm>>
      %dma_start3A_2540 = tpu.memref_slice %dma_start3A_2539[%mul3A_2530] : memref<4096xf32, #tpu.memory_space<hbm>> -> memref<2048xf32, #tpu.memory_space<hbm>>
      %dma_start3A_2541 = arith.constant 0 : i32
      %dma_start3A_2542 = arith.constant 0 : i32
      %dma_start3A_2543 = tpu.memref_slice %arg5[%select_n3A_2512, %dma_start3A_2541, %dma_start3A_2542] : memref<200x64x4096xf32, #tpu.memory_space<hbm>> -> memref<1x64x4096xf32, #tpu.memory_space<hbm>>
      %dma_start3A_2544 = tpu.memref_squeeze %dma_start3A_2543 : memref<1x64x4096xf32, #tpu.memory_space<hbm>> -> memref<64x4096xf32, #tpu.memory_space<hbm>>
      %dma_start3A_2545 = arith.constant 0 : i32
      %dma_start3A_2546 = tpu.memref_slice %dma_start3A_2544[%add3A_1126, %dma_start3A_2545] : memref<64x4096xf32, #tpu.memory_space<hbm>> -> memref<1x4096xf32, #tpu.memory_space<hbm>>
      %dma_start3A_2547 = tpu.memref_squeeze %dma_start3A_2546 : memref<1x4096xf32, #tpu.memory_space<hbm>> -> memref<4096xf32, #tpu.memory_space<hbm>>
      %dma_start3A_2548 = tpu.memref_slice %dma_start3A_2547[%mul3A_2530] : memref<4096xf32, #tpu.memory_space<hbm>> -> memref<2048xf32, #tpu.memory_space<hbm>>
      tpu.enqueue_dma source(%arg32 : memref<2048xf32, #tpu.memory_space<vmem>>) target(%dma_start3A_2548 : memref<2048xf32, #tpu.memory_space<hbm>>) target_semaphore(%arg49 : memref<!tpu.dma_semaphore, #tpu.memory_space<semaphore_mem>>)
      %dma_wait3A_2549 = arith.constant 0 : i32
      %dma_wait3A_2550 = arith.constant 0 : i32
      %dma_wait3A_2551 = arith.constant 0 : i32
      %dma_wait3A_2552 = arith.constant 0 : i32
      %dma_wait3A_2553 = tpu.memref_slice %arg5[%dma_wait3A_2549, %dma_wait3A_2551, %dma_wait3A_2552] : memref<200x64x4096xf32, #tpu.memory_space<hbm>> -> memref<1x64x4096xf32, #tpu.memory_space<hbm>>
      %dma_wait3A_2554 = tpu.memref_squeeze %dma_wait3A_2553 : memref<1x64x4096xf32, #tpu.memory_space<hbm>> -> memref<64x4096xf32, #tpu.memory_space<hbm>>
      %dma_wait3A_2555 = arith.constant 0 : i32
      %dma_wait3A_2556 = tpu.memref_slice %dma_wait3A_2554[%dma_wait3A_2550, %dma_wait3A_2555] : memref<64x4096xf32, #tpu.memory_space<hbm>> -> memref<1x4096xf32, #tpu.memory_space<hbm>>
      %dma_wait3A_2557 = tpu.memref_squeeze %dma_wait3A_2556 : memref<1x4096xf32, #tpu.memory_space<hbm>> -> memref<4096xf32, #tpu.memory_space<hbm>>
      %dma_wait3A_2558 = arith.constant 0 : i32
      %dma_wait3A_2559 = tpu.memref_slice %dma_wait3A_2557[%dma_wait3A_2558] : memref<4096xf32, #tpu.memory_space<hbm>> -> memref<2048xf32, #tpu.memory_space<hbm>>
      %dma_wait3A_2560 = arith.constant 0 : i32
      %dma_wait3A_2561 = arith.constant 0 : i32
      %dma_wait3A_2562 = tpu.memref_slice %arg5[%dma_wait3A_2549, %dma_wait3A_2560, %dma_wait3A_2561] : memref<200x64x4096xf32, #tpu.memory_space<hbm>> -> memref<1x64x4096xf32, #tpu.memory_space<hbm>>
      %dma_wait3A_2563 = tpu.memref_squeeze %dma_wait3A_2562 : memref<1x64x4096xf32, #tpu.memory_space<hbm>> -> memref<64x4096xf32, #tpu.memory_space<hbm>>
      %dma_wait3A_2564 = arith.constant 0 : i32
      %dma_wait3A_2565 = tpu.memref_slice %dma_wait3A_2563[%dma_wait3A_2550, %dma_wait3A_2564] : memref<64x4096xf32, #tpu.memory_space<hbm>> -> memref<1x4096xf32, #tpu.memory_space<hbm>>
      %dma_wait3A_2566 = tpu.memref_squeeze %dma_wait3A_2565 : memref<1x4096xf32, #tpu.memory_space<hbm>> -> memref<4096xf32, #tpu.memory_space<hbm>>
      %dma_wait3A_2567 = arith.constant 0 : i32
      %dma_wait3A_2568 = tpu.memref_slice %dma_wait3A_2566[%dma_wait3A_2567] : memref<4096xf32, #tpu.memory_space<hbm>> -> memref<2048xf32, #tpu.memory_space<hbm>>
      tpu.wait_dma2 semaphore(%arg49 : memref<!tpu.dma_semaphore, #tpu.memory_space<semaphore_mem>>) src(%arg32 : memref<2048xf32, #tpu.memory_space<vmem>>) dst(%dma_wait3A_2568 : memref<2048xf32, #tpu.memory_space<hbm>>)
      %dma_start3A_2569 = arith.constant 0 : i32
      %dma_start3A_2570 = tpu.memref_slice %arg6[%dma_start3A_2569] : memref<1000064xf32, #tpu.memory_space<vmem_shared>> -> memref<1000064xf32, #tpu.memory_space<vmem_shared>>
      tpu.enqueue_indirect_dma source(%dma_start3A_2570 : memref<1000064xf32, #tpu.memory_space<vmem_shared>>) target(%arg32 : memref<2048xf32, #tpu.memory_space<vmem>>) offsets(%arg31 : memref<2048xi32, #tpu.memory_space<vmem>>) semaphore(%arg41 : memref<!tpu.dma_semaphore, #tpu.memory_space<semaphore_mem>>)
      %add3A_2571 = arith.constant 272 : i32
      %add3A_2572 = arith.addi %arg1, %add3A_2571 : i32
      %jit3A_2573 = arith.constant 2 : i32
      %div3A_2574 = arith.divsi %add3A_2572, %jit3A_2573 : i32
      %sign3A_2575 = arith.constant 0 : i32
      %sign3A_2576 = arith.cmpi sgt, %add3A_2572, %sign3A_2575 : i32
      %sign3A_2577 = arith.extui %sign3A_2576 : i1 to i32
      %sign3A_2578 = arith.constant 0 : i32
      %sign3A_2579 = arith.cmpi slt, %add3A_2572, %sign3A_2578 : i32
      %sign3A_2580 = arith.extui %sign3A_2579 : i1 to i32
      %sign3A_2581 = arith.subi %sign3A_2577, %sign3A_2580 : i32
      %sign3A_2582 = arith.constant 0 : i32
      %sign3A_2583 = arith.cmpi sgt, %jit3A_2573, %sign3A_2582 : i32
      %sign3A_2584 = arith.extui %sign3A_2583 : i1 to i32
      %sign3A_2585 = arith.constant 0 : i32
      %sign3A_2586 = arith.cmpi slt, %jit3A_2573, %sign3A_2585 : i32
      %sign3A_2587 = arith.extui %sign3A_2586 : i1 to i32
      %sign3A_2588 = arith.subi %sign3A_2584, %sign3A_2587 : i32
      %ne3A_2589 = arith.cmpi ne, %sign3A_2581, %sign3A_2588 : i32
      %rem3A_2590 = arith.remsi %add3A_2572, %jit3A_2573 : i32
      %ne3A_2591 = arith.constant 0 : i32
      %ne3A_2592 = arith.cmpi ne, %rem3A_2590, %ne3A_2591 : i32
      %and3A_2593 = arith.andi %ne3A_2589, %ne3A_2592 : i1
      %sub3A_2594 = arith.constant 1 : i32
      %sub3A_2595 = arith.subi %div3A_2574, %sub3A_2594 : i32
      %select_n3A_2596 = arith.select %and3A_2593, %sub3A_2595, %div3A_2574 : i32
      %jit3A_2597 = arith.constant 2 : i32
      %eq3A_2598 = arith.constant 0 : i32
      %eq3A_2599 = arith.cmpi eq, %jit3A_2597, %eq3A_2598 : i32
      %jit3A_2600 = arith.constant 1 : i32
      %select_n3A_2601 = arith.select %eq3A_2599, %jit3A_2600, %jit3A_2597 : i32
      %rem3A_2602 = arith.remsi %add3A_2572, %select_n3A_2601 : i32
      %ne3A_2603 = arith.constant 0 : i32
      %ne3A_2604 = arith.cmpi ne, %rem3A_2602, %ne3A_2603 : i32
      %lt3A_2605 = arith.constant 0 : i32
      %lt3A_2606 = arith.cmpi slt, %rem3A_2602, %lt3A_2605 : i32
      %lt3A_2607 = arith.constant 0 : i32
      %lt3A_2608 = arith.cmpi slt, %select_n3A_2601, %lt3A_2607 : i32
      %ne3A_2609 = arith.xori %lt3A_2606, %lt3A_2608 : i1
      %and3A_2610 = arith.andi %ne3A_2609, %ne3A_2604 : i1
      %add3A_2611 = arith.addi %rem3A_2602, %select_n3A_2601 : i32
      %select_n3A_2612 = arith.select %and3A_2610, %add3A_2611, %rem3A_2602 : i32
      %mul3A_2613 = arith.constant 2048 : i32
      %mul3A_2614 = arith.muli %select_n3A_2612, %mul3A_2613 : i32
      %dma_wait3A_2615 = arith.constant 0 : i32
      %dma_wait3A_2616 = tpu.memref_slice %arg6[%dma_wait3A_2615] : memref<1000064xf32, #tpu.memory_space<vmem_shared>> -> memref<1000064xf32, #tpu.memory_space<vmem_shared>>
      tpu.wait_indirect_dma semaphore(%arg42 : memref<!tpu.dma_semaphore, #tpu.memory_space<semaphore_mem>>) src(%dma_wait3A_2616 : memref<1000064xf32, #tpu.memory_space<vmem_shared>>) dst(%arg33 : memref<2048xf32, #tpu.memory_space<vmem>>)
      %dma_start3A_2617 = arith.constant 0 : i32
      %dma_start3A_2618 = arith.constant 0 : i32
      %dma_start3A_2619 = tpu.memref_slice %arg5[%select_n3A_2596, %dma_start3A_2617, %dma_start3A_2618] : memref<200x64x4096xf32, #tpu.memory_space<hbm>> -> memref<1x64x4096xf32, #tpu.memory_space<hbm>>
      %dma_start3A_2620 = tpu.memref_squeeze %dma_start3A_2619 : memref<1x64x4096xf32, #tpu.memory_space<hbm>> -> memref<64x4096xf32, #tpu.memory_space<hbm>>
      %dma_start3A_2621 = arith.constant 0 : i32
      %dma_start3A_2622 = tpu.memref_slice %dma_start3A_2620[%add3A_1126, %dma_start3A_2621] : memref<64x4096xf32, #tpu.memory_space<hbm>> -> memref<1x4096xf32, #tpu.memory_space<hbm>>
      %dma_start3A_2623 = tpu.memref_squeeze %dma_start3A_2622 : memref<1x4096xf32, #tpu.memory_space<hbm>> -> memref<4096xf32, #tpu.memory_space<hbm>>
      %dma_start3A_2624 = tpu.memref_slice %dma_start3A_2623[%mul3A_2614] : memref<4096xf32, #tpu.memory_space<hbm>> -> memref<2048xf32, #tpu.memory_space<hbm>>
      %dma_start3A_2625 = arith.constant 0 : i32
      %dma_start3A_2626 = arith.constant 0 : i32
      %dma_start3A_2627 = tpu.memref_slice %arg5[%select_n3A_2596, %dma_start3A_2625, %dma_start3A_2626] : memref<200x64x4096xf32, #tpu.memory_space<hbm>> -> memref<1x64x4096xf32, #tpu.memory_space<hbm>>
      %dma_start3A_2628 = tpu.memref_squeeze %dma_start3A_2627 : memref<1x64x4096xf32, #tpu.memory_space<hbm>> -> memref<64x4096xf32, #tpu.memory_space<hbm>>
      %dma_start3A_2629 = arith.constant 0 : i32
      %dma_start3A_2630 = tpu.memref_slice %dma_start3A_2628[%add3A_1126, %dma_start3A_2629] : memref<64x4096xf32, #tpu.memory_space<hbm>> -> memref<1x4096xf32, #tpu.memory_space<hbm>>
      %dma_start3A_2631 = tpu.memref_squeeze %dma_start3A_2630 : memref<1x4096xf32, #tpu.memory_space<hbm>> -> memref<4096xf32, #tpu.memory_space<hbm>>
      %dma_start3A_2632 = tpu.memref_slice %dma_start3A_2631[%mul3A_2614] : memref<4096xf32, #tpu.memory_space<hbm>> -> memref<2048xf32, #tpu.memory_space<hbm>>
      tpu.enqueue_dma source(%arg33 : memref<2048xf32, #tpu.memory_space<vmem>>) target(%dma_start3A_2632 : memref<2048xf32, #tpu.memory_space<hbm>>) target_semaphore(%arg50 : memref<!tpu.dma_semaphore, #tpu.memory_space<semaphore_mem>>)
      %add3A_2633 = arith.constant 288 : i32
      %add3A_2634 = arith.addi %arg1, %add3A_2633 : i32
      %jit3A_2635 = arith.constant 2 : i32
      %div3A_2636 = arith.divsi %add3A_2634, %jit3A_2635 : i32
      %sign3A_2637 = arith.constant 0 : i32
      %sign3A_2638 = arith.cmpi sgt, %add3A_2634, %sign3A_2637 : i32
      %sign3A_2639 = arith.extui %sign3A_2638 : i1 to i32
      %sign3A_2640 = arith.constant 0 : i32
      %sign3A_2641 = arith.cmpi slt, %add3A_2634, %sign3A_2640 : i32
      %sign3A_2642 = arith.extui %sign3A_2641 : i1 to i32
      %sign3A_2643 = arith.subi %sign3A_2639, %sign3A_2642 : i32
      %sign3A_2644 = arith.constant 0 : i32
      %sign3A_2645 = arith.cmpi sgt, %jit3A_2635, %sign3A_2644 : i32
      %sign3A_2646 = arith.extui %sign3A_2645 : i1 to i32
      %sign3A_2647 = arith.constant 0 : i32
      %sign3A_2648 = arith.cmpi slt, %jit3A_2635, %sign3A_2647 : i32
      %sign3A_2649 = arith.extui %sign3A_2648 : i1 to i32
      %sign3A_2650 = arith.subi %sign3A_2646, %sign3A_2649 : i32
      %ne3A_2651 = arith.cmpi ne, %sign3A_2643, %sign3A_2650 : i32
      %rem3A_2652 = arith.remsi %add3A_2634, %jit3A_2635 : i32
      %ne3A_2653 = arith.constant 0 : i32
      %ne3A_2654 = arith.cmpi ne, %rem3A_2652, %ne3A_2653 : i32
      %and3A_2655 = arith.andi %ne3A_2651, %ne3A_2654 : i1
      %sub3A_2656 = arith.constant 1 : i32
      %sub3A_2657 = arith.subi %div3A_2636, %sub3A_2656 : i32
      %select_n3A_2658 = arith.select %and3A_2655, %sub3A_2657, %div3A_2636 : i32
      %jit3A_2659 = arith.constant 2 : i32
      %eq3A_2660 = arith.constant 0 : i32
      %eq3A_2661 = arith.cmpi eq, %jit3A_2659, %eq3A_2660 : i32
      %jit3A_2662 = arith.constant 1 : i32
      %select_n3A_2663 = arith.select %eq3A_2661, %jit3A_2662, %jit3A_2659 : i32
      %rem3A_2664 = arith.remsi %add3A_2634, %select_n3A_2663 : i32
      %ne3A_2665 = arith.constant 0 : i32
      %ne3A_2666 = arith.cmpi ne, %rem3A_2664, %ne3A_2665 : i32
      %lt3A_2667 = arith.constant 0 : i32
      %lt3A_2668 = arith.cmpi slt, %rem3A_2664, %lt3A_2667 : i32
      %lt3A_2669 = arith.constant 0 : i32
      %lt3A_2670 = arith.cmpi slt, %select_n3A_2663, %lt3A_2669 : i32
      %ne3A_2671 = arith.xori %lt3A_2668, %lt3A_2670 : i1
      %and3A_2672 = arith.andi %ne3A_2671, %ne3A_2666 : i1
      %add3A_2673 = arith.addi %rem3A_2664, %select_n3A_2663 : i32
      %select_n3A_2674 = arith.select %and3A_2672, %add3A_2673, %rem3A_2664 : i32
      %mul3A_2675 = arith.constant 2048 : i32
      %mul3A_2676 = arith.muli %select_n3A_2674, %mul3A_2675 : i32
      %dma_wait3A_2677 = arith.constant 0 : i32
      %dma_wait3A_2678 = tpu.memref_slice %arg6[%dma_wait3A_2677] : memref<1000064xf32, #tpu.memory_space<vmem_shared>> -> memref<1000064xf32, #tpu.memory_space<vmem_shared>>
      tpu.wait_indirect_dma semaphore(%arg43 : memref<!tpu.dma_semaphore, #tpu.memory_space<semaphore_mem>>) src(%dma_wait3A_2678 : memref<1000064xf32, #tpu.memory_space<vmem_shared>>) dst(%arg34 : memref<2048xf32, #tpu.memory_space<vmem>>)
      %dma_start3A_2679 = arith.constant 0 : i32
      %dma_start3A_2680 = arith.constant 0 : i32
      %dma_start3A_2681 = tpu.memref_slice %arg5[%select_n3A_2658, %dma_start3A_2679, %dma_start3A_2680] : memref<200x64x4096xf32, #tpu.memory_space<hbm>> -> memref<1x64x4096xf32, #tpu.memory_space<hbm>>
      %dma_start3A_2682 = tpu.memref_squeeze %dma_start3A_2681 : memref<1x64x4096xf32, #tpu.memory_space<hbm>> -> memref<64x4096xf32, #tpu.memory_space<hbm>>
      %dma_start3A_2683 = arith.constant 0 : i32
      %dma_start3A_2684 = tpu.memref_slice %dma_start3A_2682[%add3A_1126, %dma_start3A_2683] : memref<64x4096xf32, #tpu.memory_space<hbm>> -> memref<1x4096xf32, #tpu.memory_space<hbm>>
      %dma_start3A_2685 = tpu.memref_squeeze %dma_start3A_2684 : memref<1x4096xf32, #tpu.memory_space<hbm>> -> memref<4096xf32, #tpu.memory_space<hbm>>
      %dma_start3A_2686 = tpu.memref_slice %dma_start3A_2685[%mul3A_2676] : memref<4096xf32, #tpu.memory_space<hbm>> -> memref<2048xf32, #tpu.memory_space<hbm>>
      %dma_start3A_2687 = arith.constant 0 : i32
      %dma_start3A_2688 = arith.constant 0 : i32
      %dma_start3A_2689 = tpu.memref_slice %arg5[%select_n3A_2658, %dma_start3A_2687, %dma_start3A_2688] : memref<200x64x4096xf32, #tpu.memory_space<hbm>> -> memref<1x64x4096xf32, #tpu.memory_space<hbm>>
      %dma_start3A_2690 = tpu.memref_squeeze %dma_start3A_2689 : memref<1x64x4096xf32, #tpu.memory_space<hbm>> -> memref<64x4096xf32, #tpu.memory_space<hbm>>
      %dma_start3A_2691 = arith.constant 0 : i32
      %dma_start3A_2692 = tpu.memref_slice %dma_start3A_2690[%add3A_1126, %dma_start3A_2691] : memref<64x4096xf32, #tpu.memory_space<hbm>> -> memref<1x4096xf32, #tpu.memory_space<hbm>>
      %dma_start3A_2693 = tpu.memref_squeeze %dma_start3A_2692 : memref<1x4096xf32, #tpu.memory_space<hbm>> -> memref<4096xf32, #tpu.memory_space<hbm>>
      %dma_start3A_2694 = tpu.memref_slice %dma_start3A_2693[%mul3A_2676] : memref<4096xf32, #tpu.memory_space<hbm>> -> memref<2048xf32, #tpu.memory_space<hbm>>
      tpu.enqueue_dma source(%arg34 : memref<2048xf32, #tpu.memory_space<vmem>>) target(%dma_start3A_2694 : memref<2048xf32, #tpu.memory_space<hbm>>) target_semaphore(%arg51 : memref<!tpu.dma_semaphore, #tpu.memory_space<semaphore_mem>>)
      %add3A_2695 = arith.constant 304 : i32
      %add3A_2696 = arith.addi %arg1, %add3A_2695 : i32
      %jit3A_2697 = arith.constant 2 : i32
      %div3A_2698 = arith.divsi %add3A_2696, %jit3A_2697 : i32
      %sign3A_2699 = arith.constant 0 : i32
      %sign3A_2700 = arith.cmpi sgt, %add3A_2696, %sign3A_2699 : i32
      %sign3A_2701 = arith.extui %sign3A_2700 : i1 to i32
      %sign3A_2702 = arith.constant 0 : i32
      %sign3A_2703 = arith.cmpi slt, %add3A_2696, %sign3A_2702 : i32
      %sign3A_2704 = arith.extui %sign3A_2703 : i1 to i32
      %sign3A_2705 = arith.subi %sign3A_2701, %sign3A_2704 : i32
      %sign3A_2706 = arith.constant 0 : i32
      %sign3A_2707 = arith.cmpi sgt, %jit3A_2697, %sign3A_2706 : i32
      %sign3A_2708 = arith.extui %sign3A_2707 : i1 to i32
      %sign3A_2709 = arith.constant 0 : i32
      %sign3A_2710 = arith.cmpi slt, %jit3A_2697, %sign3A_2709 : i32
      %sign3A_2711 = arith.extui %sign3A_2710 : i1 to i32
      %sign3A_2712 = arith.subi %sign3A_2708, %sign3A_2711 : i32
      %ne3A_2713 = arith.cmpi ne, %sign3A_2705, %sign3A_2712 : i32
      %rem3A_2714 = arith.remsi %add3A_2696, %jit3A_2697 : i32
      %ne3A_2715 = arith.constant 0 : i32
      %ne3A_2716 = arith.cmpi ne, %rem3A_2714, %ne3A_2715 : i32
      %and3A_2717 = arith.andi %ne3A_2713, %ne3A_2716 : i1
      %sub3A_2718 = arith.constant 1 : i32
      %sub3A_2719 = arith.subi %div3A_2698, %sub3A_2718 : i32
      %select_n3A_2720 = arith.select %and3A_2717, %sub3A_2719, %div3A_2698 : i32
      %jit3A_2721 = arith.constant 2 : i32
      %eq3A_2722 = arith.constant 0 : i32
      %eq3A_2723 = arith.cmpi eq, %jit3A_2721, %eq3A_2722 : i32
      %jit3A_2724 = arith.constant 1 : i32
      %select_n3A_2725 = arith.select %eq3A_2723, %jit3A_2724, %jit3A_2721 : i32
      %rem3A_2726 = arith.remsi %add3A_2696, %select_n3A_2725 : i32
      %ne3A_2727 = arith.constant 0 : i32
      %ne3A_2728 = arith.cmpi ne, %rem3A_2726, %ne3A_2727 : i32
      %lt3A_2729 = arith.constant 0 : i32
      %lt3A_2730 = arith.cmpi slt, %rem3A_2726, %lt3A_2729 : i32
      %lt3A_2731 = arith.constant 0 : i32
      %lt3A_2732 = arith.cmpi slt, %select_n3A_2725, %lt3A_2731 : i32
      %ne3A_2733 = arith.xori %lt3A_2730, %lt3A_2732 : i1
      %and3A_2734 = arith.andi %ne3A_2733, %ne3A_2728 : i1
      %add3A_2735 = arith.addi %rem3A_2726, %select_n3A_2725 : i32
      %select_n3A_2736 = arith.select %and3A_2734, %add3A_2735, %rem3A_2726 : i32
      %mul3A_2737 = arith.constant 2048 : i32
      %mul3A_2738 = arith.muli %select_n3A_2736, %mul3A_2737 : i32
      %dma_wait3A_2739 = arith.constant 0 : i32
      %dma_wait3A_2740 = tpu.memref_slice %arg6[%dma_wait3A_2739] : memref<1000064xf32, #tpu.memory_space<vmem_shared>> -> memref<1000064xf32, #tpu.memory_space<vmem_shared>>
      tpu.wait_indirect_dma semaphore(%arg44 : memref<!tpu.dma_semaphore, #tpu.memory_space<semaphore_mem>>) src(%dma_wait3A_2740 : memref<1000064xf32, #tpu.memory_space<vmem_shared>>) dst(%arg35 : memref<2048xf32, #tpu.memory_space<vmem>>)
      %dma_start3A_2741 = arith.constant 0 : i32
      %dma_start3A_2742 = arith.constant 0 : i32
      %dma_start3A_2743 = tpu.memref_slice %arg5[%select_n3A_2720, %dma_start3A_2741, %dma_start3A_2742] : memref<200x64x4096xf32, #tpu.memory_space<hbm>> -> memref<1x64x4096xf32, #tpu.memory_space<hbm>>
      %dma_start3A_2744 = tpu.memref_squeeze %dma_start3A_2743 : memref<1x64x4096xf32, #tpu.memory_space<hbm>> -> memref<64x4096xf32, #tpu.memory_space<hbm>>
      %dma_start3A_2745 = arith.constant 0 : i32
      %dma_start3A_2746 = tpu.memref_slice %dma_start3A_2744[%add3A_1126, %dma_start3A_2745] : memref<64x4096xf32, #tpu.memory_space<hbm>> -> memref<1x4096xf32, #tpu.memory_space<hbm>>
      %dma_start3A_2747 = tpu.memref_squeeze %dma_start3A_2746 : memref<1x4096xf32, #tpu.memory_space<hbm>> -> memref<4096xf32, #tpu.memory_space<hbm>>
      %dma_start3A_2748 = tpu.memref_slice %dma_start3A_2747[%mul3A_2738] : memref<4096xf32, #tpu.memory_space<hbm>> -> memref<2048xf32, #tpu.memory_space<hbm>>
      %dma_start3A_2749 = arith.constant 0 : i32
      %dma_start3A_2750 = arith.constant 0 : i32
      %dma_start3A_2751 = tpu.memref_slice %arg5[%select_n3A_2720, %dma_start3A_2749, %dma_start3A_2750] : memref<200x64x4096xf32, #tpu.memory_space<hbm>> -> memref<1x64x4096xf32, #tpu.memory_space<hbm>>
      %dma_start3A_2752 = tpu.memref_squeeze %dma_start3A_2751 : memref<1x64x4096xf32, #tpu.memory_space<hbm>> -> memref<64x4096xf32, #tpu.memory_space<hbm>>
      %dma_start3A_2753 = arith.constant 0 : i32
      %dma_start3A_2754 = tpu.memref_slice %dma_start3A_2752[%add3A_1126, %dma_start3A_2753] : memref<64x4096xf32, #tpu.memory_space<hbm>> -> memref<1x4096xf32, #tpu.memory_space<hbm>>
      %dma_start3A_2755 = tpu.memref_squeeze %dma_start3A_2754 : memref<1x4096xf32, #tpu.memory_space<hbm>> -> memref<4096xf32, #tpu.memory_space<hbm>>
      %dma_start3A_2756 = tpu.memref_slice %dma_start3A_2755[%mul3A_2738] : memref<4096xf32, #tpu.memory_space<hbm>> -> memref<2048xf32, #tpu.memory_space<hbm>>
      tpu.enqueue_dma source(%arg35 : memref<2048xf32, #tpu.memory_space<vmem>>) target(%dma_start3A_2756 : memref<2048xf32, #tpu.memory_space<hbm>>) target_semaphore(%arg52 : memref<!tpu.dma_semaphore, #tpu.memory_space<semaphore_mem>>)
      %add3A_2757 = arith.constant 320 : i32
      %add3A_2758 = arith.addi %arg1, %add3A_2757 : i32
      %jit3A_2759 = arith.constant 2 : i32
      %div3A_2760 = arith.divsi %add3A_2758, %jit3A_2759 : i32
      %sign3A_2761 = arith.constant 0 : i32
      %sign3A_2762 = arith.cmpi sgt, %add3A_2758, %sign3A_2761 : i32
      %sign3A_2763 = arith.extui %sign3A_2762 : i1 to i32
      %sign3A_2764 = arith.constant 0 : i32
      %sign3A_2765 = arith.cmpi slt, %add3A_2758, %sign3A_2764 : i32
      %sign3A_2766 = arith.extui %sign3A_2765 : i1 to i32
      %sign3A_2767 = arith.subi %sign3A_2763, %sign3A_2766 : i32
      %sign3A_2768 = arith.constant 0 : i32
      %sign3A_2769 = arith.cmpi sgt, %jit3A_2759, %sign3A_2768 : i32
      %sign3A_2770 = arith.extui %sign3A_2769 : i1 to i32
      %sign3A_2771 = arith.constant 0 : i32
      %sign3A_2772 = arith.cmpi slt, %jit3A_2759, %sign3A_2771 : i32
      %sign3A_2773 = arith.extui %sign3A_2772 : i1 to i32
      %sign3A_2774 = arith.subi %sign3A_2770, %sign3A_2773 : i32
      %ne3A_2775 = arith.cmpi ne, %sign3A_2767, %sign3A_2774 : i32
      %rem3A_2776 = arith.remsi %add3A_2758, %jit3A_2759 : i32
      %ne3A_2777 = arith.constant 0 : i32
      %ne3A_2778 = arith.cmpi ne, %rem3A_2776, %ne3A_2777 : i32
      %and3A_2779 = arith.andi %ne3A_2775, %ne3A_2778 : i1
      %sub3A_2780 = arith.constant 1 : i32
      %sub3A_2781 = arith.subi %div3A_2760, %sub3A_2780 : i32
      %select_n3A_2782 = arith.select %and3A_2779, %sub3A_2781, %div3A_2760 : i32
      %jit3A_2783 = arith.constant 2 : i32
      %eq3A_2784 = arith.constant 0 : i32
      %eq3A_2785 = arith.cmpi eq, %jit3A_2783, %eq3A_2784 : i32
      %jit3A_2786 = arith.constant 1 : i32
      %select_n3A_2787 = arith.select %eq3A_2785, %jit3A_2786, %jit3A_2783 : i32
      %rem3A_2788 = arith.remsi %add3A_2758, %select_n3A_2787 : i32
      %ne3A_2789 = arith.constant 0 : i32
      %ne3A_2790 = arith.cmpi ne, %rem3A_2788, %ne3A_2789 : i32
      %lt3A_2791 = arith.constant 0 : i32
      %lt3A_2792 = arith.cmpi slt, %rem3A_2788, %lt3A_2791 : i32
      %lt3A_2793 = arith.constant 0 : i32
      %lt3A_2794 = arith.cmpi slt, %select_n3A_2787, %lt3A_2793 : i32
      %ne3A_2795 = arith.xori %lt3A_2792, %lt3A_2794 : i1
      %and3A_2796 = arith.andi %ne3A_2795, %ne3A_2790 : i1
      %add3A_2797 = arith.addi %rem3A_2788, %select_n3A_2787 : i32
      %select_n3A_2798 = arith.select %and3A_2796, %add3A_2797, %rem3A_2788 : i32
      %mul3A_2799 = arith.constant 2048 : i32
      %mul3A_2800 = arith.muli %select_n3A_2798, %mul3A_2799 : i32
      %dma_wait3A_2801 = arith.constant 0 : i32
      %dma_wait3A_2802 = tpu.memref_slice %arg6[%dma_wait3A_2801] : memref<1000064xf32, #tpu.memory_space<vmem_shared>> -> memref<1000064xf32, #tpu.memory_space<vmem_shared>>
      tpu.wait_indirect_dma semaphore(%arg45 : memref<!tpu.dma_semaphore, #tpu.memory_space<semaphore_mem>>) src(%dma_wait3A_2802 : memref<1000064xf32, #tpu.memory_space<vmem_shared>>) dst(%arg36 : memref<2048xf32, #tpu.memory_space<vmem>>)
      %dma_start3A_2803 = arith.constant 0 : i32
      %dma_start3A_2804 = arith.constant 0 : i32
      %dma_start3A_2805 = tpu.memref_slice %arg5[%select_n3A_2782, %dma_start3A_2803, %dma_start3A_2804] : memref<200x64x4096xf32, #tpu.memory_space<hbm>> -> memref<1x64x4096xf32, #tpu.memory_space<hbm>>
      %dma_start3A_2806 = tpu.memref_squeeze %dma_start3A_2805 : memref<1x64x4096xf32, #tpu.memory_space<hbm>> -> memref<64x4096xf32, #tpu.memory_space<hbm>>
      %dma_start3A_2807 = arith.constant 0 : i32
      %dma_start3A_2808 = tpu.memref_slice %dma_start3A_2806[%add3A_1126, %dma_start3A_2807] : memref<64x4096xf32, #tpu.memory_space<hbm>> -> memref<1x4096xf32, #tpu.memory_space<hbm>>
      %dma_start3A_2809 = tpu.memref_squeeze %dma_start3A_2808 : memref<1x4096xf32, #tpu.memory_space<hbm>> -> memref<4096xf32, #tpu.memory_space<hbm>>
      %dma_start3A_2810 = tpu.memref_slice %dma_start3A_2809[%mul3A_2800] : memref<4096xf32, #tpu.memory_space<hbm>> -> memref<2048xf32, #tpu.memory_space<hbm>>
      %dma_start3A_2811 = arith.constant 0 : i32
      %dma_start3A_2812 = arith.constant 0 : i32
      %dma_start3A_2813 = tpu.memref_slice %arg5[%select_n3A_2782, %dma_start3A_2811, %dma_start3A_2812] : memref<200x64x4096xf32, #tpu.memory_space<hbm>> -> memref<1x64x4096xf32, #tpu.memory_space<hbm>>
      %dma_start3A_2814 = tpu.memref_squeeze %dma_start3A_2813 : memref<1x64x4096xf32, #tpu.memory_space<hbm>> -> memref<64x4096xf32, #tpu.memory_space<hbm>>
      %dma_start3A_2815 = arith.constant 0 : i32
      %dma_start3A_2816 = tpu.memref_slice %dma_start3A_2814[%add3A_1126, %dma_start3A_2815] : memref<64x4096xf32, #tpu.memory_space<hbm>> -> memref<1x4096xf32, #tpu.memory_space<hbm>>
      %dma_start3A_2817 = tpu.memref_squeeze %dma_start3A_2816 : memref<1x4096xf32, #tpu.memory_space<hbm>> -> memref<4096xf32, #tpu.memory_space<hbm>>
      %dma_start3A_2818 = tpu.memref_slice %dma_start3A_2817[%mul3A_2800] : memref<4096xf32, #tpu.memory_space<hbm>> -> memref<2048xf32, #tpu.memory_space<hbm>>
      tpu.enqueue_dma source(%arg36 : memref<2048xf32, #tpu.memory_space<vmem>>) target(%dma_start3A_2818 : memref<2048xf32, #tpu.memory_space<hbm>>) target_semaphore(%arg53 : memref<!tpu.dma_semaphore, #tpu.memory_space<semaphore_mem>>)
      %add3A_2819 = arith.constant 336 : i32
      %add3A_2820 = arith.addi %arg1, %add3A_2819 : i32
      %jit3A_2821 = arith.constant 2 : i32
      %div3A_2822 = arith.divsi %add3A_2820, %jit3A_2821 : i32
      %sign3A_2823 = arith.constant 0 : i32
      %sign3A_2824 = arith.cmpi sgt, %add3A_2820, %sign3A_2823 : i32
      %sign3A_2825 = arith.extui %sign3A_2824 : i1 to i32
      %sign3A_2826 = arith.constant 0 : i32
      %sign3A_2827 = arith.cmpi slt, %add3A_2820, %sign3A_2826 : i32
      %sign3A_2828 = arith.extui %sign3A_2827 : i1 to i32
      %sign3A_2829 = arith.subi %sign3A_2825, %sign3A_2828 : i32
      %sign3A_2830 = arith.constant 0 : i32
      %sign3A_2831 = arith.cmpi sgt, %jit3A_2821, %sign3A_2830 : i32
      %sign3A_2832 = arith.extui %sign3A_2831 : i1 to i32
      %sign3A_2833 = arith.constant 0 : i32
      %sign3A_2834 = arith.cmpi slt, %jit3A_2821, %sign3A_2833 : i32
      %sign3A_2835 = arith.extui %sign3A_2834 : i1 to i32
      %sign3A_2836 = arith.subi %sign3A_2832, %sign3A_2835 : i32
      %ne3A_2837 = arith.cmpi ne, %sign3A_2829, %sign3A_2836 : i32
      %rem3A_2838 = arith.remsi %add3A_2820, %jit3A_2821 : i32
      %ne3A_2839 = arith.constant 0 : i32
      %ne3A_2840 = arith.cmpi ne, %rem3A_2838, %ne3A_2839 : i32
      %and3A_2841 = arith.andi %ne3A_2837, %ne3A_2840 : i1
      %sub3A_2842 = arith.constant 1 : i32
      %sub3A_2843 = arith.subi %div3A_2822, %sub3A_2842 : i32
      %select_n3A_2844 = arith.select %and3A_2841, %sub3A_2843, %div3A_2822 : i32
      %jit3A_2845 = arith.constant 2 : i32
      %eq3A_2846 = arith.constant 0 : i32
      %eq3A_2847 = arith.cmpi eq, %jit3A_2845, %eq3A_2846 : i32
      %jit3A_2848 = arith.constant 1 : i32
      %select_n3A_2849 = arith.select %eq3A_2847, %jit3A_2848, %jit3A_2845 : i32
      %rem3A_2850 = arith.remsi %add3A_2820, %select_n3A_2849 : i32
      %ne3A_2851 = arith.constant 0 : i32
      %ne3A_2852 = arith.cmpi ne, %rem3A_2850, %ne3A_2851 : i32
      %lt3A_2853 = arith.constant 0 : i32
      %lt3A_2854 = arith.cmpi slt, %rem3A_2850, %lt3A_2853 : i32
      %lt3A_2855 = arith.constant 0 : i32
      %lt3A_2856 = arith.cmpi slt, %select_n3A_2849, %lt3A_2855 : i32
      %ne3A_2857 = arith.xori %lt3A_2854, %lt3A_2856 : i1
      %and3A_2858 = arith.andi %ne3A_2857, %ne3A_2852 : i1
      %add3A_2859 = arith.addi %rem3A_2850, %select_n3A_2849 : i32
      %select_n3A_2860 = arith.select %and3A_2858, %add3A_2859, %rem3A_2850 : i32
      %mul3A_2861 = arith.constant 2048 : i32
      %mul3A_2862 = arith.muli %select_n3A_2860, %mul3A_2861 : i32
      %dma_wait3A_2863 = arith.constant 0 : i32
      %dma_wait3A_2864 = tpu.memref_slice %arg6[%dma_wait3A_2863] : memref<1000064xf32, #tpu.memory_space<vmem_shared>> -> memref<1000064xf32, #tpu.memory_space<vmem_shared>>
      tpu.wait_indirect_dma semaphore(%arg46 : memref<!tpu.dma_semaphore, #tpu.memory_space<semaphore_mem>>) src(%dma_wait3A_2864 : memref<1000064xf32, #tpu.memory_space<vmem_shared>>) dst(%arg37 : memref<2048xf32, #tpu.memory_space<vmem>>)
      %dma_start3A_2865 = arith.constant 0 : i32
      %dma_start3A_2866 = arith.constant 0 : i32
      %dma_start3A_2867 = tpu.memref_slice %arg5[%select_n3A_2844, %dma_start3A_2865, %dma_start3A_2866] : memref<200x64x4096xf32, #tpu.memory_space<hbm>> -> memref<1x64x4096xf32, #tpu.memory_space<hbm>>
      %dma_start3A_2868 = tpu.memref_squeeze %dma_start3A_2867 : memref<1x64x4096xf32, #tpu.memory_space<hbm>> -> memref<64x4096xf32, #tpu.memory_space<hbm>>
      %dma_start3A_2869 = arith.constant 0 : i32
      %dma_start3A_2870 = tpu.memref_slice %dma_start3A_2868[%add3A_1126, %dma_start3A_2869] : memref<64x4096xf32, #tpu.memory_space<hbm>> -> memref<1x4096xf32, #tpu.memory_space<hbm>>
      %dma_start3A_2871 = tpu.memref_squeeze %dma_start3A_2870 : memref<1x4096xf32, #tpu.memory_space<hbm>> -> memref<4096xf32, #tpu.memory_space<hbm>>
      %dma_start3A_2872 = tpu.memref_slice %dma_start3A_2871[%mul3A_2862] : memref<4096xf32, #tpu.memory_space<hbm>> -> memref<2048xf32, #tpu.memory_space<hbm>>
      %dma_start3A_2873 = arith.constant 0 : i32
      %dma_start3A_2874 = arith.constant 0 : i32
      %dma_start3A_2875 = tpu.memref_slice %arg5[%select_n3A_2844, %dma_start3A_2873, %dma_start3A_2874] : memref<200x64x4096xf32, #tpu.memory_space<hbm>> -> memref<1x64x4096xf32, #tpu.memory_space<hbm>>
      %dma_start3A_2876 = tpu.memref_squeeze %dma_start3A_2875 : memref<1x64x4096xf32, #tpu.memory_space<hbm>> -> memref<64x4096xf32, #tpu.memory_space<hbm>>
      %dma_start3A_2877 = arith.constant 0 : i32
      %dma_start3A_2878 = tpu.memref_slice %dma_start3A_2876[%add3A_1126, %dma_start3A_2877] : memref<64x4096xf32, #tpu.memory_space<hbm>> -> memref<1x4096xf32, #tpu.memory_space<hbm>>
      %dma_start3A_2879 = tpu.memref_squeeze %dma_start3A_2878 : memref<1x4096xf32, #tpu.memory_space<hbm>> -> memref<4096xf32, #tpu.memory_space<hbm>>
      %dma_start3A_2880 = tpu.memref_slice %dma_start3A_2879[%mul3A_2862] : memref<4096xf32, #tpu.memory_space<hbm>> -> memref<2048xf32, #tpu.memory_space<hbm>>
      tpu.enqueue_dma source(%arg37 : memref<2048xf32, #tpu.memory_space<vmem>>) target(%dma_start3A_2880 : memref<2048xf32, #tpu.memory_space<hbm>>) target_semaphore(%arg54 : memref<!tpu.dma_semaphore, #tpu.memory_space<semaphore_mem>>)
      %add3A_2881 = arith.constant 352 : i32
      %add3A_2882 = arith.addi %arg1, %add3A_2881 : i32
      %jit3A_2883 = arith.constant 2 : i32
      %div3A_2884 = arith.divsi %add3A_2882, %jit3A_2883 : i32
      %sign3A_2885 = arith.constant 0 : i32
      %sign3A_2886 = arith.cmpi sgt, %add3A_2882, %sign3A_2885 : i32
      %sign3A_2887 = arith.extui %sign3A_2886 : i1 to i32
      %sign3A_2888 = arith.constant 0 : i32
      %sign3A_2889 = arith.cmpi slt, %add3A_2882, %sign3A_2888 : i32
      %sign3A_2890 = arith.extui %sign3A_2889 : i1 to i32
      %sign3A_2891 = arith.subi %sign3A_2887, %sign3A_2890 : i32
      %sign3A_2892 = arith.constant 0 : i32
      %sign3A_2893 = arith.cmpi sgt, %jit3A_2883, %sign3A_2892 : i32
      %sign3A_2894 = arith.extui %sign3A_2893 : i1 to i32
      %sign3A_2895 = arith.constant 0 : i32
      %sign3A_2896 = arith.cmpi slt, %jit3A_2883, %sign3A_2895 : i32
      %sign3A_2897 = arith.extui %sign3A_2896 : i1 to i32
      %sign3A_2898 = arith.subi %sign3A_2894, %sign3A_2897 : i32
      %ne3A_2899 = arith.cmpi ne, %sign3A_2891, %sign3A_2898 : i32
      %rem3A_2900 = arith.remsi %add3A_2882, %jit3A_2883 : i32
      %ne3A_2901 = arith.constant 0 : i32
      %ne3A_2902 = arith.cmpi ne, %rem3A_2900, %ne3A_2901 : i32
      %and3A_2903 = arith.andi %ne3A_2899, %ne3A_2902 : i1
      %sub3A_2904 = arith.constant 1 : i32
      %sub3A_2905 = arith.subi %div3A_2884, %sub3A_2904 : i32
      %select_n3A_2906 = arith.select %and3A_2903, %sub3A_2905, %div3A_2884 : i32
      %jit3A_2907 = arith.constant 2 : i32
      %eq3A_2908 = arith.constant 0 : i32
      %eq3A_2909 = arith.cmpi eq, %jit3A_2907, %eq3A_2908 : i32
      %jit3A_2910 = arith.constant 1 : i32
      %select_n3A_2911 = arith.select %eq3A_2909, %jit3A_2910, %jit3A_2907 : i32
      %rem3A_2912 = arith.remsi %add3A_2882, %select_n3A_2911 : i32
      %ne3A_2913 = arith.constant 0 : i32
      %ne3A_2914 = arith.cmpi ne, %rem3A_2912, %ne3A_2913 : i32
      %lt3A_2915 = arith.constant 0 : i32
      %lt3A_2916 = arith.cmpi slt, %rem3A_2912, %lt3A_2915 : i32
      %lt3A_2917 = arith.constant 0 : i32
      %lt3A_2918 = arith.cmpi slt, %select_n3A_2911, %lt3A_2917 : i32
      %ne3A_2919 = arith.xori %lt3A_2916, %lt3A_2918 : i1
      %and3A_2920 = arith.andi %ne3A_2919, %ne3A_2914 : i1
      %add3A_2921 = arith.addi %rem3A_2912, %select_n3A_2911 : i32
      %select_n3A_2922 = arith.select %and3A_2920, %add3A_2921, %rem3A_2912 : i32
      %mul3A_2923 = arith.constant 2048 : i32
      %mul3A_2924 = arith.muli %select_n3A_2922, %mul3A_2923 : i32
      %dma_wait3A_2925 = arith.constant 0 : i32
      %dma_wait3A_2926 = tpu.memref_slice %arg6[%dma_wait3A_2925] : memref<1000064xf32, #tpu.memory_space<vmem_shared>> -> memref<1000064xf32, #tpu.memory_space<vmem_shared>>
      tpu.wait_indirect_dma semaphore(%arg47 : memref<!tpu.dma_semaphore, #tpu.memory_space<semaphore_mem>>) src(%dma_wait3A_2926 : memref<1000064xf32, #tpu.memory_space<vmem_shared>>) dst(%arg38 : memref<2048xf32, #tpu.memory_space<vmem>>)
      %dma_start3A_2927 = arith.constant 0 : i32
      %dma_start3A_2928 = arith.constant 0 : i32
      %dma_start3A_2929 = tpu.memref_slice %arg5[%select_n3A_2906, %dma_start3A_2927, %dma_start3A_2928] : memref<200x64x4096xf32, #tpu.memory_space<hbm>> -> memref<1x64x4096xf32, #tpu.memory_space<hbm>>
      %dma_start3A_2930 = tpu.memref_squeeze %dma_start3A_2929 : memref<1x64x4096xf32, #tpu.memory_space<hbm>> -> memref<64x4096xf32, #tpu.memory_space<hbm>>
      %dma_start3A_2931 = arith.constant 0 : i32
      %dma_start3A_2932 = tpu.memref_slice %dma_start3A_2930[%add3A_1126, %dma_start3A_2931] : memref<64x4096xf32, #tpu.memory_space<hbm>> -> memref<1x4096xf32, #tpu.memory_space<hbm>>
      %dma_start3A_2933 = tpu.memref_squeeze %dma_start3A_2932 : memref<1x4096xf32, #tpu.memory_space<hbm>> -> memref<4096xf32, #tpu.memory_space<hbm>>
      %dma_start3A_2934 = tpu.memref_slice %dma_start3A_2933[%mul3A_2924] : memref<4096xf32, #tpu.memory_space<hbm>> -> memref<2048xf32, #tpu.memory_space<hbm>>
      %dma_start3A_2935 = arith.constant 0 : i32
      %dma_start3A_2936 = arith.constant 0 : i32
      %dma_start3A_2937 = tpu.memref_slice %arg5[%select_n3A_2906, %dma_start3A_2935, %dma_start3A_2936] : memref<200x64x4096xf32, #tpu.memory_space<hbm>> -> memref<1x64x4096xf32, #tpu.memory_space<hbm>>
      %dma_start3A_2938 = tpu.memref_squeeze %dma_start3A_2937 : memref<1x64x4096xf32, #tpu.memory_space<hbm>> -> memref<64x4096xf32, #tpu.memory_space<hbm>>
      %dma_start3A_2939 = arith.constant 0 : i32
      %dma_start3A_2940 = tpu.memref_slice %dma_start3A_2938[%add3A_1126, %dma_start3A_2939] : memref<64x4096xf32, #tpu.memory_space<hbm>> -> memref<1x4096xf32, #tpu.memory_space<hbm>>
      %dma_start3A_2941 = tpu.memref_squeeze %dma_start3A_2940 : memref<1x4096xf32, #tpu.memory_space<hbm>> -> memref<4096xf32, #tpu.memory_space<hbm>>
      %dma_start3A_2942 = tpu.memref_slice %dma_start3A_2941[%mul3A_2924] : memref<4096xf32, #tpu.memory_space<hbm>> -> memref<2048xf32, #tpu.memory_space<hbm>>
      tpu.enqueue_dma source(%arg38 : memref<2048xf32, #tpu.memory_space<vmem>>) target(%dma_start3A_2942 : memref<2048xf32, #tpu.memory_space<hbm>>) target_semaphore(%arg55 : memref<!tpu.dma_semaphore, #tpu.memory_space<semaphore_mem>>)
      %add3A_2943 = arith.constant 368 : i32
      %add3A_2944 = arith.addi %arg1, %add3A_2943 : i32
      %jit3A_2945 = arith.constant 2 : i32
      %div3A_2946 = arith.divsi %add3A_2944, %jit3A_2945 : i32
      %sign3A_2947 = arith.constant 0 : i32
      %sign3A_2948 = arith.cmpi sgt, %add3A_2944, %sign3A_2947 : i32
      %sign3A_2949 = arith.extui %sign3A_2948 : i1 to i32
      %sign3A_2950 = arith.constant 0 : i32
      %sign3A_2951 = arith.cmpi slt, %add3A_2944, %sign3A_2950 : i32
      %sign3A_2952 = arith.extui %sign3A_2951 : i1 to i32
      %sign3A_2953 = arith.subi %sign3A_2949, %sign3A_2952 : i32
      %sign3A_2954 = arith.constant 0 : i32
      %sign3A_2955 = arith.cmpi sgt, %jit3A_2945, %sign3A_2954 : i32
      %sign3A_2956 = arith.extui %sign3A_2955 : i1 to i32
      %sign3A_2957 = arith.constant 0 : i32
      %sign3A_2958 = arith.cmpi slt, %jit3A_2945, %sign3A_2957 : i32
      %sign3A_2959 = arith.extui %sign3A_2958 : i1 to i32
      %sign3A_2960 = arith.subi %sign3A_2956, %sign3A_2959 : i32
      %ne3A_2961 = arith.cmpi ne, %sign3A_2953, %sign3A_2960 : i32
      %rem3A_2962 = arith.remsi %add3A_2944, %jit3A_2945 : i32
      %ne3A_2963 = arith.constant 0 : i32
      %ne3A_2964 = arith.cmpi ne, %rem3A_2962, %ne3A_2963 : i32
      %and3A_2965 = arith.andi %ne3A_2961, %ne3A_2964 : i1
      %sub3A_2966 = arith.constant 1 : i32
      %sub3A_2967 = arith.subi %div3A_2946, %sub3A_2966 : i32
      %select_n3A_2968 = arith.select %and3A_2965, %sub3A_2967, %div3A_2946 : i32
      %jit3A_2969 = arith.constant 2 : i32
      %eq3A_2970 = arith.constant 0 : i32
      %eq3A_2971 = arith.cmpi eq, %jit3A_2969, %eq3A_2970 : i32
      %jit3A_2972 = arith.constant 1 : i32
      %select_n3A_2973 = arith.select %eq3A_2971, %jit3A_2972, %jit3A_2969 : i32
      %rem3A_2974 = arith.remsi %add3A_2944, %select_n3A_2973 : i32
      %ne3A_2975 = arith.constant 0 : i32
      %ne3A_2976 = arith.cmpi ne, %rem3A_2974, %ne3A_2975 : i32
      %lt3A_2977 = arith.constant 0 : i32
      %lt3A_2978 = arith.cmpi slt, %rem3A_2974, %lt3A_2977 : i32
      %lt3A_2979 = arith.constant 0 : i32
      %lt3A_2980 = arith.cmpi slt, %select_n3A_2973, %lt3A_2979 : i32
      %ne3A_2981 = arith.xori %lt3A_2978, %lt3A_2980 : i1
      %and3A_2982 = arith.andi %ne3A_2981, %ne3A_2976 : i1
      %add3A_2983 = arith.addi %rem3A_2974, %select_n3A_2973 : i32
      %select_n3A_2984 = arith.select %and3A_2982, %add3A_2983, %rem3A_2974 : i32
      %mul3A_2985 = arith.constant 2048 : i32
      %mul3A_2986 = arith.muli %select_n3A_2984, %mul3A_2985 : i32
      %dma_wait3A_2987 = arith.constant 0 : i32
      %dma_wait3A_2988 = tpu.memref_slice %arg6[%dma_wait3A_2987] : memref<1000064xf32, #tpu.memory_space<vmem_shared>> -> memref<1000064xf32, #tpu.memory_space<vmem_shared>>
      tpu.wait_indirect_dma semaphore(%arg48 : memref<!tpu.dma_semaphore, #tpu.memory_space<semaphore_mem>>) src(%dma_wait3A_2988 : memref<1000064xf32, #tpu.memory_space<vmem_shared>>) dst(%arg39 : memref<2048xf32, #tpu.memory_space<vmem>>)
      %dma_start3A_2989 = arith.constant 0 : i32
      %dma_start3A_2990 = arith.constant 0 : i32
      %dma_start3A_2991 = tpu.memref_slice %arg5[%select_n3A_2968, %dma_start3A_2989, %dma_start3A_2990] : memref<200x64x4096xf32, #tpu.memory_space<hbm>> -> memref<1x64x4096xf32, #tpu.memory_space<hbm>>
      %dma_start3A_2992 = tpu.memref_squeeze %dma_start3A_2991 : memref<1x64x4096xf32, #tpu.memory_space<hbm>> -> memref<64x4096xf32, #tpu.memory_space<hbm>>
      %dma_start3A_2993 = arith.constant 0 : i32
      %dma_start3A_2994 = tpu.memref_slice %dma_start3A_2992[%add3A_1126, %dma_start3A_2993] : memref<64x4096xf32, #tpu.memory_space<hbm>> -> memref<1x4096xf32, #tpu.memory_space<hbm>>
      %dma_start3A_2995 = tpu.memref_squeeze %dma_start3A_2994 : memref<1x4096xf32, #tpu.memory_space<hbm>> -> memref<4096xf32, #tpu.memory_space<hbm>>
      %dma_start3A_2996 = tpu.memref_slice %dma_start3A_2995[%mul3A_2986] : memref<4096xf32, #tpu.memory_space<hbm>> -> memref<2048xf32, #tpu.memory_space<hbm>>
      %dma_start3A_2997 = arith.constant 0 : i32
      %dma_start3A_2998 = arith.constant 0 : i32
      %dma_start3A_2999 = tpu.memref_slice %arg5[%select_n3A_2968, %dma_start3A_2997, %dma_start3A_2998] : memref<200x64x4096xf32, #tpu.memory_space<hbm>> -> memref<1x64x4096xf32, #tpu.memory_space<hbm>>
      %dma_start3A_3000 = tpu.memref_squeeze %dma_start3A_2999 : memref<1x64x4096xf32, #tpu.memory_space<hbm>> -> memref<64x4096xf32, #tpu.memory_space<hbm>>
      %dma_start3A_3001 = arith.constant 0 : i32
      %dma_start3A_3002 = tpu.memref_slice %dma_start3A_3000[%add3A_1126, %dma_start3A_3001] : memref<64x4096xf32, #tpu.memory_space<hbm>> -> memref<1x4096xf32, #tpu.memory_space<hbm>>
      %dma_start3A_3003 = tpu.memref_squeeze %dma_start3A_3002 : memref<1x4096xf32, #tpu.memory_space<hbm>> -> memref<4096xf32, #tpu.memory_space<hbm>>
      %dma_start3A_3004 = tpu.memref_slice %dma_start3A_3003[%mul3A_2986] : memref<4096xf32, #tpu.memory_space<hbm>> -> memref<2048xf32, #tpu.memory_space<hbm>>
      tpu.enqueue_dma source(%arg39 : memref<2048xf32, #tpu.memory_space<vmem>>) target(%dma_start3A_3004 : memref<2048xf32, #tpu.memory_space<hbm>>) target_semaphore(%arg56 : memref<!tpu.dma_semaphore, #tpu.memory_space<semaphore_mem>>)
      %add3A_3005 = arith.constant 384 : i32
      %add3A_3006 = arith.addi %arg1, %add3A_3005 : i32
      %jit3A_3007 = arith.constant 2 : i32
      %div3A_3008 = arith.divsi %add3A_3006, %jit3A_3007 : i32
      %sign3A_3009 = arith.constant 0 : i32
      %sign3A_3010 = arith.cmpi sgt, %add3A_3006, %sign3A_3009 : i32
      %sign3A_3011 = arith.extui %sign3A_3010 : i1 to i32
      %sign3A_3012 = arith.constant 0 : i32
      %sign3A_3013 = arith.cmpi slt, %add3A_3006, %sign3A_3012 : i32
      %sign3A_3014 = arith.extui %sign3A_3013 : i1 to i32
      %sign3A_3015 = arith.subi %sign3A_3011, %sign3A_3014 : i32
      %sign3A_3016 = arith.constant 0 : i32
      %sign3A_3017 = arith.cmpi sgt, %jit3A_3007, %sign3A_3016 : i32
      %sign3A_3018 = arith.extui %sign3A_3017 : i1 to i32
      %sign3A_3019 = arith.constant 0 : i32
      %sign3A_3020 = arith.cmpi slt, %jit3A_3007, %sign3A_3019 : i32
      %sign3A_3021 = arith.extui %sign3A_3020 : i1 to i32
      %sign3A_3022 = arith.subi %sign3A_3018, %sign3A_3021 : i32
      %ne3A_3023 = arith.cmpi ne, %sign3A_3015, %sign3A_3022 : i32
      %rem3A_3024 = arith.remsi %add3A_3006, %jit3A_3007 : i32
      %ne3A_3025 = arith.constant 0 : i32
      %ne3A_3026 = arith.cmpi ne, %rem3A_3024, %ne3A_3025 : i32
      %and3A_3027 = arith.andi %ne3A_3023, %ne3A_3026 : i1
      %sub3A_3028 = arith.constant 1 : i32
      %sub3A_3029 = arith.subi %div3A_3008, %sub3A_3028 : i32
      %select_n3A_3030 = arith.select %and3A_3027, %sub3A_3029, %div3A_3008 : i32
      %jit3A_3031 = arith.constant 2 : i32
      %eq3A_3032 = arith.constant 0 : i32
      %eq3A_3033 = arith.cmpi eq, %jit3A_3031, %eq3A_3032 : i32
      %jit3A_3034 = arith.constant 1 : i32
      %select_n3A_3035 = arith.select %eq3A_3033, %jit3A_3034, %jit3A_3031 : i32
      %rem3A_3036 = arith.remsi %add3A_3006, %select_n3A_3035 : i32
      %ne3A_3037 = arith.constant 0 : i32
      %ne3A_3038 = arith.cmpi ne, %rem3A_3036, %ne3A_3037 : i32
      %lt3A_3039 = arith.constant 0 : i32
      %lt3A_3040 = arith.cmpi slt, %rem3A_3036, %lt3A_3039 : i32
      %lt3A_3041 = arith.constant 0 : i32
      %lt3A_3042 = arith.cmpi slt, %select_n3A_3035, %lt3A_3041 : i32
      %ne3A_3043 = arith.xori %lt3A_3040, %lt3A_3042 : i1
      %and3A_3044 = arith.andi %ne3A_3043, %ne3A_3038 : i1
      %add3A_3045 = arith.addi %rem3A_3036, %select_n3A_3035 : i32
      %select_n3A_3046 = arith.select %and3A_3044, %add3A_3045, %rem3A_3036 : i32
      %mul3A_3047 = arith.constant 2048 : i32
      %mul3A_3048 = arith.muli %select_n3A_3046, %mul3A_3047 : i32
      %dma_wait3A_3049 = arith.constant 0 : i32
      %dma_wait3A_3050 = tpu.memref_slice %arg6[%dma_wait3A_3049] : memref<1000064xf32, #tpu.memory_space<vmem_shared>> -> memref<1000064xf32, #tpu.memory_space<vmem_shared>>
      tpu.wait_indirect_dma semaphore(%arg41 : memref<!tpu.dma_semaphore, #tpu.memory_space<semaphore_mem>>) src(%dma_wait3A_3050 : memref<1000064xf32, #tpu.memory_space<vmem_shared>>) dst(%arg32 : memref<2048xf32, #tpu.memory_space<vmem>>)
      %dma_start3A_3051 = arith.constant 0 : i32
      %dma_start3A_3052 = arith.constant 0 : i32
      %dma_start3A_3053 = tpu.memref_slice %arg5[%select_n3A_3030, %dma_start3A_3051, %dma_start3A_3052] : memref<200x64x4096xf32, #tpu.memory_space<hbm>> -> memref<1x64x4096xf32, #tpu.memory_space<hbm>>
      %dma_start3A_3054 = tpu.memref_squeeze %dma_start3A_3053 : memref<1x64x4096xf32, #tpu.memory_space<hbm>> -> memref<64x4096xf32, #tpu.memory_space<hbm>>
      %dma_start3A_3055 = arith.constant 0 : i32
      %dma_start3A_3056 = tpu.memref_slice %dma_start3A_3054[%add3A_1126, %dma_start3A_3055] : memref<64x4096xf32, #tpu.memory_space<hbm>> -> memref<1x4096xf32, #tpu.memory_space<hbm>>
      %dma_start3A_3057 = tpu.memref_squeeze %dma_start3A_3056 : memref<1x4096xf32, #tpu.memory_space<hbm>> -> memref<4096xf32, #tpu.memory_space<hbm>>
      %dma_start3A_3058 = tpu.memref_slice %dma_start3A_3057[%mul3A_3048] : memref<4096xf32, #tpu.memory_space<hbm>> -> memref<2048xf32, #tpu.memory_space<hbm>>
      %dma_start3A_3059 = arith.constant 0 : i32
      %dma_start3A_3060 = arith.constant 0 : i32
      %dma_start3A_3061 = tpu.memref_slice %arg5[%select_n3A_3030, %dma_start3A_3059, %dma_start3A_3060] : memref<200x64x4096xf32, #tpu.memory_space<hbm>> -> memref<1x64x4096xf32, #tpu.memory_space<hbm>>
      %dma_start3A_3062 = tpu.memref_squeeze %dma_start3A_3061 : memref<1x64x4096xf32, #tpu.memory_space<hbm>> -> memref<64x4096xf32, #tpu.memory_space<hbm>>
      %dma_start3A_3063 = arith.constant 0 : i32
      %dma_start3A_3064 = tpu.memref_slice %dma_start3A_3062[%add3A_1126, %dma_start3A_3063] : memref<64x4096xf32, #tpu.memory_space<hbm>> -> memref<1x4096xf32, #tpu.memory_space<hbm>>
      %dma_start3A_3065 = tpu.memref_squeeze %dma_start3A_3064 : memref<1x4096xf32, #tpu.memory_space<hbm>> -> memref<4096xf32, #tpu.memory_space<hbm>>
      %dma_start3A_3066 = tpu.memref_slice %dma_start3A_3065[%mul3A_3048] : memref<4096xf32, #tpu.memory_space<hbm>> -> memref<2048xf32, #tpu.memory_space<hbm>>
      tpu.enqueue_dma source(%arg32 : memref<2048xf32, #tpu.memory_space<vmem>>) target(%dma_start3A_3066 : memref<2048xf32, #tpu.memory_space<hbm>>) target_semaphore(%arg49 : memref<!tpu.dma_semaphore, #tpu.memory_space<semaphore_mem>>)
      %barrier3A_3067 = arith.constant 0 : index
      tpu.barrier barrier_id(%barrier3A_3067)
      %lt3A_3068 = arith.constant 31 : i32
      %lt3A_3069 = arith.cmpi slt, %scan3A_1125, %lt3A_3068 : i32
      %convert_element_type3A_3070 = arith.extui %lt3A_3069 : i1 to i32
      %cond3A_3071 = arith.constant 0 : i32
      %cond3A_3072 = arith.cmpi ne, %convert_element_type3A_3070, %cond3A_3071 : i32
      scf.if %cond3A_3072 {
        %add3A_3239 = arith.addi %mul3A_1089, %scan3A_1125 : i32
        %add3A_3240 = arith.constant 1 : i32
        %add3A_3241 = arith.addi %add3A_3239, %add3A_3240 : i32
        %mul3A_3242 = arith.constant 62464 : i32
        %mul3A_3243 = arith.muli %arg1, %mul3A_3242 : i32
        %mul3A_3244 = arith.constant 62464 : i32
        %mul3A_3245 = arith.muli %arg1, %mul3A_3244 : i32
        %dma_start3A_3246 = tpu.memref_slice %arg6[%mul3A_3245] : memref<1000064xf32, #tpu.memory_space<vmem_shared>> -> memref<62464xf32, #tpu.memory_space<vmem_shared>>
        %dma_start3A_3247 = arith.constant 0 : i32
        %dma_start3A_3248 = tpu.memref_slice %arg3[%add3A_3241, %dma_start3A_3247] : memref<64x1000000xf32, #tpu.memory_space<hbm>> -> memref<1x1000000xf32, #tpu.memory_space<hbm>>
        %dma_start3A_3249 = tpu.memref_squeeze %dma_start3A_3248 : memref<1x1000000xf32, #tpu.memory_space<hbm>> -> memref<1000000xf32, #tpu.memory_space<hbm>>
        %dma_start3A_3250 = tpu.memref_slice %dma_start3A_3249[%mul3A_3243] : memref<1000000xf32, #tpu.memory_space<hbm>> -> memref<62464xf32, #tpu.memory_space<hbm>>
        tpu.enqueue_dma source(%dma_start3A_3250 : memref<62464xf32, #tpu.memory_space<hbm>>) target(%dma_start3A_3246 : memref<62464xf32, #tpu.memory_space<vmem_shared>>) target_semaphore(%arg40 : memref<!tpu.dma_semaphore, #tpu.memory_space<semaphore_mem>>)
        %lt3A_3251 = arith.constant 4 : i32
        %lt3A_3252 = arith.cmpi slt, %arg1, %lt3A_3251 : i32
        %convert_element_type3A_3253 = arith.extui %lt3A_3252 : i1 to i32
        %cond3A_3254 = arith.constant 0 : i32
        %cond3A_3255 = arith.cmpi ne, %convert_element_type3A_3253, %cond3A_3254 : i32
        scf.if %cond3A_3255 {
          %mul3A_3261 = arith.constant 128 : i32
          %mul3A_3262 = arith.muli %mul3A_3261, %arg1 : i32
          %add3A_3263 = arith.constant 999424 : i32
          %add3A_3264 = arith.addi %add3A_3263, %mul3A_3262 : i32
          %mul3A_3265 = arith.constant 128 : i32
          %mul3A_3266 = arith.muli %mul3A_3265, %arg1 : i32
          %add3A_3267 = arith.constant 999424 : i32
          %add3A_3268 = arith.addi %add3A_3267, %mul3A_3266 : i32
          %dma_start3A_3269 = tpu.memref_slice %arg6[%add3A_3268] : memref<1000064xf32, #tpu.memory_space<vmem_shared>> -> memref<128xf32, #tpu.memory_space<vmem_shared>>
          %dma_start3A_3270 = arith.constant 0 : i32
          %dma_start3A_3271 = tpu.memref_slice %arg3[%add3A_3241, %dma_start3A_3270] : memref<64x1000000xf32, #tpu.memory_space<hbm>> -> memref<1x1000000xf32, #tpu.memory_space<hbm>>
          %dma_start3A_3272 = tpu.memref_squeeze %dma_start3A_3271 : memref<1x1000000xf32, #tpu.memory_space<hbm>> -> memref<1000000xf32, #tpu.memory_space<hbm>>
          %dma_start3A_3273 = tpu.memref_slice %dma_start3A_3272[%add3A_3264] : memref<1000000xf32, #tpu.memory_space<hbm>> -> memref<128xf32, #tpu.memory_space<hbm>>
          tpu.enqueue_dma source(%dma_start3A_3273 : memref<128xf32, #tpu.memory_space<hbm>>) target(%dma_start3A_3269 : memref<128xf32, #tpu.memory_space<vmem_shared>>) target_semaphore(%arg40 : memref<!tpu.dma_semaphore, #tpu.memory_space<semaphore_mem>>)
        } else {
        }
        %eq3A_3256 = arith.constant 4 : i32
        %eq3A_3257 = arith.cmpi eq, %arg1, %eq3A_3256 : i32
        %convert_element_type3A_3258 = arith.extui %eq3A_3257 : i1 to i32
        %cond3A_3259 = arith.constant 0 : i32
        %cond3A_3260 = arith.cmpi ne, %convert_element_type3A_3258, %cond3A_3259 : i32
        scf.if %cond3A_3260 {
          %dma_start3A_3261 = arith.constant 999936 : i32
          %dma_start3A_3262 = tpu.memref_slice %arg6[%dma_start3A_3261] : memref<1000064xf32, #tpu.memory_space<vmem_shared>> -> memref<128xf32, #tpu.memory_space<vmem_shared>>
          %dma_start3A_3263 = arith.constant 0 : i32
          %dma_start3A_3264 = tpu.memref_slice %arg4[%add3A_3241, %dma_start3A_3263] : memref<64x128xf32, #tpu.memory_space<hbm>> -> memref<1x128xf32, #tpu.memory_space<hbm>>
          %dma_start3A_3265 = tpu.memref_squeeze %dma_start3A_3264 : memref<1x128xf32, #tpu.memory_space<hbm>> -> memref<128xf32, #tpu.memory_space<hbm>>
          tpu.enqueue_dma source(%dma_start3A_3265 : memref<128xf32, #tpu.memory_space<hbm>>) target(%dma_start3A_3262 : memref<128xf32, #tpu.memory_space<vmem_shared>>) target_semaphore(%arg40 : memref<!tpu.dma_semaphore, #tpu.memory_space<semaphore_mem>>)
        } else {
        }
      } else {
      }
      %dma_wait3A_3073 = arith.constant 0 : i32
      %dma_wait3A_3074 = arith.constant 0 : i32
      %dma_wait3A_3075 = arith.constant 0 : i32
      %dma_wait3A_3076 = arith.constant 0 : i32
      %dma_wait3A_3077 = tpu.memref_slice %arg5[%dma_wait3A_3073, %dma_wait3A_3075, %dma_wait3A_3076] : memref<200x64x4096xf32, #tpu.memory_space<hbm>> -> memref<1x64x4096xf32, #tpu.memory_space<hbm>>
      %dma_wait3A_3078 = tpu.memref_squeeze %dma_wait3A_3077 : memref<1x64x4096xf32, #tpu.memory_space<hbm>> -> memref<64x4096xf32, #tpu.memory_space<hbm>>
      %dma_wait3A_3079 = arith.constant 0 : i32
      %dma_wait3A_3080 = tpu.memref_slice %dma_wait3A_3078[%dma_wait3A_3074, %dma_wait3A_3079] : memref<64x4096xf32, #tpu.memory_space<hbm>> -> memref<1x4096xf32, #tpu.memory_space<hbm>>
      %dma_wait3A_3081 = tpu.memref_squeeze %dma_wait3A_3080 : memref<1x4096xf32, #tpu.memory_space<hbm>> -> memref<4096xf32, #tpu.memory_space<hbm>>
      %dma_wait3A_3082 = arith.constant 0 : i32
      %dma_wait3A_3083 = tpu.memref_slice %dma_wait3A_3081[%dma_wait3A_3082] : memref<4096xf32, #tpu.memory_space<hbm>> -> memref<2048xf32, #tpu.memory_space<hbm>>
      %dma_wait3A_3084 = arith.constant 0 : i32
      %dma_wait3A_3085 = arith.constant 0 : i32
      %dma_wait3A_3086 = tpu.memref_slice %arg5[%dma_wait3A_3073, %dma_wait3A_3084, %dma_wait3A_3085] : memref<200x64x4096xf32, #tpu.memory_space<hbm>> -> memref<1x64x4096xf32, #tpu.memory_space<hbm>>
      %dma_wait3A_3087 = tpu.memref_squeeze %dma_wait3A_3086 : memref<1x64x4096xf32, #tpu.memory_space<hbm>> -> memref<64x4096xf32, #tpu.memory_space<hbm>>
      %dma_wait3A_3088 = arith.constant 0 : i32
      %dma_wait3A_3089 = tpu.memref_slice %dma_wait3A_3087[%dma_wait3A_3074, %dma_wait3A_3088] : memref<64x4096xf32, #tpu.memory_space<hbm>> -> memref<1x4096xf32, #tpu.memory_space<hbm>>
      %dma_wait3A_3090 = tpu.memref_squeeze %dma_wait3A_3089 : memref<1x4096xf32, #tpu.memory_space<hbm>> -> memref<4096xf32, #tpu.memory_space<hbm>>
      %dma_wait3A_3091 = arith.constant 0 : i32
      %dma_wait3A_3092 = tpu.memref_slice %dma_wait3A_3090[%dma_wait3A_3091] : memref<4096xf32, #tpu.memory_space<hbm>> -> memref<2048xf32, #tpu.memory_space<hbm>>
      tpu.wait_dma2 semaphore(%arg50 : memref<!tpu.dma_semaphore, #tpu.memory_space<semaphore_mem>>) src(%arg33 : memref<2048xf32, #tpu.memory_space<vmem>>) dst(%dma_wait3A_3092 : memref<2048xf32, #tpu.memory_space<hbm>>)
      %dma_wait3A_3093 = arith.constant 0 : i32
      %dma_wait3A_3094 = arith.constant 0 : i32
      %dma_wait3A_3095 = arith.constant 0 : i32
      %dma_wait3A_3096 = arith.constant 0 : i32
      %dma_wait3A_3097 = tpu.memref_slice %arg5[%dma_wait3A_3093, %dma_wait3A_3095, %dma_wait3A_3096] : memref<200x64x4096xf32, #tpu.memory_space<hbm>> -> memref<1x64x4096xf32, #tpu.memory_space<hbm>>
      %dma_wait3A_3098 = tpu.memref_squeeze %dma_wait3A_3097 : memref<1x64x4096xf32, #tpu.memory_space<hbm>> -> memref<64x4096xf32, #tpu.memory_space<hbm>>
      %dma_wait3A_3099 = arith.constant 0 : i32
      %dma_wait3A_3100 = tpu.memref_slice %dma_wait3A_3098[%dma_wait3A_3094, %dma_wait3A_3099] : memref<64x4096xf32, #tpu.memory_space<hbm>> -> memref<1x4096xf32, #tpu.memory_space<hbm>>
      %dma_wait3A_3101 = tpu.memref_squeeze %dma_wait3A_3100 : memref<1x4096xf32, #tpu.memory_space<hbm>> -> memref<4096xf32, #tpu.memory_space<hbm>>
      %dma_wait3A_3102 = arith.constant 0 : i32
      %dma_wait3A_3103 = tpu.memref_slice %dma_wait3A_3101[%dma_wait3A_3102] : memref<4096xf32, #tpu.memory_space<hbm>> -> memref<2048xf32, #tpu.memory_space<hbm>>
      %dma_wait3A_3104 = arith.constant 0 : i32
      %dma_wait3A_3105 = arith.constant 0 : i32
      %dma_wait3A_3106 = tpu.memref_slice %arg5[%dma_wait3A_3093, %dma_wait3A_3104, %dma_wait3A_3105] : memref<200x64x4096xf32, #tpu.memory_space<hbm>> -> memref<1x64x4096xf32, #tpu.memory_space<hbm>>
      %dma_wait3A_3107 = tpu.memref_squeeze %dma_wait3A_3106 : memref<1x64x4096xf32, #tpu.memory_space<hbm>> -> memref<64x4096xf32, #tpu.memory_space<hbm>>
      %dma_wait3A_3108 = arith.constant 0 : i32
      %dma_wait3A_3109 = tpu.memref_slice %dma_wait3A_3107[%dma_wait3A_3094, %dma_wait3A_3108] : memref<64x4096xf32, #tpu.memory_space<hbm>> -> memref<1x4096xf32, #tpu.memory_space<hbm>>
      %dma_wait3A_3110 = tpu.memref_squeeze %dma_wait3A_3109 : memref<1x4096xf32, #tpu.memory_space<hbm>> -> memref<4096xf32, #tpu.memory_space<hbm>>
      %dma_wait3A_3111 = arith.constant 0 : i32
      %dma_wait3A_3112 = tpu.memref_slice %dma_wait3A_3110[%dma_wait3A_3111] : memref<4096xf32, #tpu.memory_space<hbm>> -> memref<2048xf32, #tpu.memory_space<hbm>>
      tpu.wait_dma2 semaphore(%arg51 : memref<!tpu.dma_semaphore, #tpu.memory_space<semaphore_mem>>) src(%arg34 : memref<2048xf32, #tpu.memory_space<vmem>>) dst(%dma_wait3A_3112 : memref<2048xf32, #tpu.memory_space<hbm>>)
      %dma_wait3A_3113 = arith.constant 0 : i32
      %dma_wait3A_3114 = arith.constant 0 : i32
      %dma_wait3A_3115 = arith.constant 0 : i32
      %dma_wait3A_3116 = arith.constant 0 : i32
      %dma_wait3A_3117 = tpu.memref_slice %arg5[%dma_wait3A_3113, %dma_wait3A_3115, %dma_wait3A_3116] : memref<200x64x4096xf32, #tpu.memory_space<hbm>> -> memref<1x64x4096xf32, #tpu.memory_space<hbm>>
      %dma_wait3A_3118 = tpu.memref_squeeze %dma_wait3A_3117 : memref<1x64x4096xf32, #tpu.memory_space<hbm>> -> memref<64x4096xf32, #tpu.memory_space<hbm>>
      %dma_wait3A_3119 = arith.constant 0 : i32
      %dma_wait3A_3120 = tpu.memref_slice %dma_wait3A_3118[%dma_wait3A_3114, %dma_wait3A_3119] : memref<64x4096xf32, #tpu.memory_space<hbm>> -> memref<1x4096xf32, #tpu.memory_space<hbm>>
      %dma_wait3A_3121 = tpu.memref_squeeze %dma_wait3A_3120 : memref<1x4096xf32, #tpu.memory_space<hbm>> -> memref<4096xf32, #tpu.memory_space<hbm>>
      %dma_wait3A_3122 = arith.constant 0 : i32
      %dma_wait3A_3123 = tpu.memref_slice %dma_wait3A_3121[%dma_wait3A_3122] : memref<4096xf32, #tpu.memory_space<hbm>> -> memref<2048xf32, #tpu.memory_space<hbm>>
      %dma_wait3A_3124 = arith.constant 0 : i32
      %dma_wait3A_3125 = arith.constant 0 : i32
      %dma_wait3A_3126 = tpu.memref_slice %arg5[%dma_wait3A_3113, %dma_wait3A_3124, %dma_wait3A_3125] : memref<200x64x4096xf32, #tpu.memory_space<hbm>> -> memref<1x64x4096xf32, #tpu.memory_space<hbm>>
      %dma_wait3A_3127 = tpu.memref_squeeze %dma_wait3A_3126 : memref<1x64x4096xf32, #tpu.memory_space<hbm>> -> memref<64x4096xf32, #tpu.memory_space<hbm>>
      %dma_wait3A_3128 = arith.constant 0 : i32
      %dma_wait3A_3129 = tpu.memref_slice %dma_wait3A_3127[%dma_wait3A_3114, %dma_wait3A_3128] : memref<64x4096xf32, #tpu.memory_space<hbm>> -> memref<1x4096xf32, #tpu.memory_space<hbm>>
      %dma_wait3A_3130 = tpu.memref_squeeze %dma_wait3A_3129 : memref<1x4096xf32, #tpu.memory_space<hbm>> -> memref<4096xf32, #tpu.memory_space<hbm>>
      %dma_wait3A_3131 = arith.constant 0 : i32
      %dma_wait3A_3132 = tpu.memref_slice %dma_wait3A_3130[%dma_wait3A_3131] : memref<4096xf32, #tpu.memory_space<hbm>> -> memref<2048xf32, #tpu.memory_space<hbm>>
      tpu.wait_dma2 semaphore(%arg52 : memref<!tpu.dma_semaphore, #tpu.memory_space<semaphore_mem>>) src(%arg35 : memref<2048xf32, #tpu.memory_space<vmem>>) dst(%dma_wait3A_3132 : memref<2048xf32, #tpu.memory_space<hbm>>)
      %dma_wait3A_3133 = arith.constant 0 : i32
      %dma_wait3A_3134 = arith.constant 0 : i32
      %dma_wait3A_3135 = arith.constant 0 : i32
      %dma_wait3A_3136 = arith.constant 0 : i32
      %dma_wait3A_3137 = tpu.memref_slice %arg5[%dma_wait3A_3133, %dma_wait3A_3135, %dma_wait3A_3136] : memref<200x64x4096xf32, #tpu.memory_space<hbm>> -> memref<1x64x4096xf32, #tpu.memory_space<hbm>>
      %dma_wait3A_3138 = tpu.memref_squeeze %dma_wait3A_3137 : memref<1x64x4096xf32, #tpu.memory_space<hbm>> -> memref<64x4096xf32, #tpu.memory_space<hbm>>
      %dma_wait3A_3139 = arith.constant 0 : i32
      %dma_wait3A_3140 = tpu.memref_slice %dma_wait3A_3138[%dma_wait3A_3134, %dma_wait3A_3139] : memref<64x4096xf32, #tpu.memory_space<hbm>> -> memref<1x4096xf32, #tpu.memory_space<hbm>>
      %dma_wait3A_3141 = tpu.memref_squeeze %dma_wait3A_3140 : memref<1x4096xf32, #tpu.memory_space<hbm>> -> memref<4096xf32, #tpu.memory_space<hbm>>
      %dma_wait3A_3142 = arith.constant 0 : i32
      %dma_wait3A_3143 = tpu.memref_slice %dma_wait3A_3141[%dma_wait3A_3142] : memref<4096xf32, #tpu.memory_space<hbm>> -> memref<2048xf32, #tpu.memory_space<hbm>>
      %dma_wait3A_3144 = arith.constant 0 : i32
      %dma_wait3A_3145 = arith.constant 0 : i32
      %dma_wait3A_3146 = tpu.memref_slice %arg5[%dma_wait3A_3133, %dma_wait3A_3144, %dma_wait3A_3145] : memref<200x64x4096xf32, #tpu.memory_space<hbm>> -> memref<1x64x4096xf32, #tpu.memory_space<hbm>>
      %dma_wait3A_3147 = tpu.memref_squeeze %dma_wait3A_3146 : memref<1x64x4096xf32, #tpu.memory_space<hbm>> -> memref<64x4096xf32, #tpu.memory_space<hbm>>
      %dma_wait3A_3148 = arith.constant 0 : i32
      %dma_wait3A_3149 = tpu.memref_slice %dma_wait3A_3147[%dma_wait3A_3134, %dma_wait3A_3148] : memref<64x4096xf32, #tpu.memory_space<hbm>> -> memref<1x4096xf32, #tpu.memory_space<hbm>>
      %dma_wait3A_3150 = tpu.memref_squeeze %dma_wait3A_3149 : memref<1x4096xf32, #tpu.memory_space<hbm>> -> memref<4096xf32, #tpu.memory_space<hbm>>
      %dma_wait3A_3151 = arith.constant 0 : i32
      %dma_wait3A_3152 = tpu.memref_slice %dma_wait3A_3150[%dma_wait3A_3151] : memref<4096xf32, #tpu.memory_space<hbm>> -> memref<2048xf32, #tpu.memory_space<hbm>>
      tpu.wait_dma2 semaphore(%arg53 : memref<!tpu.dma_semaphore, #tpu.memory_space<semaphore_mem>>) src(%arg36 : memref<2048xf32, #tpu.memory_space<vmem>>) dst(%dma_wait3A_3152 : memref<2048xf32, #tpu.memory_space<hbm>>)
      %dma_wait3A_3153 = arith.constant 0 : i32
      %dma_wait3A_3154 = arith.constant 0 : i32
      %dma_wait3A_3155 = arith.constant 0 : i32
      %dma_wait3A_3156 = arith.constant 0 : i32
      %dma_wait3A_3157 = tpu.memref_slice %arg5[%dma_wait3A_3153, %dma_wait3A_3155, %dma_wait3A_3156] : memref<200x64x4096xf32, #tpu.memory_space<hbm>> -> memref<1x64x4096xf32, #tpu.memory_space<hbm>>
      %dma_wait3A_3158 = tpu.memref_squeeze %dma_wait3A_3157 : memref<1x64x4096xf32, #tpu.memory_space<hbm>> -> memref<64x4096xf32, #tpu.memory_space<hbm>>
      %dma_wait3A_3159 = arith.constant 0 : i32
      %dma_wait3A_3160 = tpu.memref_slice %dma_wait3A_3158[%dma_wait3A_3154, %dma_wait3A_3159] : memref<64x4096xf32, #tpu.memory_space<hbm>> -> memref<1x4096xf32, #tpu.memory_space<hbm>>
      %dma_wait3A_3161 = tpu.memref_squeeze %dma_wait3A_3160 : memref<1x4096xf32, #tpu.memory_space<hbm>> -> memref<4096xf32, #tpu.memory_space<hbm>>
      %dma_wait3A_3162 = arith.constant 0 : i32
      %dma_wait3A_3163 = tpu.memref_slice %dma_wait3A_3161[%dma_wait3A_3162] : memref<4096xf32, #tpu.memory_space<hbm>> -> memref<2048xf32, #tpu.memory_space<hbm>>
      %dma_wait3A_3164 = arith.constant 0 : i32
      %dma_wait3A_3165 = arith.constant 0 : i32
      %dma_wait3A_3166 = tpu.memref_slice %arg5[%dma_wait3A_3153, %dma_wait3A_3164, %dma_wait3A_3165] : memref<200x64x4096xf32, #tpu.memory_space<hbm>> -> memref<1x64x4096xf32, #tpu.memory_space<hbm>>
      %dma_wait3A_3167 = tpu.memref_squeeze %dma_wait3A_3166 : memref<1x64x4096xf32, #tpu.memory_space<hbm>> -> memref<64x4096xf32, #tpu.memory_space<hbm>>
      %dma_wait3A_3168 = arith.constant 0 : i32
      %dma_wait3A_3169 = tpu.memref_slice %dma_wait3A_3167[%dma_wait3A_3154, %dma_wait3A_3168] : memref<64x4096xf32, #tpu.memory_space<hbm>> -> memref<1x4096xf32, #tpu.memory_space<hbm>>
      %dma_wait3A_3170 = tpu.memref_squeeze %dma_wait3A_3169 : memref<1x4096xf32, #tpu.memory_space<hbm>> -> memref<4096xf32, #tpu.memory_space<hbm>>
      %dma_wait3A_3171 = arith.constant 0 : i32
      %dma_wait3A_3172 = tpu.memref_slice %dma_wait3A_3170[%dma_wait3A_3171] : memref<4096xf32, #tpu.memory_space<hbm>> -> memref<2048xf32, #tpu.memory_space<hbm>>
      tpu.wait_dma2 semaphore(%arg54 : memref<!tpu.dma_semaphore, #tpu.memory_space<semaphore_mem>>) src(%arg37 : memref<2048xf32, #tpu.memory_space<vmem>>) dst(%dma_wait3A_3172 : memref<2048xf32, #tpu.memory_space<hbm>>)
      %dma_wait3A_3173 = arith.constant 0 : i32
      %dma_wait3A_3174 = arith.constant 0 : i32
      %dma_wait3A_3175 = arith.constant 0 : i32
      %dma_wait3A_3176 = arith.constant 0 : i32
      %dma_wait3A_3177 = tpu.memref_slice %arg5[%dma_wait3A_3173, %dma_wait3A_3175, %dma_wait3A_3176] : memref<200x64x4096xf32, #tpu.memory_space<hbm>> -> memref<1x64x4096xf32, #tpu.memory_space<hbm>>
      %dma_wait3A_3178 = tpu.memref_squeeze %dma_wait3A_3177 : memref<1x64x4096xf32, #tpu.memory_space<hbm>> -> memref<64x4096xf32, #tpu.memory_space<hbm>>
      %dma_wait3A_3179 = arith.constant 0 : i32
      %dma_wait3A_3180 = tpu.memref_slice %dma_wait3A_3178[%dma_wait3A_3174, %dma_wait3A_3179] : memref<64x4096xf32, #tpu.memory_space<hbm>> -> memref<1x4096xf32, #tpu.memory_space<hbm>>
      %dma_wait3A_3181 = tpu.memref_squeeze %dma_wait3A_3180 : memref<1x4096xf32, #tpu.memory_space<hbm>> -> memref<4096xf32, #tpu.memory_space<hbm>>
      %dma_wait3A_3182 = arith.constant 0 : i32
      %dma_wait3A_3183 = tpu.memref_slice %dma_wait3A_3181[%dma_wait3A_3182] : memref<4096xf32, #tpu.memory_space<hbm>> -> memref<2048xf32, #tpu.memory_space<hbm>>
      %dma_wait3A_3184 = arith.constant 0 : i32
      %dma_wait3A_3185 = arith.constant 0 : i32
      %dma_wait3A_3186 = tpu.memref_slice %arg5[%dma_wait3A_3173, %dma_wait3A_3184, %dma_wait3A_3185] : memref<200x64x4096xf32, #tpu.memory_space<hbm>> -> memref<1x64x4096xf32, #tpu.memory_space<hbm>>
      %dma_wait3A_3187 = tpu.memref_squeeze %dma_wait3A_3186 : memref<1x64x4096xf32, #tpu.memory_space<hbm>> -> memref<64x4096xf32, #tpu.memory_space<hbm>>
      %dma_wait3A_3188 = arith.constant 0 : i32
      %dma_wait3A_3189 = tpu.memref_slice %dma_wait3A_3187[%dma_wait3A_3174, %dma_wait3A_3188] : memref<64x4096xf32, #tpu.memory_space<hbm>> -> memref<1x4096xf32, #tpu.memory_space<hbm>>
      %dma_wait3A_3190 = tpu.memref_squeeze %dma_wait3A_3189 : memref<1x4096xf32, #tpu.memory_space<hbm>> -> memref<4096xf32, #tpu.memory_space<hbm>>
      %dma_wait3A_3191 = arith.constant 0 : i32
      %dma_wait3A_3192 = tpu.memref_slice %dma_wait3A_3190[%dma_wait3A_3191] : memref<4096xf32, #tpu.memory_space<hbm>> -> memref<2048xf32, #tpu.memory_space<hbm>>
      tpu.wait_dma2 semaphore(%arg55 : memref<!tpu.dma_semaphore, #tpu.memory_space<semaphore_mem>>) src(%arg38 : memref<2048xf32, #tpu.memory_space<vmem>>) dst(%dma_wait3A_3192 : memref<2048xf32, #tpu.memory_space<hbm>>)
      %dma_wait3A_3193 = arith.constant 0 : i32
      %dma_wait3A_3194 = arith.constant 0 : i32
      %dma_wait3A_3195 = arith.constant 0 : i32
      %dma_wait3A_3196 = arith.constant 0 : i32
      %dma_wait3A_3197 = tpu.memref_slice %arg5[%dma_wait3A_3193, %dma_wait3A_3195, %dma_wait3A_3196] : memref<200x64x4096xf32, #tpu.memory_space<hbm>> -> memref<1x64x4096xf32, #tpu.memory_space<hbm>>
      %dma_wait3A_3198 = tpu.memref_squeeze %dma_wait3A_3197 : memref<1x64x4096xf32, #tpu.memory_space<hbm>> -> memref<64x4096xf32, #tpu.memory_space<hbm>>
      %dma_wait3A_3199 = arith.constant 0 : i32
      %dma_wait3A_3200 = tpu.memref_slice %dma_wait3A_3198[%dma_wait3A_3194, %dma_wait3A_3199] : memref<64x4096xf32, #tpu.memory_space<hbm>> -> memref<1x4096xf32, #tpu.memory_space<hbm>>
      %dma_wait3A_3201 = tpu.memref_squeeze %dma_wait3A_3200 : memref<1x4096xf32, #tpu.memory_space<hbm>> -> memref<4096xf32, #tpu.memory_space<hbm>>
      %dma_wait3A_3202 = arith.constant 0 : i32
      %dma_wait3A_3203 = tpu.memref_slice %dma_wait3A_3201[%dma_wait3A_3202] : memref<4096xf32, #tpu.memory_space<hbm>> -> memref<2048xf32, #tpu.memory_space<hbm>>
      %dma_wait3A_3204 = arith.constant 0 : i32
      %dma_wait3A_3205 = arith.constant 0 : i32
      %dma_wait3A_3206 = tpu.memref_slice %arg5[%dma_wait3A_3193, %dma_wait3A_3204, %dma_wait3A_3205] : memref<200x64x4096xf32, #tpu.memory_space<hbm>> -> memref<1x64x4096xf32, #tpu.memory_space<hbm>>
      %dma_wait3A_3207 = tpu.memref_squeeze %dma_wait3A_3206 : memref<1x64x4096xf32, #tpu.memory_space<hbm>> -> memref<64x4096xf32, #tpu.memory_space<hbm>>
      %dma_wait3A_3208 = arith.constant 0 : i32
      %dma_wait3A_3209 = tpu.memref_slice %dma_wait3A_3207[%dma_wait3A_3194, %dma_wait3A_3208] : memref<64x4096xf32, #tpu.memory_space<hbm>> -> memref<1x4096xf32, #tpu.memory_space<hbm>>
      %dma_wait3A_3210 = tpu.memref_squeeze %dma_wait3A_3209 : memref<1x4096xf32, #tpu.memory_space<hbm>> -> memref<4096xf32, #tpu.memory_space<hbm>>
      %dma_wait3A_3211 = arith.constant 0 : i32
      %dma_wait3A_3212 = tpu.memref_slice %dma_wait3A_3210[%dma_wait3A_3211] : memref<4096xf32, #tpu.memory_space<hbm>> -> memref<2048xf32, #tpu.memory_space<hbm>>
      tpu.wait_dma2 semaphore(%arg56 : memref<!tpu.dma_semaphore, #tpu.memory_space<semaphore_mem>>) src(%arg39 : memref<2048xf32, #tpu.memory_space<vmem>>) dst(%dma_wait3A_3212 : memref<2048xf32, #tpu.memory_space<hbm>>)
      %dma_wait3A_3213 = arith.constant 0 : i32
      %dma_wait3A_3214 = arith.constant 0 : i32
      %dma_wait3A_3215 = arith.constant 0 : i32
      %dma_wait3A_3216 = arith.constant 0 : i32
      %dma_wait3A_3217 = tpu.memref_slice %arg5[%dma_wait3A_3213, %dma_wait3A_3215, %dma_wait3A_3216] : memref<200x64x4096xf32, #tpu.memory_space<hbm>> -> memref<1x64x4096xf32, #tpu.memory_space<hbm>>
      %dma_wait3A_3218 = tpu.memref_squeeze %dma_wait3A_3217 : memref<1x64x4096xf32, #tpu.memory_space<hbm>> -> memref<64x4096xf32, #tpu.memory_space<hbm>>
      %dma_wait3A_3219 = arith.constant 0 : i32
      %dma_wait3A_3220 = tpu.memref_slice %dma_wait3A_3218[%dma_wait3A_3214, %dma_wait3A_3219] : memref<64x4096xf32, #tpu.memory_space<hbm>> -> memref<1x4096xf32, #tpu.memory_space<hbm>>
      %dma_wait3A_3221 = tpu.memref_squeeze %dma_wait3A_3220 : memref<1x4096xf32, #tpu.memory_space<hbm>> -> memref<4096xf32, #tpu.memory_space<hbm>>
      %dma_wait3A_3222 = arith.constant 0 : i32
      %dma_wait3A_3223 = tpu.memref_slice %dma_wait3A_3221[%dma_wait3A_3222] : memref<4096xf32, #tpu.memory_space<hbm>> -> memref<2048xf32, #tpu.memory_space<hbm>>
      %dma_wait3A_3224 = arith.constant 0 : i32
      %dma_wait3A_3225 = arith.constant 0 : i32
      %dma_wait3A_3226 = tpu.memref_slice %arg5[%dma_wait3A_3213, %dma_wait3A_3224, %dma_wait3A_3225] : memref<200x64x4096xf32, #tpu.memory_space<hbm>> -> memref<1x64x4096xf32, #tpu.memory_space<hbm>>
      %dma_wait3A_3227 = tpu.memref_squeeze %dma_wait3A_3226 : memref<1x64x4096xf32, #tpu.memory_space<hbm>> -> memref<64x4096xf32, #tpu.memory_space<hbm>>
      %dma_wait3A_3228 = arith.constant 0 : i32
      %dma_wait3A_3229 = tpu.memref_slice %dma_wait3A_3227[%dma_wait3A_3214, %dma_wait3A_3228] : memref<64x4096xf32, #tpu.memory_space<hbm>> -> memref<1x4096xf32, #tpu.memory_space<hbm>>
      %dma_wait3A_3230 = tpu.memref_squeeze %dma_wait3A_3229 : memref<1x4096xf32, #tpu.memory_space<hbm>> -> memref<4096xf32, #tpu.memory_space<hbm>>
      %dma_wait3A_3231 = arith.constant 0 : i32
      %dma_wait3A_3232 = tpu.memref_slice %dma_wait3A_3230[%dma_wait3A_3231] : memref<4096xf32, #tpu.memory_space<hbm>> -> memref<2048xf32, #tpu.memory_space<hbm>>
      tpu.wait_dma2 semaphore(%arg49 : memref<!tpu.dma_semaphore, #tpu.memory_space<semaphore_mem>>) src(%arg32 : memref<2048xf32, #tpu.memory_space<vmem>>) dst(%dma_wait3A_3232 : memref<2048xf32, #tpu.memory_space<hbm>>)
      %lt3A_3233 = arith.constant 31 : i32
      %lt3A_3234 = arith.cmpi slt, %scan3A_1125, %lt3A_3233 : i32
      %convert_element_type3A_3235 = arith.extui %lt3A_3234 : i1 to i32
      %cond3A_3236 = arith.constant 0 : i32
      %cond3A_3237 = arith.cmpi ne, %convert_element_type3A_3235, %cond3A_3236 : i32
      scf.if %cond3A_3237 {
        %dma_wait3A_3239 = arith.constant 0 : i32
        %dma_wait3A_3240 = arith.constant 0 : i32
        %dma_wait3A_3241 = tpu.memref_slice %arg6[%dma_wait3A_3240] : memref<1000064xf32, #tpu.memory_space<vmem_shared>> -> memref<62464xf32, #tpu.memory_space<vmem_shared>>
        %dma_wait3A_3242 = arith.constant 0 : i32
        %dma_wait3A_3243 = tpu.memref_slice %arg3[%dma_wait3A_3239, %dma_wait3A_3242] : memref<64x1000000xf32, #tpu.memory_space<hbm>> -> memref<1x1000000xf32, #tpu.memory_space<hbm>>
        %dma_wait3A_3244 = tpu.memref_squeeze %dma_wait3A_3243 : memref<1x1000000xf32, #tpu.memory_space<hbm>> -> memref<1000000xf32, #tpu.memory_space<hbm>>
        %dma_wait3A_3245 = arith.constant 0 : i32
        %dma_wait3A_3246 = tpu.memref_slice %dma_wait3A_3244[%dma_wait3A_3245] : memref<1000000xf32, #tpu.memory_space<hbm>> -> memref<62464xf32, #tpu.memory_space<hbm>>
        tpu.wait_dma2 semaphore(%arg40 : memref<!tpu.dma_semaphore, #tpu.memory_space<semaphore_mem>>) src(%dma_wait3A_3246 : memref<62464xf32, #tpu.memory_space<hbm>>) dst(%dma_wait3A_3241 : memref<62464xf32, #tpu.memory_space<vmem_shared>>)
        %lt3A_3247 = arith.constant 4 : i32
        %lt3A_3248 = arith.cmpi slt, %arg1, %lt3A_3247 : i32
        %eq3A_3249 = arith.constant 4 : i32
        %eq3A_3250 = arith.cmpi eq, %arg1, %eq3A_3249 : i32
        %or3A_3251 = arith.ori %lt3A_3248, %eq3A_3250 : i1
        %convert_element_type3A_3252 = arith.extui %or3A_3251 : i1 to i32
        %cond3A_3253 = arith.constant 0 : i32
        %cond3A_3254 = arith.cmpi ne, %convert_element_type3A_3252, %cond3A_3253 : i32
        scf.if %cond3A_3254 {
          %dma_wait3A_3255 = arith.constant 0 : i32
          %dma_wait3A_3256 = arith.constant 999936 : i32
          %dma_wait3A_3257 = tpu.memref_slice %arg6[%dma_wait3A_3256] : memref<1000064xf32, #tpu.memory_space<vmem_shared>> -> memref<128xf32, #tpu.memory_space<vmem_shared>>
          %dma_wait3A_3258 = arith.constant 0 : i32
          %dma_wait3A_3259 = tpu.memref_slice %arg4[%dma_wait3A_3255, %dma_wait3A_3258] : memref<64x128xf32, #tpu.memory_space<hbm>> -> memref<1x128xf32, #tpu.memory_space<hbm>>
          %dma_wait3A_3260 = tpu.memref_squeeze %dma_wait3A_3259 : memref<1x128xf32, #tpu.memory_space<hbm>> -> memref<128xf32, #tpu.memory_space<hbm>>
          tpu.wait_dma2 semaphore(%arg40 : memref<!tpu.dma_semaphore, #tpu.memory_space<semaphore_mem>>) src(%dma_wait3A_3260 : memref<128xf32, #tpu.memory_space<hbm>>) dst(%dma_wait3A_3257 : memref<128xf32, #tpu.memory_space<vmem_shared>>)
        } else {
        }
      } else {
      }
      %barrier3A_3238 = arith.constant 0 : index
      tpu.barrier barrier_id(%barrier3A_3238)
    }
    %scan3A_1124 = arith.constant 32 : i32
    return
  }
}

</mosaic_0001>

<sc_bundles>
// kernel: kernel.3.cloned.1.call-start
scs
__scs_entry_jumppad:
0x0: {  	(pc) =	sbr.rel $0x88, $3  }
0x1: {  	(tag) =	ssettag $0x0;
	lr =	simm.s32 $0x1  }
0x2: {  	[smem:$0x3F9F] =	sst lr;
	_ =	strace $0xD0000000  }
0x3: {  	_ = 	snop  }
0x4: {  	_ = 	snop  }
0x5: {  	_ = 	snop  }
0x6: {  	_ = 	snop  }
0x7: {  	_ = 	snop  }
__scs_overlays_trampoline_lowered:
0x8: {  	[smem:$0x3FAE] =	sst s0  }
0x9: {  	[smem:$0x3FAF] =	sst s1  }
0xa: {  	[smem:$0x3FB0] =	sst s2  }
0xb: {  	[smem:$0x3FB1] =	sst s3  }
0xc: {  	[smem:$0x3FB2] =	sst s4  }
0xd: {  	[smem:$0x3FB3] =	sst s5  }
0xe: {  	[smem:$0x3FB4] =	sst s6  }
0xf: {  	[smem:$0x3FB5] =	sst s7  }
0x10: {  	[smem:$0x3FB6] =	sst s8  }
0x11: {  	[smem:$0x3FB7] =	sst s9;
	s0 =	simm.s32 @!p0 $0x0  }
0x12: {  	s1 =	sld [smem:$0x3F9D];
	s0 =	simm.s32 @p0 $0x1  }
0x13: {  	[smem:$0x3FB8] =	sst s0;
	s0 =	simm.s32 @!p1 $0x0  }
0x14: {  	s2 =	sld [smem:$0x3F9C];
	s0 =	simm.s32 @p1 $0x1  }
0x15: {  	[smem:$0x3FB9] =	sst s0;
	s0 =	simm.s32 @!p2 $0x0  }
0x16: {  	s3 =	sld [smem:$0x3FDB];
	s0 =	simm.s32 @p2 $0x1  }
0x17: {  	s4 =	simm.s32 $0x1BF5;
	[smem:$0x3FBB] =	sst s0  }
0x18: {  	s0 =	sld [smem:$0x3F9E];
	_ =	swait.ge [sflag:s4], $0x0  }
0x19: {  	s7 =	sld [smem:$0x3F9F]  }
0x1a: {  	s8 =	sadd.s32 $0xFFFFE003, lr  }
0x1b: {  	s9 =	sadd.s32 $0xFFFFFEF7, lr;
	s5 =	simm.s32 $0xFFFFFFFF;
	p2 =	slt.u32 s8, $0xFFFFF086  }
0x1c: {  	p1 =	slt.u32 s9, $0xF7A;
	s5 =	simm.s32 @!p2 $0x0  }
0x1d: {  	s5 =	simm.s32 @p1 $0x1;
	p0 =	seq.s32 s7, s2  }
0x1e: {  	s7 =	smul.u32 @!p0 $0xF7A, s2;
	p2 =	seq.s32 @!p0 s5, $0x0  }
0x1f: {  	s9 =	smul.u32 $0xF7A, s1;
	s8 =	simm.s32 @!p0 $0x1BF5;
	p2 =	por !p2, p0  }
0x20: {  	[sflag:s8] =	ssyncset.s32 @!p0 $0xFFFFF086;
	s6 =	sadd.s32 @!p0 s3, s7;
	s7 =	simm.s32 @!p0 $0x108  }
0x21: {  	s3 =	sadd.s32 s3, s9;
	s6 =	sadd.s32 @!p0 $0x88, s6;
	s7 =	simm.s32 @p2 $0x1082  }
0x22: {  	[simem:s7], [sflag:s8] =	dma.local @!p0 [hbm:s6], $0xF7A  }
0x23: {  	s9 =	sor.u32 $0xD0000000, s2;
	s6 =	simm.s32 $0x108;
	_ =	swait.ge @!p0 [sflag:s8], $0x0  }
0x24: {  	s3 =	sadd.s32 $0x88, s3;
	s6 =	simm.s32 @!p1 $0x1082;
	[sflag:s4] =	ssyncset.s32 $0xFFFFF086  }
0x25: {  	[simem:s6], [sflag:s4] =	dma.local [hbm:s3], $0xF7A  }
0x26: {  	[smem:$0x3F9F] =	sst s1;
	(tag) =	ssettag s2;
	_ =	strace s9  }
0x27: {  	s1 =	sld [smem:$0x3FAF]  }
0x28: {  	s2 =	sld [smem:$0x3FB0]  }
0x29: {  	s4 =	sld [smem:$0x3FB2]  }
0x2a: {  	p0 =	seq.s32 s5, $0x0;
	s5 =	sld [smem:$0x3FB3]  }
0x2b: {  	s6 =	sld [smem:$0x3FB4]  }
0x2c: {  	s7 =	sld [smem:$0x3FB5]  }
0x2d: {  	s3 =	simm.s32 $0x108;
	s8 =	sld [smem:$0x3FB6]  }
0x2e: {  	s3 =	simm.s32 @!p0 $0x1082;
	s9 =	sld [smem:$0x3FB7]  }
0x2f: {  	lr =	sadd.s32 s0, s3;
	s0 =	sld [smem:$0x3FAE]  }
0x30: {  	s3 =	sld [smem:$0x3FB1]  }
0x31: {  	[smem:$0x3FBA] =	sst s10  }
0x32: {  	s10 =	sld [smem:$0x3FB8];
	_ =	sdelay $0x3  }
0x33: {  	p0 =	seq.s32 s10, $0x1;
	s10 =	sld [smem:$0x3FBA];
	_ =	sdelay $0x3  }
0x34: {  	[smem:$0x3FBA] =	sst s10  }
0x35: {  	s10 =	sld [smem:$0x3FB9];
	_ =	sdelay $0x3  }
0x36: {  	p1 =	seq.s32 s10, $0x1;
	s10 =	sld [smem:$0x3FBA];
	_ =	sdelay $0x3  }
0x37: {  	[smem:$0x3FBA] =	sst s10  }
0x38: {  	s10 =	sld [smem:$0x3FBB]  }
0x39: {  	_ = 	snop;
	(pc) =	sbr.ind lr, $3  }
0x3a: {  	_ = 	snop  }
0x3b: {  	_ = 	snop  }
0x3c: {  	p2 =	seq.s32 s10, $0x1;
	s10 =	sld [smem:$0x3FBA]  }
0x3d: {  	_ =	shalt  }
0x3e: {  	_ =	shalt  }
0x3f: {  	_ =	shalt  }
0x40: {  	_ =	shalt  }
0x41: {  	_ =	shalt  }
0x42: {  	_ =	shalt  }
0x43: {  	_ =	shalt  }
0x44: {  	_ =	shalt  }
0x45: {  	_ =	shalt  }
0x46: {  	_ =	shalt  }
0x47: {  	_ =	shalt  }
0x48: {  	_ =	shalt  }
0x49: {  	_ =	shalt  }
0x4a: {  	_ =	shalt  }
0x4b: {  	_ =	shalt  }
0x4c: {  	_ =	shalt  }
0x4d: {  	_ =	shalt  }
0x4e: {  	_ =	shalt  }
0x4f: {  	_ =	shalt  }
0x50: {  	_ =	shalt  }
0x51: {  	_ =	shalt  }
0x52: {  	_ =	shalt  }
0x53: {  	_ =	shalt  }
0x54: {  	_ =	shalt  }
0x55: {  	_ =	shalt  }
0x56: {  	_ =	shalt  }
0x57: {  	_ =	shalt  }
0x58: {  	_ =	shalt  }
0x59: {  	_ =	shalt  }
0x5a: {  	_ =	shalt  }
0x5b: {  	_ =	shalt  }
0x5c: {  	_ =	shalt  }
0x5d: {  	_ =	shalt  }
0x5e: {  	_ =	shalt  }
0x5f: {  	_ =	shalt  }
0x60: {  	_ =	shalt  }
0x61: {  	_ =	shalt  }
0x62: {  	_ =	shalt  }
0x63: {  	_ =	shalt  }
0x64: {  	_ =	shalt  }
0x65: {  	_ =	shalt  }
0x66: {  	_ =	shalt  }
0x67: {  	_ =	shalt  }
0x68: {  	_ =	shalt  }
0x69: {  	_ =	shalt  }
0x6a: {  	_ =	shalt  }
0x6b: {  	_ =	shalt  }
0x6c: {  	_ =	shalt  }
0x6d: {  	_ =	shalt  }
0x6e: {  	_ =	shalt  }
0x6f: {  	_ =	shalt  }
0x70: {  	_ =	shalt  }
0x71: {  	_ =	shalt  }
0x72: {  	_ =	shalt  }
0x73: {  	_ =	shalt  }
0x74: {  	_ =	shalt  }
0x75: {  	_ =	shalt  }
0x76: {  	_ =	shalt  }
0x77: {  	_ =	shalt  }
0x78: {  	_ =	shalt  }
0x79: {  	_ =	shalt  }
0x7a: {  	_ =	shalt  }
0x7b: {  	_ =	shalt  }
0x7c: {  	_ =	shalt  }
0x7d: {  	_ =	shalt  }
0x7e: {  	_ =	shalt  }
0x7f: {  	_ =	shalt  }
0x80: {  	_ =	shalt  }
0x81: {  	_ =	shalt  }
0x82: {  	_ =	shalt  }
0x83: {  	_ =	shalt  }
0x84: {  	_ =	shalt  }
0x85: {  	_ =	shalt  }
0x86: {  	_ =	shalt  }
0x87: {  	_ =	shalt  }
.Lfunc_end0:
.L_simem_size_0:
called_computation_lowered:
.L_overlay_start_0:
0x88: {  	s2 =	sld [smem:$0x3FD9]  }
0x89: {  	s3 =	sld [smem:$0x3FFE];
	_ =	sdelay $0x1  }
0x8a: {  	s1 =	srdreg.scid  }
0x8b: {  	s0 =	sand.u32 $0x1, s1  }
0x8c: {  	s17 =	sshll.u32 s0, $0xA;
	s2 =	sadd.s32 s3, s2  }
0x8d: {  	s2 =	sadd.s32 s2, s17  }
0x8e: {  	[smem:$0x3FC6] =	sst s2  }
0x8f: {  	_ = 	snop  }
0x90: {  	s2 =	sld [smem:$0x3FC9]  }
0x91: {  	s18 =	sld [smem:$0x3FC8]  }
0x92: {  	s4 =	sld [smem:$0x3FD0];
	(tm) =	ssettm $0x1  }
0x93: {  	s5 =	sld [smem:$0x3FFB];
	_ =	sdelay $0x3  }
0x94: {  	_ =	strace s5  }
0x95: {  	s5 =	sld [smem:$0x3FFC];
	_ =	sdelay $0x3  }
0x96: {  	_ =	strace s5  }
0x97: {  	s5 =	sld [smem:$0x3FFD];
	_ =	sdelay $0x3  }
0x98: {  	_ =	strace s5  }
0x99: {  	_ =	strace $0x8FFFFFFF  }
0x9a: {  	s19 =	sld [smem:$0x3FDB];
	_ =	sdelay $0x1  }
0x9b: {  	s6 =	simm.s32 $_scs_section_size  }
0x9c: {  	s7 =	simm.s32 $_size__tile_overlayer_lowered;
	s8 =	simm.s32 $_tile_overlayer_lowered  }
0x9d: {  	s22 =	simm.s32 $0x1BFF;
	s21 =	sshll.u32 s8, $0x1;
	s5 =	sadd.s32 s6, s19  }
0x9e: {  	s9 =	simm.s32 $0x0;
	s20 =	sshll.u32 s7, $0x1;
	s7 =	sadd.s32 s21, s5  }
0x9f: {  	[timem:s9], [sflag:s22] =	dma.local [hbm:s7], s20  }
0xa0: {  	_ =	swait.ge [sflag:s22], s20  }
0xa1: {  	s6 =	ssub.s32 $0x0, s20;
	[sflag:s22] =	ssyncset.done $0x0  }
0xa2: {  	[sflag:s22] =	ssyncadd.s32 s6;
	_ =	sdelay $0x1  }
0xa3: {  	s23 =	simm.s32 $0x1B8B  }
0xa4: {  	_ =	swait.ge [sflag:s23], $0x1  }
0xa5: {  	[sflag:s23] =	ssyncset.done $0x0  }
0xa6: {  	s25 =	simm.s32 $0x1B8E;
	s24 =	sld [smem:$0x3FFE];
	[sflag:s23] =	ssyncadd.s32 $0xFFFFFFFF  }
0xa7: {  	s26 =	simm.s32 $execute0_lowered;
	[smem:$0x3FD2] =	sst s25  }
0xa8: {  	s7 =	sshll.u32 s26, $0x1;
	_ =	strace $0x80000046;
	[dreg:$0x1] =	wrdreg $0xFFFFFFFF  }
0xa9: {  	s28 =	simm.s32 $_size_execute0_lowered;
	s5 =	sadd.s32 s5, s7;
	[dreg:$0x0] =	wrdreg $0x0  }
0xaa: {  	s7 =	sshll.u32 s28, $0x1;
	[dreg:$0x2] =	wrdreg s5  }
0xab: {  	[dreg:$0x3] =	wrdreg s7  }
0xac: {  	[dreg:$0x4] =	wrdreg $0xC0  }
0xad: {  	_ =	task [dreg:s9], $0x5FFFF  }
0xae: {  	[dreg:$0x1] =	wrdreg $0xFFFFFFFF  }
0xaf: {  	[dreg:$0x0] =	wrdreg $0x60  }
0xb0: {  	[dreg:$0x2] =	wrdreg s2  }
0xb1: {  	[dreg:$0x3] =	wrdreg s18  }
0xb2: {  	[dreg:$0x4] =	wrdreg s24  }
0xb3: {  	[dreg:$0x5] =	wrdreg s4  }
0xb4: {  	[dreg:$0x6] =	wrdreg $0x0  }
0xb5: {  	[dreg:$0x7] =	wrdreg $0x9  }
0xb6: {  	_ =	task.clear_ibuf [dreg:s9], $0x8FFFF;
	_ =	strace $0x90000046  }
0xb7: {  	s29 =	simm.s32 $0x9;
	_ =	strace $0x80000048  }
0xb8: {  	_ =	swait.ge [sflag:s29], $0x1  }
0xb9: {  	[sflag:s29] =	ssyncadd.s32 $0xFFFFFFFF  }
0xba: {  	_ =	strace $0x90000048  }
0xbb: {  	_ =	sfence  }
0xbc: {  	s30 =	sld [smem:$0x0];
	_ =	sdelay $0x2  }
0xbd: {  	s31 =	sshll.u32 s1, $0xD;
	s1 =	sshrl.u32 s1, $0x2  }
0xbe: {  	s3 =	sand.u32 $0x4000, s31;
	s1 =	sadd.s32 s1, s30  }
0xbf: {  	s0 =	sor.u32 s3, s0;
	s1 =	sshll.u32 s1, $0x11  }
0xc0: {  	s0 =	sor.u32 s1, s0  }
0xc1: {  	s0 =	sadd.s32 $0x8F2B, s0  }
0xc2: {  	[sflag:s0] =	ssyncadd.remote.s32 $0x1  }
0xc3: {  	_ =	sfence.sel $0xFFFF  }
0xc4: {  	[dreg:$0x0] =	wrdreg $0xFFFFFFFF;
	(pc) =	sbr.abs _section_cstart, $3  }
0xc5: {  	[dreg:$0x1] =	wrdreg $0xFFFFFFFF  }
0xc6: {  	_ =	task.clear_ibuf [dreg:s9], $0x2FFFF;
	_ =	strace $0x9FFFFFFF  }
0xc7: {  	(tm) =	ssettm $0x7FFFFFFF  }
tec
execute0_lowered:
.L_overlay_start_1:
0x0: {  	(tag) =	ssettag $0x1  }
0x1: {  	s0 =	rddreg [dreg:$0x0]  }
0x2: {  	s1 =	rddreg [dreg:$0x2]  }
0x3: {  	s20 =	rddreg [dreg:$0x3]  }
0x4: {  	s31 =	rddreg [dreg:$0x4];
	s3 =	simm.s32 $0x0  }
0x5: {  	s4 =	simm.s32 $0x0;
	s18 =	srdreg.scid;
	[dreg:$0x6] =	wrdreg s3  }
0x6: {  	s9 =	stileid.u32;
	[smem:$0x7FF] =	sst s4;
	s4 =	sand.u32 $0x1, s18  }
0x7: {  	s3 =	sadd.s32 $0x400, s1;
	s5 =	sshrl.u32 s9, $0x1;
	s8 =	sshll.u32 s9, $0xB  }
0x8: {  	s25 =	smul.u32 $0x3D000, s9;
	_ =	strace $0x80000047;
	s19 =	ssub.s32 $0x2, s4  }
0x9: {  	s7 =	sshll.u32 s5, $0x4;
	s5 =	sshll.u32 s5, $0xF;
	s29 =	smul.u32 $0x3D0A00, s4  }
0xa: {  	[dreg:$0x7] =	wrdreg s3;
	s6 =	sshrl.u32 s19, $0x1;
	s0 =	sadd.s32 s0, s7  }
0xb: {  	s1 =	sadd.s32 s20, s5;
	s25 =	sshrl.u32 s25, $0x2;
	s10 =	ssub.s32 s19, s6  }
0xc: {  	s6 =	sand.u32 $0x800, s8;
	s22 =	sadd.s32 $0x1000, s0;
	s21 =	sadd.s32 $0x2000, s0  }
0xd: {  	s23 =	sadd.s32 $0x3000, s0;
	s24 =	sadd.s32 $0x4000, s0;
	s11 =	sadd.s32 $0x5000, s0  }
0xe: {  	s12 =	sadd.s32 $0x6000, s0;
	s13 =	sadd.s32 $0x7000, s0;
	s14 =	sadd.s32 $0x8000, s0  }
0xf: {  	s15 =	sadd.s32 $0x9000, s0;
	s16 =	sadd.s32 $0xA000, s0;
	s17 =	sadd.s32 $0xB000, s0  }
0x10: {  	s2 =	sadd.s32 $0xC000, s0;
	s19 =	sadd.s32 $0xD000, s0;
	s8 =	sadd.s32 $0xF000, s0  }
0x11: {  	s20 =	sadd.s32 $0x10000, s0;
	s18 =	sadd.s32 $0x12000, s0;
	[dreg:$0x9] =	wrdreg s1  }
0x12: {  	s26 =	sadd.s32 $0x15000, s0;
	s28 =	sadd.s32 $0x16000, s0;
	[smem:$0x7D6] =	sst s21  }
0x13: {  	s30 =	sadd.s32 $0x17000, s0;
	s5 =	sadd.s32 $0x18000, s0;
	[smem:$0x7D7] =	sst s23  }
0x14: {  	s25 =	sadd.s32 s25, s31;
	s7 =	sadd.s32 s6, s0;
	[smem:$0x7D8] =	sst s24  }
0x15: {  	s21 =	sadd.s32 $0x11000, s0;
	s23 =	sadd.s32 $0x13000, s0;
	[dreg:$0xa] =	wrdreg s25  }
0x16: {  	s24 =	sadd.s32 $0x14000, s0;
	s25 =	rddreg [dreg:$0x1];
	s10 =	smax.u32 s10, $0x1  }
0x17: {  	s22 =	sadd.s32 s6, s22;
	s11 =	sadd.s32 s6, s11;
	[dreg:$0x8] =	wrdreg s7  }
0x18: {  	s7 =	sadd.s32 $0xE000, s0;
	s29 =	sadd.s32 s25, s29;
	[dreg:$0xe] =	wrdreg s10  }
0x19: {  	s0 =	sshll.u32 s4, $0x9;
	s25 =	sshll.u32 s4, $0xC;
	[dreg:$0x12] =	wrdreg s22  }
0x1a: {  	s10 =	sshll.u32 s4, $0x5;
	s4 =	sshll.u32 s4, $0xE;
	[dreg:$0x16] =	wrdreg s11  }
0x1b: {  	[dreg:$0xf] =	wrdreg s4  }
0x1c: {  	s22 =	sadd.s32 s6, s12;
	s4 =	sld [smem:$0x7D7]  }
0x1d: {  	s11 =	sadd.s32 s6, s16;
	[dreg:$0x17] =	wrdreg s22  }
0x1e: {  	s12 =	sadd.s32 s6, s17;
	[dreg:$0x1b] =	wrdreg s11  }
0x1f: {  	s16 =	sadd.s32 s6, s8;
	[dreg:$0x1c] =	wrdreg s12  }
0x20: {  	s17 =	sadd.s32 s6, s20;
	[smem:$0x7D9] =	sst s16  }
0x21: {  	s20 =	sadd.s32 s6, s18;
	[smem:$0x7DA] =	sst s17  }
0x22: {  	s8 =	sadd.s32 $0x140000, s1;
	[smem:$0x7DC] =	sst s20  }
0x23: {  	s18 =	sadd.s32 $0x3C0000, s1;
	[smem:$0x7EA] =	sst s8  }
0x24: {  	[smem:$0x7F4] =	sst s18  }
0x25: {  	s3 =	sadd.s32 s3, s0;
	[dreg:$0xb] =	wrdreg s29  }
0x26: {  	s10 =	sor.u32 $0x1, s10;
	[dreg:$0xc] =	wrdreg s3  }
0x27: {  	[dreg:$0x11] =	wrdreg s10  }
0x28: {  	s22 =	sadd.s32 s6, s24;
	s10 =	sld [smem:$0x7D8]  }
0x29: {  	s24 =	sadd.s32 s6, s28;
	[smem:$0x7DE] =	sst s22  }
0x2a: {  	s11 =	sadd.s32 $0x200000, s1;
	[smem:$0x7E0] =	sst s24  }
0x2b: {  	s12 =	sadd.s32 $0x240000, s1;
	[smem:$0x7ED] =	sst s11  }
0x2c: {  	s16 =	sadd.s32 $0x340000, s1;
	[smem:$0x7EE] =	sst s12  }
0x2d: {  	p0 =	sgt.u32 s9, $0x3;
	s17 =	sadd.s32 $0x380000, s1;
	[smem:$0x7F2] =	sst s16  }
0x2e: {  	p1 =	seq.s32 s9, $0x4;
	s20 =	sadd.s32 $0x440000, s1;
	[smem:$0x7F3] =	sst s17  }
0x2f: {  	s28 =	smul.u32 $0xF400, s9;
	s3 =	sshll.u32 s9, $0x7;
	[smem:$0x7F6] =	sst s20  }
0x30: {  	s0 =	sor.u32 $0xF4000, s3;
	s3 =	sor.u32 $0x80, s25;
	s25 =	sld [smem:$0x7D6]  }
0x31: {  	p2 =	sgt.u32 s9, $0x4;
	s9 =	sadd.s32 $0x180000, s1;
	[smem:$0x7E3] =	sst s28  }
0x32: {  	s22 =	sadd.s32 $0x4C0000, s1;
	[smem:$0x7EB] =	sst s9  }
0x33: {  	s24 =	sadd.s32 $0x540000, s1;
	[smem:$0x7F8] =	sst s22  }
0x34: {  	[smem:$0x7FA] =	sst s24  }
0x35: {  	[dreg:$0x10] =	wrdreg s3  }
0x36: {  	s28 =	sadd.s32 $0x600000, s1;
	[dreg:$0xd] =	wrdreg s0  }
0x37: {  	s0 =	sadd.s32 s0, s31;
	[smem:$0x7FD] =	sst s28  }
0x38: {  	[smem:$0x7E5] =	sst s0;
	s3 =	sadd.s32 s6, s25  }
0x39: {  	s25 =	sadd.s32 s6, s13;
	[dreg:$0x13] =	wrdreg s3  }
0x3a: {  	s13 =	sadd.s32 s6, s2;
	[dreg:$0x18] =	wrdreg s25  }
0x3b: {  	s2 =	sadd.s32 $0xF4200, s31;
	[dreg:$0x1d] =	wrdreg s13  }
0x3c: {  	s3 =	sadd.s32 s6, s4;
	[smem:$0x7E4] =	sst s2  }
0x3d: {  	s4 =	sadd.s32 s6, s14;
	[dreg:$0x14] =	wrdreg s3  }
0x3e: {  	s14 =	sadd.s32 s6, s19;
	[dreg:$0x19] =	wrdreg s4  }
0x3f: {  	s19 =	sadd.s32 s6, s21;
	[dreg:$0x1e] =	wrdreg s14  }
0x40: {  	s21 =	sadd.s32 s6, s23;
	[smem:$0x7DB] =	sst s19  }
0x41: {  	s23 =	sadd.s32 s6, s26;
	[smem:$0x7DD] =	sst s21  }
0x42: {  	s25 =	sadd.s32 s6, s30;
	[smem:$0x7DF] =	sst s23  }
0x43: {  	s26 =	sadd.s32 s6, s5;
	[smem:$0x7E1] =	sst s25  }
0x44: {  	s5 =	sadd.s32 $0xC0000, s1;
	[smem:$0x7E2] =	sst s26  }
0x45: {  	s13 =	sadd.s32 $0x280000, s1;
	[smem:$0x7E8] =	sst s5  }
0x46: {  	s3 =	sadd.s32 s6, s10;
	[smem:$0x7EF] =	sst s13  }
0x47: {  	s10 =	sadd.s32 s6, s15;
	[dreg:$0x15] =	wrdreg s3  }
0x48: {  	s15 =	sadd.s32 s6, s7;
	[dreg:$0x1a] =	wrdreg s10  }
0x49: {  	s12 =	simm.s32 $0x80;
	s4 =	sadd.s32 $0x80000, s1;
	[dreg:$0x1f] =	wrdreg s15  }
0x4a: {  	s17 =	simm.s32 $0x2;
	s7 =	sadd.s32 $0x100000, s1;
	[smem:$0x7E7] =	sst s4  }
0x4b: {  	s20 =	simm.s32 $0xC;
	s14 =	sadd.s32 $0x2C0000, s1;
	[smem:$0x7E9] =	sst s7  }
0x4c: {  	s9 =	simm.s32 $0x400;
	s19 =	sadd.s32 $0x400000, s1;
	[smem:$0x7F0] =	sst s14  }
0x4d: {  	s30 =	simm.s32 $0x10;
	s21 =	sadd.s32 $0x480000, s1;
	[smem:$0x7F5] =	sst s19  }
0x4e: {  	s23 =	sadd.s32 $0x500000, s1;
	s25 =	sadd.s32 $0x580000, s1;
	[smem:$0x7F7] =	sst s21  }
0x4f: {  	s26 =	sadd.s32 $0x5C0000, s1;
	s13 =	simm.s32 $0x10;
	[smem:$0x7F9] =	sst s23  }
.Ltmp0:
0x50: {  	s5 =	simm.s32 $0xF;
	[smem:$0x7FB] =	sst s25;
	(pc) =	sbr.rel .LBB2_1-.Ltmp0, $4  }
0x51: {  	s3 =	sadd.s32 $0x40000, s1;
	s10 =	sadd.s32 $0x1C0000, s1;
	[smem:$0x7FC] =	sst s26  }
0x52: {  	s15 =	sadd.s32 $0x300000, s1;
	s26 =	simm.s32 $0x800;
	[smem:$0x7E6] =	sst s3  }
0x53: {  	s21 =	simm.s32 $0x3;
	s19 =	simm.s32 $0xB;
	[smem:$0x7EC] =	sst s10  }
0x54: {  	[smem:$0x7F1] =	sst s15;
	s15 =	simm.s32 $0x5;
	s10 =	simm.s32 $0xD  }
.LBB2_9:
0x55: {  	s0 =	rddreg [dreg:$0x6]  }
0x56: {  	s7 =	rddreg [dreg:$0xe];
	s0 =	sadd.s32 $0x1, s0  }
0x57: {  	p3 =	sne.s32 s0, s7  }
.Ltmp1:
0x58: {  	_ = 	snop;
	(pc) =	sbr.rel @!p3 .LBB2_10-.Ltmp1, $4  }
0x59: {  	_ = 	snop  }
0x5a: {  	[dreg:$0x6] =	wrdreg s0  }
0x5b: {  	[bflag:$0x0] =	sbarrier.arrive $0xFFFF  }
0x5c: {  	s29 =	rddreg [dreg:$0xb]  }
.LBB2_1:
0x5d: {  	s0 =	rddreg [dreg:$0x8];
	s7 =	simm.s32 $0xF428  }
0x5e: {  	[tilespmem:s7], [sflag:$0x12] =	stream.strided.gather [hbm4b:s0+s12], $0x800, s9, s12, $0x38;
	[tilespmem:$0x1FC28] =	vst v63  }
0x5f: {  	s7 =	simm.s32 $0x12  }
0x60: {  	_ =	swait.ge [sflag:s7], $0x800  }
0x61: {  	[sflag:s7] =	ssyncset.done $0x0  }
0x62: {  	s11 =	simm.s32 $0xFC28;
	s8 =	rddreg [dreg:$0x12];
	[sflag:s7] =	ssyncadd.s32 $0xFFFFF800  }
0x63: {  	[tilespmem:s11], [sflag:$0x12] =	stream.strided.gather [hbm4b:s8+s12], $0x800, s9, s12, $0x38;
	[tilespmem:$0x1FC28] =	vst v63  }
0x64: {  	_ =	swait.ge [sflag:s7], $0x800  }
0x65: {  	[sflag:s7] =	ssyncset.done $0x0  }
0x66: {  	s14 =	simm.s32 $0x10428;
	s11 =	rddreg [dreg:$0x13];
	[sflag:s7] =	ssyncadd.s32 $0xFFFFF800  }
0x67: {  	[tilespmem:s14], [sflag:$0x12] =	stream.strided.gather [hbm4b:s11+s12], $0x800, s9, s12, $0x38;
	[tilespmem:$0x1FC28] =	vst v63  }
0x68: {  	_ =	swait.ge [sflag:s7], $0x800  }
0x69: {  	[sflag:s7] =	ssyncset.done $0x0  }
0x6a: {  	s18 =	simm.s32 $0x10C28;
	s16 =	rddreg [dreg:$0x14];
	[sflag:s7] =	ssyncadd.s32 $0xFFFFF800  }
0x6b: {  	[tilespmem:s18], [sflag:$0x12] =	stream.strided.gather [hbm4b:s16+s12], $0x800, s9, s12, $0x38;
	[tilespmem:$0x1FC28] =	vst v63  }
0x6c: {  	_ =	swait.ge [sflag:s7], $0x800  }
0x6d: {  	[sflag:s7] =	ssyncset.done $0x0  }
0x6e: {  	s23 =	simm.s32 $0x11428;
	s22 =	rddreg [dreg:$0x15];
	[sflag:s7] =	ssyncadd.s32 $0xFFFFF800  }
0x6f: {  	[tilespmem:s23], [sflag:$0x12] =	stream.strided.gather [hbm4b:s22+s12], $0x800, s9, s12, $0x38;
	[tilespmem:$0x1FC28] =	vst v63  }
0x70: {  	_ =	swait.ge [sflag:s7], $0x800  }
0x71: {  	[sflag:s7] =	ssyncset.done $0x0  }
0x72: {  	s25 =	simm.s32 $0x11C28;
	s24 =	rddreg [dreg:$0x16];
	[sflag:s7] =	ssyncadd.s32 $0xFFFFF800  }
0x73: {  	[tilespmem:s25], [sflag:$0x12] =	stream.strided.gather [hbm4b:s24+s12], $0x800, s9, s12, $0x38;
	[tilespmem:$0x1FC28] =	vst v63  }
0x74: {  	_ =	swait.ge [sflag:s7], $0x800  }
0x75: {  	[sflag:s7] =	ssyncset.done $0x0  }
0x76: {  	s1 =	simm.s32 $0x12428;
	s28 =	rddreg [dreg:$0x17];
	[sflag:s7] =	ssyncadd.s32 $0xFFFFF800  }
0x77: {  	[tilespmem:s1], [sflag:$0x12] =	stream.strided.gather [hbm4b:s28+s12], $0x800, s9, s12, $0x38;
	[tilespmem:$0x1FC28] =	vst v63  }
0x78: {  	_ =	swait.ge [sflag:s7], $0x800  }
0x79: {  	[sflag:s7] =	ssyncset.done $0x0  }
0x7a: {  	s3 =	simm.s32 $0x12C28;
	s2 =	rddreg [dreg:$0x18];
	[sflag:s7] =	ssyncadd.s32 $0xFFFFF800  }
0x7b: {  	[tilespmem:s3], [sflag:$0x12] =	stream.strided.gather [hbm4b:s2+s12], $0x800, s9, s12, $0x38;
	[tilespmem:$0x1FC28] =	vst v63  }
0x7c: {  	_ =	swait.ge [sflag:s7], $0x800  }
0x7d: {  	[sflag:s7] =	ssyncset.done $0x0  }
0x7e: {  	s8 =	simm.s32 $0x13428;
	s4 =	rddreg [dreg:$0x19];
	[sflag:s7] =	ssyncadd.s32 $0xFFFFF800  }
0x7f: {  	[tilespmem:s8], [sflag:$0x12] =	stream.strided.gather [hbm4b:s4+s12], $0x800, s9, s12, $0x38;
	[tilespmem:$0x1FC28] =	vst v63  }
0x80: {  	_ =	swait.ge [sflag:s7], $0x800  }
0x81: {  	[sflag:s7] =	ssyncset.done $0x0  }
0x82: {  	s14 =	simm.s32 $0x13C28;
	s11 =	rddreg [dreg:$0x1a];
	[sflag:s7] =	ssyncadd.s32 $0xFFFFF800  }
0x83: {  	[tilespmem:s14], [sflag:$0x12] =	stream.strided.gather [hbm4b:s11+s12], $0x800, s9, s12, $0x38;
	[tilespmem:$0x1FC28] =	vst v63  }
0x84: {  	_ =	swait.ge [sflag:s7], $0x800  }
0x85: {  	[sflag:s7] =	ssyncset.done $0x0  }
0x86: {  	s18 =	simm.s32 $0x14428;
	s16 =	rddreg [dreg:$0x1b];
	[sflag:s7] =	ssyncadd.s32 $0xFFFFF800  }
0x87: {  	[tilespmem:s18], [sflag:$0x12] =	stream.strided.gather [hbm4b:s16+s12], $0x800, s9, s12, $0x38;
	[tilespmem:$0x1FC28] =	vst v63  }
0x88: {  	_ =	swait.ge [sflag:s7], $0x800  }
0x89: {  	[sflag:s7] =	ssyncset.done $0x0  }
0x8a: {  	s23 =	simm.s32 $0x14C28;
	s22 =	rddreg [dreg:$0x1c];
	[sflag:s7] =	ssyncadd.s32 $0xFFFFF800  }
0x8b: {  	[tilespmem:s23], [sflag:$0x12] =	stream.strided.gather [hbm4b:s22+s12], $0x800, s9, s12, $0x38;
	[tilespmem:$0x1FC28] =	vst v63  }
0x8c: {  	_ =	swait.ge [sflag:s7], $0x800  }
0x8d: {  	[sflag:s7] =	ssyncset.done $0x0  }
0x8e: {  	s25 =	simm.s32 $0x15428;
	s24 =	rddreg [dreg:$0x1d];
	[sflag:s7] =	ssyncadd.s32 $0xFFFFF800  }
0x8f: {  	[tilespmem:s25], [sflag:$0x12] =	stream.strided.gather [hbm4b:s24+s12], $0x800, s9, s12, $0x38;
	[tilespmem:$0x1FC28] =	vst v63  }
0x90: {  	_ =	swait.ge [sflag:s7], $0x800  }
0x91: {  	[sflag:s7] =	ssyncset.done $0x0  }
0x92: {  	s1 =	simm.s32 $0x15C28;
	s28 =	rddreg [dreg:$0x1e];
	[sflag:s7] =	ssyncadd.s32 $0xFFFFF800  }
0x93: {  	[tilespmem:s1], [sflag:$0x12] =	stream.strided.gather [hbm4b:s28+s12], $0x800, s9, s12, $0x38;
	[tilespmem:$0x1FC28] =	vst v63  }
0x94: {  	_ =	swait.ge [sflag:s7], $0x800  }
0x95: {  	[sflag:s7] =	ssyncset.done $0x0  }
0x96: {  	s3 =	simm.s32 $0x16428;
	s2 =	rddreg [dreg:$0x1f];
	[sflag:s7] =	ssyncadd.s32 $0xFFFFF800  }
0x97: {  	[tilespmem:s3], [sflag:$0x12] =	stream.strided.gather [hbm4b:s2+s12], $0x800, s9, s12, $0x38;
	[tilespmem:$0x1FC28] =	vst v63  }
0x98: {  	_ =	swait.ge [sflag:s7], $0x800  }
0x99: {  	s4 =	sld [smem:$0x7D9]  }
0x9a: {  	[sflag:s7] =	ssyncset.done $0x0  }
0x9b: {  	s8 =	simm.s32 $0x16C28;
	[sflag:s7] =	ssyncadd.s32 $0xFFFFF800  }
0x9c: {  	[tilespmem:s8], [sflag:$0x12] =	stream.strided.gather [hbm4b:s4+s12], $0x800, s9, s12, $0x38;
	[tilespmem:$0x1FC28] =	vst v63  }
0x9d: {  	_ =	swait.ge [sflag:s7], $0x800  }
0x9e: {  	s11 =	sld [smem:$0x7DA]  }
0x9f: {  	[sflag:s7] =	ssyncset.done $0x0  }
0xa0: {  	s14 =	simm.s32 $0x17428;
	[sflag:s7] =	ssyncadd.s32 $0xFFFFF800  }
0xa1: {  	[tilespmem:s14], [sflag:$0x12] =	stream.strided.gather [hbm4b:s11+s12], $0x800, s9, s12, $0x38;
	[tilespmem:$0x1FC28] =	vst v63  }
0xa2: {  	_ =	swait.ge [sflag:s7], $0x800  }
0xa3: {  	s16 =	sld [smem:$0x7DB]  }
0xa4: {  	[sflag:s7] =	ssyncset.done $0x0  }
0xa5: {  	s18 =	simm.s32 $0x17C28;
	[sflag:s7] =	ssyncadd.s32 $0xFFFFF800  }
0xa6: {  	[tilespmem:s18], [sflag:$0x12] =	stream.strided.gather [hbm4b:s16+s12], $0x800, s9, s12, $0x38;
	[tilespmem:$0x1FC28] =	vst v63  }
0xa7: {  	_ =	swait.ge [sflag:s7], $0x800  }
0xa8: {  	s22 =	sld [smem:$0x7DC]  }
0xa9: {  	[sflag:s7] =	ssyncset.done $0x0  }
0xaa: {  	s23 =	simm.s32 $0x18428;
	[sflag:s7] =	ssyncadd.s32 $0xFFFFF800  }
0xab: {  	[tilespmem:s23], [sflag:$0x12] =	stream.strided.gather [hbm4b:s22+s12], $0x800, s9, s12, $0x38;
	[tilespmem:$0x1FC28] =	vst v63  }
0xac: {  	_ =	swait.ge [sflag:s7], $0x800  }
0xad: {  	s24 =	sld [smem:$0x7DD]  }
0xae: {  	[sflag:s7] =	ssyncset.done $0x0  }
0xaf: {  	s25 =	simm.s32 $0x18C28;
	[sflag:s7] =	ssyncadd.s32 $0xFFFFF800  }
0xb0: {  	[tilespmem:s25], [sflag:$0x12] =	stream.strided.gather [hbm4b:s24+s12], $0x800, s9, s12, $0x38;
	[tilespmem:$0x1FC28] =	vst v63  }
0xb1: {  	_ =	swait.ge [sflag:s7], $0x800  }
0xb2: {  	s28 =	sld [smem:$0x7DE]  }
0xb3: {  	[sflag:s7] =	ssyncset.done $0x0  }
0xb4: {  	s1 =	simm.s32 $0x19428;
	[sflag:s7] =	ssyncadd.s32 $0xFFFFF800  }
0xb5: {  	[tilespmem:s1], [sflag:$0x12] =	stream.strided.gather [hbm4b:s28+s12], $0x800, s9, s12, $0x38;
	[tilespmem:$0x1FC28] =	vst v63  }
0xb6: {  	_ =	swait.ge [sflag:s7], $0x800  }
0xb7: {  	s2 =	sld [smem:$0x7DF]  }
0xb8: {  	[sflag:s7] =	ssyncset.done $0x0  }
0xb9: {  	s3 =	simm.s32 $0x19C28;
	[sflag:s7] =	ssyncadd.s32 $0xFFFFF800  }
0xba: {  	[tilespmem:s3], [sflag:$0x12] =	stream.strided.gather [hbm4b:s2+s12], $0x800, s9, s12, $0x38;
	[tilespmem:$0x1FC28] =	vst v63  }
0xbb: {  	_ =	swait.ge [sflag:s7], $0x800  }
0xbc: {  	s4 =	sld [smem:$0x7E0]  }
0xbd: {  	[sflag:s7] =	ssyncset.done $0x0  }
0xbe: {  	s8 =	simm.s32 $0x1A428;
	[sflag:s7] =	ssyncadd.s32 $0xFFFFF800  }
0xbf: {  	[tilespmem:s8], [sflag:$0x12] =	stream.strided.gather [hbm4b:s4+s12], $0x800, s9, s12, $0x38;
	[tilespmem:$0x1FC28] =	vst v63  }
0xc0: {  	_ =	swait.ge [sflag:s7], $0x800  }
0xc1: {  	s14 =	sld [smem:$0x7E1]  }
0xc2: {  	[sflag:s7] =	ssyncset.done $0x0  }
0xc3: {  	s16 =	simm.s32 $0x1AC28;
	[sflag:s7] =	ssyncadd.s32 $0xFFFFF800  }
0xc4: {  	[tilespmem:s16], [sflag:$0x12] =	stream.strided.gather [hbm4b:s14+s12], $0x800, s9, s12, $0x38;
	[tilespmem:$0x1FC28] =	vst v63  }
0xc5: {  	_ =	swait.ge [sflag:s7], $0x800  }
0xc6: {  	s18 =	sld [smem:$0x7E2]  }
0xc7: {  	[sflag:s7] =	ssyncset.done $0x0  }
0xc8: {  	s22 =	simm.s32 $0x1B428;
	[sflag:s7] =	ssyncadd.s32 $0xFFFFF800  }
0xc9: {  	[tilespmem:s22], [sflag:$0x12] =	stream.strided.gather [hbm4b:s18+s12], $0x800, s9, s12, $0x38;
	[tilespmem:$0x1FC28] =	vst v63  }
0xca: {  	s23 =	stileid.u32;
	_ =	swait.ge [sflag:s7], $0x800  }
.Ltmp2:
0xcb: {  	s0 =	sshll.u32 s23, $0x6;
	s24 =	sld [smem:$0x7E3];
	(pc) =	sbr.rel @!p0 .LBB2_2-.Ltmp2, $4  }
0xcc: {  	s1 =	sor.u32 $0x1C01, s0;
	s25 =	rddreg [dreg:$0xa]  }
0xcd: {  	s28 =	simm.s32 $0x1;
	[sflag:s7] =	ssyncset.done $0x0;
	[smem:$0x7D5] =	sst s1  }
0xce: {  	[sflag:s7] =	ssyncadd.s32 $0xFFFFF800;
	s0 =	sshrl.u32 s25, $0x3;
	s24 =	sadd.s32 s24, s29  }
0xcf: {  	[spmem:s0@s13], [sflag:s1] =	dma.strided [hbm:s24@s12], $0x1E80, s28, $0x10   }
.Ltmp3:
0xd0: {  	(pc) =	sbr.rel @p1 .LBB2_3-.Ltmp3, $3  }
0xd1: {  	_ =	sdelay $0x1  }
0xd2: {  	s0 =	rddreg [dreg:$0xc]  }
0xd3: {  	s24 =	sld [smem:$0x7E4]  }
.Ltmp4:
0xd4: {  	(pc) =	sbr.rel .LBB2_6-.Ltmp4, $4  }
0xd5: {  	s0 =	simm.s32 $0x1  }
0xd6: {  	_ =	swait.ge [sflag:s0], $0x1E80  }
0xd7: {  	[sflag:s0] =	ssyncset.done $0x0  }
0xd8: {  	p3 =	por $0x0, $0x0;
	[sflag:s0] =	ssyncadd.s32 $0xFFFFE180  }
.LBB2_2:
0xd9: {  	s0 =	rddreg [dreg:$0xd]  }
0xda: {  	s24 =	sld [smem:$0x7E5];
	s0 =	sadd.s32 s0, s29  }
.LBB2_3:
0xdb: {  	s1 =	sld [smem:$0x7D5];
	_ =	sdelay $0x1  }
0xdc: {  	s29 =	simm.s32 $0x1;
	s24 =	sshrl.u32 s24, $0x3  }
0xdd: {  	[spmem:s24], [sflag:s1] =	dma.local [hbm:s0], $0x10  }
0xde: {  	_ =	swait.ge [sflag:s29], $0x1E80  }
0xdf: {  	[sflag:s29] =	ssyncset.done $0x0  }
0xe0: {  	[sflag:s29] =	ssyncadd.s32 $0xFFFFE180  }
0xe1: {  	_ =	swait.ge [sflag:s29], $0x10  }
0xe2: {  	[sflag:s29] =	ssyncset.done $0x0  }
0xe3: {  	p3 =	por p0, p0;
	[sflag:s29] =	ssyncadd.s32 $0xFFFFFFF0  }
.LBB2_6:
0xe4: {  	[bflag:$0x0] =	sbarrier.arrive $0xFFFF  }
0xe5: {  	s0 =	rddreg [dreg:$0x11]  }
0xe6: {  	s29 =	rddreg [dreg:$0x10]  }
0xe7: {  	s1 =	rddreg [dreg:$0xf]  }
0xe8: {  	[smem:$0x7D3] =	sst s0  }
0xe9: {  	s4 =	simm.s32 $0x0;
	[smem:$0x7D4] =	sst s29  }
.LBB2_7:
0xea: {  	s0 =	simm.s32 $0xF428;
	s13 =	simm.s32 $0x1BC28  }
0xeb: {  	[tilespmem:s13], [sflag:$0x2] =	stream.indirect.gather [spmem:s31], $0x1, s0, s26, $0xb8;
	[tilespmem:$0x1FC28] =	vst v63  }
0xec: {  	s14 =	simm.s32 $0xFC28;
	s23 =	simm.s32 $0x1C428  }
0xed: {  	[tilespmem:s23], [sflag:$0x3] =	stream.indirect.gather [spmem:s31], $0x1, s14, s26, $0xb8;
	[tilespmem:$0x1FC28] =	vst v63  }
0xee: {  	s16 =	simm.s32 $0x10428;
	s25 =	simm.s32 $0x1CC28  }
0xef: {  	[tilespmem:s25], [sflag:$0x4] =	stream.indirect.gather [spmem:s31], $0x1, s16, s26, $0xb8;
	[tilespmem:$0x1FC28] =	vst v63  }
0xf0: {  	s18 =	simm.s32 $0x10C28;
	s28 =	simm.s32 $0x1D428  }
0xf1: {  	[tilespmem:s28], [sflag:$0x5] =	stream.indirect.gather [spmem:s31], $0x1, s18, s26, $0xb8;
	[tilespmem:$0x1FC28] =	vst v63  }
0xf2: {  	s22 =	simm.s32 $0x11428;
	s29 =	simm.s32 $0x1DC28  }
0xf3: {  	[tilespmem:s29], [sflag:$0x6] =	stream.indirect.gather [spmem:s31], $0x1, s22, s26, $0xb8;
	[tilespmem:$0x1FC28] =	vst v63  }
0xf4: {  	s24 =	simm.s32 $0x11C28;
	s8 =	simm.s32 $0x1E428  }
0xf5: {  	[tilespmem:s8], [sflag:$0x7] =	stream.indirect.gather [spmem:s31], $0x1, s24, s26, $0xb8;
	[tilespmem:$0x1FC28] =	vst v63  }
0xf6: {  	[smem:$0x7D2] =	sst s4;
	s2 =	simm.s32 $0x12428;
	s16 =	simm.s32 $0x1EC28  }
0xf7: {  	[tilespmem:s16], [sflag:$0x8] =	stream.indirect.gather [spmem:s31], $0x1, s2, s26, $0xb8;
	[tilespmem:$0x1FC28] =	vst v63  }
0xf8: {  	s3 =	simm.s32 $0x12C28;
	[smem:$0x7D1] =	sst s1;
	s2 =	simm.s32 $0x1F428  }
0xf9: {  	[tilespmem:s2], [sflag:$0x9] =	stream.indirect.gather [spmem:s31], $0x1, s3, s26, $0xb8;
	[tilespmem:$0x1FC28] =	vst v63  }
0xfa: {  	s7 =	sand.u32 $0x7000, s1;
	s11 =	sand.u32 $0x70, s4;
	_ =	swait.ge [sflag:s17], $0x800  }
0xfb: {  	s0 =	sor.u32 s11, s7;
	s7 =	rddreg [dreg:$0x9]  }
0xfc: {  	[sflag:s17] =	ssyncset.done $0x0;
	s11 =	sadd.s32 s0, s7  }
0xfd: {  	s2 =	simm.s32 $0xA;
	[sflag:s17] =	ssyncadd.s32 $0xFFFFF800;
	s11 =	sadd.s32 s6, s11  }
0xfe: {  	[hbm4b:s11+s12] =	stream.strided.scatter [tilespmem:s13], [sflag:$0xA], $0x800, s9, s12, $0x38;
	[tilespmem:$0x1FC28] =	vst v63  }
0xff: {  	_ =	swait.ge [sflag:s2], $0x800  }
0x100: {  	[sflag:s2] =	ssyncset.done $0x0  }
0x101: {  	s14 =	simm.s32 $0x13428;
	[sflag:s2] =	ssyncadd.s32 $0xFFFFF800  }
0x102: {  	[tilespmem:s13], [sflag:$0x2] =	stream.indirect.gather [spmem:s31], $0x1, s14, s26, $0xb8;
	[tilespmem:$0x1FC28] =	vst v63  }
0x103: {  	_ =	swait.ge [sflag:s21], $0x800  }
0x104: {  	s18 =	sld [smem:$0x7E6];
	_ =	sdelay $0x2  }
0x105: {  	[sflag:s21] =	ssyncset.done $0x0;
	s22 =	sadd.s32 s0, s18  }
0x106: {  	[sflag:s21] =	ssyncadd.s32 $0xFFFFF800;
	s11 =	sadd.s32 s6, s22  }
0x107: {  	[hbm4b:s11+s12] =	stream.strided.scatter [tilespmem:s23], [sflag:$0xB], $0x800, s9, s12, $0x38;
	[tilespmem:$0x1FC28] =	vst v63  }
0x108: {  	_ =	swait.ge [sflag:s19], $0x800  }
0x109: {  	[sflag:s19] =	ssyncset.done $0x0  }
0x10a: {  	s24 =	simm.s32 $0x13C28;
	s14 =	simm.s32 $0x4;
	[sflag:s19] =	ssyncadd.s32 $0xFFFFF800  }
0x10b: {  	[tilespmem:s23], [sflag:$0x3] =	stream.indirect.gather [spmem:s31], $0x1, s24, s26, $0xb8;
	[tilespmem:$0x1FC28] =	vst v63  }
0x10c: {  	_ =	swait.ge [sflag:s14], $0x800  }
0x10d: {  	s1 =	sld [smem:$0x7E7];
	_ =	sdelay $0x2  }
0x10e: {  	[sflag:s14] =	ssyncset.done $0x0;
	s3 =	sadd.s32 s0, s1  }
0x10f: {  	[sflag:s14] =	ssyncadd.s32 $0xFFFFF800;
	s11 =	sadd.s32 s6, s3  }
0x110: {  	[hbm4b:s11+s12] =	stream.strided.scatter [tilespmem:s25], [sflag:$0xC], $0x800, s9, s12, $0x38;
	[tilespmem:$0x1FC28] =	vst v63  }
0x111: {  	_ =	swait.ge [sflag:s20], $0x800  }
0x112: {  	[sflag:s20] =	ssyncset.done $0x0  }
0x113: {  	s4 =	simm.s32 $0x14428;
	[sflag:s20] =	ssyncadd.s32 $0xFFFFF800  }
0x114: {  	[tilespmem:s25], [sflag:$0x4] =	stream.indirect.gather [spmem:s31], $0x1, s4, s26, $0xb8;
	[tilespmem:$0x1FC28] =	vst v63  }
0x115: {  	_ =	swait.ge [sflag:s15], $0x800  }
0x116: {  	s11 =	sld [smem:$0x7E8];
	_ =	sdelay $0x2  }
0x117: {  	[sflag:s15] =	ssyncset.done $0x0;
	s18 =	sadd.s32 s0, s11  }
0x118: {  	[sflag:s15] =	ssyncadd.s32 $0xFFFFF800;
	s11 =	sadd.s32 s6, s18  }
0x119: {  	[hbm4b:s11+s12] =	stream.strided.scatter [tilespmem:s28], [sflag:$0xD], $0x800, s9, s12, $0x38;
	[tilespmem:$0x1FC28] =	vst v63  }
0x11a: {  	_ =	swait.ge [sflag:s10], $0x800  }
0x11b: {  	[sflag:s10] =	ssyncset.done $0x0  }
0x11c: {  	s22 =	simm.s32 $0x14C28;
	s4 =	simm.s32 $0x6;
	[sflag:s10] =	ssyncadd.s32 $0xFFFFF800  }
0x11d: {  	[tilespmem:s28], [sflag:$0x5] =	stream.indirect.gather [spmem:s31], $0x1, s22, s26, $0xb8;
	[tilespmem:$0x1FC28] =	vst v63  }
0x11e: {  	_ =	swait.ge [sflag:s4], $0x800  }
0x11f: {  	s24 =	sld [smem:$0x7E9];
	_ =	sdelay $0x2  }
0x120: {  	[sflag:s4] =	ssyncset.done $0x0;
	s1 =	sadd.s32 s0, s24  }
0x121: {  	[sflag:s4] =	ssyncadd.s32 $0xFFFFF800;
	s11 =	sadd.s32 s6, s1;
	s1 =	simm.s32 $0xE  }
0x122: {  	[hbm4b:s11+s12] =	stream.strided.scatter [tilespmem:s29], [sflag:$0xE], $0x800, s9, s12, $0x38;
	[tilespmem:$0x1FC28] =	vst v63  }
0x123: {  	_ =	swait.ge [sflag:s1], $0x800  }
0x124: {  	[sflag:s1] =	ssyncset.done $0x0  }
0x125: {  	s3 =	simm.s32 $0x15428;
	[sflag:s1] =	ssyncadd.s32 $0xFFFFF800  }
0x126: {  	[tilespmem:s29], [sflag:$0x6] =	stream.indirect.gather [spmem:s31], $0x1, s3, s26, $0xb8;
	[tilespmem:$0x1FC28] =	vst v63  }
0x127: {  	s3 =	simm.s32 $0x7  }
0x128: {  	_ =	swait.ge [sflag:s3], $0x800  }
0x129: {  	s11 =	sld [smem:$0x7EA];
	_ =	sdelay $0x2  }
0x12a: {  	[sflag:s3] =	ssyncset.done $0x0;
	s18 =	sadd.s32 s0, s11  }
0x12b: {  	[sflag:s3] =	ssyncadd.s32 $0xFFFFF800;
	s11 =	sadd.s32 s6, s18  }
0x12c: {  	[hbm4b:s11+s12] =	stream.strided.scatter [tilespmem:s8], [sflag:$0xF], $0x800, s9, s12, $0x38;
	[tilespmem:$0x1FC28] =	vst v63  }
0x12d: {  	_ =	swait.ge [sflag:s5], $0x800  }
0x12e: {  	[sflag:s5] =	ssyncset.done $0x0  }
0x12f: {  	s22 =	simm.s32 $0x15C28;
	[sflag:s5] =	ssyncadd.s32 $0xFFFFF800  }
0x130: {  	[tilespmem:s8], [sflag:$0x7] =	stream.indirect.gather [spmem:s31], $0x1, s22, s26, $0xb8;
	[tilespmem:$0x1FC28] =	vst v63  }
0x131: {  	s8 =	simm.s32 $0x8  }
0x132: {  	_ =	swait.ge [sflag:s8], $0x800  }
0x133: {  	s24 =	sld [smem:$0x7EB];
	_ =	sdelay $0x2  }
0x134: {  	[sflag:s8] =	ssyncset.done $0x0;
	s7 =	sadd.s32 s0, s24  }
0x135: {  	[sflag:s8] =	ssyncadd.s32 $0xFFFFF800;
	s11 =	sadd.s32 s6, s7  }
0x136: {  	[hbm4b:s11+s12] =	stream.strided.scatter [tilespmem:s16], [sflag:$0x10], $0x800, s9, s12, $0x38;
	[tilespmem:$0x1FC28] =	vst v63  }
0x137: {  	_ =	swait.ge [sflag:s30], $0x800  }
0x138: {  	[sflag:s30] =	ssyncset.done $0x0  }
0x139: {  	s18 =	simm.s32 $0x16428;
	s24 =	simm.s32 $0x9;
	[sflag:s30] =	ssyncadd.s32 $0xFFFFF800  }
0x13a: {  	[tilespmem:s16], [sflag:$0x8] =	stream.indirect.gather [spmem:s31], $0x1, s18, s26, $0xb8;
	[tilespmem:$0x1FC28] =	vst v63  }
0x13b: {  	_ =	swait.ge [sflag:s24], $0x800  }
0x13c: {  	s22 =	sld [smem:$0x7EC];
	_ =	sdelay $0x2  }
0x13d: {  	s18 =	simm.s32 $0x1F428;
	[sflag:s24] =	ssyncset.done $0x0;
	s7 =	sadd.s32 s0, s22  }
0x13e: {  	s16 =	simm.s32 $0x11;
	[sflag:s24] =	ssyncadd.s32 $0xFFFFF800;
	s11 =	sadd.s32 s6, s7  }
0x13f: {  	[hbm4b:s11+s12] =	stream.strided.scatter [tilespmem:s18], [sflag:$0x11], $0x800, s9, s12, $0x38;
	[tilespmem:$0x1FC28] =	vst v63  }
0x140: {  	_ =	swait.ge [sflag:s16], $0x800  }
0x141: {  	[sflag:s16] =	ssyncset.done $0x0  }
0x142: {  	s11 =	simm.s32 $0x16C28;
	[sflag:s16] =	ssyncadd.s32 $0xFFFFF800  }
0x143: {  	[tilespmem:s18], [sflag:$0x9] =	stream.indirect.gather [spmem:s31], $0x1, s11, s26, $0xb8;
	[tilespmem:$0x1FC28] =	vst v63  }
0x144: {  	_ =	swait.ge [sflag:s17], $0x800  }
0x145: {  	s22 =	sld [smem:$0x7ED];
	_ =	sdelay $0x2  }
0x146: {  	[sflag:s17] =	ssyncset.done $0x0;
	s7 =	sadd.s32 s0, s22  }
0x147: {  	[sflag:s17] =	ssyncadd.s32 $0xFFFFF800;
	s11 =	sadd.s32 s6, s7  }
0x148: {  	[hbm4b:s11+s12] =	stream.strided.scatter [tilespmem:s13], [sflag:$0xA], $0x800, s9, s12, $0x38;
	[tilespmem:$0x1FC28] =	vst v63  }
0x149: {  	_ =	swait.ge [sflag:s2], $0x800  }
0x14a: {  	[sflag:s2] =	ssyncset.done $0x0  }
0x14b: {  	s18 =	simm.s32 $0x17428;
	[sflag:s2] =	ssyncadd.s32 $0xFFFFF800  }
0x14c: {  	[tilespmem:s13], [sflag:$0x2] =	stream.indirect.gather [spmem:s31], $0x1, s18, s26, $0xb8;
	[tilespmem:$0x1FC28] =	vst v63  }
0x14d: {  	_ =	swait.ge [sflag:s21], $0x800  }
0x14e: {  	s22 =	sld [smem:$0x7EE];
	_ =	sdelay $0x2  }
0x14f: {  	[sflag:s21] =	ssyncset.done $0x0;
	s7 =	sadd.s32 s0, s22  }
0x150: {  	[sflag:s21] =	ssyncadd.s32 $0xFFFFF800;
	s11 =	sadd.s32 s6, s7  }
0x151: {  	[hbm4b:s11+s12] =	stream.strided.scatter [tilespmem:s23], [sflag:$0xB], $0x800, s9, s12, $0x38;
	[tilespmem:$0x1FC28] =	vst v63  }
0x152: {  	_ =	swait.ge [sflag:s19], $0x800  }
0x153: {  	[sflag:s19] =	ssyncset.done $0x0  }
0x154: {  	s18 =	simm.s32 $0x17C28;
	[sflag:s19] =	ssyncadd.s32 $0xFFFFF800  }
0x155: {  	[tilespmem:s23], [sflag:$0x3] =	stream.indirect.gather [spmem:s31], $0x1, s18, s26, $0xb8;
	[tilespmem:$0x1FC28] =	vst v63  }
0x156: {  	_ =	swait.ge [sflag:s14], $0x800  }
0x157: {  	s22 =	sld [smem:$0x7EF];
	_ =	sdelay $0x2  }
0x158: {  	[sflag:s14] =	ssyncset.done $0x0;
	s7 =	sadd.s32 s0, s22  }
0x159: {  	[sflag:s14] =	ssyncadd.s32 $0xFFFFF800;
	s11 =	sadd.s32 s6, s7  }
0x15a: {  	[hbm4b:s11+s12] =	stream.strided.scatter [tilespmem:s25], [sflag:$0xC], $0x800, s9, s12, $0x38;
	[tilespmem:$0x1FC28] =	vst v63  }
0x15b: {  	_ =	swait.ge [sflag:s20], $0x800  }
0x15c: {  	[sflag:s20] =	ssyncset.done $0x0  }
0x15d: {  	s18 =	simm.s32 $0x18428;
	[sflag:s20] =	ssyncadd.s32 $0xFFFFF800  }
0x15e: {  	[tilespmem:s25], [sflag:$0x4] =	stream.indirect.gather [spmem:s31], $0x1, s18, s26, $0xb8;
	[tilespmem:$0x1FC28] =	vst v63  }
0x15f: {  	_ =	swait.ge [sflag:s15], $0x800  }
0x160: {  	s22 =	sld [smem:$0x7F0];
	_ =	sdelay $0x2  }
0x161: {  	[sflag:s15] =	ssyncset.done $0x0;
	s7 =	sadd.s32 s0, s22  }
0x162: {  	[sflag:s15] =	ssyncadd.s32 $0xFFFFF800;
	s11 =	sadd.s32 s6, s7  }
0x163: {  	[hbm4b:s11+s12] =	stream.strided.scatter [tilespmem:s28], [sflag:$0xD], $0x800, s9, s12, $0x38;
	[tilespmem:$0x1FC28] =	vst v63  }
0x164: {  	_ =	swait.ge [sflag:s10], $0x800  }
0x165: {  	[sflag:s10] =	ssyncset.done $0x0  }
0x166: {  	s18 =	simm.s32 $0x18C28;
	[sflag:s10] =	ssyncadd.s32 $0xFFFFF800  }
0x167: {  	[tilespmem:s28], [sflag:$0x5] =	stream.indirect.gather [spmem:s31], $0x1, s18, s26, $0xb8;
	[tilespmem:$0x1FC28] =	vst v63  }
0x168: {  	_ =	swait.ge [sflag:s4], $0x800  }
0x169: {  	s22 =	sld [smem:$0x7F1];
	_ =	sdelay $0x2  }
0x16a: {  	[sflag:s4] =	ssyncset.done $0x0;
	s7 =	sadd.s32 s0, s22  }
0x16b: {  	[sflag:s4] =	ssyncadd.s32 $0xFFFFF800;
	s11 =	sadd.s32 s6, s7  }
0x16c: {  	[hbm4b:s11+s12] =	stream.strided.scatter [tilespmem:s29], [sflag:$0xE], $0x800, s9, s12, $0x38;
	[tilespmem:$0x1FC28] =	vst v63  }
0x16d: {  	_ =	swait.ge [sflag:s1], $0x800  }
0x16e: {  	[sflag:s1] =	ssyncset.done $0x0  }
0x16f: {  	s11 =	simm.s32 $0x19428;
	[sflag:s1] =	ssyncadd.s32 $0xFFFFF800  }
0x170: {  	[tilespmem:s29], [sflag:$0x6] =	stream.indirect.gather [spmem:s31], $0x1, s11, s26, $0xb8;
	[tilespmem:$0x1FC28] =	vst v63  }
0x171: {  	_ =	swait.ge [sflag:s3], $0x800  }
0x172: {  	s18 =	sld [smem:$0x7F2];
	_ =	sdelay $0x2  }
0x173: {  	[sflag:s3] =	ssyncset.done $0x0;
	s22 =	sadd.s32 s0, s18  }
0x174: {  	s7 =	simm.s32 $0x1E428;
	[sflag:s3] =	ssyncadd.s32 $0xFFFFF800;
	s11 =	sadd.s32 s6, s22  }
0x175: {  	[hbm4b:s11+s12] =	stream.strided.scatter [tilespmem:s7], [sflag:$0xF], $0x800, s9, s12, $0x38;
	[tilespmem:$0x1FC28] =	vst v63  }
0x176: {  	_ =	swait.ge [sflag:s5], $0x800  }
0x177: {  	[sflag:s5] =	ssyncset.done $0x0  }
0x178: {  	s11 =	simm.s32 $0x19C28;
	[sflag:s5] =	ssyncadd.s32 $0xFFFFF800  }
0x179: {  	[tilespmem:s7], [sflag:$0x7] =	stream.indirect.gather [spmem:s31], $0x1, s11, s26, $0xb8;
	[tilespmem:$0x1FC28] =	vst v63  }
0x17a: {  	_ =	swait.ge [sflag:s8], $0x800  }
0x17b: {  	s18 =	sld [smem:$0x7F3];
	_ =	sdelay $0x2  }
0x17c: {  	[sflag:s8] =	ssyncset.done $0x0;
	s22 =	sadd.s32 s0, s18  }
0x17d: {  	s7 =	simm.s32 $0x1EC28;
	[sflag:s8] =	ssyncadd.s32 $0xFFFFF800;
	s11 =	sadd.s32 s6, s22  }
0x17e: {  	[hbm4b:s11+s12] =	stream.strided.scatter [tilespmem:s7], [sflag:$0x10], $0x800, s9, s12, $0x38;
	[tilespmem:$0x1FC28] =	vst v63  }
0x17f: {  	_ =	swait.ge [sflag:s30], $0x800  }
0x180: {  	[sflag:s30] =	ssyncset.done $0x0  }
0x181: {  	s11 =	simm.s32 $0x1A428;
	[sflag:s30] =	ssyncadd.s32 $0xFFFFF800  }
0x182: {  	[tilespmem:s7], [sflag:$0x8] =	stream.indirect.gather [spmem:s31], $0x1, s11, s26, $0xb8;
	[tilespmem:$0x1FC28] =	vst v63  }
0x183: {  	_ =	swait.ge [sflag:s24], $0x800  }
0x184: {  	s22 =	sld [smem:$0x7F4];
	_ =	sdelay $0x2  }
0x185: {  	[sflag:s24] =	ssyncset.done $0x0;
	s7 =	sadd.s32 s0, s22  }
0x186: {  	[sflag:s24] =	ssyncadd.s32 $0xFFFFF800;
	s22 =	simm.s32 $0x1F428;
	s11 =	sadd.s32 s6, s7  }
0x187: {  	[hbm4b:s11+s12] =	stream.strided.scatter [tilespmem:s22], [sflag:$0x11], $0x800, s9, s12, $0x38;
	[tilespmem:$0x1FC28] =	vst v63  }
0x188: {  	_ =	swait.ge [sflag:s16], $0x800  }
0x189: {  	[sflag:s16] =	ssyncset.done $0x0  }
0x18a: {  	s11 =	simm.s32 $0x1AC28;
	[sflag:s16] =	ssyncadd.s32 $0xFFFFF800  }
0x18b: {  	[tilespmem:s22], [sflag:$0x9] =	stream.indirect.gather [spmem:s31], $0x1, s11, s26, $0xb8;
	[tilespmem:$0x1FC28] =	vst v63  }
0x18c: {  	_ =	swait.ge [sflag:s17], $0x800  }
0x18d: {  	s11 =	sld [smem:$0x7F5];
	_ =	sdelay $0x2  }
0x18e: {  	[sflag:s17] =	ssyncset.done $0x0;
	s7 =	sadd.s32 s0, s11  }
0x18f: {  	[sflag:s17] =	ssyncadd.s32 $0xFFFFF800;
	s11 =	sadd.s32 s6, s7  }
0x190: {  	[hbm4b:s11+s12] =	stream.strided.scatter [tilespmem:s13], [sflag:$0xA], $0x800, s9, s12, $0x38;
	[tilespmem:$0x1FC28] =	vst v63  }
0x191: {  	_ =	swait.ge [sflag:s2], $0x800  }
0x192: {  	[sflag:s2] =	ssyncset.done $0x0  }
0x193: {  	s11 =	simm.s32 $0x1B428;
	[sflag:s2] =	ssyncadd.s32 $0xFFFFF800  }
0x194: {  	[tilespmem:s13], [sflag:$0x2] =	stream.indirect.gather [spmem:s31], $0x1, s11, s26, $0xb8;
	[tilespmem:$0x1FC28] =	vst v63  }
0x195: {  	_ =	swait.ge [sflag:s21], $0x800  }
0x196: {  	s11 =	sld [smem:$0x7F6];
	_ =	sdelay $0x2  }
0x197: {  	[sflag:s21] =	ssyncset.done $0x0;
	s7 =	sadd.s32 s0, s11  }
0x198: {  	[sflag:s21] =	ssyncadd.s32 $0xFFFFF800;
	s11 =	sadd.s32 s6, s7  }
0x199: {  	[hbm4b:s11+s12] =	stream.strided.scatter [tilespmem:s23], [sflag:$0xB], $0x800, s9, s12, $0x38;
	[tilespmem:$0x1FC28] =	vst v63  }
0x19a: {  	_ =	swait.ge [sflag:s14], $0x800  }
0x19b: {  	s23 =	sld [smem:$0x7F7];
	_ =	sdelay $0x2  }
0x19c: {  	[sflag:s14] =	ssyncset.done $0x0;
	s7 =	sadd.s32 s0, s23  }
0x19d: {  	[sflag:s14] =	ssyncadd.s32 $0xFFFFF800;
	s11 =	sadd.s32 s6, s7  }
0x19e: {  	[hbm4b:s11+s12] =	stream.strided.scatter [tilespmem:s25], [sflag:$0xC], $0x800, s9, s12, $0x38;
	[tilespmem:$0x1FC28] =	vst v63  }
0x19f: {  	_ =	swait.ge [sflag:s15], $0x800  }
0x1a0: {  	s11 =	sld [smem:$0x7F8];
	_ =	sdelay $0x2  }
0x1a1: {  	[sflag:s15] =	ssyncset.done $0x0;
	s14 =	sadd.s32 s0, s11  }
0x1a2: {  	[sflag:s15] =	ssyncadd.s32 $0xFFFFF800;
	s11 =	sadd.s32 s6, s14  }
0x1a3: {  	[hbm4b:s11+s12] =	stream.strided.scatter [tilespmem:s28], [sflag:$0xD], $0x800, s9, s12, $0x38;
	[tilespmem:$0x1FC28] =	vst v63  }
0x1a4: {  	_ =	swait.ge [sflag:s4], $0x800  }
0x1a5: {  	s23 =	sld [smem:$0x7F9];
	_ =	sdelay $0x2  }
0x1a6: {  	[sflag:s4] =	ssyncset.done $0x0;
	s25 =	sadd.s32 s0, s23  }
0x1a7: {  	[sflag:s4] =	ssyncadd.s32 $0xFFFFF800;
	s11 =	sadd.s32 s6, s25  }
0x1a8: {  	[hbm4b:s11+s12] =	stream.strided.scatter [tilespmem:s29], [sflag:$0xE], $0x800, s9, s12, $0x38;
	[tilespmem:$0x1FC28] =	vst v63  }
0x1a9: {  	s4 =	sld [smem:$0x7D2];
	_ =	swait.ge [sflag:s3], $0x800  }
0x1aa: {  	s28 =	sld [smem:$0x7FA];
	_ =	sdelay $0x2  }
0x1ab: {  	[sflag:s3] =	ssyncset.done $0x0;
	s29 =	sadd.s32 s0, s28  }
0x1ac: {  	s7 =	simm.s32 $0x1E428;
	[sflag:s3] =	ssyncadd.s32 $0xFFFFF800;
	s11 =	sadd.s32 s6, s29  }
0x1ad: {  	[hbm4b:s11+s12] =	stream.strided.scatter [tilespmem:s7], [sflag:$0xF], $0x800, s9, s12, $0x38;
	[tilespmem:$0x1FC28] =	vst v63  }
0x1ae: {  	_ =	swait.ge [sflag:s8], $0x800  }
0x1af: {  	s14 =	sld [smem:$0x7FB];
	_ =	sdelay $0x2  }
0x1b0: {  	[sflag:s8] =	ssyncset.done $0x0;
	s23 =	sadd.s32 s0, s14  }
0x1b1: {  	s18 =	simm.s32 $0x1EC28;
	[sflag:s8] =	ssyncadd.s32 $0xFFFFF800;
	s11 =	sadd.s32 s6, s23  }
0x1b2: {  	[hbm4b:s11+s12] =	stream.strided.scatter [tilespmem:s18], [sflag:$0x10], $0x800, s9, s12, $0x38;
	[tilespmem:$0x1FC28] =	vst v63  }
0x1b3: {  	_ =	swait.ge [sflag:s24], $0x800  }
0x1b4: {  	s25 =	sld [smem:$0x7FC];
	_ =	sdelay $0x2  }
0x1b5: {  	[sflag:s24] =	ssyncset.done $0x0;
	s28 =	sadd.s32 s0, s25  }
0x1b6: {  	s22 =	simm.s32 $0x1F428;
	[sflag:s24] =	ssyncadd.s32 $0xFFFFF800;
	s11 =	sadd.s32 s6, s28  }
0x1b7: {  	[hbm4b:s11+s12] =	stream.strided.scatter [tilespmem:s22], [sflag:$0x11], $0x800, s9, s12, $0x38;
	[tilespmem:$0x1FC28] =	vst v63  }
0x1b8: {  	_ =	swait.ge [sflag:s17], $0x800  }
0x1b9: {  	s29 =	sld [smem:$0x7FD];
	_ =	sdelay $0x1  }
0x1ba: {  	p4 =	seq.s32 s4, $0x1F0  }
0x1bb: {  	[sflag:s17] =	ssyncset.done $0x0;
	s8 =	sld [smem:$0x7D3];
	s0 =	sadd.s32 s0, s29  }
0x1bc: {  	s14 =	sld [smem:$0x7D4];
	[sflag:s17] =	ssyncadd.s32 $0xFFFFF800;
	s0 =	sadd.s32 s6, s0  }
0x1bd: {  	[hbm4b:s0+s12] =	stream.strided.scatter [tilespmem:s13], [sflag:$0xA], $0x800, s9, s12, $0x38;
	[tilespmem:$0x1FC28] =	vst v63  }
0x1be: {  	s0 =	sshrl.u32 @!p4 s8, $0x3  }
0x1bf: {  	s11 =	smul.u32 @!p4 $0x7A1400, s0  }
0x1c0: {  	s7 =	sand.u32 @!p4 $0x380, s14  }
0x1c1: {  	s11 =	sor.u32 @!p4 s7, s11  }
0x1c2: {  	s13 =	rddreg [dreg:$0x1];
	[bflag:$0x0] =	sbarrier.arrive $0xFFFF;
	s11 =	sshrl.u32 @!p4 s11, $0x3  }
0x1c3: {  	s11 =	sadd.s32 @!p4 s13, s11;
	s13 =	sld [smem:$0x7E3]  }
0x1c4: {  	s3 =	sld [smem:$0x7D5]  }
0x1c5: {  	s25 =	simm.s32 @!p4 $0x10;
	s29 =	simm.s32 @!p4 $0x80;
	s23 =	rddreg [dreg:$0xa]  }
0x1c6: {  	s28 =	sshrl.u32 @!p4 s23, $0x3;
	s23 =	simm.s32 @!p4 $0x1;
	s13 =	sadd.s32 @!p4 s13, s11  }
0x1c7: {  	[spmem:s28@s25], [sflag:s3] =	dma.strided @!p4 [hbm:s13@s29], $0x1E80, s23, $0x10   }
0x1c8: {  	s13 =	stileid.u32  }
0x1c9: {  	p5 =	sgt.u32 @!p4 s13, $0x3  }
0x1ca: {  	s13 =	rddreg [dreg:$0xd];
	p5 =	por p5, p4  }
0x1cb: {  	s11 =	sadd.s32 @!p5 s13, s11;
	s13 =	sld [smem:$0x7E5];
	_ =	sdelay $0x2  }
0x1cc: {  	s13 =	sshrl.u32 @!p5 s13, $0x3  }
0x1cd: {  	[spmem:s13], [sflag:s3] =	dma.local @!p5 [hbm:s11], $0x10  }
0x1ce: {  	p5 =	por !p3, p4  }
0x1cf: {  	s0 =	sshll.u32 @!p5 s0, $0xA  }
0x1d0: {  	s0 =	sor.u32 @!p5 s7, s0  }
0x1d1: {  	s7 =	rddreg [dreg:$0x7];
	s0 =	sshrl.u32 @!p5 s0, $0x3  }
0x1d2: {  	s0 =	sadd.s32 @!p5 s7, s0;
	s7 =	sld [smem:$0x7E4];
	_ =	sdelay $0x2  }
0x1d3: {  	s7 =	sshrl.u32 @!p5 s7, $0x3  }
0x1d4: {  	[spmem:s7], [sflag:s3] =	dma.local @!p5 [hbm:s0], $0x10  }
0x1d5: {  	_ =	swait.ge [sflag:s19], $0x800  }
0x1d6: {  	[sflag:s19] =	ssyncset.done $0x0  }
0x1d7: {  	[sflag:s19] =	ssyncadd.s32 $0xFFFFF800  }
0x1d8: {  	_ =	swait.ge [sflag:s20], $0x800  }
0x1d9: {  	[sflag:s20] =	ssyncset.done $0x0  }
0x1da: {  	[sflag:s20] =	ssyncadd.s32 $0xFFFFF800  }
0x1db: {  	_ =	swait.ge [sflag:s10], $0x800  }
0x1dc: {  	[sflag:s10] =	ssyncset.done $0x0  }
0x1dd: {  	[sflag:s10] =	ssyncadd.s32 $0xFFFFF800  }
0x1de: {  	_ =	swait.ge [sflag:s1], $0x800  }
0x1df: {  	[sflag:s1] =	ssyncset.done $0x0  }
0x1e0: {  	[sflag:s1] =	ssyncadd.s32 $0xFFFFF800  }
0x1e1: {  	_ =	swait.ge [sflag:s5], $0x800  }
0x1e2: {  	[sflag:s5] =	ssyncset.done $0x0  }
0x1e3: {  	[sflag:s5] =	ssyncadd.s32 $0xFFFFF800  }
0x1e4: {  	_ =	swait.ge [sflag:s30], $0x800  }
0x1e5: {  	[sflag:s30] =	ssyncset.done $0x0  }
0x1e6: {  	[sflag:s30] =	ssyncadd.s32 $0xFFFFF800  }
0x1e7: {  	_ =	swait.ge [sflag:s16], $0x800  }
.Ltmp5:
0x1e8: {  	[sflag:s16] =	ssyncset.done $0x0;
	(pc) =	sbr.rel @p4 .LBB2_9-.Ltmp5, $4  }
0x1e9: {  	[sflag:s16] =	ssyncadd.s32 $0xFFFFF800  }
0x1ea: {  	_ =	swait.ge [sflag:s2], $0x800  }
0x1eb: {  	[sflag:s2] =	ssyncset.done $0x0  }
0x1ec: {  	s13 =	simm.s32 $0x10;
	[sflag:s2] =	ssyncadd.s32 $0xFFFFF800  }
0x1ed: {  	s0 =	simm.s32 $0x1  }
0x1ee: {  	_ =	swait.ge [sflag:s0], $0x1E80  }
0x1ef: {  	[sflag:s0] =	ssyncset.done $0x0  }
0x1f0: {  	[sflag:s0] =	ssyncadd.s32 $0xFFFFE180;
	s0 =	simm.s32 @!p2 $0x1  }
0x1f1: {  	_ =	swait.ge @!p2 [sflag:s0], $0x10  }
0x1f2: {  	[sflag:s0] =	ssyncset.done @!p2 $0x0  }
0x1f3: {  	[sflag:s0] =	ssyncadd.s32 @!p2 $0xFFFFFFF0  }
.Ltmp6:
0x1f4: {  	[bflag:$0x0] =	sbarrier.arrive $0xFFFF;
	(pc) =	sbr.rel .LBB2_7-.Ltmp6, $4  }
0x1f5: {  	s1 =	sld [smem:$0x7D1]  }
0x1f6: {  	s14 =	sadd.s32 $0x80, s14  }
0x1f7: {  	s8 =	sadd.s32 $0x1, s8;
	[smem:$0x7D4] =	sst s14  }
0x1f8: {  	s4 =	sadd.s32 $0x10, s4;
	[smem:$0x7D3] =	sst s8;
	s1 =	sadd.s32 $0x200, s1  }
.LBB2_10:
0x1f9: {  	_ =	sfence.sel $0x180000  }
0x1fa: {  	[bflag:$0x0] =	sbarrier.arrive $0xFFFF  }
0x1fb: {  	_ =	strace $0x90000047  }
0x1fc: {  	s0 =	stileid.u32;
	[bflag:$0x2] =	sbarrier.arrive $0xFFFF  }
0x1fd: {  	p0 =	sne.s32 s0, $0x0;
	s0 =	rddreg [dreg:$0x5]  }
0x1fe: {  	s0 =	sadd.s32 @!p0 $0x100000, s0  }
0x1ff: {  	[sflag:s0] =	ssyncadd.tile.s32 @!p0 $0x1;
	_ =	shalt  }
.Lfunc_end2:
_tile_overlayer_lowered:
.L_overlay_start_2:
0x200: {  	(tag) =	ssettag $0x2  }
0x201: {  	s0 =	rddreg [dreg:$0x0];
	s2 =	stileid.u32  }
0x202: {  	s1 =	rddreg [dreg:$0x1];
	p0 =	sne.s32 s2, $0x0  }
0x203: {  	s3 =	rddreg [dreg:$0x2];
	[bflag:$0x3] =	sbarrier.arrive $0xFFFF;
	s2 =	simm.s32 @!p0 $0x1C12  }
0x204: {  	[timem:s3], [sflag:s2] =	dma.local @!p0 [hbm:s0], s1  }
0x205: {  	s0 =	simm.s32 @!p0 $0x12  }
0x206: {  	_ =	swait.ge @!p0 [sflag:s0], s1  }
0x207: {  	s1 =	ssub.s32 @!p0 $0x0, s1;
	[sflag:s0] =	ssyncset.done @!p0 $0x0  }
0x208: {  	[sflag:s0] =	ssyncadd.s32 @!p0 s1  }
0x209: {  	[bflag:$0x3] =	sbarrier.arrive $0xFFFF  }
0x20a: {  	_ =	shalt  }

</sc_bundles>
